<compile_context>
chip_gen: v7x
topology: tpu7x:2x2x1
jax: 0.10.2.dev20260603
libtpu: 0.0.44.dev20260713+nightly
codegen_flags: <defaults>
</compile_context>

<pallas_src>
import functools

import jax
import jax.numpy as jnp
from jax import lax
from jax.experimental import pallas as pl
from jax.experimental.pallas import tpu as pltpu
from jax.experimental.pallas import tpu_sc as plsc

NN = 10000
EE = 320000
DH = 128
FW = 64
NPAD = 10112
NCORES = 2
NSUB = 16
NW = NCORES * NSUB
CHUNK = 128
NCH = EE // CHUNK
CPA = 157
F32 = jnp.float32

_mesh = plsc.VectorSubcoreMesh(core_axis_name="c", subcore_axis_name="s")


NNP = 10240
RPT = NNP // NSUB


def _hist_combine(hist_v, slots, acc_v, tmp_v, ci, si):
    base = si * RPT

    @pl.when(ci == 0)
    def _():
        pltpu.sync_copy(hist_v, slots.at[si])
    plsc.subcore_barrier()

    @pl.when(ci == 0)
    def _():
        for t in range(NSUB):
            pltpu.sync_copy(slots.at[t].at[pl.ds(base, RPT)], tmp_v)
            if t == 0:
                @pl.loop(0, RPT // 16)
                def _(i):
                    acc_v[pl.ds(i * 16, 16)] = tmp_v[pl.ds(i * 16, 16)]
            else:
                @pl.loop(0, RPT // 16)
                def _(i):
                    acc_v[pl.ds(i * 16, 16)] = (acc_v[pl.ds(i * 16, 16)]
                                                + tmp_v[pl.ds(i * 16, 16)])


def _make_agg_body(mode):
    def body(hl_hbm, hr_hbm, src_hbm, dst_hbm, z_hbm, inv_hbm,
             out_hbm, stat_out,
             src_v, dst_v, rows0, rows1, hist_v, stat_v,
             acc_v, tmp_v, acc, slots, semg0, semg1, sems0, sems1):
        ci = lax.axis_index("c")
        si = lax.axis_index("s")
        rows_per_tile = NPAD // NSUB
        base = si * rows_per_tile
        zeros16 = jnp.zeros((16,), F32)
        ones16 = jnp.ones((16,), F32)
        start = si * 156 + jnp.minimum(si, 4)
        nch = jnp.where(si < 4, 157, 156)

        @pl.when(si < 4)
        def _():
            pltpu.sync_copy(src_hbm.at[pl.ds(start, 157)], src_v)
            pltpu.sync_copy(dst_hbm.at[pl.ds(start, 157)], dst_v)

        @pl.when(si >= 4)
        def _():
            pltpu.sync_copy(src_hbm.at[pl.ds(start, 156)],
                            src_v.at[pl.ds(0, 156)])
            pltpu.sync_copy(dst_hbm.at[pl.ds(start, 156)],
                            dst_v.at[pl.ds(0, 156)])

        pltpu.sync_copy(z_hbm, acc.at[pl.ds(base, rows_per_tile)])

        @pl.when(ci == 0)
        def _():
            if mode == "c":
                pltpu.sync_copy(inv_hbm, stat_v)
                @pl.loop(0, (NNP - NN) // 16)
                def _(i):
                    stat_v[pl.ds(NN + i * 16, 16)] = zeros16

            @pl.loop(0, NNP // 16)
            def _(i):
                hist_v[pl.ds(i * 16, 16)] = zeros16

        plsc.subcore_barrier()

        def stat_chunk(k):
            for m in range(CHUNK // 16):
                d16 = dst_v[k, pl.ds(m * 16, 16)]
                if mode == "deg":
                    plsc.addupdate_scatter(hist_v, [d16], ones16)
                else:
                    s16 = src_v[k, pl.ds(m * 16, 16)]
                    g = plsc.load_gather(stat_v, [d16])
                    plsc.addupdate_scatter(hist_v, [s16], g)

        bufs = [rows0, rows1]
        gsems = [semg0, semg1]
        ssems = [sems0, sems1]
        nbuf = 2

        def pipeline(h_hbm, with_stats):
            for b in range(nbuf):
                pltpu.async_copy(h_hbm.at[src_v.at[b]], bufs[b], gsems[b])

            ssem0, ssem1 = ssems
            ssel = [ssem0, ssem1]

            @pl.loop(0, 156, step=nbuf)
            def _(j):
                for b in range(nbuf):
                    k = j + b
                    pltpu.make_async_copy(h_hbm.at[src_v.at[0]], bufs[b],
                                          gsems[b]).wait()
                    pltpu.async_copy(bufs[b], acc.at[dst_v.at[k]], ssel[b],
                                     add=True)
                    if with_stats:
                        stat_chunk(k)
                    pltpu.make_async_copy(bufs[b], acc.at[dst_v.at[0]],
                                          ssel[b]).wait()

                    @pl.when(k + nbuf < nch)
                    def _():
                        pltpu.async_copy(h_hbm.at[src_v.at[k + nbuf]],
                                         bufs[b], gsems[b])

            @pl.when(si < 4)
            def _():
                if with_stats:
                    stat_chunk(156)
                pltpu.make_async_copy(h_hbm.at[src_v.at[0]], bufs[0],
                                      gsems[0]).wait()
                pltpu.sync_copy(bufs[0], acc.at[dst_v.at[156]], add=True)

        @pl.when(ci == 0)
        def _():
            pipeline(hl_hbm, True)

        @pl.when(ci == 1)
        def _():
            pipeline(hr_hbm, False)

        plsc.subcore_barrier()
        pltpu.sync_copy(acc.at[pl.ds(base, rows_per_tile)],
                        out_hbm.at[ci].at[pl.ds(base, rows_per_tile)])

        _hist_combine(hist_v, slots, acc_v, tmp_v, ci, si)

        @pl.when(ci == 0)
        def _():
            if mode == "deg":
                @pl.loop(0, RPT // 16)
                def _(i):
                    d = acc_v[pl.ds(i * 16, 16)]
                    acc_v[pl.ds(i * 16, 16)] = 1.0 / jnp.maximum(d, 1.0)

            pltpu.sync_copy(acc_v, stat_out.at[pl.ds(si * RPT, RPT)])

    return body


def _make_agg_call(mode):
    return pl.kernel(
        _make_agg_body(mode),
        out_type=(jax.ShapeDtypeStruct((NCORES, NPAD, FW), F32),
                  jax.ShapeDtypeStruct((NNP,), F32)),
        mesh=_mesh,
        scratch_types=[
            pltpu.VMEM((CPA, CHUNK), jnp.int32),
            pltpu.VMEM((CPA, CHUNK), jnp.int32),
            pltpu.VMEM((CHUNK, FW), F32),
            pltpu.VMEM((CHUNK, FW), F32),
            pltpu.VMEM((NNP,), F32),
            pltpu.VMEM((NNP,), F32),
            pltpu.VMEM((RPT,), F32),
            pltpu.VMEM((RPT,), F32),
            pltpu.VMEM_SHARED((NPAD, FW), F32),
            pltpu.VMEM_SHARED((NSUB, NNP), F32),
        ] + [pltpu.SemaphoreType.DMA] * 4,
        compiler_params=pltpu.CompilerParams(needs_layout_passes=False,
                                             use_tc_tiling_on_sc=False),
    )


_agg_deg_call = _make_agg_call("deg")
_agg_c_call = _make_agg_call("c")


def _dense_body(hl_ref, hr_ref, p_ref, inv_ref, ws_ref, wn_ref,
                b_ref, ol_ref, or_ref):
    inv = inv_ref[...]
    agg_l = p_ref[0] * inv
    agg_r = p_ref[1] * inv
    ws = ws_ref[...]
    wn = wn_ref[...]
    out = (jnp.dot(hl_ref[...], ws[0:FW, :], preferred_element_type=F32)
           + jnp.dot(hr_ref[...], ws[FW:DH, :], preferred_element_type=F32)
           + jnp.dot(agg_l, wn[0:FW, :], preferred_element_type=F32)
           + jnp.dot(agg_r, wn[FW:DH, :], preferred_element_type=F32)
           + b_ref[...])
    out = jnp.maximum(out, 0.0)
    ol_ref[...] = out[:, 0:FW]
    or_ref[...] = out[:, FW:DH]


def _dense_layer(hl, hr, parts, inv2d, Ws, Wn, b2d):
    bm = 2000
    return pl.pallas_call(
        _dense_body,
        grid=(NN // bm,),
        in_specs=[
            pl.BlockSpec((bm, FW), lambda i: (i, 0)),
            pl.BlockSpec((bm, FW), lambda i: (i, 0)),
            pl.BlockSpec((NCORES, bm, FW), lambda i: (0, i, 0)),
            pl.BlockSpec((bm, 1), lambda i: (i, 0)),
            pl.BlockSpec((DH, DH), lambda i: (0, 0)),
            pl.BlockSpec((DH, DH), lambda i: (0, 0)),
            pl.BlockSpec((1, DH), lambda i: (0, 0)),
        ],
        out_specs=[pl.BlockSpec((bm, FW), lambda i: (i, 0)),
                   pl.BlockSpec((bm, FW), lambda i: (i, 0))],
        out_shape=[jax.ShapeDtypeStruct((NN, FW), F32),
                   jax.ShapeDtypeStruct((NN, FW), F32)],
    )(hl, hr, parts, inv2d, Ws, Wn, b2d)


def _l2head_body(hl_ref, hr_ref, p_ref, inv_ref, c_ref, w2s, w2n, b2_,
                 w3s, w3n, b3_, p1w, p1b, p2w, p2b, p3w, p3b, o_ref, acc):
    i = pl.program_id(0)

    @pl.when(i == 0)
    def _():
        acc[...] = jnp.zeros_like(acc)

    inv = inv_ref[...]
    agg_l = p_ref[0] * inv
    agg_r = p_ref[1] * inv
    ws = w2s[...]
    wn = w2n[...]
    h2 = (jnp.dot(hl_ref[...], ws[0:FW, :], preferred_element_type=F32)
          + jnp.dot(hr_ref[...], ws[FW:DH, :], preferred_element_type=F32)
          + jnp.dot(agg_l, wn[0:FW, :], preferred_element_type=F32)
          + jnp.dot(agg_r, wn[FW:DH, :], preferred_element_type=F32)
          + b2_[...])
    h2 = jnp.maximum(h2, 0.0)
    cb = c_ref[...]
    acc[0:1, :] += jnp.sum(h2, axis=0, keepdims=True)
    acc[1:2, :] += jnp.sum(h2 * cb, axis=0, keepdims=True)

    @pl.when(i == pl.num_programs(0) - 1)
    def _():
        a = acc[...] * (1.0 / NN)
        emb = (jnp.dot(a[0:1, :], w3s[...], preferred_element_type=F32)
               + jnp.dot(a[1:2, :], w3n[...], preferred_element_type=F32)
               + b3_[...])
        z = jnp.maximum(jnp.dot(emb, p1w[...], preferred_element_type=F32)
                        + p1b[...], 0.0)
        z = jnp.maximum(jnp.dot(z, p2w[...], preferred_element_type=F32)
                        + p2b[...], 0.0)
        o_ref[...] = (jnp.dot(z, p3w[...], preferred_element_type=F32)
                      + p3b[...]) * 2.0


def _l2head(hl, hr, parts, inv2d, c2d, W2s, W2n, b2d,
            W3s, W3n, b3, P1W, P1b, P2W, P2b, P3W, P3b):
    bm = 2000

    def full(shp):
        return pl.BlockSpec(shp, lambda i: tuple(0 for _ in shp))

    return pl.pallas_call(
        _l2head_body,
        grid=(NN // bm,),
        in_specs=[
            pl.BlockSpec((bm, FW), lambda i: (i, 0)),
            pl.BlockSpec((bm, FW), lambda i: (i, 0)),
            pl.BlockSpec((NCORES, bm, FW), lambda i: (0, i, 0)),
            pl.BlockSpec((bm, 1), lambda i: (i, 0)),
            pl.BlockSpec((bm, 1), lambda i: (i, 0)),
            full((DH, DH)), full((DH, DH)), full((1, DH)),
            full((DH, 64)), full((DH, 64)), full((1, 64)),
            full((64, 64)), full((1, 64)),
            full((64, 64)), full((1, 64)),
            full((64, 512)), full((1, 512)),
        ],
        out_specs=full((1, 512)),
        out_shape=jax.ShapeDtypeStruct((1, 512), F32),
        scratch_shapes=[pltpu.VMEM((8, DH), F32)],
    )(hl, hr, parts, inv2d, c2d, W2s, W2n, b2d,
      W3s, W3n, b3, P1W, P1b, P2W, P2b, P3W, P3b)


def kernel(x, edge_index, W1_self, W1_neigh, b1, W2_self, W2_neigh, b2,
           W3_self, W3_neigh, b3, P1_W, P1_b, P2_W, P2_b, P3_W, P3_b):
    srcp = edge_index[0].reshape(NCH, CHUNK)
    dstp = edge_index[1].reshape(NCH, CHUNK)

    zrows = jnp.zeros((NPAD // NSUB, FW), F32)
    zstat = jnp.zeros((NNP,), F32)

    xl = x[:, 0:FW]
    xr = x[:, FW:DH]
    p1, invdeg = _agg_deg_call(xl, xr, srcp, dstp, zrows, zstat)
    inv2d = invdeg[:NN].reshape(NN, 1)
    h1l, h1r = _dense_layer(xl, xr, p1, inv2d,
                            W1_self, W1_neigh, b1.reshape(1, DH))
    p2, c = _agg_c_call(h1l, h1r, srcp, dstp, zrows, invdeg)
    c2d = c[:NN].reshape(NN, 1)

    out = _l2head(h1l, h1r, p2, inv2d, c2d,
                  W2_self, W2_neigh, b2.reshape(1, DH),
                  W3_self, W3_neigh, b3.reshape(1, 64),
                  P1_W, P1_b.reshape(1, 64), P2_W, P2_b.reshape(1, 64),
                  P3_W, P3_b.reshape(1, 512))
    return out[0]

# --- scband reference (transcript-rebuilt; emitter-appended) ---
"""Pipeline reference for scband-gnnactor-75625784148323 (READ-ONLY COPY).

The authoritative reference and input builder live on the scoring server;
editing this copy changes nothing except your own understanding.
"""

import jax, jax.numpy as jnp
import numpy as np

N = 10000
E = 320000
D = 128
H = 128
EMB = 64
PH = 64
A = 512
TEMP = 0.5


def _glorot(key, shape):
    fan_in = shape[0]
    return jax.random.normal(key, shape, dtype=jnp.float32) / jnp.sqrt(jnp.float32(fan_in))


def setup_inputs(seed: int = 0) -> dict:
    key = jax.random.key(seed)
    ks = jax.random.split(key, 20)
    x = jax.random.normal(ks[0], (N, D), dtype=jnp.float32)
    edge_index = jax.random.randint(ks[1], (2, E), 0, N, dtype=jnp.int32)
    return {
        'x': x,
        'edge_index': edge_index,
        'W1_self': _glorot(ks[2], (D, H)),
        'W1_neigh': _glorot(ks[3], (D, H)),
        'b1': jnp.zeros((H,), jnp.float32),
        'W2_self': _glorot(ks[4], (H, H)),
        'W2_neigh': _glorot(ks[5], (H, H)),
        'b2': jnp.zeros((H,), jnp.float32),
        'W3_self': _glorot(ks[6], (H, EMB)),
        'W3_neigh': _glorot(ks[7], (H, EMB)),
        'b3': jnp.zeros((EMB,), jnp.float32),
        'P1_W': 0.01 * _glorot(ks[8], (EMB, PH)),
        'P1_b': jnp.zeros((PH,), jnp.float32),
        'P2_W': 0.01 * _glorot(ks[9], (PH, PH)),
        'P2_b': jnp.zeros((PH,), jnp.float32),
        'P3_W': 0.01 * _glorot(ks[10], (PH, A)),
        'P3_b': jnp.zeros((A,), jnp.float32),
    }


def reference(x, edge_index, W1_self, W1_neigh, b1, W2_self, W2_neigh, b2, W3_self, W3_neigh, b3, P1_W, P1_b, P2_W, P2_b, P3_W, P3_b):
    src = edge_index[0]
    dst = edge_index[1]
    deg = jnp.zeros((N,), jnp.float32).at[dst].add(1.0)
    deg = jnp.maximum(deg, 1.0)

    def sage_layer(h, Ws, Wn, b, activate):
        msgs = jnp.take(h, src, axis=0)
        agg = jnp.zeros((N, h.shape[1]), h.dtype).at[dst].add(msgs)
        agg = agg / deg[:, None]
        out = h @ Ws + agg @ Wn + b
        if activate:
            out = jax.nn.relu(out)
        return out

    h = sage_layer(x, W1_self, W1_neigh, b1, True)
    h = sage_layer(h, W2_self, W2_neigh, b2, True)
    h = sage_layer(h, W3_self, W3_neigh, b3, False)
    # global mean pooling over all nodes (batch is None -> single graph)
    emb = jnp.mean(h, axis=0)
    z = emb[None, :]
    z = jax.nn.relu(z @ P1_W + P1_b)
    z = jax.nn.relu(z @ P2_W + P2_b)
    logits = z @ P3_W + P3_b
    logits = logits / max(TEMP, 1e-06)
    # batch is None -> squeeze leading dim
    return logits[0]

if __name__ == "__main__":
    import jax
    _d = setup_inputs()
    print(jax.jit(kernel)(*tuple(_d.values())))

</pallas_src>

<mosaic_0001>
#map = affine_map<(d0, d1) -> (0, 0)>
#map1 = affine_map<(d0, d1) -> (0)>
#map2 = affine_map<(d0, d1) -> (0, 0, 0)>
module attributes {stable_mosaic.version = 14 : i64} {
  func.func @body(%arg0: i32, %arg1: i32, %arg2: memref<10000x64xf32, #tpu.memory_space<hbm>>, %arg3: memref<10000x64xf32, #tpu.memory_space<hbm>>, %arg4: memref<2500x128xi32, #tpu.memory_space<hbm>>, %arg5: memref<2500x128xi32, #tpu.memory_space<hbm>>, %arg6: memref<632x64xf32, #tpu.memory_space<hbm>>, %arg7: memref<10240xf32, #tpu.memory_space<hbm>>, %arg8: memref<2x10112x64xf32, #tpu.memory_space<hbm>>, %arg9: memref<10240xf32, #tpu.memory_space<hbm>>, %arg10: memref<157x128xi32, #tpu.memory_space<vmem>>, %arg11: memref<157x128xi32, #tpu.memory_space<vmem>>, %arg12: memref<128x64xf32, #tpu.memory_space<vmem>>, %arg13: memref<128x64xf32, #tpu.memory_space<vmem>>, %arg14: memref<10240xf32, #tpu.memory_space<vmem>>, %arg15: memref<10240xf32, #tpu.memory_space<vmem>>, %arg16: memref<640xf32, #tpu.memory_space<vmem>>, %arg17: memref<640xf32, #tpu.memory_space<vmem>>, %arg18: memref<10112x64xf32, #tpu.memory_space<vmem_shared>>, %arg19: memref<16x10240xf32, #tpu.memory_space<vmem_shared>>, %arg20: memref<!tpu.dma_semaphore, #tpu.memory_space<semaphore_mem>>, %arg21: memref<!tpu.dma_semaphore, #tpu.memory_space<semaphore_mem>>, %arg22: memref<!tpu.dma_semaphore, #tpu.memory_space<semaphore_mem>>, %arg23: memref<!tpu.dma_semaphore, #tpu.memory_space<semaphore_mem>>) attributes {dimension_semantics = [#tpu.dimension_semantics<core_parallel>, #tpu.dimension_semantics<subcore_parallel>], iteration_bounds = array<i64: 2, 16>, scalar_prefetch = 0 : i64, scratch_operands = 14 : i64, tpu.core_type = #tpu.core_type<sc_vector_subcore>, window_params = [{transform_indices = #map}, {transform_indices = #map}, {transform_indices = #map}, {transform_indices = #map}, {transform_indices = #map}, {transform_indices = #map1}, {transform_indices = #map2}, {transform_indices = #map1}]} {
    %mul3A = arith.constant 632 : i32
    %mul3A_0 = arith.muli %arg1, %mul3A : i32
    %broadcast_in_dim3A = arith.constant 0.000000e+00 : f32
    %broadcast_in_dim3A_1 = vector.broadcast %broadcast_in_dim3A : f32 to vector<16xf32>
    %broadcast_in_dim3A_2 = arith.constant 1.000000e+00 : f32
    %broadcast_in_dim3A_3 = vector.broadcast %broadcast_in_dim3A_2 : f32 to vector<16xf32>
    %mul3A_4 = arith.constant 156 : i32
    %mul3A_5 = arith.muli %arg1, %mul3A_4 : i32
    %min3A = arith.constant 4 : i32
    %min3A_6 = arith.minsi %arg1, %min3A : i32
    %add3A = arith.addi %mul3A_5, %min3A_6 : i32
    %lt3A = arith.constant 4 : i32
    %lt3A_7 = arith.cmpi slt, %arg1, %lt3A : i32
    %jit3A = arith.constant 157 : i32
    %jit3A_8 = arith.constant 156 : i32
    %select_n3A = arith.select %lt3A_7, %jit3A, %jit3A_8 : i32
    %lt3A_9 = arith.constant 4 : i32
    %lt3A_10 = arith.cmpi slt, %arg1, %lt3A_9 : i32
    %convert_element_type3A = arith.extui %lt3A_10 : i1 to i32
    %cond3A = arith.constant 0 : i32
    %cond3A_11 = arith.cmpi ne, %convert_element_type3A, %cond3A : i32
    scf.if %cond3A_11 {
      "tpu.region"() ({
        %run_scoped3A = tpu.sem_alloc : memref<!tpu.dma_semaphore, #tpu.memory_space<semaphore_mem>>
        %dma_start3A = arith.constant 0 : i32
        %dma_start3A_49 = tpu.memref_slice %arg4[%add3A, %dma_start3A] : memref<2500x128xi32, #tpu.memory_space<hbm>> -> memref<157x128xi32, #tpu.memory_space<hbm>>
        %dma_start3A_50 = arith.constant 0 : i32
        %dma_start3A_51 = tpu.memref_slice %arg4[%add3A, %dma_start3A_50] : memref<2500x128xi32, #tpu.memory_space<hbm>> -> memref<157x128xi32, #tpu.memory_space<hbm>>
        tpu.enqueue_dma source(%dma_start3A_51 : memref<157x128xi32, #tpu.memory_space<hbm>>) target(%arg10 : memref<157x128xi32, #tpu.memory_space<vmem>>) target_semaphore(%run_scoped3A : memref<!tpu.dma_semaphore, #tpu.memory_space<semaphore_mem>>)
        %dma_wait3A = arith.constant 0 : i32
        %dma_wait3A_52 = tpu.memref_slice %arg4[%add3A, %dma_wait3A] : memref<2500x128xi32, #tpu.memory_space<hbm>> -> memref<157x128xi32, #tpu.memory_space<hbm>>
        %dma_wait3A_53 = arith.constant 0 : i32
        %dma_wait3A_54 = tpu.memref_slice %arg4[%add3A, %dma_wait3A_53] : memref<2500x128xi32, #tpu.memory_space<hbm>> -> memref<157x128xi32, #tpu.memory_space<hbm>>
        tpu.wait_dma2 semaphore(%run_scoped3A : memref<!tpu.dma_semaphore, #tpu.memory_space<semaphore_mem>>) src(%dma_wait3A_54 : memref<157x128xi32, #tpu.memory_space<hbm>>) dst(%arg10 : memref<157x128xi32, #tpu.memory_space<vmem>>)
        tpu.yield
      }) : () -> ()
      "tpu.region"() ({
        %run_scoped3A = tpu.sem_alloc : memref<!tpu.dma_semaphore, #tpu.memory_space<semaphore_mem>>
        %dma_start3A = arith.constant 0 : i32
        %dma_start3A_49 = tpu.memref_slice %arg5[%add3A, %dma_start3A] : memref<2500x128xi32, #tpu.memory_space<hbm>> -> memref<157x128xi32, #tpu.memory_space<hbm>>
        %dma_start3A_50 = arith.constant 0 : i32
        %dma_start3A_51 = tpu.memref_slice %arg5[%add3A, %dma_start3A_50] : memref<2500x128xi32, #tpu.memory_space<hbm>> -> memref<157x128xi32, #tpu.memory_space<hbm>>
        tpu.enqueue_dma source(%dma_start3A_51 : memref<157x128xi32, #tpu.memory_space<hbm>>) target(%arg11 : memref<157x128xi32, #tpu.memory_space<vmem>>) target_semaphore(%run_scoped3A : memref<!tpu.dma_semaphore, #tpu.memory_space<semaphore_mem>>)
        %dma_wait3A = arith.constant 0 : i32
        %dma_wait3A_52 = tpu.memref_slice %arg5[%add3A, %dma_wait3A] : memref<2500x128xi32, #tpu.memory_space<hbm>> -> memref<157x128xi32, #tpu.memory_space<hbm>>
        %dma_wait3A_53 = arith.constant 0 : i32
        %dma_wait3A_54 = tpu.memref_slice %arg5[%add3A, %dma_wait3A_53] : memref<2500x128xi32, #tpu.memory_space<hbm>> -> memref<157x128xi32, #tpu.memory_space<hbm>>
        tpu.wait_dma2 semaphore(%run_scoped3A : memref<!tpu.dma_semaphore, #tpu.memory_space<semaphore_mem>>) src(%dma_wait3A_54 : memref<157x128xi32, #tpu.memory_space<hbm>>) dst(%arg11 : memref<157x128xi32, #tpu.memory_space<vmem>>)
        tpu.yield
      }) : () -> ()
    } else {
    }
    %ge3A = arith.constant 4 : i32
    %ge3A_12 = arith.cmpi sge, %arg1, %ge3A : i32
    %convert_element_type3A_13 = arith.extui %ge3A_12 : i1 to i32
    %cond3A_14 = arith.constant 0 : i32
    %cond3A_15 = arith.cmpi ne, %convert_element_type3A_13, %cond3A_14 : i32
    scf.if %cond3A_15 {
      "tpu.region"() ({
        %run_scoped3A = tpu.sem_alloc : memref<!tpu.dma_semaphore, #tpu.memory_space<semaphore_mem>>
        %dma_start3A = arith.constant 0 : i32
        %dma_start3A_49 = arith.constant 0 : i32
        %dma_start3A_50 = tpu.memref_slice %arg10[%dma_start3A, %dma_start3A_49] : memref<157x128xi32, #tpu.memory_space<vmem>> -> memref<156x128xi32, #tpu.memory_space<vmem>>
        %dma_start3A_51 = arith.constant 0 : i32
        %dma_start3A_52 = tpu.memref_slice %arg4[%add3A, %dma_start3A_51] : memref<2500x128xi32, #tpu.memory_space<hbm>> -> memref<156x128xi32, #tpu.memory_space<hbm>>
        %dma_start3A_53 = arith.constant 0 : i32
        %dma_start3A_54 = arith.constant 0 : i32
        %dma_start3A_55 = tpu.memref_slice %arg10[%dma_start3A_53, %dma_start3A_54] : memref<157x128xi32, #tpu.memory_space<vmem>> -> memref<156x128xi32, #tpu.memory_space<vmem>>
        %dma_start3A_56 = arith.constant 0 : i32
        %dma_start3A_57 = tpu.memref_slice %arg4[%add3A, %dma_start3A_56] : memref<2500x128xi32, #tpu.memory_space<hbm>> -> memref<156x128xi32, #tpu.memory_space<hbm>>
        tpu.enqueue_dma source(%dma_start3A_57 : memref<156x128xi32, #tpu.memory_space<hbm>>) target(%dma_start3A_55 : memref<156x128xi32, #tpu.memory_space<vmem>>) target_semaphore(%run_scoped3A : memref<!tpu.dma_semaphore, #tpu.memory_space<semaphore_mem>>)
        %dma_wait3A = arith.constant 0 : i32
        %dma_wait3A_58 = arith.constant 0 : i32
        %dma_wait3A_59 = tpu.memref_slice %arg10[%dma_wait3A, %dma_wait3A_58] : memref<157x128xi32, #tpu.memory_space<vmem>> -> memref<156x128xi32, #tpu.memory_space<vmem>>
        %dma_wait3A_60 = arith.constant 0 : i32
        %dma_wait3A_61 = tpu.memref_slice %arg4[%add3A, %dma_wait3A_60] : memref<2500x128xi32, #tpu.memory_space<hbm>> -> memref<156x128xi32, #tpu.memory_space<hbm>>
        %dma_wait3A_62 = arith.constant 0 : i32
        %dma_wait3A_63 = arith.constant 0 : i32
        %dma_wait3A_64 = tpu.memref_slice %arg10[%dma_wait3A_62, %dma_wait3A_63] : memref<157x128xi32, #tpu.memory_space<vmem>> -> memref<156x128xi32, #tpu.memory_space<vmem>>
        %dma_wait3A_65 = arith.constant 0 : i32
        %dma_wait3A_66 = tpu.memref_slice %arg4[%add3A, %dma_wait3A_65] : memref<2500x128xi32, #tpu.memory_space<hbm>> -> memref<156x128xi32, #tpu.memory_space<hbm>>
        tpu.wait_dma2 semaphore(%run_scoped3A : memref<!tpu.dma_semaphore, #tpu.memory_space<semaphore_mem>>) src(%dma_wait3A_66 : memref<156x128xi32, #tpu.memory_space<hbm>>) dst(%dma_wait3A_64 : memref<156x128xi32, #tpu.memory_space<vmem>>)
        tpu.yield
      }) : () -> ()
      "tpu.region"() ({
        %run_scoped3A = tpu.sem_alloc : memref<!tpu.dma_semaphore, #tpu.memory_space<semaphore_mem>>
        %dma_start3A = arith.constant 0 : i32
        %dma_start3A_49 = arith.constant 0 : i32
        %dma_start3A_50 = tpu.memref_slice %arg11[%dma_start3A, %dma_start3A_49] : memref<157x128xi32, #tpu.memory_space<vmem>> -> memref<156x128xi32, #tpu.memory_space<vmem>>
        %dma_start3A_51 = arith.constant 0 : i32
        %dma_start3A_52 = tpu.memref_slice %arg5[%add3A, %dma_start3A_51] : memref<2500x128xi32, #tpu.memory_space<hbm>> -> memref<156x128xi32, #tpu.memory_space<hbm>>
        %dma_start3A_53 = arith.constant 0 : i32
        %dma_start3A_54 = arith.constant 0 : i32
        %dma_start3A_55 = tpu.memref_slice %arg11[%dma_start3A_53, %dma_start3A_54] : memref<157x128xi32, #tpu.memory_space<vmem>> -> memref<156x128xi32, #tpu.memory_space<vmem>>
        %dma_start3A_56 = arith.constant 0 : i32
        %dma_start3A_57 = tpu.memref_slice %arg5[%add3A, %dma_start3A_56] : memref<2500x128xi32, #tpu.memory_space<hbm>> -> memref<156x128xi32, #tpu.memory_space<hbm>>
        tpu.enqueue_dma source(%dma_start3A_57 : memref<156x128xi32, #tpu.memory_space<hbm>>) target(%dma_start3A_55 : memref<156x128xi32, #tpu.memory_space<vmem>>) target_semaphore(%run_scoped3A : memref<!tpu.dma_semaphore, #tpu.memory_space<semaphore_mem>>)
        %dma_wait3A = arith.constant 0 : i32
        %dma_wait3A_58 = arith.constant 0 : i32
        %dma_wait3A_59 = tpu.memref_slice %arg11[%dma_wait3A, %dma_wait3A_58] : memref<157x128xi32, #tpu.memory_space<vmem>> -> memref<156x128xi32, #tpu.memory_space<vmem>>
        %dma_wait3A_60 = arith.constant 0 : i32
        %dma_wait3A_61 = tpu.memref_slice %arg5[%add3A, %dma_wait3A_60] : memref<2500x128xi32, #tpu.memory_space<hbm>> -> memref<156x128xi32, #tpu.memory_space<hbm>>
        %dma_wait3A_62 = arith.constant 0 : i32
        %dma_wait3A_63 = arith.constant 0 : i32
        %dma_wait3A_64 = tpu.memref_slice %arg11[%dma_wait3A_62, %dma_wait3A_63] : memref<157x128xi32, #tpu.memory_space<vmem>> -> memref<156x128xi32, #tpu.memory_space<vmem>>
        %dma_wait3A_65 = arith.constant 0 : i32
        %dma_wait3A_66 = tpu.memref_slice %arg5[%add3A, %dma_wait3A_65] : memref<2500x128xi32, #tpu.memory_space<hbm>> -> memref<156x128xi32, #tpu.memory_space<hbm>>
        tpu.wait_dma2 semaphore(%run_scoped3A : memref<!tpu.dma_semaphore, #tpu.memory_space<semaphore_mem>>) src(%dma_wait3A_66 : memref<156x128xi32, #tpu.memory_space<hbm>>) dst(%dma_wait3A_64 : memref<156x128xi32, #tpu.memory_space<vmem>>)
        tpu.yield
      }) : () -> ()
    } else {
    }
    "tpu.region"() ({
      %run_scoped3A = tpu.sem_alloc : memref<!tpu.dma_semaphore, #tpu.memory_space<semaphore_mem>>
      %dma_start3A = arith.constant 0 : i32
      %dma_start3A_49 = tpu.memref_slice %arg18[%mul3A_0, %dma_start3A] : memref<10112x64xf32, #tpu.memory_space<vmem_shared>> -> memref<632x64xf32, #tpu.memory_space<vmem_shared>>
      tpu.enqueue_dma source(%arg6 : memref<632x64xf32, #tpu.memory_space<hbm>>) target(%dma_start3A_49 : memref<632x64xf32, #tpu.memory_space<vmem_shared>>) target_semaphore(%run_scoped3A : memref<!tpu.dma_semaphore, #tpu.memory_space<semaphore_mem>>)
      %dma_wait3A = arith.constant 0 : i32
      %dma_wait3A_50 = tpu.memref_slice %arg18[%mul3A_0, %dma_wait3A] : memref<10112x64xf32, #tpu.memory_space<vmem_shared>> -> memref<632x64xf32, #tpu.memory_space<vmem_shared>>
      tpu.wait_dma2 semaphore(%run_scoped3A : memref<!tpu.dma_semaphore, #tpu.memory_space<semaphore_mem>>) src(%arg6 : memref<632x64xf32, #tpu.memory_space<hbm>>) dst(%dma_wait3A_50 : memref<632x64xf32, #tpu.memory_space<vmem_shared>>)
      tpu.yield
    }) : () -> ()
    %eq3A = arith.constant 0 : i32
    %eq3A_16 = arith.cmpi eq, %arg0, %eq3A : i32
    %convert_element_type3A_17 = arith.extui %eq3A_16 : i1 to i32
    %cond3A_18 = arith.constant 0 : i32
    %cond3A_19 = arith.cmpi ne, %convert_element_type3A_17, %cond3A_18 : i32
    scf.if %cond3A_19 {
      %scan3A = arith.constant 0 : i32
      %scan3A_49 = arith.constant 640 : i32
      %scan3A_50 = arith.addi %scan3A, %scan3A_49 : i32
      %scan3A_51 = arith.constant 1 : i32
      scf.for %scan3A_53 = %scan3A to %scan3A_50 step %scan3A_51  : i32 {
        %mul3A_54 = arith.constant 1 : i32
        %mul3A_55 = arith.muli %scan3A_53, %mul3A_54 : i32
        %add3A_56 = arith.constant 0 : i32
        %add3A_57 = arith.addi %add3A_56, %mul3A_55 : i32
        %mul3A_58 = arith.constant 16 : i32
        %mul3A_59 = arith.muli %add3A_57, %mul3A_58 : i32
        %swap3A = arith.index_cast %mul3A_59 : i32 to index
        %swap3A_60 = tpu.vector_load %arg14[%swap3A] {strides = array<i32>} : memref<10240xf32, #tpu.memory_space<vmem>>, vector<16xf32>,
        tpu.vector_store %arg14[%swap3A], %broadcast_in_dim3A_1 {strides = array<i32>} : memref<10240xf32, #tpu.memory_space<vmem>>, vector<16xf32>,
      }
      %scan3A_52 = arith.constant 640 : i32
    } else {
    }
    %barrier3A = arith.constant 0 : index
    tpu.barrier barrier_id(%barrier3A)
    %eq3A_20 = arith.constant 0 : i32
    %eq3A_21 = arith.cmpi eq, %arg0, %eq3A_20 : i32
    %convert_element_type3A_22 = arith.extui %eq3A_21 : i1 to i32
    %cond3A_23 = arith.constant 0 : i32
    %cond3A_24 = arith.cmpi ne, %convert_element_type3A_22, %cond3A_23 : i32
    scf.if %cond3A_24 {
      %dma_start3A = arith.constant 0 : i32
      %dma_start3A_49 = arith.constant 0 : i32
      %dma_start3A_50 = tpu.memref_slice %arg10[%dma_start3A, %dma_start3A_49] : memref<157x128xi32, #tpu.memory_space<vmem>> -> memref<1x128xi32, #tpu.memory_space<vmem>>
      %dma_start3A_51 = tpu.memref_squeeze %dma_start3A_50 : memref<1x128xi32, #tpu.memory_space<vmem>> -> memref<128xi32, #tpu.memory_space<vmem>>
      %dma_start3A_52 = arith.constant 0 : i32
      %dma_start3A_53 = arith.constant 0 : i32
      %dma_start3A_54 = tpu.memref_slice %arg2[%dma_start3A_52, %dma_start3A_53] : memref<10000x64xf32, #tpu.memory_space<hbm>> -> memref<10000x64xf32, #tpu.memory_space<hbm>>
      tpu.enqueue_indirect_dma source(%dma_start3A_54 : memref<10000x64xf32, #tpu.memory_space<hbm>>) target(%arg12 : memref<128x64xf32, #tpu.memory_space<vmem>>) offsets(%dma_start3A_51 : memref<128xi32, #tpu.memory_space<vmem>>) semaphore(%arg20 : memref<!tpu.dma_semaphore, #tpu.memory_space<semaphore_mem>>)
      %dma_start3A_55 = arith.constant 1 : i32
      %dma_start3A_56 = arith.constant 0 : i32
      %dma_start3A_57 = tpu.memref_slice %arg10[%dma_start3A_55, %dma_start3A_56] : memref<157x128xi32, #tpu.memory_space<vmem>> -> memref<1x128xi32, #tpu.memory_space<vmem>>
      %dma_start3A_58 = tpu.memref_squeeze %dma_start3A_57 : memref<1x128xi32, #tpu.memory_space<vmem>> -> memref<128xi32, #tpu.memory_space<vmem>>
      %dma_start3A_59 = arith.constant 0 : i32
      %dma_start3A_60 = arith.constant 0 : i32
      %dma_start3A_61 = tpu.memref_slice %arg2[%dma_start3A_59, %dma_start3A_60] : memref<10000x64xf32, #tpu.memory_space<hbm>> -> memref<10000x64xf32, #tpu.memory_space<hbm>>
      tpu.enqueue_indirect_dma source(%dma_start3A_61 : memref<10000x64xf32, #tpu.memory_space<hbm>>) target(%arg13 : memref<128x64xf32, #tpu.memory_space<vmem>>) offsets(%dma_start3A_58 : memref<128xi32, #tpu.memory_space<vmem>>) semaphore(%arg21 : memref<!tpu.dma_semaphore, #tpu.memory_space<semaphore_mem>>)
      %scan3A = arith.constant 0 : i32
      %scan3A_62 = arith.constant 78 : i32
      %scan3A_63 = arith.addi %scan3A, %scan3A_62 : i32
      %scan3A_64 = arith.constant 1 : i32
      scf.for %scan3A_71 = %scan3A to %scan3A_63 step %scan3A_64  : i32 {
        %mul3A_72 = arith.constant 2 : i32
        %mul3A_73 = arith.muli %scan3A_71, %mul3A_72 : i32
        %add3A_74 = arith.constant 0 : i32
        %add3A_75 = arith.addi %add3A_74, %mul3A_73 : i32
        %add3A_76 = arith.constant 0 : i32
        %add3A_77 = arith.addi %add3A_75, %add3A_76 : i32
        %dma_wait3A = arith.constant 0 : i32
        %dma_wait3A_78 = arith.constant 0 : i32
        %dma_wait3A_79 = tpu.memref_slice %arg10[%dma_wait3A, %dma_wait3A_78] : memref<157x128xi32, #tpu.memory_space<vmem>> -> memref<1x128xi32, #tpu.memory_space<vmem>>
        %dma_wait3A_80 = tpu.memref_squeeze %dma_wait3A_79 : memref<1x128xi32, #tpu.memory_space<vmem>> -> memref<128xi32, #tpu.memory_space<vmem>>
        %dma_wait3A_81 = arith.constant 0 : i32
        %dma_wait3A_82 = arith.constant 0 : i32
        %dma_wait3A_83 = tpu.memref_slice %arg2[%dma_wait3A_81, %dma_wait3A_82] : memref<10000x64xf32, #tpu.memory_space<hbm>> -> memref<10000x64xf32, #tpu.memory_space<hbm>>
        tpu.wait_indirect_dma semaphore(%arg20 : memref<!tpu.dma_semaphore, #tpu.memory_space<semaphore_mem>>) src(%dma_wait3A_83 : memref<10000x64xf32, #tpu.memory_space<hbm>>) dst(%arg12 : memref<128x64xf32, #tpu.memory_space<vmem>>)
        %dma_start3A_84 = arith.constant 0 : i32
        %dma_start3A_85 = tpu.memref_slice %arg11[%add3A_77, %dma_start3A_84] : memref<157x128xi32, #tpu.memory_space<vmem>> -> memref<1x128xi32, #tpu.memory_space<vmem>>
        %dma_start3A_86 = tpu.memref_squeeze %dma_start3A_85 : memref<1x128xi32, #tpu.memory_space<vmem>> -> memref<128xi32, #tpu.memory_space<vmem>>
        %dma_start3A_87 = arith.constant 0 : i32
        %dma_start3A_88 = arith.constant 0 : i32
        %dma_start3A_89 = tpu.memref_slice %arg18[%dma_start3A_87, %dma_start3A_88] : memref<10112x64xf32, #tpu.memory_space<vmem_shared>> -> memref<10112x64xf32, #tpu.memory_space<vmem_shared>>
        tpu.enqueue_indirect_dma source(%arg12 : memref<128x64xf32, #tpu.memory_space<vmem>>) target(%dma_start3A_89 : memref<10112x64xf32, #tpu.memory_space<vmem_shared>>) offsets(%dma_start3A_86 : memref<128xi32, #tpu.memory_space<vmem>>) semaphore(%arg22 : memref<!tpu.dma_semaphore, #tpu.memory_space<semaphore_mem>>) {add = true}
        %get3A = arith.index_cast %add3A_77 : i32 to index
        %get3A_90 = arith.constant 0 : index
        %get3A_91 = tpu.vector_load %arg11[%get3A, %get3A_90] {strides = array<i32>} : memref<157x128xi32, #tpu.memory_space<vmem>>, vector<16xi32>,
        tpu.vector_store_idx %arg14[%get3A_91], %broadcast_in_dim3A_3 {add = true} : memref<10240xf32, #tpu.memory_space<vmem>>[vector<16xi32>], vector<16xf32>,
        %get3A_92 = arith.index_cast %add3A_77 : i32 to index
        %get3A_93 = arith.constant 16 : index
        %get3A_94 = tpu.vector_load %arg11[%get3A_92, %get3A_93] {strides = array<i32>} : memref<157x128xi32, #tpu.memory_space<vmem>>, vector<16xi32>,
        tpu.vector_store_idx %arg14[%get3A_94], %broadcast_in_dim3A_3 {add = true} : memref<10240xf32, #tpu.memory_space<vmem>>[vector<16xi32>], vector<16xf32>,
        %get3A_95 = arith.index_cast %add3A_77 : i32 to index
        %get3A_96 = arith.constant 32 : index
        %get3A_97 = tpu.vector_load %arg11[%get3A_95, %get3A_96] {strides = array<i32>} : memref<157x128xi32, #tpu.memory_space<vmem>>, vector<16xi32>,
        tpu.vector_store_idx %arg14[%get3A_97], %broadcast_in_dim3A_3 {add = true} : memref<10240xf32, #tpu.memory_space<vmem>>[vector<16xi32>], vector<16xf32>,
        %get3A_98 = arith.index_cast %add3A_77 : i32 to index
        %get3A_99 = arith.constant 48 : index
        %get3A_100 = tpu.vector_load %arg11[%get3A_98, %get3A_99] {strides = array<i32>} : memref<157x128xi32, #tpu.memory_space<vmem>>, vector<16xi32>,
        tpu.vector_store_idx %arg14[%get3A_100], %broadcast_in_dim3A_3 {add = true} : memref<10240xf32, #tpu.memory_space<vmem>>[vector<16xi32>], vector<16xf32>,
        %get3A_101 = arith.index_cast %add3A_77 : i32 to index
        %get3A_102 = arith.constant 64 : index
        %get3A_103 = tpu.vector_load %arg11[%get3A_101, %get3A_102] {strides = array<i32>} : memref<157x128xi32, #tpu.memory_space<vmem>>, vector<16xi32>,
        tpu.vector_store_idx %arg14[%get3A_103], %broadcast_in_dim3A_3 {add = true} : memref<10240xf32, #tpu.memory_space<vmem>>[vector<16xi32>], vector<16xf32>,
        %get3A_104 = arith.index_cast %add3A_77 : i32 to index
        %get3A_105 = arith.constant 80 : index
        %get3A_106 = tpu.vector_load %arg11[%get3A_104, %get3A_105] {strides = array<i32>} : memref<157x128xi32, #tpu.memory_space<vmem>>, vector<16xi32>,
        tpu.vector_store_idx %arg14[%get3A_106], %broadcast_in_dim3A_3 {add = true} : memref<10240xf32, #tpu.memory_space<vmem>>[vector<16xi32>], vector<16xf32>,
        %get3A_107 = arith.index_cast %add3A_77 : i32 to index
        %get3A_108 = arith.constant 96 : index
        %get3A_109 = tpu.vector_load %arg11[%get3A_107, %get3A_108] {strides = array<i32>} : memref<157x128xi32, #tpu.memory_space<vmem>>, vector<16xi32>,
        tpu.vector_store_idx %arg14[%get3A_109], %broadcast_in_dim3A_3 {add = true} : memref<10240xf32, #tpu.memory_space<vmem>>[vector<16xi32>], vector<16xf32>,
        %get3A_110 = arith.index_cast %add3A_77 : i32 to index
        %get3A_111 = arith.constant 112 : index
        %get3A_112 = tpu.vector_load %arg11[%get3A_110, %get3A_111] {strides = array<i32>} : memref<157x128xi32, #tpu.memory_space<vmem>>, vector<16xi32>,
        tpu.vector_store_idx %arg14[%get3A_112], %broadcast_in_dim3A_3 {add = true} : memref<10240xf32, #tpu.memory_space<vmem>>[vector<16xi32>], vector<16xf32>,
        %dma_wait3A_113 = arith.constant 0 : i32
        %dma_wait3A_114 = arith.constant 0 : i32
        %dma_wait3A_115 = tpu.memref_slice %arg11[%dma_wait3A_113, %dma_wait3A_114] : memref<157x128xi32, #tpu.memory_space<vmem>> -> memref<1x128xi32, #tpu.memory_space<vmem>>
        %dma_wait3A_116 = tpu.memref_squeeze %dma_wait3A_115 : memref<1x128xi32, #tpu.memory_space<vmem>> -> memref<128xi32, #tpu.memory_space<vmem>>
        %dma_wait3A_117 = arith.constant 0 : i32
        %dma_wait3A_118 = arith.constant 0 : i32
        %dma_wait3A_119 = tpu.memref_slice %arg18[%dma_wait3A_117, %dma_wait3A_118] : memref<10112x64xf32, #tpu.memory_space<vmem_shared>> -> memref<10112x64xf32, #tpu.memory_space<vmem_shared>>
        tpu.wait_indirect_dma semaphore(%arg22 : memref<!tpu.dma_semaphore, #tpu.memory_space<semaphore_mem>>) src(%arg12 : memref<128x64xf32, #tpu.memory_space<vmem>>) dst(%dma_wait3A_119 : memref<10112x64xf32, #tpu.memory_space<vmem_shared>>)
        %add3A_120 = arith.constant 2 : i32
        %add3A_121 = arith.addi %add3A_77, %add3A_120 : i32
        %lt3A_122 = arith.cmpi slt, %add3A_121, %select_n3A : i32
        %convert_element_type3A_123 = arith.extui %lt3A_122 : i1 to i32
        %cond3A_124 = arith.constant 0 : i32
        %cond3A_125 = arith.cmpi ne, %convert_element_type3A_123, %cond3A_124 : i32
        scf.if %cond3A_125 {
          %add3A_178 = arith.constant 2 : i32
          %add3A_179 = arith.addi %add3A_77, %add3A_178 : i32
          %dma_start3A_180 = arith.constant 0 : i32
          %dma_start3A_181 = tpu.memref_slice %arg10[%add3A_179, %dma_start3A_180] : memref<157x128xi32, #tpu.memory_space<vmem>> -> memref<1x128xi32, #tpu.memory_space<vmem>>
          %dma_start3A_182 = tpu.memref_squeeze %dma_start3A_181 : memref<1x128xi32, #tpu.memory_space<vmem>> -> memref<128xi32, #tpu.memory_space<vmem>>
          %dma_start3A_183 = arith.constant 0 : i32
          %dma_start3A_184 = arith.constant 0 : i32
          %dma_start3A_185 = tpu.memref_slice %arg2[%dma_start3A_183, %dma_start3A_184] : memref<10000x64xf32, #tpu.memory_space<hbm>> -> memref<10000x64xf32, #tpu.memory_space<hbm>>
          tpu.enqueue_indirect_dma source(%dma_start3A_185 : memref<10000x64xf32, #tpu.memory_space<hbm>>) target(%arg12 : memref<128x64xf32, #tpu.memory_space<vmem>>) offsets(%dma_start3A_182 : memref<128xi32, #tpu.memory_space<vmem>>) semaphore(%arg20 : memref<!tpu.dma_semaphore, #tpu.memory_space<semaphore_mem>>)
        } else {
        }
        %add3A_126 = arith.constant 1 : i32
        %add3A_127 = arith.addi %add3A_75, %add3A_126 : i32
        %dma_wait3A_128 = arith.constant 0 : i32
        %dma_wait3A_129 = arith.constant 0 : i32
        %dma_wait3A_130 = tpu.memref_slice %arg10[%dma_wait3A_128, %dma_wait3A_129] : memref<157x128xi32, #tpu.memory_space<vmem>> -> memref<1x128xi32, #tpu.memory_space<vmem>>
        %dma_wait3A_131 = tpu.memref_squeeze %dma_wait3A_130 : memref<1x128xi32, #tpu.memory_space<vmem>> -> memref<128xi32, #tpu.memory_space<vmem>>
        %dma_wait3A_132 = arith.constant 0 : i32
        %dma_wait3A_133 = arith.constant 0 : i32
        %dma_wait3A_134 = tpu.memref_slice %arg2[%dma_wait3A_132, %dma_wait3A_133] : memref<10000x64xf32, #tpu.memory_space<hbm>> -> memref<10000x64xf32, #tpu.memory_space<hbm>>
        tpu.wait_indirect_dma semaphore(%arg21 : memref<!tpu.dma_semaphore, #tpu.memory_space<semaphore_mem>>) src(%dma_wait3A_134 : memref<10000x64xf32, #tpu.memory_space<hbm>>) dst(%arg13 : memref<128x64xf32, #tpu.memory_space<vmem>>)
        %dma_start3A_135 = arith.constant 0 : i32
        %dma_start3A_136 = tpu.memref_slice %arg11[%add3A_127, %dma_start3A_135] : memref<157x128xi32, #tpu.memory_space<vmem>> -> memref<1x128xi32, #tpu.memory_space<vmem>>
        %dma_start3A_137 = tpu.memref_squeeze %dma_start3A_136 : memref<1x128xi32, #tpu.memory_space<vmem>> -> memref<128xi32, #tpu.memory_space<vmem>>
        %dma_start3A_138 = arith.constant 0 : i32
        %dma_start3A_139 = arith.constant 0 : i32
        %dma_start3A_140 = tpu.memref_slice %arg18[%dma_start3A_138, %dma_start3A_139] : memref<10112x64xf32, #tpu.memory_space<vmem_shared>> -> memref<10112x64xf32, #tpu.memory_space<vmem_shared>>
        tpu.enqueue_indirect_dma source(%arg13 : memref<128x64xf32, #tpu.memory_space<vmem>>) target(%dma_start3A_140 : memref<10112x64xf32, #tpu.memory_space<vmem_shared>>) offsets(%dma_start3A_137 : memref<128xi32, #tpu.memory_space<vmem>>) semaphore(%arg23 : memref<!tpu.dma_semaphore, #tpu.memory_space<semaphore_mem>>) {add = true}
        %get3A_141 = arith.index_cast %add3A_127 : i32 to index
        %get3A_142 = arith.constant 0 : index
        %get3A_143 = tpu.vector_load %arg11[%get3A_141, %get3A_142] {strides = array<i32>} : memref<157x128xi32, #tpu.memory_space<vmem>>, vector<16xi32>,
        tpu.vector_store_idx %arg14[%get3A_143], %broadcast_in_dim3A_3 {add = true} : memref<10240xf32, #tpu.memory_space<vmem>>[vector<16xi32>], vector<16xf32>,
        %get3A_144 = arith.index_cast %add3A_127 : i32 to index
        %get3A_145 = arith.constant 16 : index
        %get3A_146 = tpu.vector_load %arg11[%get3A_144, %get3A_145] {strides = array<i32>} : memref<157x128xi32, #tpu.memory_space<vmem>>, vector<16xi32>,
        tpu.vector_store_idx %arg14[%get3A_146], %broadcast_in_dim3A_3 {add = true} : memref<10240xf32, #tpu.memory_space<vmem>>[vector<16xi32>], vector<16xf32>,
        %get3A_147 = arith.index_cast %add3A_127 : i32 to index
        %get3A_148 = arith.constant 32 : index
        %get3A_149 = tpu.vector_load %arg11[%get3A_147, %get3A_148] {strides = array<i32>} : memref<157x128xi32, #tpu.memory_space<vmem>>, vector<16xi32>,
        tpu.vector_store_idx %arg14[%get3A_149], %broadcast_in_dim3A_3 {add = true} : memref<10240xf32, #tpu.memory_space<vmem>>[vector<16xi32>], vector<16xf32>,
        %get3A_150 = arith.index_cast %add3A_127 : i32 to index
        %get3A_151 = arith.constant 48 : index
        %get3A_152 = tpu.vector_load %arg11[%get3A_150, %get3A_151] {strides = array<i32>} : memref<157x128xi32, #tpu.memory_space<vmem>>, vector<16xi32>,
        tpu.vector_store_idx %arg14[%get3A_152], %broadcast_in_dim3A_3 {add = true} : memref<10240xf32, #tpu.memory_space<vmem>>[vector<16xi32>], vector<16xf32>,
        %get3A_153 = arith.index_cast %add3A_127 : i32 to index
        %get3A_154 = arith.constant 64 : index
        %get3A_155 = tpu.vector_load %arg11[%get3A_153, %get3A_154] {strides = array<i32>} : memref<157x128xi32, #tpu.memory_space<vmem>>, vector<16xi32>,
        tpu.vector_store_idx %arg14[%get3A_155], %broadcast_in_dim3A_3 {add = true} : memref<10240xf32, #tpu.memory_space<vmem>>[vector<16xi32>], vector<16xf32>,
        %get3A_156 = arith.index_cast %add3A_127 : i32 to index
        %get3A_157 = arith.constant 80 : index
        %get3A_158 = tpu.vector_load %arg11[%get3A_156, %get3A_157] {strides = array<i32>} : memref<157x128xi32, #tpu.memory_space<vmem>>, vector<16xi32>,
        tpu.vector_store_idx %arg14[%get3A_158], %broadcast_in_dim3A_3 {add = true} : memref<10240xf32, #tpu.memory_space<vmem>>[vector<16xi32>], vector<16xf32>,
        %get3A_159 = arith.index_cast %add3A_127 : i32 to index
        %get3A_160 = arith.constant 96 : index
        %get3A_161 = tpu.vector_load %arg11[%get3A_159, %get3A_160] {strides = array<i32>} : memref<157x128xi32, #tpu.memory_space<vmem>>, vector<16xi32>,
        tpu.vector_store_idx %arg14[%get3A_161], %broadcast_in_dim3A_3 {add = true} : memref<10240xf32, #tpu.memory_space<vmem>>[vector<16xi32>], vector<16xf32>,
        %get3A_162 = arith.index_cast %add3A_127 : i32 to index
        %get3A_163 = arith.constant 112 : index
        %get3A_164 = tpu.vector_load %arg11[%get3A_162, %get3A_163] {strides = array<i32>} : memref<157x128xi32, #tpu.memory_space<vmem>>, vector<16xi32>,
        tpu.vector_store_idx %arg14[%get3A_164], %broadcast_in_dim3A_3 {add = true} : memref<10240xf32, #tpu.memory_space<vmem>>[vector<16xi32>], vector<16xf32>,
        %dma_wait3A_165 = arith.constant 0 : i32
        %dma_wait3A_166 = arith.constant 0 : i32
        %dma_wait3A_167 = tpu.memref_slice %arg11[%dma_wait3A_165, %dma_wait3A_166] : memref<157x128xi32, #tpu.memory_space<vmem>> -> memref<1x128xi32, #tpu.memory_space<vmem>>
        %dma_wait3A_168 = tpu.memref_squeeze %dma_wait3A_167 : memref<1x128xi32, #tpu.memory_space<vmem>> -> memref<128xi32, #tpu.memory_space<vmem>>
        %dma_wait3A_169 = arith.constant 0 : i32
        %dma_wait3A_170 = arith.constant 0 : i32
        %dma_wait3A_171 = tpu.memref_slice %arg18[%dma_wait3A_169, %dma_wait3A_170] : memref<10112x64xf32, #tpu.memory_space<vmem_shared>> -> memref<10112x64xf32, #tpu.memory_space<vmem_shared>>
        tpu.wait_indirect_dma semaphore(%arg23 : memref<!tpu.dma_semaphore, #tpu.memory_space<semaphore_mem>>) src(%arg13 : memref<128x64xf32, #tpu.memory_space<vmem>>) dst(%dma_wait3A_171 : memref<10112x64xf32, #tpu.memory_space<vmem_shared>>)
        %add3A_172 = arith.constant 2 : i32
        %add3A_173 = arith.addi %add3A_127, %add3A_172 : i32
        %lt3A_174 = arith.cmpi slt, %add3A_173, %select_n3A : i32
        %convert_element_type3A_175 = arith.extui %lt3A_174 : i1 to i32
        %cond3A_176 = arith.constant 0 : i32
        %cond3A_177 = arith.cmpi ne, %convert_element_type3A_175, %cond3A_176 : i32
        scf.if %cond3A_177 {
          %add3A_178 = arith.constant 2 : i32
          %add3A_179 = arith.addi %add3A_127, %add3A_178 : i32
          %dma_start3A_180 = arith.constant 0 : i32
          %dma_start3A_181 = tpu.memref_slice %arg10[%add3A_179, %dma_start3A_180] : memref<157x128xi32, #tpu.memory_space<vmem>> -> memref<1x128xi32, #tpu.memory_space<vmem>>
          %dma_start3A_182 = tpu.memref_squeeze %dma_start3A_181 : memref<1x128xi32, #tpu.memory_space<vmem>> -> memref<128xi32, #tpu.memory_space<vmem>>
          %dma_start3A_183 = arith.constant 0 : i32
          %dma_start3A_184 = arith.constant 0 : i32
          %dma_start3A_185 = tpu.memref_slice %arg2[%dma_start3A_183, %dma_start3A_184] : memref<10000x64xf32, #tpu.memory_space<hbm>> -> memref<10000x64xf32, #tpu.memory_space<hbm>>
          tpu.enqueue_indirect_dma source(%dma_start3A_185 : memref<10000x64xf32, #tpu.memory_space<hbm>>) target(%arg13 : memref<128x64xf32, #tpu.memory_space<vmem>>) offsets(%dma_start3A_182 : memref<128xi32, #tpu.memory_space<vmem>>) semaphore(%arg21 : memref<!tpu.dma_semaphore, #tpu.memory_space<semaphore_mem>>)
        } else {
        }
      }
      %scan3A_65 = arith.constant 78 : i32
      %lt3A_66 = arith.constant 4 : i32
      %lt3A_67 = arith.cmpi slt, %arg1, %lt3A_66 : i32
      %convert_element_type3A_68 = arith.extui %lt3A_67 : i1 to i32
      %cond3A_69 = arith.constant 0 : i32
      %cond3A_70 = arith.cmpi ne, %convert_element_type3A_68, %cond3A_69 : i32
      scf.if %cond3A_70 {
        %get3A = arith.constant 156 : i32
        %get3A_71 = arith.index_cast %get3A : i32 to index
        %get3A_72 = arith.constant 0 : index
        %get3A_73 = tpu.vector_load %arg11[%get3A_71, %get3A_72] {strides = array<i32>} : memref<157x128xi32, #tpu.memory_space<vmem>>, vector<16xi32>,
        tpu.vector_store_idx %arg14[%get3A_73], %broadcast_in_dim3A_3 {add = true} : memref<10240xf32, #tpu.memory_space<vmem>>[vector<16xi32>], vector<16xf32>,
        %get3A_74 = arith.constant 156 : i32
        %get3A_75 = arith.index_cast %get3A_74 : i32 to index
        %get3A_76 = arith.constant 16 : index
        %get3A_77 = tpu.vector_load %arg11[%get3A_75, %get3A_76] {strides = array<i32>} : memref<157x128xi32, #tpu.memory_space<vmem>>, vector<16xi32>,
        tpu.vector_store_idx %arg14[%get3A_77], %broadcast_in_dim3A_3 {add = true} : memref<10240xf32, #tpu.memory_space<vmem>>[vector<16xi32>], vector<16xf32>,
        %get3A_78 = arith.constant 156 : i32
        %get3A_79 = arith.index_cast %get3A_78 : i32 to index
        %get3A_80 = arith.constant 32 : index
        %get3A_81 = tpu.vector_load %arg11[%get3A_79, %get3A_80] {strides = array<i32>} : memref<157x128xi32, #tpu.memory_space<vmem>>, vector<16xi32>,
        tpu.vector_store_idx %arg14[%get3A_81], %broadcast_in_dim3A_3 {add = true} : memref<10240xf32, #tpu.memory_space<vmem>>[vector<16xi32>], vector<16xf32>,
        %get3A_82 = arith.constant 156 : i32
        %get3A_83 = arith.index_cast %get3A_82 : i32 to index
        %get3A_84 = arith.constant 48 : index
        %get3A_85 = tpu.vector_load %arg11[%get3A_83, %get3A_84] {strides = array<i32>} : memref<157x128xi32, #tpu.memory_space<vmem>>, vector<16xi32>,
        tpu.vector_store_idx %arg14[%get3A_85], %broadcast_in_dim3A_3 {add = true} : memref<10240xf32, #tpu.memory_space<vmem>>[vector<16xi32>], vector<16xf32>,
        %get3A_86 = arith.constant 156 : i32
        %get3A_87 = arith.index_cast %get3A_86 : i32 to index
        %get3A_88 = arith.constant 64 : index
        %get3A_89 = tpu.vector_load %arg11[%get3A_87, %get3A_88] {strides = array<i32>} : memref<157x128xi32, #tpu.memory_space<vmem>>, vector<16xi32>,
        tpu.vector_store_idx %arg14[%get3A_89], %broadcast_in_dim3A_3 {add = true} : memref<10240xf32, #tpu.memory_space<vmem>>[vector<16xi32>], vector<16xf32>,
        %get3A_90 = arith.constant 156 : i32
        %get3A_91 = arith.index_cast %get3A_90 : i32 to index
        %get3A_92 = arith.constant 80 : index
        %get3A_93 = tpu.vector_load %arg11[%get3A_91, %get3A_92] {strides = array<i32>} : memref<157x128xi32, #tpu.memory_space<vmem>>, vector<16xi32>,
        tpu.vector_store_idx %arg14[%get3A_93], %broadcast_in_dim3A_3 {add = true} : memref<10240xf32, #tpu.memory_space<vmem>>[vector<16xi32>], vector<16xf32>,
        %get3A_94 = arith.constant 156 : i32
        %get3A_95 = arith.index_cast %get3A_94 : i32 to index
        %get3A_96 = arith.constant 96 : index
        %get3A_97 = tpu.vector_load %arg11[%get3A_95, %get3A_96] {strides = array<i32>} : memref<157x128xi32, #tpu.memory_space<vmem>>, vector<16xi32>,
        tpu.vector_store_idx %arg14[%get3A_97], %broadcast_in_dim3A_3 {add = true} : memref<10240xf32, #tpu.memory_space<vmem>>[vector<16xi32>], vector<16xf32>,
        %get3A_98 = arith.constant 156 : i32
        %get3A_99 = arith.index_cast %get3A_98 : i32 to index
        %get3A_100 = arith.constant 112 : index
        %get3A_101 = tpu.vector_load %arg11[%get3A_99, %get3A_100] {strides = array<i32>} : memref<157x128xi32, #tpu.memory_space<vmem>>, vector<16xi32>,
        tpu.vector_store_idx %arg14[%get3A_101], %broadcast_in_dim3A_3 {add = true} : memref<10240xf32, #tpu.memory_space<vmem>>[vector<16xi32>], vector<16xf32>,
        %dma_wait3A = arith.constant 0 : i32
        %dma_wait3A_102 = arith.constant 0 : i32
        %dma_wait3A_103 = tpu.memref_slice %arg10[%dma_wait3A, %dma_wait3A_102] : memref<157x128xi32, #tpu.memory_space<vmem>> -> memref<1x128xi32, #tpu.memory_space<vmem>>
        %dma_wait3A_104 = tpu.memref_squeeze %dma_wait3A_103 : memref<1x128xi32, #tpu.memory_space<vmem>> -> memref<128xi32, #tpu.memory_space<vmem>>
        %dma_wait3A_105 = arith.constant 0 : i32
        %dma_wait3A_106 = arith.constant 0 : i32
        %dma_wait3A_107 = tpu.memref_slice %arg2[%dma_wait3A_105, %dma_wait3A_106] : memref<10000x64xf32, #tpu.memory_space<hbm>> -> memref<10000x64xf32, #tpu.memory_space<hbm>>
        tpu.wait_indirect_dma semaphore(%arg20 : memref<!tpu.dma_semaphore, #tpu.memory_space<semaphore_mem>>) src(%dma_wait3A_107 : memref<10000x64xf32, #tpu.memory_space<hbm>>) dst(%arg12 : memref<128x64xf32, #tpu.memory_space<vmem>>)
        %run_scoped3A = arith.constant 156 : i32
        "tpu.region"() ({
          %run_scoped3A_108 = tpu.sem_alloc : memref<!tpu.dma_semaphore, #tpu.memory_space<semaphore_mem>>
          %dma_start3A_109 = arith.constant 0 : i32
          %dma_start3A_110 = tpu.memref_slice %arg11[%run_scoped3A, %dma_start3A_109] : memref<157x128xi32, #tpu.memory_space<vmem>> -> memref<1x128xi32, #tpu.memory_space<vmem>>
          %dma_start3A_111 = tpu.memref_squeeze %dma_start3A_110 : memref<1x128xi32, #tpu.memory_space<vmem>> -> memref<128xi32, #tpu.memory_space<vmem>>
          %dma_start3A_112 = arith.constant 0 : i32
          %dma_start3A_113 = arith.constant 0 : i32
          %dma_start3A_114 = tpu.memref_slice %arg18[%dma_start3A_112, %dma_start3A_113] : memref<10112x64xf32, #tpu.memory_space<vmem_shared>> -> memref<10112x64xf32, #tpu.memory_space<vmem_shared>>
          tpu.enqueue_indirect_dma source(%arg12 : memref<128x64xf32, #tpu.memory_space<vmem>>) target(%dma_start3A_114 : memref<10112x64xf32, #tpu.memory_space<vmem_shared>>) offsets(%dma_start3A_111 : memref<128xi32, #tpu.memory_space<vmem>>) semaphore(%run_scoped3A_108 : memref<!tpu.dma_semaphore, #tpu.memory_space<semaphore_mem>>) {add = true}
          %dma_wait3A_115 = arith.constant 0 : i32
          %dma_wait3A_116 = tpu.memref_slice %arg11[%run_scoped3A, %dma_wait3A_115] : memref<157x128xi32, #tpu.memory_space<vmem>> -> memref<1x128xi32, #tpu.memory_space<vmem>>
          %dma_wait3A_117 = tpu.memref_squeeze %dma_wait3A_116 : memref<1x128xi32, #tpu.memory_space<vmem>> -> memref<128xi32, #tpu.memory_space<vmem>>
          %dma_wait3A_118 = arith.constant 0 : i32
          %dma_wait3A_119 = arith.constant 0 : i32
          %dma_wait3A_120 = tpu.memref_slice %arg18[%dma_wait3A_118, %dma_wait3A_119] : memref<10112x64xf32, #tpu.memory_space<vmem_shared>> -> memref<10112x64xf32, #tpu.memory_space<vmem_shared>>
          tpu.wait_indirect_dma semaphore(%run_scoped3A_108 : memref<!tpu.dma_semaphore, #tpu.memory_space<semaphore_mem>>) src(%arg12 : memref<128x64xf32, #tpu.memory_space<vmem>>) dst(%dma_wait3A_120 : memref<10112x64xf32, #tpu.memory_space<vmem_shared>>)
          tpu.yield
        }) : () -> ()
      } else {
      }
    } else {
    }
    %eq3A_25 = arith.constant 1 : i32
    %eq3A_26 = arith.cmpi eq, %arg0, %eq3A_25 : i32
    %convert_element_type3A_27 = arith.extui %eq3A_26 : i1 to i32
    %cond3A_28 = arith.constant 0 : i32
    %cond3A_29 = arith.cmpi ne, %convert_element_type3A_27, %cond3A_28 : i32
    scf.if %cond3A_29 {
      %dma_start3A = arith.constant 0 : i32
      %dma_start3A_49 = arith.constant 0 : i32
      %dma_start3A_50 = tpu.memref_slice %arg10[%dma_start3A, %dma_start3A_49] : memref<157x128xi32, #tpu.memory_space<vmem>> -> memref<1x128xi32, #tpu.memory_space<vmem>>
      %dma_start3A_51 = tpu.memref_squeeze %dma_start3A_50 : memref<1x128xi32, #tpu.memory_space<vmem>> -> memref<128xi32, #tpu.memory_space<vmem>>
      %dma_start3A_52 = arith.constant 0 : i32
      %dma_start3A_53 = arith.constant 0 : i32
      %dma_start3A_54 = tpu.memref_slice %arg3[%dma_start3A_52, %dma_start3A_53] : memref<10000x64xf32, #tpu.memory_space<hbm>> -> memref<10000x64xf32, #tpu.memory_space<hbm>>
      tpu.enqueue_indirect_dma source(%dma_start3A_54 : memref<10000x64xf32, #tpu.memory_space<hbm>>) target(%arg12 : memref<128x64xf32, #tpu.memory_space<vmem>>) offsets(%dma_start3A_51 : memref<128xi32, #tpu.memory_space<vmem>>) semaphore(%arg20 : memref<!tpu.dma_semaphore, #tpu.memory_space<semaphore_mem>>)
      %dma_start3A_55 = arith.constant 1 : i32
      %dma_start3A_56 = arith.constant 0 : i32
      %dma_start3A_57 = tpu.memref_slice %arg10[%dma_start3A_55, %dma_start3A_56] : memref<157x128xi32, #tpu.memory_space<vmem>> -> memref<1x128xi32, #tpu.memory_space<vmem>>
      %dma_start3A_58 = tpu.memref_squeeze %dma_start3A_57 : memref<1x128xi32, #tpu.memory_space<vmem>> -> memref<128xi32, #tpu.memory_space<vmem>>
      %dma_start3A_59 = arith.constant 0 : i32
      %dma_start3A_60 = arith.constant 0 : i32
      %dma_start3A_61 = tpu.memref_slice %arg3[%dma_start3A_59, %dma_start3A_60] : memref<10000x64xf32, #tpu.memory_space<hbm>> -> memref<10000x64xf32, #tpu.memory_space<hbm>>
      tpu.enqueue_indirect_dma source(%dma_start3A_61 : memref<10000x64xf32, #tpu.memory_space<hbm>>) target(%arg13 : memref<128x64xf32, #tpu.memory_space<vmem>>) offsets(%dma_start3A_58 : memref<128xi32, #tpu.memory_space<vmem>>) semaphore(%arg21 : memref<!tpu.dma_semaphore, #tpu.memory_space<semaphore_mem>>)
      %scan3A = arith.constant 0 : i32
      %scan3A_62 = arith.constant 78 : i32
      %scan3A_63 = arith.addi %scan3A, %scan3A_62 : i32
      %scan3A_64 = arith.constant 1 : i32
      scf.for %scan3A_71 = %scan3A to %scan3A_63 step %scan3A_64  : i32 {
        %mul3A_72 = arith.constant 2 : i32
        %mul3A_73 = arith.muli %scan3A_71, %mul3A_72 : i32
        %add3A_74 = arith.constant 0 : i32
        %add3A_75 = arith.addi %add3A_74, %mul3A_73 : i32
        %add3A_76 = arith.constant 0 : i32
        %add3A_77 = arith.addi %add3A_75, %add3A_76 : i32
        %dma_wait3A = arith.constant 0 : i32
        %dma_wait3A_78 = arith.constant 0 : i32
        %dma_wait3A_79 = tpu.memref_slice %arg10[%dma_wait3A, %dma_wait3A_78] : memref<157x128xi32, #tpu.memory_space<vmem>> -> memref<1x128xi32, #tpu.memory_space<vmem>>
        %dma_wait3A_80 = tpu.memref_squeeze %dma_wait3A_79 : memref<1x128xi32, #tpu.memory_space<vmem>> -> memref<128xi32, #tpu.memory_space<vmem>>
        %dma_wait3A_81 = arith.constant 0 : i32
        %dma_wait3A_82 = arith.constant 0 : i32
        %dma_wait3A_83 = tpu.memref_slice %arg3[%dma_wait3A_81, %dma_wait3A_82] : memref<10000x64xf32, #tpu.memory_space<hbm>> -> memref<10000x64xf32, #tpu.memory_space<hbm>>
        tpu.wait_indirect_dma semaphore(%arg20 : memref<!tpu.dma_semaphore, #tpu.memory_space<semaphore_mem>>) src(%dma_wait3A_83 : memref<10000x64xf32, #tpu.memory_space<hbm>>) dst(%arg12 : memref<128x64xf32, #tpu.memory_space<vmem>>)
        %dma_start3A_84 = arith.constant 0 : i32
        %dma_start3A_85 = tpu.memref_slice %arg11[%add3A_77, %dma_start3A_84] : memref<157x128xi32, #tpu.memory_space<vmem>> -> memref<1x128xi32, #tpu.memory_space<vmem>>
        %dma_start3A_86 = tpu.memref_squeeze %dma_start3A_85 : memref<1x128xi32, #tpu.memory_space<vmem>> -> memref<128xi32, #tpu.memory_space<vmem>>
        %dma_start3A_87 = arith.constant 0 : i32
        %dma_start3A_88 = arith.constant 0 : i32
        %dma_start3A_89 = tpu.memref_slice %arg18[%dma_start3A_87, %dma_start3A_88] : memref<10112x64xf32, #tpu.memory_space<vmem_shared>> -> memref<10112x64xf32, #tpu.memory_space<vmem_shared>>
        tpu.enqueue_indirect_dma source(%arg12 : memref<128x64xf32, #tpu.memory_space<vmem>>) target(%dma_start3A_89 : memref<10112x64xf32, #tpu.memory_space<vmem_shared>>) offsets(%dma_start3A_86 : memref<128xi32, #tpu.memory_space<vmem>>) semaphore(%arg22 : memref<!tpu.dma_semaphore, #tpu.memory_space<semaphore_mem>>) {add = true}
        %dma_wait3A_90 = arith.constant 0 : i32
        %dma_wait3A_91 = arith.constant 0 : i32
        %dma_wait3A_92 = tpu.memref_slice %arg11[%dma_wait3A_90, %dma_wait3A_91] : memref<157x128xi32, #tpu.memory_space<vmem>> -> memref<1x128xi32, #tpu.memory_space<vmem>>
        %dma_wait3A_93 = tpu.memref_squeeze %dma_wait3A_92 : memref<1x128xi32, #tpu.memory_space<vmem>> -> memref<128xi32, #tpu.memory_space<vmem>>
        %dma_wait3A_94 = arith.constant 0 : i32
        %dma_wait3A_95 = arith.constant 0 : i32
        %dma_wait3A_96 = tpu.memref_slice %arg18[%dma_wait3A_94, %dma_wait3A_95] : memref<10112x64xf32, #tpu.memory_space<vmem_shared>> -> memref<10112x64xf32, #tpu.memory_space<vmem_shared>>
        tpu.wait_indirect_dma semaphore(%arg22 : memref<!tpu.dma_semaphore, #tpu.memory_space<semaphore_mem>>) src(%arg12 : memref<128x64xf32, #tpu.memory_space<vmem>>) dst(%dma_wait3A_96 : memref<10112x64xf32, #tpu.memory_space<vmem_shared>>)
        %add3A_97 = arith.constant 2 : i32
        %add3A_98 = arith.addi %add3A_77, %add3A_97 : i32
        %lt3A_99 = arith.cmpi slt, %add3A_98, %select_n3A : i32
        %convert_element_type3A_100 = arith.extui %lt3A_99 : i1 to i32
        %cond3A_101 = arith.constant 0 : i32
        %cond3A_102 = arith.cmpi ne, %convert_element_type3A_100, %cond3A_101 : i32
        scf.if %cond3A_102 {
          %add3A_131 = arith.constant 2 : i32
          %add3A_132 = arith.addi %add3A_77, %add3A_131 : i32
          %dma_start3A_133 = arith.constant 0 : i32
          %dma_start3A_134 = tpu.memref_slice %arg10[%add3A_132, %dma_start3A_133] : memref<157x128xi32, #tpu.memory_space<vmem>> -> memref<1x128xi32, #tpu.memory_space<vmem>>
          %dma_start3A_135 = tpu.memref_squeeze %dma_start3A_134 : memref<1x128xi32, #tpu.memory_space<vmem>> -> memref<128xi32, #tpu.memory_space<vmem>>
          %dma_start3A_136 = arith.constant 0 : i32
          %dma_start3A_137 = arith.constant 0 : i32
          %dma_start3A_138 = tpu.memref_slice %arg3[%dma_start3A_136, %dma_start3A_137] : memref<10000x64xf32, #tpu.memory_space<hbm>> -> memref<10000x64xf32, #tpu.memory_space<hbm>>
          tpu.enqueue_indirect_dma source(%dma_start3A_138 : memref<10000x64xf32, #tpu.memory_space<hbm>>) target(%arg12 : memref<128x64xf32, #tpu.memory_space<vmem>>) offsets(%dma_start3A_135 : memref<128xi32, #tpu.memory_space<vmem>>) semaphore(%arg20 : memref<!tpu.dma_semaphore, #tpu.memory_space<semaphore_mem>>)
        } else {
        }
        %add3A_103 = arith.constant 1 : i32
        %add3A_104 = arith.addi %add3A_75, %add3A_103 : i32
        %dma_wait3A_105 = arith.constant 0 : i32
        %dma_wait3A_106 = arith.constant 0 : i32
        %dma_wait3A_107 = tpu.memref_slice %arg10[%dma_wait3A_105, %dma_wait3A_106] : memref<157x128xi32, #tpu.memory_space<vmem>> -> memref<1x128xi32, #tpu.memory_space<vmem>>
        %dma_wait3A_108 = tpu.memref_squeeze %dma_wait3A_107 : memref<1x128xi32, #tpu.memory_space<vmem>> -> memref<128xi32, #tpu.memory_space<vmem>>
        %dma_wait3A_109 = arith.constant 0 : i32
        %dma_wait3A_110 = arith.constant 0 : i32
        %dma_wait3A_111 = tpu.memref_slice %arg3[%dma_wait3A_109, %dma_wait3A_110] : memref<10000x64xf32, #tpu.memory_space<hbm>> -> memref<10000x64xf32, #tpu.memory_space<hbm>>
        tpu.wait_indirect_dma semaphore(%arg21 : memref<!tpu.dma_semaphore, #tpu.memory_space<semaphore_mem>>) src(%dma_wait3A_111 : memref<10000x64xf32, #tpu.memory_space<hbm>>) dst(%arg13 : memref<128x64xf32, #tpu.memory_space<vmem>>)
        %dma_start3A_112 = arith.constant 0 : i32
        %dma_start3A_113 = tpu.memref_slice %arg11[%add3A_104, %dma_start3A_112] : memref<157x128xi32, #tpu.memory_space<vmem>> -> memref<1x128xi32, #tpu.memory_space<vmem>>
        %dma_start3A_114 = tpu.memref_squeeze %dma_start3A_113 : memref<1x128xi32, #tpu.memory_space<vmem>> -> memref<128xi32, #tpu.memory_space<vmem>>
        %dma_start3A_115 = arith.constant 0 : i32
        %dma_start3A_116 = arith.constant 0 : i32
        %dma_start3A_117 = tpu.memref_slice %arg18[%dma_start3A_115, %dma_start3A_116] : memref<10112x64xf32, #tpu.memory_space<vmem_shared>> -> memref<10112x64xf32, #tpu.memory_space<vmem_shared>>
        tpu.enqueue_indirect_dma source(%arg13 : memref<128x64xf32, #tpu.memory_space<vmem>>) target(%dma_start3A_117 : memref<10112x64xf32, #tpu.memory_space<vmem_shared>>) offsets(%dma_start3A_114 : memref<128xi32, #tpu.memory_space<vmem>>) semaphore(%arg23 : memref<!tpu.dma_semaphore, #tpu.memory_space<semaphore_mem>>) {add = true}
        %dma_wait3A_118 = arith.constant 0 : i32
        %dma_wait3A_119 = arith.constant 0 : i32
        %dma_wait3A_120 = tpu.memref_slice %arg11[%dma_wait3A_118, %dma_wait3A_119] : memref<157x128xi32, #tpu.memory_space<vmem>> -> memref<1x128xi32, #tpu.memory_space<vmem>>
        %dma_wait3A_121 = tpu.memref_squeeze %dma_wait3A_120 : memref<1x128xi32, #tpu.memory_space<vmem>> -> memref<128xi32, #tpu.memory_space<vmem>>
        %dma_wait3A_122 = arith.constant 0 : i32
        %dma_wait3A_123 = arith.constant 0 : i32
        %dma_wait3A_124 = tpu.memref_slice %arg18[%dma_wait3A_122, %dma_wait3A_123] : memref<10112x64xf32, #tpu.memory_space<vmem_shared>> -> memref<10112x64xf32, #tpu.memory_space<vmem_shared>>
        tpu.wait_indirect_dma semaphore(%arg23 : memref<!tpu.dma_semaphore, #tpu.memory_space<semaphore_mem>>) src(%arg13 : memref<128x64xf32, #tpu.memory_space<vmem>>) dst(%dma_wait3A_124 : memref<10112x64xf32, #tpu.memory_space<vmem_shared>>)
        %add3A_125 = arith.constant 2 : i32
        %add3A_126 = arith.addi %add3A_104, %add3A_125 : i32
        %lt3A_127 = arith.cmpi slt, %add3A_126, %select_n3A : i32
        %convert_element_type3A_128 = arith.extui %lt3A_127 : i1 to i32
        %cond3A_129 = arith.constant 0 : i32
        %cond3A_130 = arith.cmpi ne, %convert_element_type3A_128, %cond3A_129 : i32
        scf.if %cond3A_130 {
          %add3A_131 = arith.constant 2 : i32
          %add3A_132 = arith.addi %add3A_104, %add3A_131 : i32
          %dma_start3A_133 = arith.constant 0 : i32
          %dma_start3A_134 = tpu.memref_slice %arg10[%add3A_132, %dma_start3A_133] : memref<157x128xi32, #tpu.memory_space<vmem>> -> memref<1x128xi32, #tpu.memory_space<vmem>>
          %dma_start3A_135 = tpu.memref_squeeze %dma_start3A_134 : memref<1x128xi32, #tpu.memory_space<vmem>> -> memref<128xi32, #tpu.memory_space<vmem>>
          %dma_start3A_136 = arith.constant 0 : i32
          %dma_start3A_137 = arith.constant 0 : i32
          %dma_start3A_138 = tpu.memref_slice %arg3[%dma_start3A_136, %dma_start3A_137] : memref<10000x64xf32, #tpu.memory_space<hbm>> -> memref<10000x64xf32, #tpu.memory_space<hbm>>
          tpu.enqueue_indirect_dma source(%dma_start3A_138 : memref<10000x64xf32, #tpu.memory_space<hbm>>) target(%arg13 : memref<128x64xf32, #tpu.memory_space<vmem>>) offsets(%dma_start3A_135 : memref<128xi32, #tpu.memory_space<vmem>>) semaphore(%arg21 : memref<!tpu.dma_semaphore, #tpu.memory_space<semaphore_mem>>)
        } else {
        }
      }
      %scan3A_65 = arith.constant 78 : i32
      %lt3A_66 = arith.constant 4 : i32
      %lt3A_67 = arith.cmpi slt, %arg1, %lt3A_66 : i32
      %convert_element_type3A_68 = arith.extui %lt3A_67 : i1 to i32
      %cond3A_69 = arith.constant 0 : i32
      %cond3A_70 = arith.cmpi ne, %convert_element_type3A_68, %cond3A_69 : i32
      scf.if %cond3A_70 {
        %dma_wait3A = arith.constant 0 : i32
        %dma_wait3A_71 = arith.constant 0 : i32
        %dma_wait3A_72 = tpu.memref_slice %arg10[%dma_wait3A, %dma_wait3A_71] : memref<157x128xi32, #tpu.memory_space<vmem>> -> memref<1x128xi32, #tpu.memory_space<vmem>>
        %dma_wait3A_73 = tpu.memref_squeeze %dma_wait3A_72 : memref<1x128xi32, #tpu.memory_space<vmem>> -> memref<128xi32, #tpu.memory_space<vmem>>
        %dma_wait3A_74 = arith.constant 0 : i32
        %dma_wait3A_75 = arith.constant 0 : i32
        %dma_wait3A_76 = tpu.memref_slice %arg3[%dma_wait3A_74, %dma_wait3A_75] : memref<10000x64xf32, #tpu.memory_space<hbm>> -> memref<10000x64xf32, #tpu.memory_space<hbm>>
        tpu.wait_indirect_dma semaphore(%arg20 : memref<!tpu.dma_semaphore, #tpu.memory_space<semaphore_mem>>) src(%dma_wait3A_76 : memref<10000x64xf32, #tpu.memory_space<hbm>>) dst(%arg12 : memref<128x64xf32, #tpu.memory_space<vmem>>)
        %run_scoped3A = arith.constant 156 : i32
        "tpu.region"() ({
          %run_scoped3A_77 = tpu.sem_alloc : memref<!tpu.dma_semaphore, #tpu.memory_space<semaphore_mem>>
          %dma_start3A_78 = arith.constant 0 : i32
          %dma_start3A_79 = tpu.memref_slice %arg11[%run_scoped3A, %dma_start3A_78] : memref<157x128xi32, #tpu.memory_space<vmem>> -> memref<1x128xi32, #tpu.memory_space<vmem>>
          %dma_start3A_80 = tpu.memref_squeeze %dma_start3A_79 : memref<1x128xi32, #tpu.memory_space<vmem>> -> memref<128xi32, #tpu.memory_space<vmem>>
          %dma_start3A_81 = arith.constant 0 : i32
          %dma_start3A_82 = arith.constant 0 : i32
          %dma_start3A_83 = tpu.memref_slice %arg18[%dma_start3A_81, %dma_start3A_82] : memref<10112x64xf32, #tpu.memory_space<vmem_shared>> -> memref<10112x64xf32, #tpu.memory_space<vmem_shared>>
          tpu.enqueue_indirect_dma source(%arg12 : memref<128x64xf32, #tpu.memory_space<vmem>>) target(%dma_start3A_83 : memref<10112x64xf32, #tpu.memory_space<vmem_shared>>) offsets(%dma_start3A_80 : memref<128xi32, #tpu.memory_space<vmem>>) semaphore(%run_scoped3A_77 : memref<!tpu.dma_semaphore, #tpu.memory_space<semaphore_mem>>) {add = true}
          %dma_wait3A_84 = arith.constant 0 : i32
          %dma_wait3A_85 = tpu.memref_slice %arg11[%run_scoped3A, %dma_wait3A_84] : memref<157x128xi32, #tpu.memory_space<vmem>> -> memref<1x128xi32, #tpu.memory_space<vmem>>
          %dma_wait3A_86 = tpu.memref_squeeze %dma_wait3A_85 : memref<1x128xi32, #tpu.memory_space<vmem>> -> memref<128xi32, #tpu.memory_space<vmem>>
          %dma_wait3A_87 = arith.constant 0 : i32
          %dma_wait3A_88 = arith.constant 0 : i32
          %dma_wait3A_89 = tpu.memref_slice %arg18[%dma_wait3A_87, %dma_wait3A_88] : memref<10112x64xf32, #tpu.memory_space<vmem_shared>> -> memref<10112x64xf32, #tpu.memory_space<vmem_shared>>
          tpu.wait_indirect_dma semaphore(%run_scoped3A_77 : memref<!tpu.dma_semaphore, #tpu.memory_space<semaphore_mem>>) src(%arg12 : memref<128x64xf32, #tpu.memory_space<vmem>>) dst(%dma_wait3A_89 : memref<10112x64xf32, #tpu.memory_space<vmem_shared>>)
          tpu.yield
        }) : () -> ()
      } else {
      }
    } else {
    }
    %barrier3A_30 = arith.constant 0 : index
    tpu.barrier barrier_id(%barrier3A_30)
    "tpu.region"() ({
      %run_scoped3A = tpu.sem_alloc : memref<!tpu.dma_semaphore, #tpu.memory_space<semaphore_mem>>
      %dma_start3A = arith.constant 0 : i32
      %dma_start3A_49 = arith.constant 0 : i32
      %dma_start3A_50 = tpu.memref_slice %arg8[%arg0, %dma_start3A, %dma_start3A_49] : memref<2x10112x64xf32, #tpu.memory_space<hbm>> -> memref<1x10112x64xf32, #tpu.memory_space<hbm>>
      %dma_start3A_51 = tpu.memref_squeeze %dma_start3A_50 : memref<1x10112x64xf32, #tpu.memory_space<hbm>> -> memref<10112x64xf32, #tpu.memory_space<hbm>>
      %dma_start3A_52 = arith.constant 0 : i32
      %dma_start3A_53 = tpu.memref_slice %dma_start3A_51[%mul3A_0, %dma_start3A_52] : memref<10112x64xf32, #tpu.memory_space<hbm>> -> memref<632x64xf32, #tpu.memory_space<hbm>>
      %dma_start3A_54 = arith.constant 0 : i32
      %dma_start3A_55 = tpu.memref_slice %arg18[%mul3A_0, %dma_start3A_54] : memref<10112x64xf32, #tpu.memory_space<vmem_shared>> -> memref<632x64xf32, #tpu.memory_space<vmem_shared>>
      tpu.enqueue_dma source(%dma_start3A_55 : memref<632x64xf32, #tpu.memory_space<vmem_shared>>) target(%dma_start3A_53 : memref<632x64xf32, #tpu.memory_space<hbm>>) target_semaphore(%run_scoped3A : memref<!tpu.dma_semaphore, #tpu.memory_space<semaphore_mem>>)
      %dma_wait3A = arith.constant 0 : i32
      %dma_wait3A_56 = arith.constant 0 : i32
      %dma_wait3A_57 = tpu.memref_slice %arg8[%arg0, %dma_wait3A, %dma_wait3A_56] : memref<2x10112x64xf32, #tpu.memory_space<hbm>> -> memref<1x10112x64xf32, #tpu.memory_space<hbm>>
      %dma_wait3A_58 = tpu.memref_squeeze %dma_wait3A_57 : memref<1x10112x64xf32, #tpu.memory_space<hbm>> -> memref<10112x64xf32, #tpu.memory_space<hbm>>
      %dma_wait3A_59 = arith.constant 0 : i32
      %dma_wait3A_60 = tpu.memref_slice %dma_wait3A_58[%mul3A_0, %dma_wait3A_59] : memref<10112x64xf32, #tpu.memory_space<hbm>> -> memref<632x64xf32, #tpu.memory_space<hbm>>
      %dma_wait3A_61 = arith.constant 0 : i32
      %dma_wait3A_62 = tpu.memref_slice %arg18[%mul3A_0, %dma_wait3A_61] : memref<10112x64xf32, #tpu.memory_space<vmem_shared>> -> memref<632x64xf32, #tpu.memory_space<vmem_shared>>
      tpu.wait_dma2 semaphore(%run_scoped3A : memref<!tpu.dma_semaphore, #tpu.memory_space<semaphore_mem>>) src(%dma_wait3A_62 : memref<632x64xf32, #tpu.memory_space<vmem_shared>>) dst(%dma_wait3A_60 : memref<632x64xf32, #tpu.memory_space<hbm>>)
      tpu.yield
    }) : () -> ()
    %mul3A_31 = arith.constant 640 : i32
    %mul3A_32 = arith.muli %arg1, %mul3A_31 : i32
    %eq3A_33 = arith.constant 0 : i32
    %eq3A_34 = arith.cmpi eq, %arg0, %eq3A_33 : i32
    %convert_element_type3A_35 = arith.extui %eq3A_34 : i1 to i32
    %cond3A_36 = arith.constant 0 : i32
    %cond3A_37 = arith.cmpi ne, %convert_element_type3A_35, %cond3A_36 : i32
    scf.if %cond3A_37 {
      "tpu.region"() ({
        %run_scoped3A = tpu.sem_alloc : memref<!tpu.dma_semaphore, #tpu.memory_space<semaphore_mem>>
        %dma_start3A = arith.constant 0 : i32
        %dma_start3A_49 = tpu.memref_slice %arg19[%arg1, %dma_start3A] : memref<16x10240xf32, #tpu.memory_space<vmem_shared>> -> memref<1x10240xf32, #tpu.memory_space<vmem_shared>>
        %dma_start3A_50 = tpu.memref_squeeze %dma_start3A_49 : memref<1x10240xf32, #tpu.memory_space<vmem_shared>> -> memref<10240xf32, #tpu.memory_space<vmem_shared>>
        %dma_start3A_51 = arith.constant 0 : i32
        %dma_start3A_52 = tpu.memref_slice %arg19[%arg1, %dma_start3A_51] : memref<16x10240xf32, #tpu.memory_space<vmem_shared>> -> memref<1x10240xf32, #tpu.memory_space<vmem_shared>>
        %dma_start3A_53 = tpu.memref_squeeze %dma_start3A_52 : memref<1x10240xf32, #tpu.memory_space<vmem_shared>> -> memref<10240xf32, #tpu.memory_space<vmem_shared>>
        tpu.enqueue_dma source(%arg14 : memref<10240xf32, #tpu.memory_space<vmem>>) target(%dma_start3A_53 : memref<10240xf32, #tpu.memory_space<vmem_shared>>) target_semaphore(%run_scoped3A : memref<!tpu.dma_semaphore, #tpu.memory_space<semaphore_mem>>)
        %dma_wait3A = arith.constant 0 : i32
        %dma_wait3A_54 = tpu.memref_slice %arg19[%arg1, %dma_wait3A] : memref<16x10240xf32, #tpu.memory_space<vmem_shared>> -> memref<1x10240xf32, #tpu.memory_space<vmem_shared>>
        %dma_wait3A_55 = tpu.memref_squeeze %dma_wait3A_54 : memref<1x10240xf32, #tpu.memory_space<vmem_shared>> -> memref<10240xf32, #tpu.memory_space<vmem_shared>>
        %dma_wait3A_56 = arith.constant 0 : i32
        %dma_wait3A_57 = tpu.memref_slice %arg19[%arg1, %dma_wait3A_56] : memref<16x10240xf32, #tpu.memory_space<vmem_shared>> -> memref<1x10240xf32, #tpu.memory_space<vmem_shared>>
        %dma_wait3A_58 = tpu.memref_squeeze %dma_wait3A_57 : memref<1x10240xf32, #tpu.memory_space<vmem_shared>> -> memref<10240xf32, #tpu.memory_space<vmem_shared>>
        tpu.wait_dma2 semaphore(%run_scoped3A : memref<!tpu.dma_semaphore, #tpu.memory_space<semaphore_mem>>) src(%arg14 : memref<10240xf32, #tpu.memory_space<vmem>>) dst(%dma_wait3A_58 : memref<10240xf32, #tpu.memory_space<vmem_shared>>)
        tpu.yield
      }) : () -> ()
    } else {
    }
    %barrier3A_38 = arith.constant 0 : index
    tpu.barrier barrier_id(%barrier3A_38)
    %eq3A_39 = arith.constant 0 : i32
    %eq3A_40 = arith.cmpi eq, %arg0, %eq3A_39 : i32
    %convert_element_type3A_41 = arith.extui %eq3A_40 : i1 to i32
    %cond3A_42 = arith.constant 0 : i32
    %cond3A_43 = arith.cmpi ne, %convert_element_type3A_41, %cond3A_42 : i32
    scf.if %cond3A_43 {
      %run_scoped3A = arith.constant 0 : i32
      "tpu.region"() ({
        %run_scoped3A_143 = tpu.sem_alloc : memref<!tpu.dma_semaphore, #tpu.memory_space<semaphore_mem>>
        %dma_start3A = arith.constant 0 : i32
        %dma_start3A_144 = tpu.memref_slice %arg19[%run_scoped3A, %dma_start3A] : memref<16x10240xf32, #tpu.memory_space<vmem_shared>> -> memref<1x10240xf32, #tpu.memory_space<vmem_shared>>
        %dma_start3A_145 = tpu.memref_squeeze %dma_start3A_144 : memref<1x10240xf32, #tpu.memory_space<vmem_shared>> -> memref<10240xf32, #tpu.memory_space<vmem_shared>>
        %dma_start3A_146 = tpu.memref_slice %dma_start3A_145[%mul3A_32] : memref<10240xf32, #tpu.memory_space<vmem_shared>> -> memref<640xf32, #tpu.memory_space<vmem_shared>>
        %dma_start3A_147 = arith.constant 0 : i32
        %dma_start3A_148 = tpu.memref_slice %arg19[%run_scoped3A, %dma_start3A_147] : memref<16x10240xf32, #tpu.memory_space<vmem_shared>> -> memref<1x10240xf32, #tpu.memory_space<vmem_shared>>
        %dma_start3A_149 = tpu.memref_squeeze %dma_start3A_148 : memref<1x10240xf32, #tpu.memory_space<vmem_shared>> -> memref<10240xf32, #tpu.memory_space<vmem_shared>>
        %dma_start3A_150 = tpu.memref_slice %dma_start3A_149[%mul3A_32] : memref<10240xf32, #tpu.memory_space<vmem_shared>> -> memref<640xf32, #tpu.memory_space<vmem_shared>>
        tpu.enqueue_dma source(%dma_start3A_150 : memref<640xf32, #tpu.memory_space<vmem_shared>>) target(%arg17 : memref<640xf32, #tpu.memory_space<vmem>>) target_semaphore(%run_scoped3A_143 : memref<!tpu.dma_semaphore, #tpu.memory_space<semaphore_mem>>)
        %dma_wait3A = arith.constant 0 : i32
        %dma_wait3A_151 = tpu.memref_slice %arg19[%run_scoped3A, %dma_wait3A] : memref<16x10240xf32, #tpu.memory_space<vmem_shared>> -> memref<1x10240xf32, #tpu.memory_space<vmem_shared>>
        %dma_wait3A_152 = tpu.memref_squeeze %dma_wait3A_151 : memref<1x10240xf32, #tpu.memory_space<vmem_shared>> -> memref<10240xf32, #tpu.memory_space<vmem_shared>>
        %dma_wait3A_153 = tpu.memref_slice %dma_wait3A_152[%mul3A_32] : memref<10240xf32, #tpu.memory_space<vmem_shared>> -> memref<640xf32, #tpu.memory_space<vmem_shared>>
        %dma_wait3A_154 = arith.constant 0 : i32
        %dma_wait3A_155 = tpu.memref_slice %arg19[%run_scoped3A, %dma_wait3A_154] : memref<16x10240xf32, #tpu.memory_space<vmem_shared>> -> memref<1x10240xf32, #tpu.memory_space<vmem_shared>>
        %dma_wait3A_156 = tpu.memref_squeeze %dma_wait3A_155 : memref<1x10240xf32, #tpu.memory_space<vmem_shared>> -> memref<10240xf32, #tpu.memory_space<vmem_shared>>
        %dma_wait3A_157 = tpu.memref_slice %dma_wait3A_156[%mul3A_32] : memref<10240xf32, #tpu.memory_space<vmem_shared>> -> memref<640xf32, #tpu.memory_space<vmem_shared>>
        tpu.wait_dma2 semaphore(%run_scoped3A_143 : memref<!tpu.dma_semaphore, #tpu.memory_space<semaphore_mem>>) src(%dma_wait3A_157 : memref<640xf32, #tpu.memory_space<vmem_shared>>) dst(%arg17 : memref<640xf32, #tpu.memory_space<vmem>>)
        tpu.yield
      }) : () -> ()
      %scan3A = arith.constant 0 : i32
      %scan3A_49 = arith.constant 40 : i32
      %scan3A_50 = arith.addi %scan3A, %scan3A_49 : i32
      %scan3A_51 = arith.constant 1 : i32
      scf.for %scan3A_143 = %scan3A to %scan3A_50 step %scan3A_51  : i32 {
        %mul3A_144 = arith.constant 1 : i32
        %mul3A_145 = arith.muli %scan3A_143, %mul3A_144 : i32
        %add3A_146 = arith.constant 0 : i32
        %add3A_147 = arith.addi %add3A_146, %mul3A_145 : i32
        %mul3A_148 = arith.constant 16 : i32
        %mul3A_149 = arith.muli %add3A_147, %mul3A_148 : i32
        %get3A = arith.index_cast %mul3A_149 : i32 to index
        %get3A_150 = tpu.vector_load %arg17[%get3A] {strides = array<i32>} : memref<640xf32, #tpu.memory_space<vmem>>, vector<16xf32>,
        %mul3A_151 = arith.constant 16 : i32
        %mul3A_152 = arith.muli %add3A_147, %mul3A_151 : i32
        %swap3A = arith.index_cast %mul3A_152 : i32 to index
        %swap3A_153 = tpu.vector_load %arg16[%swap3A] {strides = array<i32>} : memref<640xf32, #tpu.memory_space<vmem>>, vector<16xf32>,
        tpu.vector_store %arg16[%swap3A], %get3A_150 {strides = array<i32>} : memref<640xf32, #tpu.memory_space<vmem>>, vector<16xf32>,
      }
      %scan3A_52 = arith.constant 40 : i32
      %run_scoped3A_53 = arith.constant 1 : i32
      "tpu.region"() ({
        %run_scoped3A_143 = tpu.sem_alloc : memref<!tpu.dma_semaphore, #tpu.memory_space<semaphore_mem>>
        %dma_start3A = arith.constant 0 : i32
        %dma_start3A_144 = tpu.memref_slice %arg19[%run_scoped3A_53, %dma_start3A] : memref<16x10240xf32, #tpu.memory_space<vmem_shared>> -> memref<1x10240xf32, #tpu.memory_space<vmem_shared>>
        %dma_start3A_145 = tpu.memref_squeeze %dma_start3A_144 : memref<1x10240xf32, #tpu.memory_space<vmem_shared>> -> memref<10240xf32, #tpu.memory_space<vmem_shared>>
        %dma_start3A_146 = tpu.memref_slice %dma_start3A_145[%mul3A_32] : memref<10240xf32, #tpu.memory_space<vmem_shared>> -> memref<640xf32, #tpu.memory_space<vmem_shared>>
        %dma_start3A_147 = arith.constant 0 : i32
        %dma_start3A_148 = tpu.memref_slice %arg19[%run_scoped3A_53, %dma_start3A_147] : memref<16x10240xf32, #tpu.memory_space<vmem_shared>> -> memref<1x10240xf32, #tpu.memory_space<vmem_shared>>
        %dma_start3A_149 = tpu.memref_squeeze %dma_start3A_148 : memref<1x10240xf32, #tpu.memory_space<vmem_shared>> -> memref<10240xf32, #tpu.memory_space<vmem_shared>>
        %dma_start3A_150 = tpu.memref_slice %dma_start3A_149[%mul3A_32] : memref<10240xf32, #tpu.memory_space<vmem_shared>> -> memref<640xf32, #tpu.memory_space<vmem_shared>>
        tpu.enqueue_dma source(%dma_start3A_150 : memref<640xf32, #tpu.memory_space<vmem_shared>>) target(%arg17 : memref<640xf32, #tpu.memory_space<vmem>>) target_semaphore(%run_scoped3A_143 : memref<!tpu.dma_semaphore, #tpu.memory_space<semaphore_mem>>)
        %dma_wait3A = arith.constant 0 : i32
        %dma_wait3A_151 = tpu.memref_slice %arg19[%run_scoped3A_53, %dma_wait3A] : memref<16x10240xf32, #tpu.memory_space<vmem_shared>> -> memref<1x10240xf32, #tpu.memory_space<vmem_shared>>
        %dma_wait3A_152 = tpu.memref_squeeze %dma_wait3A_151 : memref<1x10240xf32, #tpu.memory_space<vmem_shared>> -> memref<10240xf32, #tpu.memory_space<vmem_shared>>
        %dma_wait3A_153 = tpu.memref_slice %dma_wait3A_152[%mul3A_32] : memref<10240xf32, #tpu.memory_space<vmem_shared>> -> memref<640xf32, #tpu.memory_space<vmem_shared>>
        %dma_wait3A_154 = arith.constant 0 : i32
        %dma_wait3A_155 = tpu.memref_slice %arg19[%run_scoped3A_53, %dma_wait3A_154] : memref<16x10240xf32, #tpu.memory_space<vmem_shared>> -> memref<1x10240xf32, #tpu.memory_space<vmem_shared>>
        %dma_wait3A_156 = tpu.memref_squeeze %dma_wait3A_155 : memref<1x10240xf32, #tpu.memory_space<vmem_shared>> -> memref<10240xf32, #tpu.memory_space<vmem_shared>>
        %dma_wait3A_157 = tpu.memref_slice %dma_wait3A_156[%mul3A_32] : memref<10240xf32, #tpu.memory_space<vmem_shared>> -> memref<640xf32, #tpu.memory_space<vmem_shared>>
        tpu.wait_dma2 semaphore(%run_scoped3A_143 : memref<!tpu.dma_semaphore, #tpu.memory_space<semaphore_mem>>) src(%dma_wait3A_157 : memref<640xf32, #tpu.memory_space<vmem_shared>>) dst(%arg17 : memref<640xf32, #tpu.memory_space<vmem>>)
        tpu.yield
      }) : () -> ()
      %scan3A_54 = arith.constant 0 : i32
      %scan3A_55 = arith.constant 40 : i32
      %scan3A_56 = arith.addi %scan3A_54, %scan3A_55 : i32
      %scan3A_57 = arith.constant 1 : i32
      scf.for %scan3A_143 = %scan3A_54 to %scan3A_56 step %scan3A_57  : i32 {
        %mul3A_144 = arith.constant 1 : i32
        %mul3A_145 = arith.muli %scan3A_143, %mul3A_144 : i32
        %add3A_146 = arith.constant 0 : i32
        %add3A_147 = arith.addi %add3A_146, %mul3A_145 : i32
        %mul3A_148 = arith.constant 16 : i32
        %mul3A_149 = arith.muli %add3A_147, %mul3A_148 : i32
        %get3A = arith.index_cast %mul3A_149 : i32 to index
        %get3A_150 = tpu.vector_load %arg16[%get3A] {strides = array<i32>} : memref<640xf32, #tpu.memory_space<vmem>>, vector<16xf32>,
        %mul3A_151 = arith.constant 16 : i32
        %mul3A_152 = arith.muli %add3A_147, %mul3A_151 : i32
        %get3A_153 = arith.index_cast %mul3A_152 : i32 to index
        %get3A_154 = tpu.vector_load %arg17[%get3A_153] {strides = array<i32>} : memref<640xf32, #tpu.memory_space<vmem>>, vector<16xf32>,
        %add3A_155 = arith.addf %get3A_150, %get3A_154 : vector<16xf32>
        %mul3A_156 = arith.constant 16 : i32
        %mul3A_157 = arith.muli %add3A_147, %mul3A_156 : i32
        %swap3A = arith.index_cast %mul3A_157 : i32 to index
        %swap3A_158 = tpu.vector_load %arg16[%swap3A] {strides = array<i32>} : memref<640xf32, #tpu.memory_space<vmem>>, vector<16xf32>,
        tpu.vector_store %arg16[%swap3A], %add3A_155 {strides = array<i32>} : memref<640xf32, #tpu.memory_space<vmem>>, vector<16xf32>,
      }
      %scan3A_58 = arith.constant 40 : i32
      %run_scoped3A_59 = arith.constant 2 : i32
      "tpu.region"() ({
        %run_scoped3A_143 = tpu.sem_alloc : memref<!tpu.dma_semaphore, #tpu.memory_space<semaphore_mem>>
        %dma_start3A = arith.constant 0 : i32
        %dma_start3A_144 = tpu.memref_slice %arg19[%run_scoped3A_59, %dma_start3A] : memref<16x10240xf32, #tpu.memory_space<vmem_shared>> -> memref<1x10240xf32, #tpu.memory_space<vmem_shared>>
        %dma_start3A_145 = tpu.memref_squeeze %dma_start3A_144 : memref<1x10240xf32, #tpu.memory_space<vmem_shared>> -> memref<10240xf32, #tpu.memory_space<vmem_shared>>
        %dma_start3A_146 = tpu.memref_slice %dma_start3A_145[%mul3A_32] : memref<10240xf32, #tpu.memory_space<vmem_shared>> -> memref<640xf32, #tpu.memory_space<vmem_shared>>
        %dma_start3A_147 = arith.constant 0 : i32
        %dma_start3A_148 = tpu.memref_slice %arg19[%run_scoped3A_59, %dma_start3A_147] : memref<16x10240xf32, #tpu.memory_space<vmem_shared>> -> memref<1x10240xf32, #tpu.memory_space<vmem_shared>>
        %dma_start3A_149 = tpu.memref_squeeze %dma_start3A_148 : memref<1x10240xf32, #tpu.memory_space<vmem_shared>> -> memref<10240xf32, #tpu.memory_space<vmem_shared>>
        %dma_start3A_150 = tpu.memref_slice %dma_start3A_149[%mul3A_32] : memref<10240xf32, #tpu.memory_space<vmem_shared>> -> memref<640xf32, #tpu.memory_space<vmem_shared>>
        tpu.enqueue_dma source(%dma_start3A_150 : memref<640xf32, #tpu.memory_space<vmem_shared>>) target(%arg17 : memref<640xf32, #tpu.memory_space<vmem>>) target_semaphore(%run_scoped3A_143 : memref<!tpu.dma_semaphore, #tpu.memory_space<semaphore_mem>>)
        %dma_wait3A = arith.constant 0 : i32
        %dma_wait3A_151 = tpu.memref_slice %arg19[%run_scoped3A_59, %dma_wait3A] : memref<16x10240xf32, #tpu.memory_space<vmem_shared>> -> memref<1x10240xf32, #tpu.memory_space<vmem_shared>>
        %dma_wait3A_152 = tpu.memref_squeeze %dma_wait3A_151 : memref<1x10240xf32, #tpu.memory_space<vmem_shared>> -> memref<10240xf32, #tpu.memory_space<vmem_shared>>
        %dma_wait3A_153 = tpu.memref_slice %dma_wait3A_152[%mul3A_32] : memref<10240xf32, #tpu.memory_space<vmem_shared>> -> memref<640xf32, #tpu.memory_space<vmem_shared>>
        %dma_wait3A_154 = arith.constant 0 : i32
        %dma_wait3A_155 = tpu.memref_slice %arg19[%run_scoped3A_59, %dma_wait3A_154] : memref<16x10240xf32, #tpu.memory_space<vmem_shared>> -> memref<1x10240xf32, #tpu.memory_space<vmem_shared>>
        %dma_wait3A_156 = tpu.memref_squeeze %dma_wait3A_155 : memref<1x10240xf32, #tpu.memory_space<vmem_shared>> -> memref<10240xf32, #tpu.memory_space<vmem_shared>>
        %dma_wait3A_157 = tpu.memref_slice %dma_wait3A_156[%mul3A_32] : memref<10240xf32, #tpu.memory_space<vmem_shared>> -> memref<640xf32, #tpu.memory_space<vmem_shared>>
        tpu.wait_dma2 semaphore(%run_scoped3A_143 : memref<!tpu.dma_semaphore, #tpu.memory_space<semaphore_mem>>) src(%dma_wait3A_157 : memref<640xf32, #tpu.memory_space<vmem_shared>>) dst(%arg17 : memref<640xf32, #tpu.memory_space<vmem>>)
        tpu.yield
      }) : () -> ()
      %scan3A_60 = arith.constant 0 : i32
      %scan3A_61 = arith.constant 40 : i32
      %scan3A_62 = arith.addi %scan3A_60, %scan3A_61 : i32
      %scan3A_63 = arith.constant 1 : i32
      scf.for %scan3A_143 = %scan3A_60 to %scan3A_62 step %scan3A_63  : i32 {
        %mul3A_144 = arith.constant 1 : i32
        %mul3A_145 = arith.muli %scan3A_143, %mul3A_144 : i32
        %add3A_146 = arith.constant 0 : i32
        %add3A_147 = arith.addi %add3A_146, %mul3A_145 : i32
        %mul3A_148 = arith.constant 16 : i32
        %mul3A_149 = arith.muli %add3A_147, %mul3A_148 : i32
        %get3A = arith.index_cast %mul3A_149 : i32 to index
        %get3A_150 = tpu.vector_load %arg16[%get3A] {strides = array<i32>} : memref<640xf32, #tpu.memory_space<vmem>>, vector<16xf32>,
        %mul3A_151 = arith.constant 16 : i32
        %mul3A_152 = arith.muli %add3A_147, %mul3A_151 : i32
        %get3A_153 = arith.index_cast %mul3A_152 : i32 to index
        %get3A_154 = tpu.vector_load %arg17[%get3A_153] {strides = array<i32>} : memref<640xf32, #tpu.memory_space<vmem>>, vector<16xf32>,
        %add3A_155 = arith.addf %get3A_150, %get3A_154 : vector<16xf32>
        %mul3A_156 = arith.constant 16 : i32
        %mul3A_157 = arith.muli %add3A_147, %mul3A_156 : i32
        %swap3A = arith.index_cast %mul3A_157 : i32 to index
        %swap3A_158 = tpu.vector_load %arg16[%swap3A] {strides = array<i32>} : memref<640xf32, #tpu.memory_space<vmem>>, vector<16xf32>,
        tpu.vector_store %arg16[%swap3A], %add3A_155 {strides = array<i32>} : memref<640xf32, #tpu.memory_space<vmem>>, vector<16xf32>,
      }
      %scan3A_64 = arith.constant 40 : i32
      %run_scoped3A_65 = arith.constant 3 : i32
      "tpu.region"() ({
        %run_scoped3A_143 = tpu.sem_alloc : memref<!tpu.dma_semaphore, #tpu.memory_space<semaphore_mem>>
        %dma_start3A = arith.constant 0 : i32
        %dma_start3A_144 = tpu.memref_slice %arg19[%run_scoped3A_65, %dma_start3A] : memref<16x10240xf32, #tpu.memory_space<vmem_shared>> -> memref<1x10240xf32, #tpu.memory_space<vmem_shared>>
        %dma_start3A_145 = tpu.memref_squeeze %dma_start3A_144 : memref<1x10240xf32, #tpu.memory_space<vmem_shared>> -> memref<10240xf32, #tpu.memory_space<vmem_shared>>
        %dma_start3A_146 = tpu.memref_slice %dma_start3A_145[%mul3A_32] : memref<10240xf32, #tpu.memory_space<vmem_shared>> -> memref<640xf32, #tpu.memory_space<vmem_shared>>
        %dma_start3A_147 = arith.constant 0 : i32
        %dma_start3A_148 = tpu.memref_slice %arg19[%run_scoped3A_65, %dma_start3A_147] : memref<16x10240xf32, #tpu.memory_space<vmem_shared>> -> memref<1x10240xf32, #tpu.memory_space<vmem_shared>>
        %dma_start3A_149 = tpu.memref_squeeze %dma_start3A_148 : memref<1x10240xf32, #tpu.memory_space<vmem_shared>> -> memref<10240xf32, #tpu.memory_space<vmem_shared>>
        %dma_start3A_150 = tpu.memref_slice %dma_start3A_149[%mul3A_32] : memref<10240xf32, #tpu.memory_space<vmem_shared>> -> memref<640xf32, #tpu.memory_space<vmem_shared>>
        tpu.enqueue_dma source(%dma_start3A_150 : memref<640xf32, #tpu.memory_space<vmem_shared>>) target(%arg17 : memref<640xf32, #tpu.memory_space<vmem>>) target_semaphore(%run_scoped3A_143 : memref<!tpu.dma_semaphore, #tpu.memory_space<semaphore_mem>>)
        %dma_wait3A = arith.constant 0 : i32
        %dma_wait3A_151 = tpu.memref_slice %arg19[%run_scoped3A_65, %dma_wait3A] : memref<16x10240xf32, #tpu.memory_space<vmem_shared>> -> memref<1x10240xf32, #tpu.memory_space<vmem_shared>>
        %dma_wait3A_152 = tpu.memref_squeeze %dma_wait3A_151 : memref<1x10240xf32, #tpu.memory_space<vmem_shared>> -> memref<10240xf32, #tpu.memory_space<vmem_shared>>
        %dma_wait3A_153 = tpu.memref_slice %dma_wait3A_152[%mul3A_32] : memref<10240xf32, #tpu.memory_space<vmem_shared>> -> memref<640xf32, #tpu.memory_space<vmem_shared>>
        %dma_wait3A_154 = arith.constant 0 : i32
        %dma_wait3A_155 = tpu.memref_slice %arg19[%run_scoped3A_65, %dma_wait3A_154] : memref<16x10240xf32, #tpu.memory_space<vmem_shared>> -> memref<1x10240xf32, #tpu.memory_space<vmem_shared>>
        %dma_wait3A_156 = tpu.memref_squeeze %dma_wait3A_155 : memref<1x10240xf32, #tpu.memory_space<vmem_shared>> -> memref<10240xf32, #tpu.memory_space<vmem_shared>>
        %dma_wait3A_157 = tpu.memref_slice %dma_wait3A_156[%mul3A_32] : memref<10240xf32, #tpu.memory_space<vmem_shared>> -> memref<640xf32, #tpu.memory_space<vmem_shared>>
        tpu.wait_dma2 semaphore(%run_scoped3A_143 : memref<!tpu.dma_semaphore, #tpu.memory_space<semaphore_mem>>) src(%dma_wait3A_157 : memref<640xf32, #tpu.memory_space<vmem_shared>>) dst(%arg17 : memref<640xf32, #tpu.memory_space<vmem>>)
        tpu.yield
      }) : () -> ()
      %scan3A_66 = arith.constant 0 : i32
      %scan3A_67 = arith.constant 40 : i32
      %scan3A_68 = arith.addi %scan3A_66, %scan3A_67 : i32
      %scan3A_69 = arith.constant 1 : i32
      scf.for %scan3A_143 = %scan3A_66 to %scan3A_68 step %scan3A_69  : i32 {
        %mul3A_144 = arith.constant 1 : i32
        %mul3A_145 = arith.muli %scan3A_143, %mul3A_144 : i32
        %add3A_146 = arith.constant 0 : i32
        %add3A_147 = arith.addi %add3A_146, %mul3A_145 : i32
        %mul3A_148 = arith.constant 16 : i32
        %mul3A_149 = arith.muli %add3A_147, %mul3A_148 : i32
        %get3A = arith.index_cast %mul3A_149 : i32 to index
        %get3A_150 = tpu.vector_load %arg16[%get3A] {strides = array<i32>} : memref<640xf32, #tpu.memory_space<vmem>>, vector<16xf32>,
        %mul3A_151 = arith.constant 16 : i32
        %mul3A_152 = arith.muli %add3A_147, %mul3A_151 : i32
        %get3A_153 = arith.index_cast %mul3A_152 : i32 to index
        %get3A_154 = tpu.vector_load %arg17[%get3A_153] {strides = array<i32>} : memref<640xf32, #tpu.memory_space<vmem>>, vector<16xf32>,
        %add3A_155 = arith.addf %get3A_150, %get3A_154 : vector<16xf32>
        %mul3A_156 = arith.constant 16 : i32
        %mul3A_157 = arith.muli %add3A_147, %mul3A_156 : i32
        %swap3A = arith.index_cast %mul3A_157 : i32 to index
        %swap3A_158 = tpu.vector_load %arg16[%swap3A] {strides = array<i32>} : memref<640xf32, #tpu.memory_space<vmem>>, vector<16xf32>,
        tpu.vector_store %arg16[%swap3A], %add3A_155 {strides = array<i32>} : memref<640xf32, #tpu.memory_space<vmem>>, vector<16xf32>,
      }
      %scan3A_70 = arith.constant 40 : i32
      %run_scoped3A_71 = arith.constant 4 : i32
      "tpu.region"() ({
        %run_scoped3A_143 = tpu.sem_alloc : memref<!tpu.dma_semaphore, #tpu.memory_space<semaphore_mem>>
        %dma_start3A = arith.constant 0 : i32
        %dma_start3A_144 = tpu.memref_slice %arg19[%run_scoped3A_71, %dma_start3A] : memref<16x10240xf32, #tpu.memory_space<vmem_shared>> -> memref<1x10240xf32, #tpu.memory_space<vmem_shared>>
        %dma_start3A_145 = tpu.memref_squeeze %dma_start3A_144 : memref<1x10240xf32, #tpu.memory_space<vmem_shared>> -> memref<10240xf32, #tpu.memory_space<vmem_shared>>
        %dma_start3A_146 = tpu.memref_slice %dma_start3A_145[%mul3A_32] : memref<10240xf32, #tpu.memory_space<vmem_shared>> -> memref<640xf32, #tpu.memory_space<vmem_shared>>
        %dma_start3A_147 = arith.constant 0 : i32
        %dma_start3A_148 = tpu.memref_slice %arg19[%run_scoped3A_71, %dma_start3A_147] : memref<16x10240xf32, #tpu.memory_space<vmem_shared>> -> memref<1x10240xf32, #tpu.memory_space<vmem_shared>>
        %dma_start3A_149 = tpu.memref_squeeze %dma_start3A_148 : memref<1x10240xf32, #tpu.memory_space<vmem_shared>> -> memref<10240xf32, #tpu.memory_space<vmem_shared>>
        %dma_start3A_150 = tpu.memref_slice %dma_start3A_149[%mul3A_32] : memref<10240xf32, #tpu.memory_space<vmem_shared>> -> memref<640xf32, #tpu.memory_space<vmem_shared>>
        tpu.enqueue_dma source(%dma_start3A_150 : memref<640xf32, #tpu.memory_space<vmem_shared>>) target(%arg17 : memref<640xf32, #tpu.memory_space<vmem>>) target_semaphore(%run_scoped3A_143 : memref<!tpu.dma_semaphore, #tpu.memory_space<semaphore_mem>>)
        %dma_wait3A = arith.constant 0 : i32
        %dma_wait3A_151 = tpu.memref_slice %arg19[%run_scoped3A_71, %dma_wait3A] : memref<16x10240xf32, #tpu.memory_space<vmem_shared>> -> memref<1x10240xf32, #tpu.memory_space<vmem_shared>>
        %dma_wait3A_152 = tpu.memref_squeeze %dma_wait3A_151 : memref<1x10240xf32, #tpu.memory_space<vmem_shared>> -> memref<10240xf32, #tpu.memory_space<vmem_shared>>
        %dma_wait3A_153 = tpu.memref_slice %dma_wait3A_152[%mul3A_32] : memref<10240xf32, #tpu.memory_space<vmem_shared>> -> memref<640xf32, #tpu.memory_space<vmem_shared>>
        %dma_wait3A_154 = arith.constant 0 : i32
        %dma_wait3A_155 = tpu.memref_slice %arg19[%run_scoped3A_71, %dma_wait3A_154] : memref<16x10240xf32, #tpu.memory_space<vmem_shared>> -> memref<1x10240xf32, #tpu.memory_space<vmem_shared>>
        %dma_wait3A_156 = tpu.memref_squeeze %dma_wait3A_155 : memref<1x10240xf32, #tpu.memory_space<vmem_shared>> -> memref<10240xf32, #tpu.memory_space<vmem_shared>>
        %dma_wait3A_157 = tpu.memref_slice %dma_wait3A_156[%mul3A_32] : memref<10240xf32, #tpu.memory_space<vmem_shared>> -> memref<640xf32, #tpu.memory_space<vmem_shared>>
        tpu.wait_dma2 semaphore(%run_scoped3A_143 : memref<!tpu.dma_semaphore, #tpu.memory_space<semaphore_mem>>) src(%dma_wait3A_157 : memref<640xf32, #tpu.memory_space<vmem_shared>>) dst(%arg17 : memref<640xf32, #tpu.memory_space<vmem>>)
        tpu.yield
      }) : () -> ()
      %scan3A_72 = arith.constant 0 : i32
      %scan3A_73 = arith.constant 40 : i32
      %scan3A_74 = arith.addi %scan3A_72, %scan3A_73 : i32
      %scan3A_75 = arith.constant 1 : i32
      scf.for %scan3A_143 = %scan3A_72 to %scan3A_74 step %scan3A_75  : i32 {
        %mul3A_144 = arith.constant 1 : i32
        %mul3A_145 = arith.muli %scan3A_143, %mul3A_144 : i32
        %add3A_146 = arith.constant 0 : i32
        %add3A_147 = arith.addi %add3A_146, %mul3A_145 : i32
        %mul3A_148 = arith.constant 16 : i32
        %mul3A_149 = arith.muli %add3A_147, %mul3A_148 : i32
        %get3A = arith.index_cast %mul3A_149 : i32 to index
        %get3A_150 = tpu.vector_load %arg16[%get3A] {strides = array<i32>} : memref<640xf32, #tpu.memory_space<vmem>>, vector<16xf32>,
        %mul3A_151 = arith.constant 16 : i32
        %mul3A_152 = arith.muli %add3A_147, %mul3A_151 : i32
        %get3A_153 = arith.index_cast %mul3A_152 : i32 to index
        %get3A_154 = tpu.vector_load %arg17[%get3A_153] {strides = array<i32>} : memref<640xf32, #tpu.memory_space<vmem>>, vector<16xf32>,
        %add3A_155 = arith.addf %get3A_150, %get3A_154 : vector<16xf32>
        %mul3A_156 = arith.constant 16 : i32
        %mul3A_157 = arith.muli %add3A_147, %mul3A_156 : i32
        %swap3A = arith.index_cast %mul3A_157 : i32 to index
        %swap3A_158 = tpu.vector_load %arg16[%swap3A] {strides = array<i32>} : memref<640xf32, #tpu.memory_space<vmem>>, vector<16xf32>,
        tpu.vector_store %arg16[%swap3A], %add3A_155 {strides = array<i32>} : memref<640xf32, #tpu.memory_space<vmem>>, vector<16xf32>,
      }
      %scan3A_76 = arith.constant 40 : i32
      %run_scoped3A_77 = arith.constant 5 : i32
      "tpu.region"() ({
        %run_scoped3A_143 = tpu.sem_alloc : memref<!tpu.dma_semaphore, #tpu.memory_space<semaphore_mem>>
        %dma_start3A = arith.constant 0 : i32
        %dma_start3A_144 = tpu.memref_slice %arg19[%run_scoped3A_77, %dma_start3A] : memref<16x10240xf32, #tpu.memory_space<vmem_shared>> -> memref<1x10240xf32, #tpu.memory_space<vmem_shared>>
        %dma_start3A_145 = tpu.memref_squeeze %dma_start3A_144 : memref<1x10240xf32, #tpu.memory_space<vmem_shared>> -> memref<10240xf32, #tpu.memory_space<vmem_shared>>
        %dma_start3A_146 = tpu.memref_slice %dma_start3A_145[%mul3A_32] : memref<10240xf32, #tpu.memory_space<vmem_shared>> -> memref<640xf32, #tpu.memory_space<vmem_shared>>
        %dma_start3A_147 = arith.constant 0 : i32
        %dma_start3A_148 = tpu.memref_slice %arg19[%run_scoped3A_77, %dma_start3A_147] : memref<16x10240xf32, #tpu.memory_space<vmem_shared>> -> memref<1x10240xf32, #tpu.memory_space<vmem_shared>>
        %dma_start3A_149 = tpu.memref_squeeze %dma_start3A_148 : memref<1x10240xf32, #tpu.memory_space<vmem_shared>> -> memref<10240xf32, #tpu.memory_space<vmem_shared>>
        %dma_start3A_150 = tpu.memref_slice %dma_start3A_149[%mul3A_32] : memref<10240xf32, #tpu.memory_space<vmem_shared>> -> memref<640xf32, #tpu.memory_space<vmem_shared>>
        tpu.enqueue_dma source(%dma_start3A_150 : memref<640xf32, #tpu.memory_space<vmem_shared>>) target(%arg17 : memref<640xf32, #tpu.memory_space<vmem>>) target_semaphore(%run_scoped3A_143 : memref<!tpu.dma_semaphore, #tpu.memory_space<semaphore_mem>>)
        %dma_wait3A = arith.constant 0 : i32
        %dma_wait3A_151 = tpu.memref_slice %arg19[%run_scoped3A_77, %dma_wait3A] : memref<16x10240xf32, #tpu.memory_space<vmem_shared>> -> memref<1x10240xf32, #tpu.memory_space<vmem_shared>>
        %dma_wait3A_152 = tpu.memref_squeeze %dma_wait3A_151 : memref<1x10240xf32, #tpu.memory_space<vmem_shared>> -> memref<10240xf32, #tpu.memory_space<vmem_shared>>
        %dma_wait3A_153 = tpu.memref_slice %dma_wait3A_152[%mul3A_32] : memref<10240xf32, #tpu.memory_space<vmem_shared>> -> memref<640xf32, #tpu.memory_space<vmem_shared>>
        %dma_wait3A_154 = arith.constant 0 : i32
        %dma_wait3A_155 = tpu.memref_slice %arg19[%run_scoped3A_77, %dma_wait3A_154] : memref<16x10240xf32, #tpu.memory_space<vmem_shared>> -> memref<1x10240xf32, #tpu.memory_space<vmem_shared>>
        %dma_wait3A_156 = tpu.memref_squeeze %dma_wait3A_155 : memref<1x10240xf32, #tpu.memory_space<vmem_shared>> -> memref<10240xf32, #tpu.memory_space<vmem_shared>>
        %dma_wait3A_157 = tpu.memref_slice %dma_wait3A_156[%mul3A_32] : memref<10240xf32, #tpu.memory_space<vmem_shared>> -> memref<640xf32, #tpu.memory_space<vmem_shared>>
        tpu.wait_dma2 semaphore(%run_scoped3A_143 : memref<!tpu.dma_semaphore, #tpu.memory_space<semaphore_mem>>) src(%dma_wait3A_157 : memref<640xf32, #tpu.memory_space<vmem_shared>>) dst(%arg17 : memref<640xf32, #tpu.memory_space<vmem>>)
        tpu.yield
      }) : () -> ()
      %scan3A_78 = arith.constant 0 : i32
      %scan3A_79 = arith.constant 40 : i32
      %scan3A_80 = arith.addi %scan3A_78, %scan3A_79 : i32
      %scan3A_81 = arith.constant 1 : i32
      scf.for %scan3A_143 = %scan3A_78 to %scan3A_80 step %scan3A_81  : i32 {
        %mul3A_144 = arith.constant 1 : i32
        %mul3A_145 = arith.muli %scan3A_143, %mul3A_144 : i32
        %add3A_146 = arith.constant 0 : i32
        %add3A_147 = arith.addi %add3A_146, %mul3A_145 : i32
        %mul3A_148 = arith.constant 16 : i32
        %mul3A_149 = arith.muli %add3A_147, %mul3A_148 : i32
        %get3A = arith.index_cast %mul3A_149 : i32 to index
        %get3A_150 = tpu.vector_load %arg16[%get3A] {strides = array<i32>} : memref<640xf32, #tpu.memory_space<vmem>>, vector<16xf32>,
        %mul3A_151 = arith.constant 16 : i32
        %mul3A_152 = arith.muli %add3A_147, %mul3A_151 : i32
        %get3A_153 = arith.index_cast %mul3A_152 : i32 to index
        %get3A_154 = tpu.vector_load %arg17[%get3A_153] {strides = array<i32>} : memref<640xf32, #tpu.memory_space<vmem>>, vector<16xf32>,
        %add3A_155 = arith.addf %get3A_150, %get3A_154 : vector<16xf32>
        %mul3A_156 = arith.constant 16 : i32
        %mul3A_157 = arith.muli %add3A_147, %mul3A_156 : i32
        %swap3A = arith.index_cast %mul3A_157 : i32 to index
        %swap3A_158 = tpu.vector_load %arg16[%swap3A] {strides = array<i32>} : memref<640xf32, #tpu.memory_space<vmem>>, vector<16xf32>,
        tpu.vector_store %arg16[%swap3A], %add3A_155 {strides = array<i32>} : memref<640xf32, #tpu.memory_space<vmem>>, vector<16xf32>,
      }
      %scan3A_82 = arith.constant 40 : i32
      %run_scoped3A_83 = arith.constant 6 : i32
      "tpu.region"() ({
        %run_scoped3A_143 = tpu.sem_alloc : memref<!tpu.dma_semaphore, #tpu.memory_space<semaphore_mem>>
        %dma_start3A = arith.constant 0 : i32
        %dma_start3A_144 = tpu.memref_slice %arg19[%run_scoped3A_83, %dma_start3A] : memref<16x10240xf32, #tpu.memory_space<vmem_shared>> -> memref<1x10240xf32, #tpu.memory_space<vmem_shared>>
        %dma_start3A_145 = tpu.memref_squeeze %dma_start3A_144 : memref<1x10240xf32, #tpu.memory_space<vmem_shared>> -> memref<10240xf32, #tpu.memory_space<vmem_shared>>
        %dma_start3A_146 = tpu.memref_slice %dma_start3A_145[%mul3A_32] : memref<10240xf32, #tpu.memory_space<vmem_shared>> -> memref<640xf32, #tpu.memory_space<vmem_shared>>
        %dma_start3A_147 = arith.constant 0 : i32
        %dma_start3A_148 = tpu.memref_slice %arg19[%run_scoped3A_83, %dma_start3A_147] : memref<16x10240xf32, #tpu.memory_space<vmem_shared>> -> memref<1x10240xf32, #tpu.memory_space<vmem_shared>>
        %dma_start3A_149 = tpu.memref_squeeze %dma_start3A_148 : memref<1x10240xf32, #tpu.memory_space<vmem_shared>> -> memref<10240xf32, #tpu.memory_space<vmem_shared>>
        %dma_start3A_150 = tpu.memref_slice %dma_start3A_149[%mul3A_32] : memref<10240xf32, #tpu.memory_space<vmem_shared>> -> memref<640xf32, #tpu.memory_space<vmem_shared>>
        tpu.enqueue_dma source(%dma_start3A_150 : memref<640xf32, #tpu.memory_space<vmem_shared>>) target(%arg17 : memref<640xf32, #tpu.memory_space<vmem>>) target_semaphore(%run_scoped3A_143 : memref<!tpu.dma_semaphore, #tpu.memory_space<semaphore_mem>>)
        %dma_wait3A = arith.constant 0 : i32
        %dma_wait3A_151 = tpu.memref_slice %arg19[%run_scoped3A_83, %dma_wait3A] : memref<16x10240xf32, #tpu.memory_space<vmem_shared>> -> memref<1x10240xf32, #tpu.memory_space<vmem_shared>>
        %dma_wait3A_152 = tpu.memref_squeeze %dma_wait3A_151 : memref<1x10240xf32, #tpu.memory_space<vmem_shared>> -> memref<10240xf32, #tpu.memory_space<vmem_shared>>
        %dma_wait3A_153 = tpu.memref_slice %dma_wait3A_152[%mul3A_32] : memref<10240xf32, #tpu.memory_space<vmem_shared>> -> memref<640xf32, #tpu.memory_space<vmem_shared>>
        %dma_wait3A_154 = arith.constant 0 : i32
        %dma_wait3A_155 = tpu.memref_slice %arg19[%run_scoped3A_83, %dma_wait3A_154] : memref<16x10240xf32, #tpu.memory_space<vmem_shared>> -> memref<1x10240xf32, #tpu.memory_space<vmem_shared>>
        %dma_wait3A_156 = tpu.memref_squeeze %dma_wait3A_155 : memref<1x10240xf32, #tpu.memory_space<vmem_shared>> -> memref<10240xf32, #tpu.memory_space<vmem_shared>>
        %dma_wait3A_157 = tpu.memref_slice %dma_wait3A_156[%mul3A_32] : memref<10240xf32, #tpu.memory_space<vmem_shared>> -> memref<640xf32, #tpu.memory_space<vmem_shared>>
        tpu.wait_dma2 semaphore(%run_scoped3A_143 : memref<!tpu.dma_semaphore, #tpu.memory_space<semaphore_mem>>) src(%dma_wait3A_157 : memref<640xf32, #tpu.memory_space<vmem_shared>>) dst(%arg17 : memref<640xf32, #tpu.memory_space<vmem>>)
        tpu.yield
      }) : () -> ()
      %scan3A_84 = arith.constant 0 : i32
      %scan3A_85 = arith.constant 40 : i32
      %scan3A_86 = arith.addi %scan3A_84, %scan3A_85 : i32
      %scan3A_87 = arith.constant 1 : i32
      scf.for %scan3A_143 = %scan3A_84 to %scan3A_86 step %scan3A_87  : i32 {
        %mul3A_144 = arith.constant 1 : i32
        %mul3A_145 = arith.muli %scan3A_143, %mul3A_144 : i32
        %add3A_146 = arith.constant 0 : i32
        %add3A_147 = arith.addi %add3A_146, %mul3A_145 : i32
        %mul3A_148 = arith.constant 16 : i32
        %mul3A_149 = arith.muli %add3A_147, %mul3A_148 : i32
        %get3A = arith.index_cast %mul3A_149 : i32 to index
        %get3A_150 = tpu.vector_load %arg16[%get3A] {strides = array<i32>} : memref<640xf32, #tpu.memory_space<vmem>>, vector<16xf32>,
        %mul3A_151 = arith.constant 16 : i32
        %mul3A_152 = arith.muli %add3A_147, %mul3A_151 : i32
        %get3A_153 = arith.index_cast %mul3A_152 : i32 to index
        %get3A_154 = tpu.vector_load %arg17[%get3A_153] {strides = array<i32>} : memref<640xf32, #tpu.memory_space<vmem>>, vector<16xf32>,
        %add3A_155 = arith.addf %get3A_150, %get3A_154 : vector<16xf32>
        %mul3A_156 = arith.constant 16 : i32
        %mul3A_157 = arith.muli %add3A_147, %mul3A_156 : i32
        %swap3A = arith.index_cast %mul3A_157 : i32 to index
        %swap3A_158 = tpu.vector_load %arg16[%swap3A] {strides = array<i32>} : memref<640xf32, #tpu.memory_space<vmem>>, vector<16xf32>,
        tpu.vector_store %arg16[%swap3A], %add3A_155 {strides = array<i32>} : memref<640xf32, #tpu.memory_space<vmem>>, vector<16xf32>,
      }
      %scan3A_88 = arith.constant 40 : i32
      %run_scoped3A_89 = arith.constant 7 : i32
      "tpu.region"() ({
        %run_scoped3A_143 = tpu.sem_alloc : memref<!tpu.dma_semaphore, #tpu.memory_space<semaphore_mem>>
        %dma_start3A = arith.constant 0 : i32
        %dma_start3A_144 = tpu.memref_slice %arg19[%run_scoped3A_89, %dma_start3A] : memref<16x10240xf32, #tpu.memory_space<vmem_shared>> -> memref<1x10240xf32, #tpu.memory_space<vmem_shared>>
        %dma_start3A_145 = tpu.memref_squeeze %dma_start3A_144 : memref<1x10240xf32, #tpu.memory_space<vmem_shared>> -> memref<10240xf32, #tpu.memory_space<vmem_shared>>
        %dma_start3A_146 = tpu.memref_slice %dma_start3A_145[%mul3A_32] : memref<10240xf32, #tpu.memory_space<vmem_shared>> -> memref<640xf32, #tpu.memory_space<vmem_shared>>
        %dma_start3A_147 = arith.constant 0 : i32
        %dma_start3A_148 = tpu.memref_slice %arg19[%run_scoped3A_89, %dma_start3A_147] : memref<16x10240xf32, #tpu.memory_space<vmem_shared>> -> memref<1x10240xf32, #tpu.memory_space<vmem_shared>>
        %dma_start3A_149 = tpu.memref_squeeze %dma_start3A_148 : memref<1x10240xf32, #tpu.memory_space<vmem_shared>> -> memref<10240xf32, #tpu.memory_space<vmem_shared>>
        %dma_start3A_150 = tpu.memref_slice %dma_start3A_149[%mul3A_32] : memref<10240xf32, #tpu.memory_space<vmem_shared>> -> memref<640xf32, #tpu.memory_space<vmem_shared>>
        tpu.enqueue_dma source(%dma_start3A_150 : memref<640xf32, #tpu.memory_space<vmem_shared>>) target(%arg17 : memref<640xf32, #tpu.memory_space<vmem>>) target_semaphore(%run_scoped3A_143 : memref<!tpu.dma_semaphore, #tpu.memory_space<semaphore_mem>>)
        %dma_wait3A = arith.constant 0 : i32
        %dma_wait3A_151 = tpu.memref_slice %arg19[%run_scoped3A_89, %dma_wait3A] : memref<16x10240xf32, #tpu.memory_space<vmem_shared>> -> memref<1x10240xf32, #tpu.memory_space<vmem_shared>>
        %dma_wait3A_152 = tpu.memref_squeeze %dma_wait3A_151 : memref<1x10240xf32, #tpu.memory_space<vmem_shared>> -> memref<10240xf32, #tpu.memory_space<vmem_shared>>
        %dma_wait3A_153 = tpu.memref_slice %dma_wait3A_152[%mul3A_32] : memref<10240xf32, #tpu.memory_space<vmem_shared>> -> memref<640xf32, #tpu.memory_space<vmem_shared>>
        %dma_wait3A_154 = arith.constant 0 : i32
        %dma_wait3A_155 = tpu.memref_slice %arg19[%run_scoped3A_89, %dma_wait3A_154] : memref<16x10240xf32, #tpu.memory_space<vmem_shared>> -> memref<1x10240xf32, #tpu.memory_space<vmem_shared>>
        %dma_wait3A_156 = tpu.memref_squeeze %dma_wait3A_155 : memref<1x10240xf32, #tpu.memory_space<vmem_shared>> -> memref<10240xf32, #tpu.memory_space<vmem_shared>>
        %dma_wait3A_157 = tpu.memref_slice %dma_wait3A_156[%mul3A_32] : memref<10240xf32, #tpu.memory_space<vmem_shared>> -> memref<640xf32, #tpu.memory_space<vmem_shared>>
        tpu.wait_dma2 semaphore(%run_scoped3A_143 : memref<!tpu.dma_semaphore, #tpu.memory_space<semaphore_mem>>) src(%dma_wait3A_157 : memref<640xf32, #tpu.memory_space<vmem_shared>>) dst(%arg17 : memref<640xf32, #tpu.memory_space<vmem>>)
        tpu.yield
      }) : () -> ()
      %scan3A_90 = arith.constant 0 : i32
      %scan3A_91 = arith.constant 40 : i32
      %scan3A_92 = arith.addi %scan3A_90, %scan3A_91 : i32
      %scan3A_93 = arith.constant 1 : i32
      scf.for %scan3A_143 = %scan3A_90 to %scan3A_92 step %scan3A_93  : i32 {
        %mul3A_144 = arith.constant 1 : i32
        %mul3A_145 = arith.muli %scan3A_143, %mul3A_144 : i32
        %add3A_146 = arith.constant 0 : i32
        %add3A_147 = arith.addi %add3A_146, %mul3A_145 : i32
        %mul3A_148 = arith.constant 16 : i32
        %mul3A_149 = arith.muli %add3A_147, %mul3A_148 : i32
        %get3A = arith.index_cast %mul3A_149 : i32 to index
        %get3A_150 = tpu.vector_load %arg16[%get3A] {strides = array<i32>} : memref<640xf32, #tpu.memory_space<vmem>>, vector<16xf32>,
        %mul3A_151 = arith.constant 16 : i32
        %mul3A_152 = arith.muli %add3A_147, %mul3A_151 : i32
        %get3A_153 = arith.index_cast %mul3A_152 : i32 to index
        %get3A_154 = tpu.vector_load %arg17[%get3A_153] {strides = array<i32>} : memref<640xf32, #tpu.memory_space<vmem>>, vector<16xf32>,
        %add3A_155 = arith.addf %get3A_150, %get3A_154 : vector<16xf32>
        %mul3A_156 = arith.constant 16 : i32
        %mul3A_157 = arith.muli %add3A_147, %mul3A_156 : i32
        %swap3A = arith.index_cast %mul3A_157 : i32 to index
        %swap3A_158 = tpu.vector_load %arg16[%swap3A] {strides = array<i32>} : memref<640xf32, #tpu.memory_space<vmem>>, vector<16xf32>,
        tpu.vector_store %arg16[%swap3A], %add3A_155 {strides = array<i32>} : memref<640xf32, #tpu.memory_space<vmem>>, vector<16xf32>,
      }
      %scan3A_94 = arith.constant 40 : i32
      %run_scoped3A_95 = arith.constant 8 : i32
      "tpu.region"() ({
        %run_scoped3A_143 = tpu.sem_alloc : memref<!tpu.dma_semaphore, #tpu.memory_space<semaphore_mem>>
        %dma_start3A = arith.constant 0 : i32
        %dma_start3A_144 = tpu.memref_slice %arg19[%run_scoped3A_95, %dma_start3A] : memref<16x10240xf32, #tpu.memory_space<vmem_shared>> -> memref<1x10240xf32, #tpu.memory_space<vmem_shared>>
        %dma_start3A_145 = tpu.memref_squeeze %dma_start3A_144 : memref<1x10240xf32, #tpu.memory_space<vmem_shared>> -> memref<10240xf32, #tpu.memory_space<vmem_shared>>
        %dma_start3A_146 = tpu.memref_slice %dma_start3A_145[%mul3A_32] : memref<10240xf32, #tpu.memory_space<vmem_shared>> -> memref<640xf32, #tpu.memory_space<vmem_shared>>
        %dma_start3A_147 = arith.constant 0 : i32
        %dma_start3A_148 = tpu.memref_slice %arg19[%run_scoped3A_95, %dma_start3A_147] : memref<16x10240xf32, #tpu.memory_space<vmem_shared>> -> memref<1x10240xf32, #tpu.memory_space<vmem_shared>>
        %dma_start3A_149 = tpu.memref_squeeze %dma_start3A_148 : memref<1x10240xf32, #tpu.memory_space<vmem_shared>> -> memref<10240xf32, #tpu.memory_space<vmem_shared>>
        %dma_start3A_150 = tpu.memref_slice %dma_start3A_149[%mul3A_32] : memref<10240xf32, #tpu.memory_space<vmem_shared>> -> memref<640xf32, #tpu.memory_space<vmem_shared>>
        tpu.enqueue_dma source(%dma_start3A_150 : memref<640xf32, #tpu.memory_space<vmem_shared>>) target(%arg17 : memref<640xf32, #tpu.memory_space<vmem>>) target_semaphore(%run_scoped3A_143 : memref<!tpu.dma_semaphore, #tpu.memory_space<semaphore_mem>>)
        %dma_wait3A = arith.constant 0 : i32
        %dma_wait3A_151 = tpu.memref_slice %arg19[%run_scoped3A_95, %dma_wait3A] : memref<16x10240xf32, #tpu.memory_space<vmem_shared>> -> memref<1x10240xf32, #tpu.memory_space<vmem_shared>>
        %dma_wait3A_152 = tpu.memref_squeeze %dma_wait3A_151 : memref<1x10240xf32, #tpu.memory_space<vmem_shared>> -> memref<10240xf32, #tpu.memory_space<vmem_shared>>
        %dma_wait3A_153 = tpu.memref_slice %dma_wait3A_152[%mul3A_32] : memref<10240xf32, #tpu.memory_space<vmem_shared>> -> memref<640xf32, #tpu.memory_space<vmem_shared>>
        %dma_wait3A_154 = arith.constant 0 : i32
        %dma_wait3A_155 = tpu.memref_slice %arg19[%run_scoped3A_95, %dma_wait3A_154] : memref<16x10240xf32, #tpu.memory_space<vmem_shared>> -> memref<1x10240xf32, #tpu.memory_space<vmem_shared>>
        %dma_wait3A_156 = tpu.memref_squeeze %dma_wait3A_155 : memref<1x10240xf32, #tpu.memory_space<vmem_shared>> -> memref<10240xf32, #tpu.memory_space<vmem_shared>>
        %dma_wait3A_157 = tpu.memref_slice %dma_wait3A_156[%mul3A_32] : memref<10240xf32, #tpu.memory_space<vmem_shared>> -> memref<640xf32, #tpu.memory_space<vmem_shared>>
        tpu.wait_dma2 semaphore(%run_scoped3A_143 : memref<!tpu.dma_semaphore, #tpu.memory_space<semaphore_mem>>) src(%dma_wait3A_157 : memref<640xf32, #tpu.memory_space<vmem_shared>>) dst(%arg17 : memref<640xf32, #tpu.memory_space<vmem>>)
        tpu.yield
      }) : () -> ()
      %scan3A_96 = arith.constant 0 : i32
      %scan3A_97 = arith.constant 40 : i32
      %scan3A_98 = arith.addi %scan3A_96, %scan3A_97 : i32
      %scan3A_99 = arith.constant 1 : i32
      scf.for %scan3A_143 = %scan3A_96 to %scan3A_98 step %scan3A_99  : i32 {
        %mul3A_144 = arith.constant 1 : i32
        %mul3A_145 = arith.muli %scan3A_143, %mul3A_144 : i32
        %add3A_146 = arith.constant 0 : i32
        %add3A_147 = arith.addi %add3A_146, %mul3A_145 : i32
        %mul3A_148 = arith.constant 16 : i32
        %mul3A_149 = arith.muli %add3A_147, %mul3A_148 : i32
        %get3A = arith.index_cast %mul3A_149 : i32 to index
        %get3A_150 = tpu.vector_load %arg16[%get3A] {strides = array<i32>} : memref<640xf32, #tpu.memory_space<vmem>>, vector<16xf32>,
        %mul3A_151 = arith.constant 16 : i32
        %mul3A_152 = arith.muli %add3A_147, %mul3A_151 : i32
        %get3A_153 = arith.index_cast %mul3A_152 : i32 to index
        %get3A_154 = tpu.vector_load %arg17[%get3A_153] {strides = array<i32>} : memref<640xf32, #tpu.memory_space<vmem>>, vector<16xf32>,
        %add3A_155 = arith.addf %get3A_150, %get3A_154 : vector<16xf32>
        %mul3A_156 = arith.constant 16 : i32
        %mul3A_157 = arith.muli %add3A_147, %mul3A_156 : i32
        %swap3A = arith.index_cast %mul3A_157 : i32 to index
        %swap3A_158 = tpu.vector_load %arg16[%swap3A] {strides = array<i32>} : memref<640xf32, #tpu.memory_space<vmem>>, vector<16xf32>,
        tpu.vector_store %arg16[%swap3A], %add3A_155 {strides = array<i32>} : memref<640xf32, #tpu.memory_space<vmem>>, vector<16xf32>,
      }
      %scan3A_100 = arith.constant 40 : i32
      %run_scoped3A_101 = arith.constant 9 : i32
      "tpu.region"() ({
        %run_scoped3A_143 = tpu.sem_alloc : memref<!tpu.dma_semaphore, #tpu.memory_space<semaphore_mem>>
        %dma_start3A = arith.constant 0 : i32
        %dma_start3A_144 = tpu.memref_slice %arg19[%run_scoped3A_101, %dma_start3A] : memref<16x10240xf32, #tpu.memory_space<vmem_shared>> -> memref<1x10240xf32, #tpu.memory_space<vmem_shared>>
        %dma_start3A_145 = tpu.memref_squeeze %dma_start3A_144 : memref<1x10240xf32, #tpu.memory_space<vmem_shared>> -> memref<10240xf32, #tpu.memory_space<vmem_shared>>
        %dma_start3A_146 = tpu.memref_slice %dma_start3A_145[%mul3A_32] : memref<10240xf32, #tpu.memory_space<vmem_shared>> -> memref<640xf32, #tpu.memory_space<vmem_shared>>
        %dma_start3A_147 = arith.constant 0 : i32
        %dma_start3A_148 = tpu.memref_slice %arg19[%run_scoped3A_101, %dma_start3A_147] : memref<16x10240xf32, #tpu.memory_space<vmem_shared>> -> memref<1x10240xf32, #tpu.memory_space<vmem_shared>>
        %dma_start3A_149 = tpu.memref_squeeze %dma_start3A_148 : memref<1x10240xf32, #tpu.memory_space<vmem_shared>> -> memref<10240xf32, #tpu.memory_space<vmem_shared>>
        %dma_start3A_150 = tpu.memref_slice %dma_start3A_149[%mul3A_32] : memref<10240xf32, #tpu.memory_space<vmem_shared>> -> memref<640xf32, #tpu.memory_space<vmem_shared>>
        tpu.enqueue_dma source(%dma_start3A_150 : memref<640xf32, #tpu.memory_space<vmem_shared>>) target(%arg17 : memref<640xf32, #tpu.memory_space<vmem>>) target_semaphore(%run_scoped3A_143 : memref<!tpu.dma_semaphore, #tpu.memory_space<semaphore_mem>>)
        %dma_wait3A = arith.constant 0 : i32
        %dma_wait3A_151 = tpu.memref_slice %arg19[%run_scoped3A_101, %dma_wait3A] : memref<16x10240xf32, #tpu.memory_space<vmem_shared>> -> memref<1x10240xf32, #tpu.memory_space<vmem_shared>>
        %dma_wait3A_152 = tpu.memref_squeeze %dma_wait3A_151 : memref<1x10240xf32, #tpu.memory_space<vmem_shared>> -> memref<10240xf32, #tpu.memory_space<vmem_shared>>
        %dma_wait3A_153 = tpu.memref_slice %dma_wait3A_152[%mul3A_32] : memref<10240xf32, #tpu.memory_space<vmem_shared>> -> memref<640xf32, #tpu.memory_space<vmem_shared>>
        %dma_wait3A_154 = arith.constant 0 : i32
        %dma_wait3A_155 = tpu.memref_slice %arg19[%run_scoped3A_101, %dma_wait3A_154] : memref<16x10240xf32, #tpu.memory_space<vmem_shared>> -> memref<1x10240xf32, #tpu.memory_space<vmem_shared>>
        %dma_wait3A_156 = tpu.memref_squeeze %dma_wait3A_155 : memref<1x10240xf32, #tpu.memory_space<vmem_shared>> -> memref<10240xf32, #tpu.memory_space<vmem_shared>>
        %dma_wait3A_157 = tpu.memref_slice %dma_wait3A_156[%mul3A_32] : memref<10240xf32, #tpu.memory_space<vmem_shared>> -> memref<640xf32, #tpu.memory_space<vmem_shared>>
        tpu.wait_dma2 semaphore(%run_scoped3A_143 : memref<!tpu.dma_semaphore, #tpu.memory_space<semaphore_mem>>) src(%dma_wait3A_157 : memref<640xf32, #tpu.memory_space<vmem_shared>>) dst(%arg17 : memref<640xf32, #tpu.memory_space<vmem>>)
        tpu.yield
      }) : () -> ()
      %scan3A_102 = arith.constant 0 : i32
      %scan3A_103 = arith.constant 40 : i32
      %scan3A_104 = arith.addi %scan3A_102, %scan3A_103 : i32
      %scan3A_105 = arith.constant 1 : i32
      scf.for %scan3A_143 = %scan3A_102 to %scan3A_104 step %scan3A_105  : i32 {
        %mul3A_144 = arith.constant 1 : i32
        %mul3A_145 = arith.muli %scan3A_143, %mul3A_144 : i32
        %add3A_146 = arith.constant 0 : i32
        %add3A_147 = arith.addi %add3A_146, %mul3A_145 : i32
        %mul3A_148 = arith.constant 16 : i32
        %mul3A_149 = arith.muli %add3A_147, %mul3A_148 : i32
        %get3A = arith.index_cast %mul3A_149 : i32 to index
        %get3A_150 = tpu.vector_load %arg16[%get3A] {strides = array<i32>} : memref<640xf32, #tpu.memory_space<vmem>>, vector<16xf32>,
        %mul3A_151 = arith.constant 16 : i32
        %mul3A_152 = arith.muli %add3A_147, %mul3A_151 : i32
        %get3A_153 = arith.index_cast %mul3A_152 : i32 to index
        %get3A_154 = tpu.vector_load %arg17[%get3A_153] {strides = array<i32>} : memref<640xf32, #tpu.memory_space<vmem>>, vector<16xf32>,
        %add3A_155 = arith.addf %get3A_150, %get3A_154 : vector<16xf32>
        %mul3A_156 = arith.constant 16 : i32
        %mul3A_157 = arith.muli %add3A_147, %mul3A_156 : i32
        %swap3A = arith.index_cast %mul3A_157 : i32 to index
        %swap3A_158 = tpu.vector_load %arg16[%swap3A] {strides = array<i32>} : memref<640xf32, #tpu.memory_space<vmem>>, vector<16xf32>,
        tpu.vector_store %arg16[%swap3A], %add3A_155 {strides = array<i32>} : memref<640xf32, #tpu.memory_space<vmem>>, vector<16xf32>,
      }
      %scan3A_106 = arith.constant 40 : i32
      %run_scoped3A_107 = arith.constant 10 : i32
      "tpu.region"() ({
        %run_scoped3A_143 = tpu.sem_alloc : memref<!tpu.dma_semaphore, #tpu.memory_space<semaphore_mem>>
        %dma_start3A = arith.constant 0 : i32
        %dma_start3A_144 = tpu.memref_slice %arg19[%run_scoped3A_107, %dma_start3A] : memref<16x10240xf32, #tpu.memory_space<vmem_shared>> -> memref<1x10240xf32, #tpu.memory_space<vmem_shared>>
        %dma_start3A_145 = tpu.memref_squeeze %dma_start3A_144 : memref<1x10240xf32, #tpu.memory_space<vmem_shared>> -> memref<10240xf32, #tpu.memory_space<vmem_shared>>
        %dma_start3A_146 = tpu.memref_slice %dma_start3A_145[%mul3A_32] : memref<10240xf32, #tpu.memory_space<vmem_shared>> -> memref<640xf32, #tpu.memory_space<vmem_shared>>
        %dma_start3A_147 = arith.constant 0 : i32
        %dma_start3A_148 = tpu.memref_slice %arg19[%run_scoped3A_107, %dma_start3A_147] : memref<16x10240xf32, #tpu.memory_space<vmem_shared>> -> memref<1x10240xf32, #tpu.memory_space<vmem_shared>>
        %dma_start3A_149 = tpu.memref_squeeze %dma_start3A_148 : memref<1x10240xf32, #tpu.memory_space<vmem_shared>> -> memref<10240xf32, #tpu.memory_space<vmem_shared>>
        %dma_start3A_150 = tpu.memref_slice %dma_start3A_149[%mul3A_32] : memref<10240xf32, #tpu.memory_space<vmem_shared>> -> memref<640xf32, #tpu.memory_space<vmem_shared>>
        tpu.enqueue_dma source(%dma_start3A_150 : memref<640xf32, #tpu.memory_space<vmem_shared>>) target(%arg17 : memref<640xf32, #tpu.memory_space<vmem>>) target_semaphore(%run_scoped3A_143 : memref<!tpu.dma_semaphore, #tpu.memory_space<semaphore_mem>>)
        %dma_wait3A = arith.constant 0 : i32
        %dma_wait3A_151 = tpu.memref_slice %arg19[%run_scoped3A_107, %dma_wait3A] : memref<16x10240xf32, #tpu.memory_space<vmem_shared>> -> memref<1x10240xf32, #tpu.memory_space<vmem_shared>>
        %dma_wait3A_152 = tpu.memref_squeeze %dma_wait3A_151 : memref<1x10240xf32, #tpu.memory_space<vmem_shared>> -> memref<10240xf32, #tpu.memory_space<vmem_shared>>
        %dma_wait3A_153 = tpu.memref_slice %dma_wait3A_152[%mul3A_32] : memref<10240xf32, #tpu.memory_space<vmem_shared>> -> memref<640xf32, #tpu.memory_space<vmem_shared>>
        %dma_wait3A_154 = arith.constant 0 : i32
        %dma_wait3A_155 = tpu.memref_slice %arg19[%run_scoped3A_107, %dma_wait3A_154] : memref<16x10240xf32, #tpu.memory_space<vmem_shared>> -> memref<1x10240xf32, #tpu.memory_space<vmem_shared>>
        %dma_wait3A_156 = tpu.memref_squeeze %dma_wait3A_155 : memref<1x10240xf32, #tpu.memory_space<vmem_shared>> -> memref<10240xf32, #tpu.memory_space<vmem_shared>>
        %dma_wait3A_157 = tpu.memref_slice %dma_wait3A_156[%mul3A_32] : memref<10240xf32, #tpu.memory_space<vmem_shared>> -> memref<640xf32, #tpu.memory_space<vmem_shared>>
        tpu.wait_dma2 semaphore(%run_scoped3A_143 : memref<!tpu.dma_semaphore, #tpu.memory_space<semaphore_mem>>) src(%dma_wait3A_157 : memref<640xf32, #tpu.memory_space<vmem_shared>>) dst(%arg17 : memref<640xf32, #tpu.memory_space<vmem>>)
        tpu.yield
      }) : () -> ()
      %scan3A_108 = arith.constant 0 : i32
      %scan3A_109 = arith.constant 40 : i32
      %scan3A_110 = arith.addi %scan3A_108, %scan3A_109 : i32
      %scan3A_111 = arith.constant 1 : i32
      scf.for %scan3A_143 = %scan3A_108 to %scan3A_110 step %scan3A_111  : i32 {
        %mul3A_144 = arith.constant 1 : i32
        %mul3A_145 = arith.muli %scan3A_143, %mul3A_144 : i32
        %add3A_146 = arith.constant 0 : i32
        %add3A_147 = arith.addi %add3A_146, %mul3A_145 : i32
        %mul3A_148 = arith.constant 16 : i32
        %mul3A_149 = arith.muli %add3A_147, %mul3A_148 : i32
        %get3A = arith.index_cast %mul3A_149 : i32 to index
        %get3A_150 = tpu.vector_load %arg16[%get3A] {strides = array<i32>} : memref<640xf32, #tpu.memory_space<vmem>>, vector<16xf32>,
        %mul3A_151 = arith.constant 16 : i32
        %mul3A_152 = arith.muli %add3A_147, %mul3A_151 : i32
        %get3A_153 = arith.index_cast %mul3A_152 : i32 to index
        %get3A_154 = tpu.vector_load %arg17[%get3A_153] {strides = array<i32>} : memref<640xf32, #tpu.memory_space<vmem>>, vector<16xf32>,
        %add3A_155 = arith.addf %get3A_150, %get3A_154 : vector<16xf32>
        %mul3A_156 = arith.constant 16 : i32
        %mul3A_157 = arith.muli %add3A_147, %mul3A_156 : i32
        %swap3A = arith.index_cast %mul3A_157 : i32 to index
        %swap3A_158 = tpu.vector_load %arg16[%swap3A] {strides = array<i32>} : memref<640xf32, #tpu.memory_space<vmem>>, vector<16xf32>,
        tpu.vector_store %arg16[%swap3A], %add3A_155 {strides = array<i32>} : memref<640xf32, #tpu.memory_space<vmem>>, vector<16xf32>,
      }
      %scan3A_112 = arith.constant 40 : i32
      %run_scoped3A_113 = arith.constant 11 : i32
      "tpu.region"() ({
        %run_scoped3A_143 = tpu.sem_alloc : memref<!tpu.dma_semaphore, #tpu.memory_space<semaphore_mem>>
        %dma_start3A = arith.constant 0 : i32
        %dma_start3A_144 = tpu.memref_slice %arg19[%run_scoped3A_113, %dma_start3A] : memref<16x10240xf32, #tpu.memory_space<vmem_shared>> -> memref<1x10240xf32, #tpu.memory_space<vmem_shared>>
        %dma_start3A_145 = tpu.memref_squeeze %dma_start3A_144 : memref<1x10240xf32, #tpu.memory_space<vmem_shared>> -> memref<10240xf32, #tpu.memory_space<vmem_shared>>
        %dma_start3A_146 = tpu.memref_slice %dma_start3A_145[%mul3A_32] : memref<10240xf32, #tpu.memory_space<vmem_shared>> -> memref<640xf32, #tpu.memory_space<vmem_shared>>
        %dma_start3A_147 = arith.constant 0 : i32
        %dma_start3A_148 = tpu.memref_slice %arg19[%run_scoped3A_113, %dma_start3A_147] : memref<16x10240xf32, #tpu.memory_space<vmem_shared>> -> memref<1x10240xf32, #tpu.memory_space<vmem_shared>>
        %dma_start3A_149 = tpu.memref_squeeze %dma_start3A_148 : memref<1x10240xf32, #tpu.memory_space<vmem_shared>> -> memref<10240xf32, #tpu.memory_space<vmem_shared>>
        %dma_start3A_150 = tpu.memref_slice %dma_start3A_149[%mul3A_32] : memref<10240xf32, #tpu.memory_space<vmem_shared>> -> memref<640xf32, #tpu.memory_space<vmem_shared>>
        tpu.enqueue_dma source(%dma_start3A_150 : memref<640xf32, #tpu.memory_space<vmem_shared>>) target(%arg17 : memref<640xf32, #tpu.memory_space<vmem>>) target_semaphore(%run_scoped3A_143 : memref<!tpu.dma_semaphore, #tpu.memory_space<semaphore_mem>>)
        %dma_wait3A = arith.constant 0 : i32
        %dma_wait3A_151 = tpu.memref_slice %arg19[%run_scoped3A_113, %dma_wait3A] : memref<16x10240xf32, #tpu.memory_space<vmem_shared>> -> memref<1x10240xf32, #tpu.memory_space<vmem_shared>>
        %dma_wait3A_152 = tpu.memref_squeeze %dma_wait3A_151 : memref<1x10240xf32, #tpu.memory_space<vmem_shared>> -> memref<10240xf32, #tpu.memory_space<vmem_shared>>
        %dma_wait3A_153 = tpu.memref_slice %dma_wait3A_152[%mul3A_32] : memref<10240xf32, #tpu.memory_space<vmem_shared>> -> memref<640xf32, #tpu.memory_space<vmem_shared>>
        %dma_wait3A_154 = arith.constant 0 : i32
        %dma_wait3A_155 = tpu.memref_slice %arg19[%run_scoped3A_113, %dma_wait3A_154] : memref<16x10240xf32, #tpu.memory_space<vmem_shared>> -> memref<1x10240xf32, #tpu.memory_space<vmem_shared>>
        %dma_wait3A_156 = tpu.memref_squeeze %dma_wait3A_155 : memref<1x10240xf32, #tpu.memory_space<vmem_shared>> -> memref<10240xf32, #tpu.memory_space<vmem_shared>>
        %dma_wait3A_157 = tpu.memref_slice %dma_wait3A_156[%mul3A_32] : memref<10240xf32, #tpu.memory_space<vmem_shared>> -> memref<640xf32, #tpu.memory_space<vmem_shared>>
        tpu.wait_dma2 semaphore(%run_scoped3A_143 : memref<!tpu.dma_semaphore, #tpu.memory_space<semaphore_mem>>) src(%dma_wait3A_157 : memref<640xf32, #tpu.memory_space<vmem_shared>>) dst(%arg17 : memref<640xf32, #tpu.memory_space<vmem>>)
        tpu.yield
      }) : () -> ()
      %scan3A_114 = arith.constant 0 : i32
      %scan3A_115 = arith.constant 40 : i32
      %scan3A_116 = arith.addi %scan3A_114, %scan3A_115 : i32
      %scan3A_117 = arith.constant 1 : i32
      scf.for %scan3A_143 = %scan3A_114 to %scan3A_116 step %scan3A_117  : i32 {
        %mul3A_144 = arith.constant 1 : i32
        %mul3A_145 = arith.muli %scan3A_143, %mul3A_144 : i32
        %add3A_146 = arith.constant 0 : i32
        %add3A_147 = arith.addi %add3A_146, %mul3A_145 : i32
        %mul3A_148 = arith.constant 16 : i32
        %mul3A_149 = arith.muli %add3A_147, %mul3A_148 : i32
        %get3A = arith.index_cast %mul3A_149 : i32 to index
        %get3A_150 = tpu.vector_load %arg16[%get3A] {strides = array<i32>} : memref<640xf32, #tpu.memory_space<vmem>>, vector<16xf32>,
        %mul3A_151 = arith.constant 16 : i32
        %mul3A_152 = arith.muli %add3A_147, %mul3A_151 : i32
        %get3A_153 = arith.index_cast %mul3A_152 : i32 to index
        %get3A_154 = tpu.vector_load %arg17[%get3A_153] {strides = array<i32>} : memref<640xf32, #tpu.memory_space<vmem>>, vector<16xf32>,
        %add3A_155 = arith.addf %get3A_150, %get3A_154 : vector<16xf32>
        %mul3A_156 = arith.constant 16 : i32
        %mul3A_157 = arith.muli %add3A_147, %mul3A_156 : i32
        %swap3A = arith.index_cast %mul3A_157 : i32 to index
        %swap3A_158 = tpu.vector_load %arg16[%swap3A] {strides = array<i32>} : memref<640xf32, #tpu.memory_space<vmem>>, vector<16xf32>,
        tpu.vector_store %arg16[%swap3A], %add3A_155 {strides = array<i32>} : memref<640xf32, #tpu.memory_space<vmem>>, vector<16xf32>,
      }
      %scan3A_118 = arith.constant 40 : i32
      %run_scoped3A_119 = arith.constant 12 : i32
      "tpu.region"() ({
        %run_scoped3A_143 = tpu.sem_alloc : memref<!tpu.dma_semaphore, #tpu.memory_space<semaphore_mem>>
        %dma_start3A = arith.constant 0 : i32
        %dma_start3A_144 = tpu.memref_slice %arg19[%run_scoped3A_119, %dma_start3A] : memref<16x10240xf32, #tpu.memory_space<vmem_shared>> -> memref<1x10240xf32, #tpu.memory_space<vmem_shared>>
        %dma_start3A_145 = tpu.memref_squeeze %dma_start3A_144 : memref<1x10240xf32, #tpu.memory_space<vmem_shared>> -> memref<10240xf32, #tpu.memory_space<vmem_shared>>
        %dma_start3A_146 = tpu.memref_slice %dma_start3A_145[%mul3A_32] : memref<10240xf32, #tpu.memory_space<vmem_shared>> -> memref<640xf32, #tpu.memory_space<vmem_shared>>
        %dma_start3A_147 = arith.constant 0 : i32
        %dma_start3A_148 = tpu.memref_slice %arg19[%run_scoped3A_119, %dma_start3A_147] : memref<16x10240xf32, #tpu.memory_space<vmem_shared>> -> memref<1x10240xf32, #tpu.memory_space<vmem_shared>>
        %dma_start3A_149 = tpu.memref_squeeze %dma_start3A_148 : memref<1x10240xf32, #tpu.memory_space<vmem_shared>> -> memref<10240xf32, #tpu.memory_space<vmem_shared>>
        %dma_start3A_150 = tpu.memref_slice %dma_start3A_149[%mul3A_32] : memref<10240xf32, #tpu.memory_space<vmem_shared>> -> memref<640xf32, #tpu.memory_space<vmem_shared>>
        tpu.enqueue_dma source(%dma_start3A_150 : memref<640xf32, #tpu.memory_space<vmem_shared>>) target(%arg17 : memref<640xf32, #tpu.memory_space<vmem>>) target_semaphore(%run_scoped3A_143 : memref<!tpu.dma_semaphore, #tpu.memory_space<semaphore_mem>>)
        %dma_wait3A = arith.constant 0 : i32
        %dma_wait3A_151 = tpu.memref_slice %arg19[%run_scoped3A_119, %dma_wait3A] : memref<16x10240xf32, #tpu.memory_space<vmem_shared>> -> memref<1x10240xf32, #tpu.memory_space<vmem_shared>>
        %dma_wait3A_152 = tpu.memref_squeeze %dma_wait3A_151 : memref<1x10240xf32, #tpu.memory_space<vmem_shared>> -> memref<10240xf32, #tpu.memory_space<vmem_shared>>
        %dma_wait3A_153 = tpu.memref_slice %dma_wait3A_152[%mul3A_32] : memref<10240xf32, #tpu.memory_space<vmem_shared>> -> memref<640xf32, #tpu.memory_space<vmem_shared>>
        %dma_wait3A_154 = arith.constant 0 : i32
        %dma_wait3A_155 = tpu.memref_slice %arg19[%run_scoped3A_119, %dma_wait3A_154] : memref<16x10240xf32, #tpu.memory_space<vmem_shared>> -> memref<1x10240xf32, #tpu.memory_space<vmem_shared>>
        %dma_wait3A_156 = tpu.memref_squeeze %dma_wait3A_155 : memref<1x10240xf32, #tpu.memory_space<vmem_shared>> -> memref<10240xf32, #tpu.memory_space<vmem_shared>>
        %dma_wait3A_157 = tpu.memref_slice %dma_wait3A_156[%mul3A_32] : memref<10240xf32, #tpu.memory_space<vmem_shared>> -> memref<640xf32, #tpu.memory_space<vmem_shared>>
        tpu.wait_dma2 semaphore(%run_scoped3A_143 : memref<!tpu.dma_semaphore, #tpu.memory_space<semaphore_mem>>) src(%dma_wait3A_157 : memref<640xf32, #tpu.memory_space<vmem_shared>>) dst(%arg17 : memref<640xf32, #tpu.memory_space<vmem>>)
        tpu.yield
      }) : () -> ()
      %scan3A_120 = arith.constant 0 : i32
      %scan3A_121 = arith.constant 40 : i32
      %scan3A_122 = arith.addi %scan3A_120, %scan3A_121 : i32
      %scan3A_123 = arith.constant 1 : i32
      scf.for %scan3A_143 = %scan3A_120 to %scan3A_122 step %scan3A_123  : i32 {
        %mul3A_144 = arith.constant 1 : i32
        %mul3A_145 = arith.muli %scan3A_143, %mul3A_144 : i32
        %add3A_146 = arith.constant 0 : i32
        %add3A_147 = arith.addi %add3A_146, %mul3A_145 : i32
        %mul3A_148 = arith.constant 16 : i32
        %mul3A_149 = arith.muli %add3A_147, %mul3A_148 : i32
        %get3A = arith.index_cast %mul3A_149 : i32 to index
        %get3A_150 = tpu.vector_load %arg16[%get3A] {strides = array<i32>} : memref<640xf32, #tpu.memory_space<vmem>>, vector<16xf32>,
        %mul3A_151 = arith.constant 16 : i32
        %mul3A_152 = arith.muli %add3A_147, %mul3A_151 : i32
        %get3A_153 = arith.index_cast %mul3A_152 : i32 to index
        %get3A_154 = tpu.vector_load %arg17[%get3A_153] {strides = array<i32>} : memref<640xf32, #tpu.memory_space<vmem>>, vector<16xf32>,
        %add3A_155 = arith.addf %get3A_150, %get3A_154 : vector<16xf32>
        %mul3A_156 = arith.constant 16 : i32
        %mul3A_157 = arith.muli %add3A_147, %mul3A_156 : i32
        %swap3A = arith.index_cast %mul3A_157 : i32 to index
        %swap3A_158 = tpu.vector_load %arg16[%swap3A] {strides = array<i32>} : memref<640xf32, #tpu.memory_space<vmem>>, vector<16xf32>,
        tpu.vector_store %arg16[%swap3A], %add3A_155 {strides = array<i32>} : memref<640xf32, #tpu.memory_space<vmem>>, vector<16xf32>,
      }
      %scan3A_124 = arith.constant 40 : i32
      %run_scoped3A_125 = arith.constant 13 : i32
      "tpu.region"() ({
        %run_scoped3A_143 = tpu.sem_alloc : memref<!tpu.dma_semaphore, #tpu.memory_space<semaphore_mem>>
        %dma_start3A = arith.constant 0 : i32
        %dma_start3A_144 = tpu.memref_slice %arg19[%run_scoped3A_125, %dma_start3A] : memref<16x10240xf32, #tpu.memory_space<vmem_shared>> -> memref<1x10240xf32, #tpu.memory_space<vmem_shared>>
        %dma_start3A_145 = tpu.memref_squeeze %dma_start3A_144 : memref<1x10240xf32, #tpu.memory_space<vmem_shared>> -> memref<10240xf32, #tpu.memory_space<vmem_shared>>
        %dma_start3A_146 = tpu.memref_slice %dma_start3A_145[%mul3A_32] : memref<10240xf32, #tpu.memory_space<vmem_shared>> -> memref<640xf32, #tpu.memory_space<vmem_shared>>
        %dma_start3A_147 = arith.constant 0 : i32
        %dma_start3A_148 = tpu.memref_slice %arg19[%run_scoped3A_125, %dma_start3A_147] : memref<16x10240xf32, #tpu.memory_space<vmem_shared>> -> memref<1x10240xf32, #tpu.memory_space<vmem_shared>>
        %dma_start3A_149 = tpu.memref_squeeze %dma_start3A_148 : memref<1x10240xf32, #tpu.memory_space<vmem_shared>> -> memref<10240xf32, #tpu.memory_space<vmem_shared>>
        %dma_start3A_150 = tpu.memref_slice %dma_start3A_149[%mul3A_32] : memref<10240xf32, #tpu.memory_space<vmem_shared>> -> memref<640xf32, #tpu.memory_space<vmem_shared>>
        tpu.enqueue_dma source(%dma_start3A_150 : memref<640xf32, #tpu.memory_space<vmem_shared>>) target(%arg17 : memref<640xf32, #tpu.memory_space<vmem>>) target_semaphore(%run_scoped3A_143 : memref<!tpu.dma_semaphore, #tpu.memory_space<semaphore_mem>>)
        %dma_wait3A = arith.constant 0 : i32
        %dma_wait3A_151 = tpu.memref_slice %arg19[%run_scoped3A_125, %dma_wait3A] : memref<16x10240xf32, #tpu.memory_space<vmem_shared>> -> memref<1x10240xf32, #tpu.memory_space<vmem_shared>>
        %dma_wait3A_152 = tpu.memref_squeeze %dma_wait3A_151 : memref<1x10240xf32, #tpu.memory_space<vmem_shared>> -> memref<10240xf32, #tpu.memory_space<vmem_shared>>
        %dma_wait3A_153 = tpu.memref_slice %dma_wait3A_152[%mul3A_32] : memref<10240xf32, #tpu.memory_space<vmem_shared>> -> memref<640xf32, #tpu.memory_space<vmem_shared>>
        %dma_wait3A_154 = arith.constant 0 : i32
        %dma_wait3A_155 = tpu.memref_slice %arg19[%run_scoped3A_125, %dma_wait3A_154] : memref<16x10240xf32, #tpu.memory_space<vmem_shared>> -> memref<1x10240xf32, #tpu.memory_space<vmem_shared>>
        %dma_wait3A_156 = tpu.memref_squeeze %dma_wait3A_155 : memref<1x10240xf32, #tpu.memory_space<vmem_shared>> -> memref<10240xf32, #tpu.memory_space<vmem_shared>>
        %dma_wait3A_157 = tpu.memref_slice %dma_wait3A_156[%mul3A_32] : memref<10240xf32, #tpu.memory_space<vmem_shared>> -> memref<640xf32, #tpu.memory_space<vmem_shared>>
        tpu.wait_dma2 semaphore(%run_scoped3A_143 : memref<!tpu.dma_semaphore, #tpu.memory_space<semaphore_mem>>) src(%dma_wait3A_157 : memref<640xf32, #tpu.memory_space<vmem_shared>>) dst(%arg17 : memref<640xf32, #tpu.memory_space<vmem>>)
        tpu.yield
      }) : () -> ()
      %scan3A_126 = arith.constant 0 : i32
      %scan3A_127 = arith.constant 40 : i32
      %scan3A_128 = arith.addi %scan3A_126, %scan3A_127 : i32
      %scan3A_129 = arith.constant 1 : i32
      scf.for %scan3A_143 = %scan3A_126 to %scan3A_128 step %scan3A_129  : i32 {
        %mul3A_144 = arith.constant 1 : i32
        %mul3A_145 = arith.muli %scan3A_143, %mul3A_144 : i32
        %add3A_146 = arith.constant 0 : i32
        %add3A_147 = arith.addi %add3A_146, %mul3A_145 : i32
        %mul3A_148 = arith.constant 16 : i32
        %mul3A_149 = arith.muli %add3A_147, %mul3A_148 : i32
        %get3A = arith.index_cast %mul3A_149 : i32 to index
        %get3A_150 = tpu.vector_load %arg16[%get3A] {strides = array<i32>} : memref<640xf32, #tpu.memory_space<vmem>>, vector<16xf32>,
        %mul3A_151 = arith.constant 16 : i32
        %mul3A_152 = arith.muli %add3A_147, %mul3A_151 : i32
        %get3A_153 = arith.index_cast %mul3A_152 : i32 to index
        %get3A_154 = tpu.vector_load %arg17[%get3A_153] {strides = array<i32>} : memref<640xf32, #tpu.memory_space<vmem>>, vector<16xf32>,
        %add3A_155 = arith.addf %get3A_150, %get3A_154 : vector<16xf32>
        %mul3A_156 = arith.constant 16 : i32
        %mul3A_157 = arith.muli %add3A_147, %mul3A_156 : i32
        %swap3A = arith.index_cast %mul3A_157 : i32 to index
        %swap3A_158 = tpu.vector_load %arg16[%swap3A] {strides = array<i32>} : memref<640xf32, #tpu.memory_space<vmem>>, vector<16xf32>,
        tpu.vector_store %arg16[%swap3A], %add3A_155 {strides = array<i32>} : memref<640xf32, #tpu.memory_space<vmem>>, vector<16xf32>,
      }
      %scan3A_130 = arith.constant 40 : i32
      %run_scoped3A_131 = arith.constant 14 : i32
      "tpu.region"() ({
        %run_scoped3A_143 = tpu.sem_alloc : memref<!tpu.dma_semaphore, #tpu.memory_space<semaphore_mem>>
        %dma_start3A = arith.constant 0 : i32
        %dma_start3A_144 = tpu.memref_slice %arg19[%run_scoped3A_131, %dma_start3A] : memref<16x10240xf32, #tpu.memory_space<vmem_shared>> -> memref<1x10240xf32, #tpu.memory_space<vmem_shared>>
        %dma_start3A_145 = tpu.memref_squeeze %dma_start3A_144 : memref<1x10240xf32, #tpu.memory_space<vmem_shared>> -> memref<10240xf32, #tpu.memory_space<vmem_shared>>
        %dma_start3A_146 = tpu.memref_slice %dma_start3A_145[%mul3A_32] : memref<10240xf32, #tpu.memory_space<vmem_shared>> -> memref<640xf32, #tpu.memory_space<vmem_shared>>
        %dma_start3A_147 = arith.constant 0 : i32
        %dma_start3A_148 = tpu.memref_slice %arg19[%run_scoped3A_131, %dma_start3A_147] : memref<16x10240xf32, #tpu.memory_space<vmem_shared>> -> memref<1x10240xf32, #tpu.memory_space<vmem_shared>>
        %dma_start3A_149 = tpu.memref_squeeze %dma_start3A_148 : memref<1x10240xf32, #tpu.memory_space<vmem_shared>> -> memref<10240xf32, #tpu.memory_space<vmem_shared>>
        %dma_start3A_150 = tpu.memref_slice %dma_start3A_149[%mul3A_32] : memref<10240xf32, #tpu.memory_space<vmem_shared>> -> memref<640xf32, #tpu.memory_space<vmem_shared>>
        tpu.enqueue_dma source(%dma_start3A_150 : memref<640xf32, #tpu.memory_space<vmem_shared>>) target(%arg17 : memref<640xf32, #tpu.memory_space<vmem>>) target_semaphore(%run_scoped3A_143 : memref<!tpu.dma_semaphore, #tpu.memory_space<semaphore_mem>>)
        %dma_wait3A = arith.constant 0 : i32
        %dma_wait3A_151 = tpu.memref_slice %arg19[%run_scoped3A_131, %dma_wait3A] : memref<16x10240xf32, #tpu.memory_space<vmem_shared>> -> memref<1x10240xf32, #tpu.memory_space<vmem_shared>>
        %dma_wait3A_152 = tpu.memref_squeeze %dma_wait3A_151 : memref<1x10240xf32, #tpu.memory_space<vmem_shared>> -> memref<10240xf32, #tpu.memory_space<vmem_shared>>
        %dma_wait3A_153 = tpu.memref_slice %dma_wait3A_152[%mul3A_32] : memref<10240xf32, #tpu.memory_space<vmem_shared>> -> memref<640xf32, #tpu.memory_space<vmem_shared>>
        %dma_wait3A_154 = arith.constant 0 : i32
        %dma_wait3A_155 = tpu.memref_slice %arg19[%run_scoped3A_131, %dma_wait3A_154] : memref<16x10240xf32, #tpu.memory_space<vmem_shared>> -> memref<1x10240xf32, #tpu.memory_space<vmem_shared>>
        %dma_wait3A_156 = tpu.memref_squeeze %dma_wait3A_155 : memref<1x10240xf32, #tpu.memory_space<vmem_shared>> -> memref<10240xf32, #tpu.memory_space<vmem_shared>>
        %dma_wait3A_157 = tpu.memref_slice %dma_wait3A_156[%mul3A_32] : memref<10240xf32, #tpu.memory_space<vmem_shared>> -> memref<640xf32, #tpu.memory_space<vmem_shared>>
        tpu.wait_dma2 semaphore(%run_scoped3A_143 : memref<!tpu.dma_semaphore, #tpu.memory_space<semaphore_mem>>) src(%dma_wait3A_157 : memref<640xf32, #tpu.memory_space<vmem_shared>>) dst(%arg17 : memref<640xf32, #tpu.memory_space<vmem>>)
        tpu.yield
      }) : () -> ()
      %scan3A_132 = arith.constant 0 : i32
      %scan3A_133 = arith.constant 40 : i32
      %scan3A_134 = arith.addi %scan3A_132, %scan3A_133 : i32
      %scan3A_135 = arith.constant 1 : i32
      scf.for %scan3A_143 = %scan3A_132 to %scan3A_134 step %scan3A_135  : i32 {
        %mul3A_144 = arith.constant 1 : i32
        %mul3A_145 = arith.muli %scan3A_143, %mul3A_144 : i32
        %add3A_146 = arith.constant 0 : i32
        %add3A_147 = arith.addi %add3A_146, %mul3A_145 : i32
        %mul3A_148 = arith.constant 16 : i32
        %mul3A_149 = arith.muli %add3A_147, %mul3A_148 : i32
        %get3A = arith.index_cast %mul3A_149 : i32 to index
        %get3A_150 = tpu.vector_load %arg16[%get3A] {strides = array<i32>} : memref<640xf32, #tpu.memory_space<vmem>>, vector<16xf32>,
        %mul3A_151 = arith.constant 16 : i32
        %mul3A_152 = arith.muli %add3A_147, %mul3A_151 : i32
        %get3A_153 = arith.index_cast %mul3A_152 : i32 to index
        %get3A_154 = tpu.vector_load %arg17[%get3A_153] {strides = array<i32>} : memref<640xf32, #tpu.memory_space<vmem>>, vector<16xf32>,
        %add3A_155 = arith.addf %get3A_150, %get3A_154 : vector<16xf32>
        %mul3A_156 = arith.constant 16 : i32
        %mul3A_157 = arith.muli %add3A_147, %mul3A_156 : i32
        %swap3A = arith.index_cast %mul3A_157 : i32 to index
        %swap3A_158 = tpu.vector_load %arg16[%swap3A] {strides = array<i32>} : memref<640xf32, #tpu.memory_space<vmem>>, vector<16xf32>,
        tpu.vector_store %arg16[%swap3A], %add3A_155 {strides = array<i32>} : memref<640xf32, #tpu.memory_space<vmem>>, vector<16xf32>,
      }
      %scan3A_136 = arith.constant 40 : i32
      %run_scoped3A_137 = arith.constant 15 : i32
      "tpu.region"() ({
        %run_scoped3A_143 = tpu.sem_alloc : memref<!tpu.dma_semaphore, #tpu.memory_space<semaphore_mem>>
        %dma_start3A = arith.constant 0 : i32
        %dma_start3A_144 = tpu.memref_slice %arg19[%run_scoped3A_137, %dma_start3A] : memref<16x10240xf32, #tpu.memory_space<vmem_shared>> -> memref<1x10240xf32, #tpu.memory_space<vmem_shared>>
        %dma_start3A_145 = tpu.memref_squeeze %dma_start3A_144 : memref<1x10240xf32, #tpu.memory_space<vmem_shared>> -> memref<10240xf32, #tpu.memory_space<vmem_shared>>
        %dma_start3A_146 = tpu.memref_slice %dma_start3A_145[%mul3A_32] : memref<10240xf32, #tpu.memory_space<vmem_shared>> -> memref<640xf32, #tpu.memory_space<vmem_shared>>
        %dma_start3A_147 = arith.constant 0 : i32
        %dma_start3A_148 = tpu.memref_slice %arg19[%run_scoped3A_137, %dma_start3A_147] : memref<16x10240xf32, #tpu.memory_space<vmem_shared>> -> memref<1x10240xf32, #tpu.memory_space<vmem_shared>>
        %dma_start3A_149 = tpu.memref_squeeze %dma_start3A_148 : memref<1x10240xf32, #tpu.memory_space<vmem_shared>> -> memref<10240xf32, #tpu.memory_space<vmem_shared>>
        %dma_start3A_150 = tpu.memref_slice %dma_start3A_149[%mul3A_32] : memref<10240xf32, #tpu.memory_space<vmem_shared>> -> memref<640xf32, #tpu.memory_space<vmem_shared>>
        tpu.enqueue_dma source(%dma_start3A_150 : memref<640xf32, #tpu.memory_space<vmem_shared>>) target(%arg17 : memref<640xf32, #tpu.memory_space<vmem>>) target_semaphore(%run_scoped3A_143 : memref<!tpu.dma_semaphore, #tpu.memory_space<semaphore_mem>>)
        %dma_wait3A = arith.constant 0 : i32
        %dma_wait3A_151 = tpu.memref_slice %arg19[%run_scoped3A_137, %dma_wait3A] : memref<16x10240xf32, #tpu.memory_space<vmem_shared>> -> memref<1x10240xf32, #tpu.memory_space<vmem_shared>>
        %dma_wait3A_152 = tpu.memref_squeeze %dma_wait3A_151 : memref<1x10240xf32, #tpu.memory_space<vmem_shared>> -> memref<10240xf32, #tpu.memory_space<vmem_shared>>
        %dma_wait3A_153 = tpu.memref_slice %dma_wait3A_152[%mul3A_32] : memref<10240xf32, #tpu.memory_space<vmem_shared>> -> memref<640xf32, #tpu.memory_space<vmem_shared>>
        %dma_wait3A_154 = arith.constant 0 : i32
        %dma_wait3A_155 = tpu.memref_slice %arg19[%run_scoped3A_137, %dma_wait3A_154] : memref<16x10240xf32, #tpu.memory_space<vmem_shared>> -> memref<1x10240xf32, #tpu.memory_space<vmem_shared>>
        %dma_wait3A_156 = tpu.memref_squeeze %dma_wait3A_155 : memref<1x10240xf32, #tpu.memory_space<vmem_shared>> -> memref<10240xf32, #tpu.memory_space<vmem_shared>>
        %dma_wait3A_157 = tpu.memref_slice %dma_wait3A_156[%mul3A_32] : memref<10240xf32, #tpu.memory_space<vmem_shared>> -> memref<640xf32, #tpu.memory_space<vmem_shared>>
        tpu.wait_dma2 semaphore(%run_scoped3A_143 : memref<!tpu.dma_semaphore, #tpu.memory_space<semaphore_mem>>) src(%dma_wait3A_157 : memref<640xf32, #tpu.memory_space<vmem_shared>>) dst(%arg17 : memref<640xf32, #tpu.memory_space<vmem>>)
        tpu.yield
      }) : () -> ()
      %scan3A_138 = arith.constant 0 : i32
      %scan3A_139 = arith.constant 40 : i32
      %scan3A_140 = arith.addi %scan3A_138, %scan3A_139 : i32
      %scan3A_141 = arith.constant 1 : i32
      scf.for %scan3A_143 = %scan3A_138 to %scan3A_140 step %scan3A_141  : i32 {
        %mul3A_144 = arith.constant 1 : i32
        %mul3A_145 = arith.muli %scan3A_143, %mul3A_144 : i32
        %add3A_146 = arith.constant 0 : i32
        %add3A_147 = arith.addi %add3A_146, %mul3A_145 : i32
        %mul3A_148 = arith.constant 16 : i32
        %mul3A_149 = arith.muli %add3A_147, %mul3A_148 : i32
        %get3A = arith.index_cast %mul3A_149 : i32 to index
        %get3A_150 = tpu.vector_load %arg16[%get3A] {strides = array<i32>} : memref<640xf32, #tpu.memory_space<vmem>>, vector<16xf32>,
        %mul3A_151 = arith.constant 16 : i32
        %mul3A_152 = arith.muli %add3A_147, %mul3A_151 : i32
        %get3A_153 = arith.index_cast %mul3A_152 : i32 to index
        %get3A_154 = tpu.vector_load %arg17[%get3A_153] {strides = array<i32>} : memref<640xf32, #tpu.memory_space<vmem>>, vector<16xf32>,
        %add3A_155 = arith.addf %get3A_150, %get3A_154 : vector<16xf32>
        %mul3A_156 = arith.constant 16 : i32
        %mul3A_157 = arith.muli %add3A_147, %mul3A_156 : i32
        %swap3A = arith.index_cast %mul3A_157 : i32 to index
        %swap3A_158 = tpu.vector_load %arg16[%swap3A] {strides = array<i32>} : memref<640xf32, #tpu.memory_space<vmem>>, vector<16xf32>,
        tpu.vector_store %arg16[%swap3A], %add3A_155 {strides = array<i32>} : memref<640xf32, #tpu.memory_space<vmem>>, vector<16xf32>,
      }
      %scan3A_142 = arith.constant 40 : i32
    } else {
    }
    %eq3A_44 = arith.constant 0 : i32
    %eq3A_45 = arith.cmpi eq, %arg0, %eq3A_44 : i32
    %convert_element_type3A_46 = arith.extui %eq3A_45 : i1 to i32
    %cond3A_47 = arith.constant 0 : i32
    %cond3A_48 = arith.cmpi ne, %convert_element_type3A_46, %cond3A_47 : i32
    scf.if %cond3A_48 {
      %scan3A = arith.constant 0 : i32
      %scan3A_49 = arith.constant 40 : i32
      %scan3A_50 = arith.addi %scan3A, %scan3A_49 : i32
      %scan3A_51 = arith.constant 1 : i32
      scf.for %scan3A_55 = %scan3A to %scan3A_50 step %scan3A_51  : i32 {
        %mul3A_56 = arith.constant 1 : i32
        %mul3A_57 = arith.muli %scan3A_55, %mul3A_56 : i32
        %add3A_58 = arith.constant 0 : i32
        %add3A_59 = arith.addi %add3A_58, %mul3A_57 : i32
        %mul3A_60 = arith.constant 16 : i32
        %mul3A_61 = arith.muli %add3A_59, %mul3A_60 : i32
        %get3A = arith.index_cast %mul3A_61 : i32 to index
        %get3A_62 = tpu.vector_load %arg16[%get3A] {strides = array<i32>} : memref<640xf32, #tpu.memory_space<vmem>>, vector<16xf32>,
        %max3A = arith.constant 1.000000e+00 : f32
        %max3A_63 = vector.broadcast %max3A : f32 to vector<16xf32>
        %max3A_64 = arith.maximumf %get3A_62, %max3A_63 : vector<16xf32>
        %div3A = arith.constant 1.000000e+00 : f32
        %div3A_65 = vector.broadcast %div3A : f32 to vector<16xf32>
        %div3A_66 = arith.divf %div3A_65, %max3A_64 : vector<16xf32>
        %mul3A_67 = arith.constant 16 : i32
        %mul3A_68 = arith.muli %add3A_59, %mul3A_67 : i32
        %swap3A = arith.index_cast %mul3A_68 : i32 to index
        %swap3A_69 = tpu.vector_load %arg16[%swap3A] {strides = array<i32>} : memref<640xf32, #tpu.memory_space<vmem>>, vector<16xf32>,
        tpu.vector_store %arg16[%swap3A], %div3A_66 {strides = array<i32>} : memref<640xf32, #tpu.memory_space<vmem>>, vector<16xf32>,
      }
      %scan3A_52 = arith.constant 40 : i32
      %mul3A_53 = arith.constant 640 : i32
      %mul3A_54 = arith.muli %arg1, %mul3A_53 : i32
      "tpu.region"() ({
        %run_scoped3A = tpu.sem_alloc : memref<!tpu.dma_semaphore, #tpu.memory_space<semaphore_mem>>
        %dma_start3A = tpu.memref_slice %arg9[%mul3A_54] : memref<10240xf32, #tpu.memory_space<hbm>> -> memref<640xf32, #tpu.memory_space<hbm>>
        %dma_start3A_55 = tpu.memref_slice %arg9[%mul3A_54] : memref<10240xf32, #tpu.memory_space<hbm>> -> memref<640xf32, #tpu.memory_space<hbm>>
        tpu.enqueue_dma source(%arg16 : memref<640xf32, #tpu.memory_space<vmem>>) target(%dma_start3A_55 : memref<640xf32, #tpu.memory_space<hbm>>) target_semaphore(%run_scoped3A : memref<!tpu.dma_semaphore, #tpu.memory_space<semaphore_mem>>)
        %dma_wait3A = tpu.memref_slice %arg9[%mul3A_54] : memref<10240xf32, #tpu.memory_space<hbm>> -> memref<640xf32, #tpu.memory_space<hbm>>
        %dma_wait3A_56 = tpu.memref_slice %arg9[%mul3A_54] : memref<10240xf32, #tpu.memory_space<hbm>> -> memref<640xf32, #tpu.memory_space<hbm>>
        tpu.wait_dma2 semaphore(%run_scoped3A : memref<!tpu.dma_semaphore, #tpu.memory_space<semaphore_mem>>) src(%arg16 : memref<640xf32, #tpu.memory_space<vmem>>) dst(%dma_wait3A_56 : memref<640xf32, #tpu.memory_space<hbm>>)
        tpu.yield
      }) : () -> ()
    } else {
    }
    return
  }
}

#map = affine_map<(d0, d1) -> (0, 0)>
#map1 = affine_map<(d0, d1) -> (0)>
#map2 = affine_map<(d0, d1) -> (0, 0, 0)>
module attributes {stable_mosaic.version = 14 : i64} {
  func.func @body(%arg0: i32, %arg1: i32, %arg2: memref<10000x64xf32, #tpu.memory_space<hbm>>, %arg3: memref<10000x64xf32, #tpu.memory_space<hbm>>, %arg4: memref<2500x128xi32, #tpu.memory_space<hbm>>, %arg5: memref<2500x128xi32, #tpu.memory_space<hbm>>, %arg6: memref<632x64xf32, #tpu.memory_space<hbm>>, %arg7: memref<10240xf32, #tpu.memory_space<hbm>>, %arg8: memref<2x10112x64xf32, #tpu.memory_space<hbm>>, %arg9: memref<10240xf32, #tpu.memory_space<hbm>>, %arg10: memref<157x128xi32, #tpu.memory_space<vmem>>, %arg11: memref<157x128xi32, #tpu.memory_space<vmem>>, %arg12: memref<128x64xf32, #tpu.memory_space<vmem>>, %arg13: memref<128x64xf32, #tpu.memory_space<vmem>>, %arg14: memref<10240xf32, #tpu.memory_space<vmem>>, %arg15: memref<10240xf32, #tpu.memory_space<vmem>>, %arg16: memref<640xf32, #tpu.memory_space<vmem>>, %arg17: memref<640xf32, #tpu.memory_space<vmem>>, %arg18: memref<10112x64xf32, #tpu.memory_space<vmem_shared>>, %arg19: memref<16x10240xf32, #tpu.memory_space<vmem_shared>>, %arg20: memref<!tpu.dma_semaphore, #tpu.memory_space<semaphore_mem>>, %arg21: memref<!tpu.dma_semaphore, #tpu.memory_space<semaphore_mem>>, %arg22: memref<!tpu.dma_semaphore, #tpu.memory_space<semaphore_mem>>, %arg23: memref<!tpu.dma_semaphore, #tpu.memory_space<semaphore_mem>>) attributes {dimension_semantics = [#tpu.dimension_semantics<core_parallel>, #tpu.dimension_semantics<subcore_parallel>], iteration_bounds = array<i64: 2, 16>, scalar_prefetch = 0 : i64, scratch_operands = 14 : i64, tpu.core_type = #tpu.core_type<sc_vector_subcore>, window_params = [{transform_indices = #map}, {transform_indices = #map}, {transform_indices = #map}, {transform_indices = #map}, {transform_indices = #map}, {transform_indices = #map1}, {transform_indices = #map2}, {transform_indices = #map1}]} {
    %mul3A = arith.constant 632 : i32
    %mul3A_0 = arith.muli %arg1, %mul3A : i32
    %broadcast_in_dim3A = arith.constant 0.000000e+00 : f32
    %broadcast_in_dim3A_1 = vector.broadcast %broadcast_in_dim3A : f32 to vector<16xf32>
    %broadcast_in_dim3A_2 = arith.constant 1.000000e+00 : f32
    %broadcast_in_dim3A_3 = vector.broadcast %broadcast_in_dim3A_2 : f32 to vector<16xf32>
    %mul3A_4 = arith.constant 156 : i32
    %mul3A_5 = arith.muli %arg1, %mul3A_4 : i32
    %min3A = arith.constant 4 : i32
    %min3A_6 = arith.minsi %arg1, %min3A : i32
    %add3A = arith.addi %mul3A_5, %min3A_6 : i32
    %lt3A = arith.constant 4 : i32
    %lt3A_7 = arith.cmpi slt, %arg1, %lt3A : i32
    %jit3A = arith.constant 157 : i32
    %jit3A_8 = arith.constant 156 : i32
    %select_n3A = arith.select %lt3A_7, %jit3A, %jit3A_8 : i32
    %lt3A_9 = arith.constant 4 : i32
    %lt3A_10 = arith.cmpi slt, %arg1, %lt3A_9 : i32
    %convert_element_type3A = arith.extui %lt3A_10 : i1 to i32
    %cond3A = arith.constant 0 : i32
    %cond3A_11 = arith.cmpi ne, %convert_element_type3A, %cond3A : i32
    scf.if %cond3A_11 {
      "tpu.region"() ({
        %run_scoped3A = tpu.sem_alloc : memref<!tpu.dma_semaphore, #tpu.memory_space<semaphore_mem>>
        %dma_start3A = arith.constant 0 : i32
        %dma_start3A_49 = tpu.memref_slice %arg4[%add3A, %dma_start3A] : memref<2500x128xi32, #tpu.memory_space<hbm>> -> memref<157x128xi32, #tpu.memory_space<hbm>>
        %dma_start3A_50 = arith.constant 0 : i32
        %dma_start3A_51 = tpu.memref_slice %arg4[%add3A, %dma_start3A_50] : memref<2500x128xi32, #tpu.memory_space<hbm>> -> memref<157x128xi32, #tpu.memory_space<hbm>>
        tpu.enqueue_dma source(%dma_start3A_51 : memref<157x128xi32, #tpu.memory_space<hbm>>) target(%arg10 : memref<157x128xi32, #tpu.memory_space<vmem>>) target_semaphore(%run_scoped3A : memref<!tpu.dma_semaphore, #tpu.memory_space<semaphore_mem>>)
        %dma_wait3A = arith.constant 0 : i32
        %dma_wait3A_52 = tpu.memref_slice %arg4[%add3A, %dma_wait3A] : memref<2500x128xi32, #tpu.memory_space<hbm>> -> memref<157x128xi32, #tpu.memory_space<hbm>>
        %dma_wait3A_53 = arith.constant 0 : i32
        %dma_wait3A_54 = tpu.memref_slice %arg4[%add3A, %dma_wait3A_53] : memref<2500x128xi32, #tpu.memory_space<hbm>> -> memref<157x128xi32, #tpu.memory_space<hbm>>
        tpu.wait_dma2 semaphore(%run_scoped3A : memref<!tpu.dma_semaphore, #tpu.memory_space<semaphore_mem>>) src(%dma_wait3A_54 : memref<157x128xi32, #tpu.memory_space<hbm>>) dst(%arg10 : memref<157x128xi32, #tpu.memory_space<vmem>>)
        tpu.yield
      }) : () -> ()
      "tpu.region"() ({
        %run_scoped3A = tpu.sem_alloc : memref<!tpu.dma_semaphore, #tpu.memory_space<semaphore_mem>>
        %dma_start3A = arith.constant 0 : i32
        %dma_start3A_49 = tpu.memref_slice %arg5[%add3A, %dma_start3A] : memref<2500x128xi32, #tpu.memory_space<hbm>> -> memref<157x128xi32, #tpu.memory_space<hbm>>
        %dma_start3A_50 = arith.constant 0 : i32
        %dma_start3A_51 = tpu.memref_slice %arg5[%add3A, %dma_start3A_50] : memref<2500x128xi32, #tpu.memory_space<hbm>> -> memref<157x128xi32, #tpu.memory_space<hbm>>
        tpu.enqueue_dma source(%dma_start3A_51 : memref<157x128xi32, #tpu.memory_space<hbm>>) target(%arg11 : memref<157x128xi32, #tpu.memory_space<vmem>>) target_semaphore(%run_scoped3A : memref<!tpu.dma_semaphore, #tpu.memory_space<semaphore_mem>>)
        %dma_wait3A = arith.constant 0 : i32
        %dma_wait3A_52 = tpu.memref_slice %arg5[%add3A, %dma_wait3A] : memref<2500x128xi32, #tpu.memory_space<hbm>> -> memref<157x128xi32, #tpu.memory_space<hbm>>
        %dma_wait3A_53 = arith.constant 0 : i32
        %dma_wait3A_54 = tpu.memref_slice %arg5[%add3A, %dma_wait3A_53] : memref<2500x128xi32, #tpu.memory_space<hbm>> -> memref<157x128xi32, #tpu.memory_space<hbm>>
        tpu.wait_dma2 semaphore(%run_scoped3A : memref<!tpu.dma_semaphore, #tpu.memory_space<semaphore_mem>>) src(%dma_wait3A_54 : memref<157x128xi32, #tpu.memory_space<hbm>>) dst(%arg11 : memref<157x128xi32, #tpu.memory_space<vmem>>)
        tpu.yield
      }) : () -> ()
    } else {
    }
    %ge3A = arith.constant 4 : i32
    %ge3A_12 = arith.cmpi sge, %arg1, %ge3A : i32
    %convert_element_type3A_13 = arith.extui %ge3A_12 : i1 to i32
    %cond3A_14 = arith.constant 0 : i32
    %cond3A_15 = arith.cmpi ne, %convert_element_type3A_13, %cond3A_14 : i32
    scf.if %cond3A_15 {
      "tpu.region"() ({
        %run_scoped3A = tpu.sem_alloc : memref<!tpu.dma_semaphore, #tpu.memory_space<semaphore_mem>>
        %dma_start3A = arith.constant 0 : i32
        %dma_start3A_49 = arith.constant 0 : i32
        %dma_start3A_50 = tpu.memref_slice %arg10[%dma_start3A, %dma_start3A_49] : memref<157x128xi32, #tpu.memory_space<vmem>> -> memref<156x128xi32, #tpu.memory_space<vmem>>
        %dma_start3A_51 = arith.constant 0 : i32
        %dma_start3A_52 = tpu.memref_slice %arg4[%add3A, %dma_start3A_51] : memref<2500x128xi32, #tpu.memory_space<hbm>> -> memref<156x128xi32, #tpu.memory_space<hbm>>
        %dma_start3A_53 = arith.constant 0 : i32
        %dma_start3A_54 = arith.constant 0 : i32
        %dma_start3A_55 = tpu.memref_slice %arg10[%dma_start3A_53, %dma_start3A_54] : memref<157x128xi32, #tpu.memory_space<vmem>> -> memref<156x128xi32, #tpu.memory_space<vmem>>
        %dma_start3A_56 = arith.constant 0 : i32
        %dma_start3A_57 = tpu.memref_slice %arg4[%add3A, %dma_start3A_56] : memref<2500x128xi32, #tpu.memory_space<hbm>> -> memref<156x128xi32, #tpu.memory_space<hbm>>
        tpu.enqueue_dma source(%dma_start3A_57 : memref<156x128xi32, #tpu.memory_space<hbm>>) target(%dma_start3A_55 : memref<156x128xi32, #tpu.memory_space<vmem>>) target_semaphore(%run_scoped3A : memref<!tpu.dma_semaphore, #tpu.memory_space<semaphore_mem>>)
        %dma_wait3A = arith.constant 0 : i32
        %dma_wait3A_58 = arith.constant 0 : i32
        %dma_wait3A_59 = tpu.memref_slice %arg10[%dma_wait3A, %dma_wait3A_58] : memref<157x128xi32, #tpu.memory_space<vmem>> -> memref<156x128xi32, #tpu.memory_space<vmem>>
        %dma_wait3A_60 = arith.constant 0 : i32
        %dma_wait3A_61 = tpu.memref_slice %arg4[%add3A, %dma_wait3A_60] : memref<2500x128xi32, #tpu.memory_space<hbm>> -> memref<156x128xi32, #tpu.memory_space<hbm>>
        %dma_wait3A_62 = arith.constant 0 : i32
        %dma_wait3A_63 = arith.constant 0 : i32
        %dma_wait3A_64 = tpu.memref_slice %arg10[%dma_wait3A_62, %dma_wait3A_63] : memref<157x128xi32, #tpu.memory_space<vmem>> -> memref<156x128xi32, #tpu.memory_space<vmem>>
        %dma_wait3A_65 = arith.constant 0 : i32
        %dma_wait3A_66 = tpu.memref_slice %arg4[%add3A, %dma_wait3A_65] : memref<2500x128xi32, #tpu.memory_space<hbm>> -> memref<156x128xi32, #tpu.memory_space<hbm>>
        tpu.wait_dma2 semaphore(%run_scoped3A : memref<!tpu.dma_semaphore, #tpu.memory_space<semaphore_mem>>) src(%dma_wait3A_66 : memref<156x128xi32, #tpu.memory_space<hbm>>) dst(%dma_wait3A_64 : memref<156x128xi32, #tpu.memory_space<vmem>>)
        tpu.yield
      }) : () -> ()
      "tpu.region"() ({
        %run_scoped3A = tpu.sem_alloc : memref<!tpu.dma_semaphore, #tpu.memory_space<semaphore_mem>>
        %dma_start3A = arith.constant 0 : i32
        %dma_start3A_49 = arith.constant 0 : i32
        %dma_start3A_50 = tpu.memref_slice %arg11[%dma_start3A, %dma_start3A_49] : memref<157x128xi32, #tpu.memory_space<vmem>> -> memref<156x128xi32, #tpu.memory_space<vmem>>
        %dma_start3A_51 = arith.constant 0 : i32
        %dma_start3A_52 = tpu.memref_slice %arg5[%add3A, %dma_start3A_51] : memref<2500x128xi32, #tpu.memory_space<hbm>> -> memref<156x128xi32, #tpu.memory_space<hbm>>
        %dma_start3A_53 = arith.constant 0 : i32
        %dma_start3A_54 = arith.constant 0 : i32
        %dma_start3A_55 = tpu.memref_slice %arg11[%dma_start3A_53, %dma_start3A_54] : memref<157x128xi32, #tpu.memory_space<vmem>> -> memref<156x128xi32, #tpu.memory_space<vmem>>
        %dma_start3A_56 = arith.constant 0 : i32
        %dma_start3A_57 = tpu.memref_slice %arg5[%add3A, %dma_start3A_56] : memref<2500x128xi32, #tpu.memory_space<hbm>> -> memref<156x128xi32, #tpu.memory_space<hbm>>
        tpu.enqueue_dma source(%dma_start3A_57 : memref<156x128xi32, #tpu.memory_space<hbm>>) target(%dma_start3A_55 : memref<156x128xi32, #tpu.memory_space<vmem>>) target_semaphore(%run_scoped3A : memref<!tpu.dma_semaphore, #tpu.memory_space<semaphore_mem>>)
        %dma_wait3A = arith.constant 0 : i32
        %dma_wait3A_58 = arith.constant 0 : i32
        %dma_wait3A_59 = tpu.memref_slice %arg11[%dma_wait3A, %dma_wait3A_58] : memref<157x128xi32, #tpu.memory_space<vmem>> -> memref<156x128xi32, #tpu.memory_space<vmem>>
        %dma_wait3A_60 = arith.constant 0 : i32
        %dma_wait3A_61 = tpu.memref_slice %arg5[%add3A, %dma_wait3A_60] : memref<2500x128xi32, #tpu.memory_space<hbm>> -> memref<156x128xi32, #tpu.memory_space<hbm>>
        %dma_wait3A_62 = arith.constant 0 : i32
        %dma_wait3A_63 = arith.constant 0 : i32
        %dma_wait3A_64 = tpu.memref_slice %arg11[%dma_wait3A_62, %dma_wait3A_63] : memref<157x128xi32, #tpu.memory_space<vmem>> -> memref<156x128xi32, #tpu.memory_space<vmem>>
        %dma_wait3A_65 = arith.constant 0 : i32
        %dma_wait3A_66 = tpu.memref_slice %arg5[%add3A, %dma_wait3A_65] : memref<2500x128xi32, #tpu.memory_space<hbm>> -> memref<156x128xi32, #tpu.memory_space<hbm>>
        tpu.wait_dma2 semaphore(%run_scoped3A : memref<!tpu.dma_semaphore, #tpu.memory_space<semaphore_mem>>) src(%dma_wait3A_66 : memref<156x128xi32, #tpu.memory_space<hbm>>) dst(%dma_wait3A_64 : memref<156x128xi32, #tpu.memory_space<vmem>>)
        tpu.yield
      }) : () -> ()
    } else {
    }
    "tpu.region"() ({
      %run_scoped3A = tpu.sem_alloc : memref<!tpu.dma_semaphore, #tpu.memory_space<semaphore_mem>>
      %dma_start3A = arith.constant 0 : i32
      %dma_start3A_49 = tpu.memref_slice %arg18[%mul3A_0, %dma_start3A] : memref<10112x64xf32, #tpu.memory_space<vmem_shared>> -> memref<632x64xf32, #tpu.memory_space<vmem_shared>>
      tpu.enqueue_dma source(%arg6 : memref<632x64xf32, #tpu.memory_space<hbm>>) target(%dma_start3A_49 : memref<632x64xf32, #tpu.memory_space<vmem_shared>>) target_semaphore(%run_scoped3A : memref<!tpu.dma_semaphore, #tpu.memory_space<semaphore_mem>>)
      %dma_wait3A = arith.constant 0 : i32
      %dma_wait3A_50 = tpu.memref_slice %arg18[%mul3A_0, %dma_wait3A] : memref<10112x64xf32, #tpu.memory_space<vmem_shared>> -> memref<632x64xf32, #tpu.memory_space<vmem_shared>>
      tpu.wait_dma2 semaphore(%run_scoped3A : memref<!tpu.dma_semaphore, #tpu.memory_space<semaphore_mem>>) src(%arg6 : memref<632x64xf32, #tpu.memory_space<hbm>>) dst(%dma_wait3A_50 : memref<632x64xf32, #tpu.memory_space<vmem_shared>>)
      tpu.yield
    }) : () -> ()
    %eq3A = arith.constant 0 : i32
    %eq3A_16 = arith.cmpi eq, %arg0, %eq3A : i32
    %convert_element_type3A_17 = arith.extui %eq3A_16 : i1 to i32
    %cond3A_18 = arith.constant 0 : i32
    %cond3A_19 = arith.cmpi ne, %convert_element_type3A_17, %cond3A_18 : i32
    scf.if %cond3A_19 {
      "tpu.region"() ({
        %run_scoped3A = tpu.sem_alloc : memref<!tpu.dma_semaphore, #tpu.memory_space<semaphore_mem>>
        tpu.enqueue_dma source(%arg7 : memref<10240xf32, #tpu.memory_space<hbm>>) target(%arg15 : memref<10240xf32, #tpu.memory_space<vmem>>) target_semaphore(%run_scoped3A : memref<!tpu.dma_semaphore, #tpu.memory_space<semaphore_mem>>)
        tpu.wait_dma2 semaphore(%run_scoped3A : memref<!tpu.dma_semaphore, #tpu.memory_space<semaphore_mem>>) src(%arg7 : memref<10240xf32, #tpu.memory_space<hbm>>) dst(%arg15 : memref<10240xf32, #tpu.memory_space<vmem>>)
        tpu.yield
      }) : () -> ()
      %scan3A = arith.constant 0 : i32
      %scan3A_49 = arith.constant 15 : i32
      %scan3A_50 = arith.addi %scan3A, %scan3A_49 : i32
      %scan3A_51 = arith.constant 1 : i32
      scf.for %scan3A_58 = %scan3A to %scan3A_50 step %scan3A_51  : i32 {
        %mul3A_59 = arith.constant 1 : i32
        %mul3A_60 = arith.muli %scan3A_58, %mul3A_59 : i32
        %add3A_61 = arith.constant 0 : i32
        %add3A_62 = arith.addi %add3A_61, %mul3A_60 : i32
        %mul3A_63 = arith.constant 16 : i32
        %mul3A_64 = arith.muli %add3A_62, %mul3A_63 : i32
        %add3A_65 = arith.constant 10000 : i32
        %add3A_66 = arith.addi %add3A_65, %mul3A_64 : i32
        %swap3A = arith.index_cast %add3A_66 : i32 to index
        %swap3A_67 = tpu.vector_load %arg15[%swap3A] {strides = array<i32>} : memref<10240xf32, #tpu.memory_space<vmem>>, vector<16xf32>,
        tpu.vector_store %arg15[%swap3A], %broadcast_in_dim3A_1 {strides = array<i32>} : memref<10240xf32, #tpu.memory_space<vmem>>, vector<16xf32>,
      }
      %scan3A_52 = arith.constant 15 : i32
      %scan3A_53 = arith.constant 0 : i32
      %scan3A_54 = arith.constant 640 : i32
      %scan3A_55 = arith.addi %scan3A_53, %scan3A_54 : i32
      %scan3A_56 = arith.constant 1 : i32
      scf.for %scan3A_58 = %scan3A_53 to %scan3A_55 step %scan3A_56  : i32 {
        %mul3A_59 = arith.constant 1 : i32
        %mul3A_60 = arith.muli %scan3A_58, %mul3A_59 : i32
        %add3A_61 = arith.constant 0 : i32
        %add3A_62 = arith.addi %add3A_61, %mul3A_60 : i32
        %mul3A_63 = arith.constant 16 : i32
        %mul3A_64 = arith.muli %add3A_62, %mul3A_63 : i32
        %swap3A = arith.index_cast %mul3A_64 : i32 to index
        %swap3A_65 = tpu.vector_load %arg14[%swap3A] {strides = array<i32>} : memref<10240xf32, #tpu.memory_space<vmem>>, vector<16xf32>,
        tpu.vector_store %arg14[%swap3A], %broadcast_in_dim3A_1 {strides = array<i32>} : memref<10240xf32, #tpu.memory_space<vmem>>, vector<16xf32>,
      }
      %scan3A_57 = arith.constant 640 : i32
    } else {
    }
    %barrier3A = arith.constant 0 : index
    tpu.barrier barrier_id(%barrier3A)
    %eq3A_20 = arith.constant 0 : i32
    %eq3A_21 = arith.cmpi eq, %arg0, %eq3A_20 : i32
    %convert_element_type3A_22 = arith.extui %eq3A_21 : i1 to i32
    %cond3A_23 = arith.constant 0 : i32
    %cond3A_24 = arith.cmpi ne, %convert_element_type3A_22, %cond3A_23 : i32
    scf.if %cond3A_24 {
      %dma_start3A = arith.constant 0 : i32
      %dma_start3A_49 = arith.constant 0 : i32
      %dma_start3A_50 = tpu.memref_slice %arg10[%dma_start3A, %dma_start3A_49] : memref<157x128xi32, #tpu.memory_space<vmem>> -> memref<1x128xi32, #tpu.memory_space<vmem>>
      %dma_start3A_51 = tpu.memref_squeeze %dma_start3A_50 : memref<1x128xi32, #tpu.memory_space<vmem>> -> memref<128xi32, #tpu.memory_space<vmem>>
      %dma_start3A_52 = arith.constant 0 : i32
      %dma_start3A_53 = arith.constant 0 : i32
      %dma_start3A_54 = tpu.memref_slice %arg2[%dma_start3A_52, %dma_start3A_53] : memref<10000x64xf32, #tpu.memory_space<hbm>> -> memref<10000x64xf32, #tpu.memory_space<hbm>>
      tpu.enqueue_indirect_dma source(%dma_start3A_54 : memref<10000x64xf32, #tpu.memory_space<hbm>>) target(%arg12 : memref<128x64xf32, #tpu.memory_space<vmem>>) offsets(%dma_start3A_51 : memref<128xi32, #tpu.memory_space<vmem>>) semaphore(%arg20 : memref<!tpu.dma_semaphore, #tpu.memory_space<semaphore_mem>>)
      %dma_start3A_55 = arith.constant 1 : i32
      %dma_start3A_56 = arith.constant 0 : i32
      %dma_start3A_57 = tpu.memref_slice %arg10[%dma_start3A_55, %dma_start3A_56] : memref<157x128xi32, #tpu.memory_space<vmem>> -> memref<1x128xi32, #tpu.memory_space<vmem>>
      %dma_start3A_58 = tpu.memref_squeeze %dma_start3A_57 : memref<1x128xi32, #tpu.memory_space<vmem>> -> memref<128xi32, #tpu.memory_space<vmem>>
      %dma_start3A_59 = arith.constant 0 : i32
      %dma_start3A_60 = arith.constant 0 : i32
      %dma_start3A_61 = tpu.memref_slice %arg2[%dma_start3A_59, %dma_start3A_60] : memref<10000x64xf32, #tpu.memory_space<hbm>> -> memref<10000x64xf32, #tpu.memory_space<hbm>>
      tpu.enqueue_indirect_dma source(%dma_start3A_61 : memref<10000x64xf32, #tpu.memory_space<hbm>>) target(%arg13 : memref<128x64xf32, #tpu.memory_space<vmem>>) offsets(%dma_start3A_58 : memref<128xi32, #tpu.memory_space<vmem>>) semaphore(%arg21 : memref<!tpu.dma_semaphore, #tpu.memory_space<semaphore_mem>>)
      %scan3A = arith.constant 0 : i32
      %scan3A_62 = arith.constant 78 : i32
      %scan3A_63 = arith.addi %scan3A, %scan3A_62 : i32
      %scan3A_64 = arith.constant 1 : i32
      scf.for %scan3A_71 = %scan3A to %scan3A_63 step %scan3A_64  : i32 {
        %mul3A_72 = arith.constant 2 : i32
        %mul3A_73 = arith.muli %scan3A_71, %mul3A_72 : i32
        %add3A_74 = arith.constant 0 : i32
        %add3A_75 = arith.addi %add3A_74, %mul3A_73 : i32
        %add3A_76 = arith.constant 0 : i32
        %add3A_77 = arith.addi %add3A_75, %add3A_76 : i32
        %dma_wait3A = arith.constant 0 : i32
        %dma_wait3A_78 = arith.constant 0 : i32
        %dma_wait3A_79 = tpu.memref_slice %arg10[%dma_wait3A, %dma_wait3A_78] : memref<157x128xi32, #tpu.memory_space<vmem>> -> memref<1x128xi32, #tpu.memory_space<vmem>>
        %dma_wait3A_80 = tpu.memref_squeeze %dma_wait3A_79 : memref<1x128xi32, #tpu.memory_space<vmem>> -> memref<128xi32, #tpu.memory_space<vmem>>
        %dma_wait3A_81 = arith.constant 0 : i32
        %dma_wait3A_82 = arith.constant 0 : i32
        %dma_wait3A_83 = tpu.memref_slice %arg2[%dma_wait3A_81, %dma_wait3A_82] : memref<10000x64xf32, #tpu.memory_space<hbm>> -> memref<10000x64xf32, #tpu.memory_space<hbm>>
        tpu.wait_indirect_dma semaphore(%arg20 : memref<!tpu.dma_semaphore, #tpu.memory_space<semaphore_mem>>) src(%dma_wait3A_83 : memref<10000x64xf32, #tpu.memory_space<hbm>>) dst(%arg12 : memref<128x64xf32, #tpu.memory_space<vmem>>)
        %dma_start3A_84 = arith.constant 0 : i32
        %dma_start3A_85 = tpu.memref_slice %arg11[%add3A_77, %dma_start3A_84] : memref<157x128xi32, #tpu.memory_space<vmem>> -> memref<1x128xi32, #tpu.memory_space<vmem>>
        %dma_start3A_86 = tpu.memref_squeeze %dma_start3A_85 : memref<1x128xi32, #tpu.memory_space<vmem>> -> memref<128xi32, #tpu.memory_space<vmem>>
        %dma_start3A_87 = arith.constant 0 : i32
        %dma_start3A_88 = arith.constant 0 : i32
        %dma_start3A_89 = tpu.memref_slice %arg18[%dma_start3A_87, %dma_start3A_88] : memref<10112x64xf32, #tpu.memory_space<vmem_shared>> -> memref<10112x64xf32, #tpu.memory_space<vmem_shared>>
        tpu.enqueue_indirect_dma source(%arg12 : memref<128x64xf32, #tpu.memory_space<vmem>>) target(%dma_start3A_89 : memref<10112x64xf32, #tpu.memory_space<vmem_shared>>) offsets(%dma_start3A_86 : memref<128xi32, #tpu.memory_space<vmem>>) semaphore(%arg22 : memref<!tpu.dma_semaphore, #tpu.memory_space<semaphore_mem>>) {add = true}
        %get3A = arith.index_cast %add3A_77 : i32 to index
        %get3A_90 = arith.constant 0 : index
        %get3A_91 = tpu.vector_load %arg11[%get3A, %get3A_90] {strides = array<i32>} : memref<157x128xi32, #tpu.memory_space<vmem>>, vector<16xi32>,
        %get3A_92 = arith.index_cast %add3A_77 : i32 to index
        %get3A_93 = arith.constant 0 : index
        %get3A_94 = tpu.vector_load %arg10[%get3A_92, %get3A_93] {strides = array<i32>} : memref<157x128xi32, #tpu.memory_space<vmem>>, vector<16xi32>,
        %gather3A = tpu.vector_load_idx %arg15[%get3A_91] : memref<10240xf32, #tpu.memory_space<vmem>>[vector<16xi32>], vector<16xf32>,
        tpu.vector_store_idx %arg14[%get3A_94], %gather3A {add = true} : memref<10240xf32, #tpu.memory_space<vmem>>[vector<16xi32>], vector<16xf32>,
        %get3A_95 = arith.index_cast %add3A_77 : i32 to index
        %get3A_96 = arith.constant 16 : index
        %get3A_97 = tpu.vector_load %arg11[%get3A_95, %get3A_96] {strides = array<i32>} : memref<157x128xi32, #tpu.memory_space<vmem>>, vector<16xi32>,
        %get3A_98 = arith.index_cast %add3A_77 : i32 to index
        %get3A_99 = arith.constant 16 : index
        %get3A_100 = tpu.vector_load %arg10[%get3A_98, %get3A_99] {strides = array<i32>} : memref<157x128xi32, #tpu.memory_space<vmem>>, vector<16xi32>,
        %gather3A_101 = tpu.vector_load_idx %arg15[%get3A_97] : memref<10240xf32, #tpu.memory_space<vmem>>[vector<16xi32>], vector<16xf32>,
        tpu.vector_store_idx %arg14[%get3A_100], %gather3A_101 {add = true} : memref<10240xf32, #tpu.memory_space<vmem>>[vector<16xi32>], vector<16xf32>,
        %get3A_102 = arith.index_cast %add3A_77 : i32 to index
        %get3A_103 = arith.constant 32 : index
        %get3A_104 = tpu.vector_load %arg11[%get3A_102, %get3A_103] {strides = array<i32>} : memref<157x128xi32, #tpu.memory_space<vmem>>, vector<16xi32>,
        %get3A_105 = arith.index_cast %add3A_77 : i32 to index
        %get3A_106 = arith.constant 32 : index
        %get3A_107 = tpu.vector_load %arg10[%get3A_105, %get3A_106] {strides = array<i32>} : memref<157x128xi32, #tpu.memory_space<vmem>>, vector<16xi32>,
        %gather3A_108 = tpu.vector_load_idx %arg15[%get3A_104] : memref<10240xf32, #tpu.memory_space<vmem>>[vector<16xi32>], vector<16xf32>,
        tpu.vector_store_idx %arg14[%get3A_107], %gather3A_108 {add = true} : memref<10240xf32, #tpu.memory_space<vmem>>[vector<16xi32>], vector<16xf32>,
        %get3A_109 = arith.index_cast %add3A_77 : i32 to index
        %get3A_110 = arith.constant 48 : index
        %get3A_111 = tpu.vector_load %arg11[%get3A_109, %get3A_110] {strides = array<i32>} : memref<157x128xi32, #tpu.memory_space<vmem>>, vector<16xi32>,
        %get3A_112 = arith.index_cast %add3A_77 : i32 to index
        %get3A_113 = arith.constant 48 : index
        %get3A_114 = tpu.vector_load %arg10[%get3A_112, %get3A_113] {strides = array<i32>} : memref<157x128xi32, #tpu.memory_space<vmem>>, vector<16xi32>,
        %gather3A_115 = tpu.vector_load_idx %arg15[%get3A_111] : memref<10240xf32, #tpu.memory_space<vmem>>[vector<16xi32>], vector<16xf32>,
        tpu.vector_store_idx %arg14[%get3A_114], %gather3A_115 {add = true} : memref<10240xf32, #tpu.memory_space<vmem>>[vector<16xi32>], vector<16xf32>,
        %get3A_116 = arith.index_cast %add3A_77 : i32 to index
        %get3A_117 = arith.constant 64 : index
        %get3A_118 = tpu.vector_load %arg11[%get3A_116, %get3A_117] {strides = array<i32>} : memref<157x128xi32, #tpu.memory_space<vmem>>, vector<16xi32>,
        %get3A_119 = arith.index_cast %add3A_77 : i32 to index
        %get3A_120 = arith.constant 64 : index
        %get3A_121 = tpu.vector_load %arg10[%get3A_119, %get3A_120] {strides = array<i32>} : memref<157x128xi32, #tpu.memory_space<vmem>>, vector<16xi32>,
        %gather3A_122 = tpu.vector_load_idx %arg15[%get3A_118] : memref<10240xf32, #tpu.memory_space<vmem>>[vector<16xi32>], vector<16xf32>,
        tpu.vector_store_idx %arg14[%get3A_121], %gather3A_122 {add = true} : memref<10240xf32, #tpu.memory_space<vmem>>[vector<16xi32>], vector<16xf32>,
        %get3A_123 = arith.index_cast %add3A_77 : i32 to index
        %get3A_124 = arith.constant 80 : index
        %get3A_125 = tpu.vector_load %arg11[%get3A_123, %get3A_124] {strides = array<i32>} : memref<157x128xi32, #tpu.memory_space<vmem>>, vector<16xi32>,
        %get3A_126 = arith.index_cast %add3A_77 : i32 to index
        %get3A_127 = arith.constant 80 : index
        %get3A_128 = tpu.vector_load %arg10[%get3A_126, %get3A_127] {strides = array<i32>} : memref<157x128xi32, #tpu.memory_space<vmem>>, vector<16xi32>,
        %gather3A_129 = tpu.vector_load_idx %arg15[%get3A_125] : memref<10240xf32, #tpu.memory_space<vmem>>[vector<16xi32>], vector<16xf32>,
        tpu.vector_store_idx %arg14[%get3A_128], %gather3A_129 {add = true} : memref<10240xf32, #tpu.memory_space<vmem>>[vector<16xi32>], vector<16xf32>,
        %get3A_130 = arith.index_cast %add3A_77 : i32 to index
        %get3A_131 = arith.constant 96 : index
        %get3A_132 = tpu.vector_load %arg11[%get3A_130, %get3A_131] {strides = array<i32>} : memref<157x128xi32, #tpu.memory_space<vmem>>, vector<16xi32>,
        %get3A_133 = arith.index_cast %add3A_77 : i32 to index
        %get3A_134 = arith.constant 96 : index
        %get3A_135 = tpu.vector_load %arg10[%get3A_133, %get3A_134] {strides = array<i32>} : memref<157x128xi32, #tpu.memory_space<vmem>>, vector<16xi32>,
        %gather3A_136 = tpu.vector_load_idx %arg15[%get3A_132] : memref<10240xf32, #tpu.memory_space<vmem>>[vector<16xi32>], vector<16xf32>,
        tpu.vector_store_idx %arg14[%get3A_135], %gather3A_136 {add = true} : memref<10240xf32, #tpu.memory_space<vmem>>[vector<16xi32>], vector<16xf32>,
        %get3A_137 = arith.index_cast %add3A_77 : i32 to index
        %get3A_138 = arith.constant 112 : index
        %get3A_139 = tpu.vector_load %arg11[%get3A_137, %get3A_138] {strides = array<i32>} : memref<157x128xi32, #tpu.memory_space<vmem>>, vector<16xi32>,
        %get3A_140 = arith.index_cast %add3A_77 : i32 to index
        %get3A_141 = arith.constant 112 : index
        %get3A_142 = tpu.vector_load %arg10[%get3A_140, %get3A_141] {strides = array<i32>} : memref<157x128xi32, #tpu.memory_space<vmem>>, vector<16xi32>,
        %gather3A_143 = tpu.vector_load_idx %arg15[%get3A_139] : memref<10240xf32, #tpu.memory_space<vmem>>[vector<16xi32>], vector<16xf32>,
        tpu.vector_store_idx %arg14[%get3A_142], %gather3A_143 {add = true} : memref<10240xf32, #tpu.memory_space<vmem>>[vector<16xi32>], vector<16xf32>,
        %dma_wait3A_144 = arith.constant 0 : i32
        %dma_wait3A_145 = arith.constant 0 : i32
        %dma_wait3A_146 = tpu.memref_slice %arg11[%dma_wait3A_144, %dma_wait3A_145] : memref<157x128xi32, #tpu.memory_space<vmem>> -> memref<1x128xi32, #tpu.memory_space<vmem>>
        %dma_wait3A_147 = tpu.memref_squeeze %dma_wait3A_146 : memref<1x128xi32, #tpu.memory_space<vmem>> -> memref<128xi32, #tpu.memory_space<vmem>>
        %dma_wait3A_148 = arith.constant 0 : i32
        %dma_wait3A_149 = arith.constant 0 : i32
        %dma_wait3A_150 = tpu.memref_slice %arg18[%dma_wait3A_148, %dma_wait3A_149] : memref<10112x64xf32, #tpu.memory_space<vmem_shared>> -> memref<10112x64xf32, #tpu.memory_space<vmem_shared>>
        tpu.wait_indirect_dma semaphore(%arg22 : memref<!tpu.dma_semaphore, #tpu.memory_space<semaphore_mem>>) src(%arg12 : memref<128x64xf32, #tpu.memory_space<vmem>>) dst(%dma_wait3A_150 : memref<10112x64xf32, #tpu.memory_space<vmem_shared>>)
        %add3A_151 = arith.constant 2 : i32
        %add3A_152 = arith.addi %add3A_77, %add3A_151 : i32
        %lt3A_153 = arith.cmpi slt, %add3A_152, %select_n3A : i32
        %convert_element_type3A_154 = arith.extui %lt3A_153 : i1 to i32
        %cond3A_155 = arith.constant 0 : i32
        %cond3A_156 = arith.cmpi ne, %convert_element_type3A_154, %cond3A_155 : i32
        scf.if %cond3A_156 {
          %add3A_241 = arith.constant 2 : i32
          %add3A_242 = arith.addi %add3A_77, %add3A_241 : i32
          %dma_start3A_243 = arith.constant 0 : i32
          %dma_start3A_244 = tpu.memref_slice %arg10[%add3A_242, %dma_start3A_243] : memref<157x128xi32, #tpu.memory_space<vmem>> -> memref<1x128xi32, #tpu.memory_space<vmem>>
          %dma_start3A_245 = tpu.memref_squeeze %dma_start3A_244 : memref<1x128xi32, #tpu.memory_space<vmem>> -> memref<128xi32, #tpu.memory_space<vmem>>
          %dma_start3A_246 = arith.constant 0 : i32
          %dma_start3A_247 = arith.constant 0 : i32
          %dma_start3A_248 = tpu.memref_slice %arg2[%dma_start3A_246, %dma_start3A_247] : memref<10000x64xf32, #tpu.memory_space<hbm>> -> memref<10000x64xf32, #tpu.memory_space<hbm>>
          tpu.enqueue_indirect_dma source(%dma_start3A_248 : memref<10000x64xf32, #tpu.memory_space<hbm>>) target(%arg12 : memref<128x64xf32, #tpu.memory_space<vmem>>) offsets(%dma_start3A_245 : memref<128xi32, #tpu.memory_space<vmem>>) semaphore(%arg20 : memref<!tpu.dma_semaphore, #tpu.memory_space<semaphore_mem>>)
        } else {
        }
        %add3A_157 = arith.constant 1 : i32
        %add3A_158 = arith.addi %add3A_75, %add3A_157 : i32
        %dma_wait3A_159 = arith.constant 0 : i32
        %dma_wait3A_160 = arith.constant 0 : i32
        %dma_wait3A_161 = tpu.memref_slice %arg10[%dma_wait3A_159, %dma_wait3A_160] : memref<157x128xi32, #tpu.memory_space<vmem>> -> memref<1x128xi32, #tpu.memory_space<vmem>>
        %dma_wait3A_162 = tpu.memref_squeeze %dma_wait3A_161 : memref<1x128xi32, #tpu.memory_space<vmem>> -> memref<128xi32, #tpu.memory_space<vmem>>
        %dma_wait3A_163 = arith.constant 0 : i32
        %dma_wait3A_164 = arith.constant 0 : i32
        %dma_wait3A_165 = tpu.memref_slice %arg2[%dma_wait3A_163, %dma_wait3A_164] : memref<10000x64xf32, #tpu.memory_space<hbm>> -> memref<10000x64xf32, #tpu.memory_space<hbm>>
        tpu.wait_indirect_dma semaphore(%arg21 : memref<!tpu.dma_semaphore, #tpu.memory_space<semaphore_mem>>) src(%dma_wait3A_165 : memref<10000x64xf32, #tpu.memory_space<hbm>>) dst(%arg13 : memref<128x64xf32, #tpu.memory_space<vmem>>)
        %dma_start3A_166 = arith.constant 0 : i32
        %dma_start3A_167 = tpu.memref_slice %arg11[%add3A_158, %dma_start3A_166] : memref<157x128xi32, #tpu.memory_space<vmem>> -> memref<1x128xi32, #tpu.memory_space<vmem>>
        %dma_start3A_168 = tpu.memref_squeeze %dma_start3A_167 : memref<1x128xi32, #tpu.memory_space<vmem>> -> memref<128xi32, #tpu.memory_space<vmem>>
        %dma_start3A_169 = arith.constant 0 : i32
        %dma_start3A_170 = arith.constant 0 : i32
        %dma_start3A_171 = tpu.memref_slice %arg18[%dma_start3A_169, %dma_start3A_170] : memref<10112x64xf32, #tpu.memory_space<vmem_shared>> -> memref<10112x64xf32, #tpu.memory_space<vmem_shared>>
        tpu.enqueue_indirect_dma source(%arg13 : memref<128x64xf32, #tpu.memory_space<vmem>>) target(%dma_start3A_171 : memref<10112x64xf32, #tpu.memory_space<vmem_shared>>) offsets(%dma_start3A_168 : memref<128xi32, #tpu.memory_space<vmem>>) semaphore(%arg23 : memref<!tpu.dma_semaphore, #tpu.memory_space<semaphore_mem>>) {add = true}
        %get3A_172 = arith.index_cast %add3A_158 : i32 to index
        %get3A_173 = arith.constant 0 : index
        %get3A_174 = tpu.vector_load %arg11[%get3A_172, %get3A_173] {strides = array<i32>} : memref<157x128xi32, #tpu.memory_space<vmem>>, vector<16xi32>,
        %get3A_175 = arith.index_cast %add3A_158 : i32 to index
        %get3A_176 = arith.constant 0 : index
        %get3A_177 = tpu.vector_load %arg10[%get3A_175, %get3A_176] {strides = array<i32>} : memref<157x128xi32, #tpu.memory_space<vmem>>, vector<16xi32>,
        %gather3A_178 = tpu.vector_load_idx %arg15[%get3A_174] : memref<10240xf32, #tpu.memory_space<vmem>>[vector<16xi32>], vector<16xf32>,
        tpu.vector_store_idx %arg14[%get3A_177], %gather3A_178 {add = true} : memref<10240xf32, #tpu.memory_space<vmem>>[vector<16xi32>], vector<16xf32>,
        %get3A_179 = arith.index_cast %add3A_158 : i32 to index
        %get3A_180 = arith.constant 16 : index
        %get3A_181 = tpu.vector_load %arg11[%get3A_179, %get3A_180] {strides = array<i32>} : memref<157x128xi32, #tpu.memory_space<vmem>>, vector<16xi32>,
        %get3A_182 = arith.index_cast %add3A_158 : i32 to index
        %get3A_183 = arith.constant 16 : index
        %get3A_184 = tpu.vector_load %arg10[%get3A_182, %get3A_183] {strides = array<i32>} : memref<157x128xi32, #tpu.memory_space<vmem>>, vector<16xi32>,
        %gather3A_185 = tpu.vector_load_idx %arg15[%get3A_181] : memref<10240xf32, #tpu.memory_space<vmem>>[vector<16xi32>], vector<16xf32>,
        tpu.vector_store_idx %arg14[%get3A_184], %gather3A_185 {add = true} : memref<10240xf32, #tpu.memory_space<vmem>>[vector<16xi32>], vector<16xf32>,
        %get3A_186 = arith.index_cast %add3A_158 : i32 to index
        %get3A_187 = arith.constant 32 : index
        %get3A_188 = tpu.vector_load %arg11[%get3A_186, %get3A_187] {strides = array<i32>} : memref<157x128xi32, #tpu.memory_space<vmem>>, vector<16xi32>,
        %get3A_189 = arith.index_cast %add3A_158 : i32 to index
        %get3A_190 = arith.constant 32 : index
        %get3A_191 = tpu.vector_load %arg10[%get3A_189, %get3A_190] {strides = array<i32>} : memref<157x128xi32, #tpu.memory_space<vmem>>, vector<16xi32>,
        %gather3A_192 = tpu.vector_load_idx %arg15[%get3A_188] : memref<10240xf32, #tpu.memory_space<vmem>>[vector<16xi32>], vector<16xf32>,
        tpu.vector_store_idx %arg14[%get3A_191], %gather3A_192 {add = true} : memref<10240xf32, #tpu.memory_space<vmem>>[vector<16xi32>], vector<16xf32>,
        %get3A_193 = arith.index_cast %add3A_158 : i32 to index
        %get3A_194 = arith.constant 48 : index
        %get3A_195 = tpu.vector_load %arg11[%get3A_193, %get3A_194] {strides = array<i32>} : memref<157x128xi32, #tpu.memory_space<vmem>>, vector<16xi32>,
        %get3A_196 = arith.index_cast %add3A_158 : i32 to index
        %get3A_197 = arith.constant 48 : index
        %get3A_198 = tpu.vector_load %arg10[%get3A_196, %get3A_197] {strides = array<i32>} : memref<157x128xi32, #tpu.memory_space<vmem>>, vector<16xi32>,
        %gather3A_199 = tpu.vector_load_idx %arg15[%get3A_195] : memref<10240xf32, #tpu.memory_space<vmem>>[vector<16xi32>], vector<16xf32>,
        tpu.vector_store_idx %arg14[%get3A_198], %gather3A_199 {add = true} : memref<10240xf32, #tpu.memory_space<vmem>>[vector<16xi32>], vector<16xf32>,
        %get3A_200 = arith.index_cast %add3A_158 : i32 to index
        %get3A_201 = arith.constant 64 : index
        %get3A_202 = tpu.vector_load %arg11[%get3A_200, %get3A_201] {strides = array<i32>} : memref<157x128xi32, #tpu.memory_space<vmem>>, vector<16xi32>,
        %get3A_203 = arith.index_cast %add3A_158 : i32 to index
        %get3A_204 = arith.constant 64 : index
        %get3A_205 = tpu.vector_load %arg10[%get3A_203, %get3A_204] {strides = array<i32>} : memref<157x128xi32, #tpu.memory_space<vmem>>, vector<16xi32>,
        %gather3A_206 = tpu.vector_load_idx %arg15[%get3A_202] : memref<10240xf32, #tpu.memory_space<vmem>>[vector<16xi32>], vector<16xf32>,
        tpu.vector_store_idx %arg14[%get3A_205], %gather3A_206 {add = true} : memref<10240xf32, #tpu.memory_space<vmem>>[vector<16xi32>], vector<16xf32>,
        %get3A_207 = arith.index_cast %add3A_158 : i32 to index
        %get3A_208 = arith.constant 80 : index
        %get3A_209 = tpu.vector_load %arg11[%get3A_207, %get3A_208] {strides = array<i32>} : memref<157x128xi32, #tpu.memory_space<vmem>>, vector<16xi32>,
        %get3A_210 = arith.index_cast %add3A_158 : i32 to index
        %get3A_211 = arith.constant 80 : index
        %get3A_212 = tpu.vector_load %arg10[%get3A_210, %get3A_211] {strides = array<i32>} : memref<157x128xi32, #tpu.memory_space<vmem>>, vector<16xi32>,
        %gather3A_213 = tpu.vector_load_idx %arg15[%get3A_209] : memref<10240xf32, #tpu.memory_space<vmem>>[vector<16xi32>], vector<16xf32>,
        tpu.vector_store_idx %arg14[%get3A_212], %gather3A_213 {add = true} : memref<10240xf32, #tpu.memory_space<vmem>>[vector<16xi32>], vector<16xf32>,
        %get3A_214 = arith.index_cast %add3A_158 : i32 to index
        %get3A_215 = arith.constant 96 : index
        %get3A_216 = tpu.vector_load %arg11[%get3A_214, %get3A_215] {strides = array<i32>} : memref<157x128xi32, #tpu.memory_space<vmem>>, vector<16xi32>,
        %get3A_217 = arith.index_cast %add3A_158 : i32 to index
        %get3A_218 = arith.constant 96 : index
        %get3A_219 = tpu.vector_load %arg10[%get3A_217, %get3A_218] {strides = array<i32>} : memref<157x128xi32, #tpu.memory_space<vmem>>, vector<16xi32>,
        %gather3A_220 = tpu.vector_load_idx %arg15[%get3A_216] : memref<10240xf32, #tpu.memory_space<vmem>>[vector<16xi32>], vector<16xf32>,
        tpu.vector_store_idx %arg14[%get3A_219], %gather3A_220 {add = true} : memref<10240xf32, #tpu.memory_space<vmem>>[vector<16xi32>], vector<16xf32>,
        %get3A_221 = arith.index_cast %add3A_158 : i32 to index
        %get3A_222 = arith.constant 112 : index
        %get3A_223 = tpu.vector_load %arg11[%get3A_221, %get3A_222] {strides = array<i32>} : memref<157x128xi32, #tpu.memory_space<vmem>>, vector<16xi32>,
        %get3A_224 = arith.index_cast %add3A_158 : i32 to index
        %get3A_225 = arith.constant 112 : index
        %get3A_226 = tpu.vector_load %arg10[%get3A_224, %get3A_225] {strides = array<i32>} : memref<157x128xi32, #tpu.memory_space<vmem>>, vector<16xi32>,
        %gather3A_227 = tpu.vector_load_idx %arg15[%get3A_223] : memref<10240xf32, #tpu.memory_space<vmem>>[vector<16xi32>], vector<16xf32>,
        tpu.vector_store_idx %arg14[%get3A_226], %gather3A_227 {add = true} : memref<10240xf32, #tpu.memory_space<vmem>>[vector<16xi32>], vector<16xf32>,
        %dma_wait3A_228 = arith.constant 0 : i32
        %dma_wait3A_229 = arith.constant 0 : i32
        %dma_wait3A_230 = tpu.memref_slice %arg11[%dma_wait3A_228, %dma_wait3A_229] : memref<157x128xi32, #tpu.memory_space<vmem>> -> memref<1x128xi32, #tpu.memory_space<vmem>>
        %dma_wait3A_231 = tpu.memref_squeeze %dma_wait3A_230 : memref<1x128xi32, #tpu.memory_space<vmem>> -> memref<128xi32, #tpu.memory_space<vmem>>
        %dma_wait3A_232 = arith.constant 0 : i32
        %dma_wait3A_233 = arith.constant 0 : i32
        %dma_wait3A_234 = tpu.memref_slice %arg18[%dma_wait3A_232, %dma_wait3A_233] : memref<10112x64xf32, #tpu.memory_space<vmem_shared>> -> memref<10112x64xf32, #tpu.memory_space<vmem_shared>>
        tpu.wait_indirect_dma semaphore(%arg23 : memref<!tpu.dma_semaphore, #tpu.memory_space<semaphore_mem>>) src(%arg13 : memref<128x64xf32, #tpu.memory_space<vmem>>) dst(%dma_wait3A_234 : memref<10112x64xf32, #tpu.memory_space<vmem_shared>>)
        %add3A_235 = arith.constant 2 : i32
        %add3A_236 = arith.addi %add3A_158, %add3A_235 : i32
        %lt3A_237 = arith.cmpi slt, %add3A_236, %select_n3A : i32
        %convert_element_type3A_238 = arith.extui %lt3A_237 : i1 to i32
        %cond3A_239 = arith.constant 0 : i32
        %cond3A_240 = arith.cmpi ne, %convert_element_type3A_238, %cond3A_239 : i32
        scf.if %cond3A_240 {
          %add3A_241 = arith.constant 2 : i32
          %add3A_242 = arith.addi %add3A_158, %add3A_241 : i32
          %dma_start3A_243 = arith.constant 0 : i32
          %dma_start3A_244 = tpu.memref_slice %arg10[%add3A_242, %dma_start3A_243] : memref<157x128xi32, #tpu.memory_space<vmem>> -> memref<1x128xi32, #tpu.memory_space<vmem>>
          %dma_start3A_245 = tpu.memref_squeeze %dma_start3A_244 : memref<1x128xi32, #tpu.memory_space<vmem>> -> memref<128xi32, #tpu.memory_space<vmem>>
          %dma_start3A_246 = arith.constant 0 : i32
          %dma_start3A_247 = arith.constant 0 : i32
          %dma_start3A_248 = tpu.memref_slice %arg2[%dma_start3A_246, %dma_start3A_247] : memref<10000x64xf32, #tpu.memory_space<hbm>> -> memref<10000x64xf32, #tpu.memory_space<hbm>>
          tpu.enqueue_indirect_dma source(%dma_start3A_248 : memref<10000x64xf32, #tpu.memory_space<hbm>>) target(%arg13 : memref<128x64xf32, #tpu.memory_space<vmem>>) offsets(%dma_start3A_245 : memref<128xi32, #tpu.memory_space<vmem>>) semaphore(%arg21 : memref<!tpu.dma_semaphore, #tpu.memory_space<semaphore_mem>>)
        } else {
        }
      }
      %scan3A_65 = arith.constant 78 : i32
      %lt3A_66 = arith.constant 4 : i32
      %lt3A_67 = arith.cmpi slt, %arg1, %lt3A_66 : i32
      %convert_element_type3A_68 = arith.extui %lt3A_67 : i1 to i32
      %cond3A_69 = arith.constant 0 : i32
      %cond3A_70 = arith.cmpi ne, %convert_element_type3A_68, %cond3A_69 : i32
      scf.if %cond3A_70 {
        %get3A = arith.constant 156 : i32
        %get3A_71 = arith.index_cast %get3A : i32 to index
        %get3A_72 = arith.constant 0 : index
        %get3A_73 = tpu.vector_load %arg11[%get3A_71, %get3A_72] {strides = array<i32>} : memref<157x128xi32, #tpu.memory_space<vmem>>, vector<16xi32>,
        %get3A_74 = arith.constant 156 : i32
        %get3A_75 = arith.index_cast %get3A_74 : i32 to index
        %get3A_76 = arith.constant 0 : index
        %get3A_77 = tpu.vector_load %arg10[%get3A_75, %get3A_76] {strides = array<i32>} : memref<157x128xi32, #tpu.memory_space<vmem>>, vector<16xi32>,
        %gather3A = tpu.vector_load_idx %arg15[%get3A_73] : memref<10240xf32, #tpu.memory_space<vmem>>[vector<16xi32>], vector<16xf32>,
        tpu.vector_store_idx %arg14[%get3A_77], %gather3A {add = true} : memref<10240xf32, #tpu.memory_space<vmem>>[vector<16xi32>], vector<16xf32>,
        %get3A_78 = arith.constant 156 : i32
        %get3A_79 = arith.index_cast %get3A_78 : i32 to index
        %get3A_80 = arith.constant 16 : index
        %get3A_81 = tpu.vector_load %arg11[%get3A_79, %get3A_80] {strides = array<i32>} : memref<157x128xi32, #tpu.memory_space<vmem>>, vector<16xi32>,
        %get3A_82 = arith.constant 156 : i32
        %get3A_83 = arith.index_cast %get3A_82 : i32 to index
        %get3A_84 = arith.constant 16 : index
        %get3A_85 = tpu.vector_load %arg10[%get3A_83, %get3A_84] {strides = array<i32>} : memref<157x128xi32, #tpu.memory_space<vmem>>, vector<16xi32>,
        %gather3A_86 = tpu.vector_load_idx %arg15[%get3A_81] : memref<10240xf32, #tpu.memory_space<vmem>>[vector<16xi32>], vector<16xf32>,
        tpu.vector_store_idx %arg14[%get3A_85], %gather3A_86 {add = true} : memref<10240xf32, #tpu.memory_space<vmem>>[vector<16xi32>], vector<16xf32>,
        %get3A_87 = arith.constant 156 : i32
        %get3A_88 = arith.index_cast %get3A_87 : i32 to index
        %get3A_89 = arith.constant 32 : index
        %get3A_90 = tpu.vector_load %arg11[%get3A_88, %get3A_89] {strides = array<i32>} : memref<157x128xi32, #tpu.memory_space<vmem>>, vector<16xi32>,
        %get3A_91 = arith.constant 156 : i32
        %get3A_92 = arith.index_cast %get3A_91 : i32 to index
        %get3A_93 = arith.constant 32 : index
        %get3A_94 = tpu.vector_load %arg10[%get3A_92, %get3A_93] {strides = array<i32>} : memref<157x128xi32, #tpu.memory_space<vmem>>, vector<16xi32>,
        %gather3A_95 = tpu.vector_load_idx %arg15[%get3A_90] : memref<10240xf32, #tpu.memory_space<vmem>>[vector<16xi32>], vector<16xf32>,
        tpu.vector_store_idx %arg14[%get3A_94], %gather3A_95 {add = true} : memref<10240xf32, #tpu.memory_space<vmem>>[vector<16xi32>], vector<16xf32>,
        %get3A_96 = arith.constant 156 : i32
        %get3A_97 = arith.index_cast %get3A_96 : i32 to index
        %get3A_98 = arith.constant 48 : index
        %get3A_99 = tpu.vector_load %arg11[%get3A_97, %get3A_98] {strides = array<i32>} : memref<157x128xi32, #tpu.memory_space<vmem>>, vector<16xi32>,
        %get3A_100 = arith.constant 156 : i32
        %get3A_101 = arith.index_cast %get3A_100 : i32 to index
        %get3A_102 = arith.constant 48 : index
        %get3A_103 = tpu.vector_load %arg10[%get3A_101, %get3A_102] {strides = array<i32>} : memref<157x128xi32, #tpu.memory_space<vmem>>, vector<16xi32>,
        %gather3A_104 = tpu.vector_load_idx %arg15[%get3A_99] : memref<10240xf32, #tpu.memory_space<vmem>>[vector<16xi32>], vector<16xf32>,
        tpu.vector_store_idx %arg14[%get3A_103], %gather3A_104 {add = true} : memref<10240xf32, #tpu.memory_space<vmem>>[vector<16xi32>], vector<16xf32>,
        %get3A_105 = arith.constant 156 : i32
        %get3A_106 = arith.index_cast %get3A_105 : i32 to index
        %get3A_107 = arith.constant 64 : index
        %get3A_108 = tpu.vector_load %arg11[%get3A_106, %get3A_107] {strides = array<i32>} : memref<157x128xi32, #tpu.memory_space<vmem>>, vector<16xi32>,
        %get3A_109 = arith.constant 156 : i32
        %get3A_110 = arith.index_cast %get3A_109 : i32 to index
        %get3A_111 = arith.constant 64 : index
        %get3A_112 = tpu.vector_load %arg10[%get3A_110, %get3A_111] {strides = array<i32>} : memref<157x128xi32, #tpu.memory_space<vmem>>, vector<16xi32>,
        %gather3A_113 = tpu.vector_load_idx %arg15[%get3A_108] : memref<10240xf32, #tpu.memory_space<vmem>>[vector<16xi32>], vector<16xf32>,
        tpu.vector_store_idx %arg14[%get3A_112], %gather3A_113 {add = true} : memref<10240xf32, #tpu.memory_space<vmem>>[vector<16xi32>], vector<16xf32>,
        %get3A_114 = arith.constant 156 : i32
        %get3A_115 = arith.index_cast %get3A_114 : i32 to index
        %get3A_116 = arith.constant 80 : index
        %get3A_117 = tpu.vector_load %arg11[%get3A_115, %get3A_116] {strides = array<i32>} : memref<157x128xi32, #tpu.memory_space<vmem>>, vector<16xi32>,
        %get3A_118 = arith.constant 156 : i32
        %get3A_119 = arith.index_cast %get3A_118 : i32 to index
        %get3A_120 = arith.constant 80 : index
        %get3A_121 = tpu.vector_load %arg10[%get3A_119, %get3A_120] {strides = array<i32>} : memref<157x128xi32, #tpu.memory_space<vmem>>, vector<16xi32>,
        %gather3A_122 = tpu.vector_load_idx %arg15[%get3A_117] : memref<10240xf32, #tpu.memory_space<vmem>>[vector<16xi32>], vector<16xf32>,
        tpu.vector_store_idx %arg14[%get3A_121], %gather3A_122 {add = true} : memref<10240xf32, #tpu.memory_space<vmem>>[vector<16xi32>], vector<16xf32>,
        %get3A_123 = arith.constant 156 : i32
        %get3A_124 = arith.index_cast %get3A_123 : i32 to index
        %get3A_125 = arith.constant 96 : index
        %get3A_126 = tpu.vector_load %arg11[%get3A_124, %get3A_125] {strides = array<i32>} : memref<157x128xi32, #tpu.memory_space<vmem>>, vector<16xi32>,
        %get3A_127 = arith.constant 156 : i32
        %get3A_128 = arith.index_cast %get3A_127 : i32 to index
        %get3A_129 = arith.constant 96 : index
        %get3A_130 = tpu.vector_load %arg10[%get3A_128, %get3A_129] {strides = array<i32>} : memref<157x128xi32, #tpu.memory_space<vmem>>, vector<16xi32>,
        %gather3A_131 = tpu.vector_load_idx %arg15[%get3A_126] : memref<10240xf32, #tpu.memory_space<vmem>>[vector<16xi32>], vector<16xf32>,
        tpu.vector_store_idx %arg14[%get3A_130], %gather3A_131 {add = true} : memref<10240xf32, #tpu.memory_space<vmem>>[vector<16xi32>], vector<16xf32>,
        %get3A_132 = arith.constant 156 : i32
        %get3A_133 = arith.index_cast %get3A_132 : i32 to index
        %get3A_134 = arith.constant 112 : index
        %get3A_135 = tpu.vector_load %arg11[%get3A_133, %get3A_134] {strides = array<i32>} : memref<157x128xi32, #tpu.memory_space<vmem>>, vector<16xi32>,
        %get3A_136 = arith.constant 156 : i32
        %get3A_137 = arith.index_cast %get3A_136 : i32 to index
        %get3A_138 = arith.constant 112 : index
        %get3A_139 = tpu.vector_load %arg10[%get3A_137, %get3A_138] {strides = array<i32>} : memref<157x128xi32, #tpu.memory_space<vmem>>, vector<16xi32>,
        %gather3A_140 = tpu.vector_load_idx %arg15[%get3A_135] : memref<10240xf32, #tpu.memory_space<vmem>>[vector<16xi32>], vector<16xf32>,
        tpu.vector_store_idx %arg14[%get3A_139], %gather3A_140 {add = true} : memref<10240xf32, #tpu.memory_space<vmem>>[vector<16xi32>], vector<16xf32>,
        %dma_wait3A = arith.constant 0 : i32
        %dma_wait3A_141 = arith.constant 0 : i32
        %dma_wait3A_142 = tpu.memref_slice %arg10[%dma_wait3A, %dma_wait3A_141] : memref<157x128xi32, #tpu.memory_space<vmem>> -> memref<1x128xi32, #tpu.memory_space<vmem>>
        %dma_wait3A_143 = tpu.memref_squeeze %dma_wait3A_142 : memref<1x128xi32, #tpu.memory_space<vmem>> -> memref<128xi32, #tpu.memory_space<vmem>>
        %dma_wait3A_144 = arith.constant 0 : i32
        %dma_wait3A_145 = arith.constant 0 : i32
        %dma_wait3A_146 = tpu.memref_slice %arg2[%dma_wait3A_144, %dma_wait3A_145] : memref<10000x64xf32, #tpu.memory_space<hbm>> -> memref<10000x64xf32, #tpu.memory_space<hbm>>
        tpu.wait_indirect_dma semaphore(%arg20 : memref<!tpu.dma_semaphore, #tpu.memory_space<semaphore_mem>>) src(%dma_wait3A_146 : memref<10000x64xf32, #tpu.memory_space<hbm>>) dst(%arg12 : memref<128x64xf32, #tpu.memory_space<vmem>>)
        %run_scoped3A = arith.constant 156 : i32
        "tpu.region"() ({
          %run_scoped3A_147 = tpu.sem_alloc : memref<!tpu.dma_semaphore, #tpu.memory_space<semaphore_mem>>
          %dma_start3A_148 = arith.constant 0 : i32
          %dma_start3A_149 = tpu.memref_slice %arg11[%run_scoped3A, %dma_start3A_148] : memref<157x128xi32, #tpu.memory_space<vmem>> -> memref<1x128xi32, #tpu.memory_space<vmem>>
          %dma_start3A_150 = tpu.memref_squeeze %dma_start3A_149 : memref<1x128xi32, #tpu.memory_space<vmem>> -> memref<128xi32, #tpu.memory_space<vmem>>
          %dma_start3A_151 = arith.constant 0 : i32
          %dma_start3A_152 = arith.constant 0 : i32
          %dma_start3A_153 = tpu.memref_slice %arg18[%dma_start3A_151, %dma_start3A_152] : memref<10112x64xf32, #tpu.memory_space<vmem_shared>> -> memref<10112x64xf32, #tpu.memory_space<vmem_shared>>
          tpu.enqueue_indirect_dma source(%arg12 : memref<128x64xf32, #tpu.memory_space<vmem>>) target(%dma_start3A_153 : memref<10112x64xf32, #tpu.memory_space<vmem_shared>>) offsets(%dma_start3A_150 : memref<128xi32, #tpu.memory_space<vmem>>) semaphore(%run_scoped3A_147 : memref<!tpu.dma_semaphore, #tpu.memory_space<semaphore_mem>>) {add = true}
          %dma_wait3A_154 = arith.constant 0 : i32
          %dma_wait3A_155 = tpu.memref_slice %arg11[%run_scoped3A, %dma_wait3A_154] : memref<157x128xi32, #tpu.memory_space<vmem>> -> memref<1x128xi32, #tpu.memory_space<vmem>>
          %dma_wait3A_156 = tpu.memref_squeeze %dma_wait3A_155 : memref<1x128xi32, #tpu.memory_space<vmem>> -> memref<128xi32, #tpu.memory_space<vmem>>
          %dma_wait3A_157 = arith.constant 0 : i32
          %dma_wait3A_158 = arith.constant 0 : i32
          %dma_wait3A_159 = tpu.memref_slice %arg18[%dma_wait3A_157, %dma_wait3A_158] : memref<10112x64xf32, #tpu.memory_space<vmem_shared>> -> memref<10112x64xf32, #tpu.memory_space<vmem_shared>>
          tpu.wait_indirect_dma semaphore(%run_scoped3A_147 : memref<!tpu.dma_semaphore, #tpu.memory_space<semaphore_mem>>) src(%arg12 : memref<128x64xf32, #tpu.memory_space<vmem>>) dst(%dma_wait3A_159 : memref<10112x64xf32, #tpu.memory_space<vmem_shared>>)
          tpu.yield
        }) : () -> ()
      } else {
      }
    } else {
    }
    %eq3A_25 = arith.constant 1 : i32
    %eq3A_26 = arith.cmpi eq, %arg0, %eq3A_25 : i32
    %convert_element_type3A_27 = arith.extui %eq3A_26 : i1 to i32
    %cond3A_28 = arith.constant 0 : i32
    %cond3A_29 = arith.cmpi ne, %convert_element_type3A_27, %cond3A_28 : i32
    scf.if %cond3A_29 {
      %dma_start3A = arith.constant 0 : i32
      %dma_start3A_49 = arith.constant 0 : i32
      %dma_start3A_50 = tpu.memref_slice %arg10[%dma_start3A, %dma_start3A_49] : memref<157x128xi32, #tpu.memory_space<vmem>> -> memref<1x128xi32, #tpu.memory_space<vmem>>
      %dma_start3A_51 = tpu.memref_squeeze %dma_start3A_50 : memref<1x128xi32, #tpu.memory_space<vmem>> -> memref<128xi32, #tpu.memory_space<vmem>>
      %dma_start3A_52 = arith.constant 0 : i32
      %dma_start3A_53 = arith.constant 0 : i32
      %dma_start3A_54 = tpu.memref_slice %arg3[%dma_start3A_52, %dma_start3A_53] : memref<10000x64xf32, #tpu.memory_space<hbm>> -> memref<10000x64xf32, #tpu.memory_space<hbm>>
      tpu.enqueue_indirect_dma source(%dma_start3A_54 : memref<10000x64xf32, #tpu.memory_space<hbm>>) target(%arg12 : memref<128x64xf32, #tpu.memory_space<vmem>>) offsets(%dma_start3A_51 : memref<128xi32, #tpu.memory_space<vmem>>) semaphore(%arg20 : memref<!tpu.dma_semaphore, #tpu.memory_space<semaphore_mem>>)
      %dma_start3A_55 = arith.constant 1 : i32
      %dma_start3A_56 = arith.constant 0 : i32
      %dma_start3A_57 = tpu.memref_slice %arg10[%dma_start3A_55, %dma_start3A_56] : memref<157x128xi32, #tpu.memory_space<vmem>> -> memref<1x128xi32, #tpu.memory_space<vmem>>
      %dma_start3A_58 = tpu.memref_squeeze %dma_start3A_57 : memref<1x128xi32, #tpu.memory_space<vmem>> -> memref<128xi32, #tpu.memory_space<vmem>>
      %dma_start3A_59 = arith.constant 0 : i32
      %dma_start3A_60 = arith.constant 0 : i32
      %dma_start3A_61 = tpu.memref_slice %arg3[%dma_start3A_59, %dma_start3A_60] : memref<10000x64xf32, #tpu.memory_space<hbm>> -> memref<10000x64xf32, #tpu.memory_space<hbm>>
      tpu.enqueue_indirect_dma source(%dma_start3A_61 : memref<10000x64xf32, #tpu.memory_space<hbm>>) target(%arg13 : memref<128x64xf32, #tpu.memory_space<vmem>>) offsets(%dma_start3A_58 : memref<128xi32, #tpu.memory_space<vmem>>) semaphore(%arg21 : memref<!tpu.dma_semaphore, #tpu.memory_space<semaphore_mem>>)
      %scan3A = arith.constant 0 : i32
      %scan3A_62 = arith.constant 78 : i32
      %scan3A_63 = arith.addi %scan3A, %scan3A_62 : i32
      %scan3A_64 = arith.constant 1 : i32
      scf.for %scan3A_71 = %scan3A to %scan3A_63 step %scan3A_64  : i32 {
        %mul3A_72 = arith.constant 2 : i32
        %mul3A_73 = arith.muli %scan3A_71, %mul3A_72 : i32
        %add3A_74 = arith.constant 0 : i32
        %add3A_75 = arith.addi %add3A_74, %mul3A_73 : i32
        %add3A_76 = arith.constant 0 : i32
        %add3A_77 = arith.addi %add3A_75, %add3A_76 : i32
        %dma_wait3A = arith.constant 0 : i32
        %dma_wait3A_78 = arith.constant 0 : i32
        %dma_wait3A_79 = tpu.memref_slice %arg10[%dma_wait3A, %dma_wait3A_78] : memref<157x128xi32, #tpu.memory_space<vmem>> -> memref<1x128xi32, #tpu.memory_space<vmem>>
        %dma_wait3A_80 = tpu.memref_squeeze %dma_wait3A_79 : memref<1x128xi32, #tpu.memory_space<vmem>> -> memref<128xi32, #tpu.memory_space<vmem>>
        %dma_wait3A_81 = arith.constant 0 : i32
        %dma_wait3A_82 = arith.constant 0 : i32
        %dma_wait3A_83 = tpu.memref_slice %arg3[%dma_wait3A_81, %dma_wait3A_82] : memref<10000x64xf32, #tpu.memory_space<hbm>> -> memref<10000x64xf32, #tpu.memory_space<hbm>>
        tpu.wait_indirect_dma semaphore(%arg20 : memref<!tpu.dma_semaphore, #tpu.memory_space<semaphore_mem>>) src(%dma_wait3A_83 : memref<10000x64xf32, #tpu.memory_space<hbm>>) dst(%arg12 : memref<128x64xf32, #tpu.memory_space<vmem>>)
        %dma_start3A_84 = arith.constant 0 : i32
        %dma_start3A_85 = tpu.memref_slice %arg11[%add3A_77, %dma_start3A_84] : memref<157x128xi32, #tpu.memory_space<vmem>> -> memref<1x128xi32, #tpu.memory_space<vmem>>
        %dma_start3A_86 = tpu.memref_squeeze %dma_start3A_85 : memref<1x128xi32, #tpu.memory_space<vmem>> -> memref<128xi32, #tpu.memory_space<vmem>>
        %dma_start3A_87 = arith.constant 0 : i32
        %dma_start3A_88 = arith.constant 0 : i32
        %dma_start3A_89 = tpu.memref_slice %arg18[%dma_start3A_87, %dma_start3A_88] : memref<10112x64xf32, #tpu.memory_space<vmem_shared>> -> memref<10112x64xf32, #tpu.memory_space<vmem_shared>>
        tpu.enqueue_indirect_dma source(%arg12 : memref<128x64xf32, #tpu.memory_space<vmem>>) target(%dma_start3A_89 : memref<10112x64xf32, #tpu.memory_space<vmem_shared>>) offsets(%dma_start3A_86 : memref<128xi32, #tpu.memory_space<vmem>>) semaphore(%arg22 : memref<!tpu.dma_semaphore, #tpu.memory_space<semaphore_mem>>) {add = true}
        %dma_wait3A_90 = arith.constant 0 : i32
        %dma_wait3A_91 = arith.constant 0 : i32
        %dma_wait3A_92 = tpu.memref_slice %arg11[%dma_wait3A_90, %dma_wait3A_91] : memref<157x128xi32, #tpu.memory_space<vmem>> -> memref<1x128xi32, #tpu.memory_space<vmem>>
        %dma_wait3A_93 = tpu.memref_squeeze %dma_wait3A_92 : memref<1x128xi32, #tpu.memory_space<vmem>> -> memref<128xi32, #tpu.memory_space<vmem>>
        %dma_wait3A_94 = arith.constant 0 : i32
        %dma_wait3A_95 = arith.constant 0 : i32
        %dma_wait3A_96 = tpu.memref_slice %arg18[%dma_wait3A_94, %dma_wait3A_95] : memref<10112x64xf32, #tpu.memory_space<vmem_shared>> -> memref<10112x64xf32, #tpu.memory_space<vmem_shared>>
        tpu.wait_indirect_dma semaphore(%arg22 : memref<!tpu.dma_semaphore, #tpu.memory_space<semaphore_mem>>) src(%arg12 : memref<128x64xf32, #tpu.memory_space<vmem>>) dst(%dma_wait3A_96 : memref<10112x64xf32, #tpu.memory_space<vmem_shared>>)
        %add3A_97 = arith.constant 2 : i32
        %add3A_98 = arith.addi %add3A_77, %add3A_97 : i32
        %lt3A_99 = arith.cmpi slt, %add3A_98, %select_n3A : i32
        %convert_element_type3A_100 = arith.extui %lt3A_99 : i1 to i32
        %cond3A_101 = arith.constant 0 : i32
        %cond3A_102 = arith.cmpi ne, %convert_element_type3A_100, %cond3A_101 : i32
        scf.if %cond3A_102 {
          %add3A_131 = arith.constant 2 : i32
          %add3A_132 = arith.addi %add3A_77, %add3A_131 : i32
          %dma_start3A_133 = arith.constant 0 : i32
          %dma_start3A_134 = tpu.memref_slice %arg10[%add3A_132, %dma_start3A_133] : memref<157x128xi32, #tpu.memory_space<vmem>> -> memref<1x128xi32, #tpu.memory_space<vmem>>
          %dma_start3A_135 = tpu.memref_squeeze %dma_start3A_134 : memref<1x128xi32, #tpu.memory_space<vmem>> -> memref<128xi32, #tpu.memory_space<vmem>>
          %dma_start3A_136 = arith.constant 0 : i32
          %dma_start3A_137 = arith.constant 0 : i32
          %dma_start3A_138 = tpu.memref_slice %arg3[%dma_start3A_136, %dma_start3A_137] : memref<10000x64xf32, #tpu.memory_space<hbm>> -> memref<10000x64xf32, #tpu.memory_space<hbm>>
          tpu.enqueue_indirect_dma source(%dma_start3A_138 : memref<10000x64xf32, #tpu.memory_space<hbm>>) target(%arg12 : memref<128x64xf32, #tpu.memory_space<vmem>>) offsets(%dma_start3A_135 : memref<128xi32, #tpu.memory_space<vmem>>) semaphore(%arg20 : memref<!tpu.dma_semaphore, #tpu.memory_space<semaphore_mem>>)
        } else {
        }
        %add3A_103 = arith.constant 1 : i32
        %add3A_104 = arith.addi %add3A_75, %add3A_103 : i32
        %dma_wait3A_105 = arith.constant 0 : i32
        %dma_wait3A_106 = arith.constant 0 : i32
        %dma_wait3A_107 = tpu.memref_slice %arg10[%dma_wait3A_105, %dma_wait3A_106] : memref<157x128xi32, #tpu.memory_space<vmem>> -> memref<1x128xi32, #tpu.memory_space<vmem>>
        %dma_wait3A_108 = tpu.memref_squeeze %dma_wait3A_107 : memref<1x128xi32, #tpu.memory_space<vmem>> -> memref<128xi32, #tpu.memory_space<vmem>>
        %dma_wait3A_109 = arith.constant 0 : i32
        %dma_wait3A_110 = arith.constant 0 : i32
        %dma_wait3A_111 = tpu.memref_slice %arg3[%dma_wait3A_109, %dma_wait3A_110] : memref<10000x64xf32, #tpu.memory_space<hbm>> -> memref<10000x64xf32, #tpu.memory_space<hbm>>
        tpu.wait_indirect_dma semaphore(%arg21 : memref<!tpu.dma_semaphore, #tpu.memory_space<semaphore_mem>>) src(%dma_wait3A_111 : memref<10000x64xf32, #tpu.memory_space<hbm>>) dst(%arg13 : memref<128x64xf32, #tpu.memory_space<vmem>>)
        %dma_start3A_112 = arith.constant 0 : i32
        %dma_start3A_113 = tpu.memref_slice %arg11[%add3A_104, %dma_start3A_112] : memref<157x128xi32, #tpu.memory_space<vmem>> -> memref<1x128xi32, #tpu.memory_space<vmem>>
        %dma_start3A_114 = tpu.memref_squeeze %dma_start3A_113 : memref<1x128xi32, #tpu.memory_space<vmem>> -> memref<128xi32, #tpu.memory_space<vmem>>
        %dma_start3A_115 = arith.constant 0 : i32
        %dma_start3A_116 = arith.constant 0 : i32
        %dma_start3A_117 = tpu.memref_slice %arg18[%dma_start3A_115, %dma_start3A_116] : memref<10112x64xf32, #tpu.memory_space<vmem_shared>> -> memref<10112x64xf32, #tpu.memory_space<vmem_shared>>
        tpu.enqueue_indirect_dma source(%arg13 : memref<128x64xf32, #tpu.memory_space<vmem>>) target(%dma_start3A_117 : memref<10112x64xf32, #tpu.memory_space<vmem_shared>>) offsets(%dma_start3A_114 : memref<128xi32, #tpu.memory_space<vmem>>) semaphore(%arg23 : memref<!tpu.dma_semaphore, #tpu.memory_space<semaphore_mem>>) {add = true}
        %dma_wait3A_118 = arith.constant 0 : i32
        %dma_wait3A_119 = arith.constant 0 : i32
        %dma_wait3A_120 = tpu.memref_slice %arg11[%dma_wait3A_118, %dma_wait3A_119] : memref<157x128xi32, #tpu.memory_space<vmem>> -> memref<1x128xi32, #tpu.memory_space<vmem>>
        %dma_wait3A_121 = tpu.memref_squeeze %dma_wait3A_120 : memref<1x128xi32, #tpu.memory_space<vmem>> -> memref<128xi32, #tpu.memory_space<vmem>>
        %dma_wait3A_122 = arith.constant 0 : i32
        %dma_wait3A_123 = arith.constant 0 : i32
        %dma_wait3A_124 = tpu.memref_slice %arg18[%dma_wait3A_122, %dma_wait3A_123] : memref<10112x64xf32, #tpu.memory_space<vmem_shared>> -> memref<10112x64xf32, #tpu.memory_space<vmem_shared>>
        tpu.wait_indirect_dma semaphore(%arg23 : memref<!tpu.dma_semaphore, #tpu.memory_space<semaphore_mem>>) src(%arg13 : memref<128x64xf32, #tpu.memory_space<vmem>>) dst(%dma_wait3A_124 : memref<10112x64xf32, #tpu.memory_space<vmem_shared>>)
        %add3A_125 = arith.constant 2 : i32
        %add3A_126 = arith.addi %add3A_104, %add3A_125 : i32
        %lt3A_127 = arith.cmpi slt, %add3A_126, %select_n3A : i32
        %convert_element_type3A_128 = arith.extui %lt3A_127 : i1 to i32
        %cond3A_129 = arith.constant 0 : i32
        %cond3A_130 = arith.cmpi ne, %convert_element_type3A_128, %cond3A_129 : i32
        scf.if %cond3A_130 {
          %add3A_131 = arith.constant 2 : i32
          %add3A_132 = arith.addi %add3A_104, %add3A_131 : i32
          %dma_start3A_133 = arith.constant 0 : i32
          %dma_start3A_134 = tpu.memref_slice %arg10[%add3A_132, %dma_start3A_133] : memref<157x128xi32, #tpu.memory_space<vmem>> -> memref<1x128xi32, #tpu.memory_space<vmem>>
          %dma_start3A_135 = tpu.memref_squeeze %dma_start3A_134 : memref<1x128xi32, #tpu.memory_space<vmem>> -> memref<128xi32, #tpu.memory_space<vmem>>
          %dma_start3A_136 = arith.constant 0 : i32
          %dma_start3A_137 = arith.constant 0 : i32
          %dma_start3A_138 = tpu.memref_slice %arg3[%dma_start3A_136, %dma_start3A_137] : memref<10000x64xf32, #tpu.memory_space<hbm>> -> memref<10000x64xf32, #tpu.memory_space<hbm>>
          tpu.enqueue_indirect_dma source(%dma_start3A_138 : memref<10000x64xf32, #tpu.memory_space<hbm>>) target(%arg13 : memref<128x64xf32, #tpu.memory_space<vmem>>) offsets(%dma_start3A_135 : memref<128xi32, #tpu.memory_space<vmem>>) semaphore(%arg21 : memref<!tpu.dma_semaphore, #tpu.memory_space<semaphore_mem>>)
        } else {
        }
      }
      %scan3A_65 = arith.constant 78 : i32
      %lt3A_66 = arith.constant 4 : i32
      %lt3A_67 = arith.cmpi slt, %arg1, %lt3A_66 : i32
      %convert_element_type3A_68 = arith.extui %lt3A_67 : i1 to i32
      %cond3A_69 = arith.constant 0 : i32
      %cond3A_70 = arith.cmpi ne, %convert_element_type3A_68, %cond3A_69 : i32
      scf.if %cond3A_70 {
        %dma_wait3A = arith.constant 0 : i32
        %dma_wait3A_71 = arith.constant 0 : i32
        %dma_wait3A_72 = tpu.memref_slice %arg10[%dma_wait3A, %dma_wait3A_71] : memref<157x128xi32, #tpu.memory_space<vmem>> -> memref<1x128xi32, #tpu.memory_space<vmem>>
        %dma_wait3A_73 = tpu.memref_squeeze %dma_wait3A_72 : memref<1x128xi32, #tpu.memory_space<vmem>> -> memref<128xi32, #tpu.memory_space<vmem>>
        %dma_wait3A_74 = arith.constant 0 : i32
        %dma_wait3A_75 = arith.constant 0 : i32
        %dma_wait3A_76 = tpu.memref_slice %arg3[%dma_wait3A_74, %dma_wait3A_75] : memref<10000x64xf32, #tpu.memory_space<hbm>> -> memref<10000x64xf32, #tpu.memory_space<hbm>>
        tpu.wait_indirect_dma semaphore(%arg20 : memref<!tpu.dma_semaphore, #tpu.memory_space<semaphore_mem>>) src(%dma_wait3A_76 : memref<10000x64xf32, #tpu.memory_space<hbm>>) dst(%arg12 : memref<128x64xf32, #tpu.memory_space<vmem>>)
        %run_scoped3A = arith.constant 156 : i32
        "tpu.region"() ({
          %run_scoped3A_77 = tpu.sem_alloc : memref<!tpu.dma_semaphore, #tpu.memory_space<semaphore_mem>>
          %dma_start3A_78 = arith.constant 0 : i32
          %dma_start3A_79 = tpu.memref_slice %arg11[%run_scoped3A, %dma_start3A_78] : memref<157x128xi32, #tpu.memory_space<vmem>> -> memref<1x128xi32, #tpu.memory_space<vmem>>
          %dma_start3A_80 = tpu.memref_squeeze %dma_start3A_79 : memref<1x128xi32, #tpu.memory_space<vmem>> -> memref<128xi32, #tpu.memory_space<vmem>>
          %dma_start3A_81 = arith.constant 0 : i32
          %dma_start3A_82 = arith.constant 0 : i32
          %dma_start3A_83 = tpu.memref_slice %arg18[%dma_start3A_81, %dma_start3A_82] : memref<10112x64xf32, #tpu.memory_space<vmem_shared>> -> memref<10112x64xf32, #tpu.memory_space<vmem_shared>>
          tpu.enqueue_indirect_dma source(%arg12 : memref<128x64xf32, #tpu.memory_space<vmem>>) target(%dma_start3A_83 : memref<10112x64xf32, #tpu.memory_space<vmem_shared>>) offsets(%dma_start3A_80 : memref<128xi32, #tpu.memory_space<vmem>>) semaphore(%run_scoped3A_77 : memref<!tpu.dma_semaphore, #tpu.memory_space<semaphore_mem>>) {add = true}
          %dma_wait3A_84 = arith.constant 0 : i32
          %dma_wait3A_85 = tpu.memref_slice %arg11[%run_scoped3A, %dma_wait3A_84] : memref<157x128xi32, #tpu.memory_space<vmem>> -> memref<1x128xi32, #tpu.memory_space<vmem>>
          %dma_wait3A_86 = tpu.memref_squeeze %dma_wait3A_85 : memref<1x128xi32, #tpu.memory_space<vmem>> -> memref<128xi32, #tpu.memory_space<vmem>>
          %dma_wait3A_87 = arith.constant 0 : i32
          %dma_wait3A_88 = arith.constant 0 : i32
          %dma_wait3A_89 = tpu.memref_slice %arg18[%dma_wait3A_87, %dma_wait3A_88] : memref<10112x64xf32, #tpu.memory_space<vmem_shared>> -> memref<10112x64xf32, #tpu.memory_space<vmem_shared>>
          tpu.wait_indirect_dma semaphore(%run_scoped3A_77 : memref<!tpu.dma_semaphore, #tpu.memory_space<semaphore_mem>>) src(%arg12 : memref<128x64xf32, #tpu.memory_space<vmem>>) dst(%dma_wait3A_89 : memref<10112x64xf32, #tpu.memory_space<vmem_shared>>)
          tpu.yield
        }) : () -> ()
      } else {
      }
    } else {
    }
    %barrier3A_30 = arith.constant 0 : index
    tpu.barrier barrier_id(%barrier3A_30)
    "tpu.region"() ({
      %run_scoped3A = tpu.sem_alloc : memref<!tpu.dma_semaphore, #tpu.memory_space<semaphore_mem>>
      %dma_start3A = arith.constant 0 : i32
      %dma_start3A_49 = arith.constant 0 : i32
      %dma_start3A_50 = tpu.memref_slice %arg8[%arg0, %dma_start3A, %dma_start3A_49] : memref<2x10112x64xf32, #tpu.memory_space<hbm>> -> memref<1x10112x64xf32, #tpu.memory_space<hbm>>
      %dma_start3A_51 = tpu.memref_squeeze %dma_start3A_50 : memref<1x10112x64xf32, #tpu.memory_space<hbm>> -> memref<10112x64xf32, #tpu.memory_space<hbm>>
      %dma_start3A_52 = arith.constant 0 : i32
      %dma_start3A_53 = tpu.memref_slice %dma_start3A_51[%mul3A_0, %dma_start3A_52] : memref<10112x64xf32, #tpu.memory_space<hbm>> -> memref<632x64xf32, #tpu.memory_space<hbm>>
      %dma_start3A_54 = arith.constant 0 : i32
      %dma_start3A_55 = tpu.memref_slice %arg18[%mul3A_0, %dma_start3A_54] : memref<10112x64xf32, #tpu.memory_space<vmem_shared>> -> memref<632x64xf32, #tpu.memory_space<vmem_shared>>
      tpu.enqueue_dma source(%dma_start3A_55 : memref<632x64xf32, #tpu.memory_space<vmem_shared>>) target(%dma_start3A_53 : memref<632x64xf32, #tpu.memory_space<hbm>>) target_semaphore(%run_scoped3A : memref<!tpu.dma_semaphore, #tpu.memory_space<semaphore_mem>>)
      %dma_wait3A = arith.constant 0 : i32
      %dma_wait3A_56 = arith.constant 0 : i32
      %dma_wait3A_57 = tpu.memref_slice %arg8[%arg0, %dma_wait3A, %dma_wait3A_56] : memref<2x10112x64xf32, #tpu.memory_space<hbm>> -> memref<1x10112x64xf32, #tpu.memory_space<hbm>>
      %dma_wait3A_58 = tpu.memref_squeeze %dma_wait3A_57 : memref<1x10112x64xf32, #tpu.memory_space<hbm>> -> memref<10112x64xf32, #tpu.memory_space<hbm>>
      %dma_wait3A_59 = arith.constant 0 : i32
      %dma_wait3A_60 = tpu.memref_slice %dma_wait3A_58[%mul3A_0, %dma_wait3A_59] : memref<10112x64xf32, #tpu.memory_space<hbm>> -> memref<632x64xf32, #tpu.memory_space<hbm>>
      %dma_wait3A_61 = arith.constant 0 : i32
      %dma_wait3A_62 = tpu.memref_slice %arg18[%mul3A_0, %dma_wait3A_61] : memref<10112x64xf32, #tpu.memory_space<vmem_shared>> -> memref<632x64xf32, #tpu.memory_space<vmem_shared>>
      tpu.wait_dma2 semaphore(%run_scoped3A : memref<!tpu.dma_semaphore, #tpu.memory_space<semaphore_mem>>) src(%dma_wait3A_62 : memref<632x64xf32, #tpu.memory_space<vmem_shared>>) dst(%dma_wait3A_60 : memref<632x64xf32, #tpu.memory_space<hbm>>)
      tpu.yield
    }) : () -> ()
    %mul3A_31 = arith.constant 640 : i32
    %mul3A_32 = arith.muli %arg1, %mul3A_31 : i32
    %eq3A_33 = arith.constant 0 : i32
    %eq3A_34 = arith.cmpi eq, %arg0, %eq3A_33 : i32
    %convert_element_type3A_35 = arith.extui %eq3A_34 : i1 to i32
    %cond3A_36 = arith.constant 0 : i32
    %cond3A_37 = arith.cmpi ne, %convert_element_type3A_35, %cond3A_36 : i32
    scf.if %cond3A_37 {
      "tpu.region"() ({
        %run_scoped3A = tpu.sem_alloc : memref<!tpu.dma_semaphore, #tpu.memory_space<semaphore_mem>>
        %dma_start3A = arith.constant 0 : i32
        %dma_start3A_49 = tpu.memref_slice %arg19[%arg1, %dma_start3A] : memref<16x10240xf32, #tpu.memory_space<vmem_shared>> -> memref<1x10240xf32, #tpu.memory_space<vmem_shared>>
        %dma_start3A_50 = tpu.memref_squeeze %dma_start3A_49 : memref<1x10240xf32, #tpu.memory_space<vmem_shared>> -> memref<10240xf32, #tpu.memory_space<vmem_shared>>
        %dma_start3A_51 = arith.constant 0 : i32
        %dma_start3A_52 = tpu.memref_slice %arg19[%arg1, %dma_start3A_51] : memref<16x10240xf32, #tpu.memory_space<vmem_shared>> -> memref<1x10240xf32, #tpu.memory_space<vmem_shared>>
        %dma_start3A_53 = tpu.memref_squeeze %dma_start3A_52 : memref<1x10240xf32, #tpu.memory_space<vmem_shared>> -> memref<10240xf32, #tpu.memory_space<vmem_shared>>
        tpu.enqueue_dma source(%arg14 : memref<10240xf32, #tpu.memory_space<vmem>>) target(%dma_start3A_53 : memref<10240xf32, #tpu.memory_space<vmem_shared>>) target_semaphore(%run_scoped3A : memref<!tpu.dma_semaphore, #tpu.memory_space<semaphore_mem>>)
        %dma_wait3A = arith.constant 0 : i32
        %dma_wait3A_54 = tpu.memref_slice %arg19[%arg1, %dma_wait3A] : memref<16x10240xf32, #tpu.memory_space<vmem_shared>> -> memref<1x10240xf32, #tpu.memory_space<vmem_shared>>
        %dma_wait3A_55 = tpu.memref_squeeze %dma_wait3A_54 : memref<1x10240xf32, #tpu.memory_space<vmem_shared>> -> memref<10240xf32, #tpu.memory_space<vmem_shared>>
        %dma_wait3A_56 = arith.constant 0 : i32
        %dma_wait3A_57 = tpu.memref_slice %arg19[%arg1, %dma_wait3A_56] : memref<16x10240xf32, #tpu.memory_space<vmem_shared>> -> memref<1x10240xf32, #tpu.memory_space<vmem_shared>>
        %dma_wait3A_58 = tpu.memref_squeeze %dma_wait3A_57 : memref<1x10240xf32, #tpu.memory_space<vmem_shared>> -> memref<10240xf32, #tpu.memory_space<vmem_shared>>
        tpu.wait_dma2 semaphore(%run_scoped3A : memref<!tpu.dma_semaphore, #tpu.memory_space<semaphore_mem>>) src(%arg14 : memref<10240xf32, #tpu.memory_space<vmem>>) dst(%dma_wait3A_58 : memref<10240xf32, #tpu.memory_space<vmem_shared>>)
        tpu.yield
      }) : () -> ()
    } else {
    }
    %barrier3A_38 = arith.constant 0 : index
    tpu.barrier barrier_id(%barrier3A_38)
    %eq3A_39 = arith.constant 0 : i32
    %eq3A_40 = arith.cmpi eq, %arg0, %eq3A_39 : i32
    %convert_element_type3A_41 = arith.extui %eq3A_40 : i1 to i32
    %cond3A_42 = arith.constant 0 : i32
    %cond3A_43 = arith.cmpi ne, %convert_element_type3A_41, %cond3A_42 : i32
    scf.if %cond3A_43 {
      %run_scoped3A = arith.constant 0 : i32
      "tpu.region"() ({
        %run_scoped3A_143 = tpu.sem_alloc : memref<!tpu.dma_semaphore, #tpu.memory_space<semaphore_mem>>
        %dma_start3A = arith.constant 0 : i32
        %dma_start3A_144 = tpu.memref_slice %arg19[%run_scoped3A, %dma_start3A] : memref<16x10240xf32, #tpu.memory_space<vmem_shared>> -> memref<1x10240xf32, #tpu.memory_space<vmem_shared>>
        %dma_start3A_145 = tpu.memref_squeeze %dma_start3A_144 : memref<1x10240xf32, #tpu.memory_space<vmem_shared>> -> memref<10240xf32, #tpu.memory_space<vmem_shared>>
        %dma_start3A_146 = tpu.memref_slice %dma_start3A_145[%mul3A_32] : memref<10240xf32, #tpu.memory_space<vmem_shared>> -> memref<640xf32, #tpu.memory_space<vmem_shared>>
        %dma_start3A_147 = arith.constant 0 : i32
        %dma_start3A_148 = tpu.memref_slice %arg19[%run_scoped3A, %dma_start3A_147] : memref<16x10240xf32, #tpu.memory_space<vmem_shared>> -> memref<1x10240xf32, #tpu.memory_space<vmem_shared>>
        %dma_start3A_149 = tpu.memref_squeeze %dma_start3A_148 : memref<1x10240xf32, #tpu.memory_space<vmem_shared>> -> memref<10240xf32, #tpu.memory_space<vmem_shared>>
        %dma_start3A_150 = tpu.memref_slice %dma_start3A_149[%mul3A_32] : memref<10240xf32, #tpu.memory_space<vmem_shared>> -> memref<640xf32, #tpu.memory_space<vmem_shared>>
        tpu.enqueue_dma source(%dma_start3A_150 : memref<640xf32, #tpu.memory_space<vmem_shared>>) target(%arg17 : memref<640xf32, #tpu.memory_space<vmem>>) target_semaphore(%run_scoped3A_143 : memref<!tpu.dma_semaphore, #tpu.memory_space<semaphore_mem>>)
        %dma_wait3A = arith.constant 0 : i32
        %dma_wait3A_151 = tpu.memref_slice %arg19[%run_scoped3A, %dma_wait3A] : memref<16x10240xf32, #tpu.memory_space<vmem_shared>> -> memref<1x10240xf32, #tpu.memory_space<vmem_shared>>
        %dma_wait3A_152 = tpu.memref_squeeze %dma_wait3A_151 : memref<1x10240xf32, #tpu.memory_space<vmem_shared>> -> memref<10240xf32, #tpu.memory_space<vmem_shared>>
        %dma_wait3A_153 = tpu.memref_slice %dma_wait3A_152[%mul3A_32] : memref<10240xf32, #tpu.memory_space<vmem_shared>> -> memref<640xf32, #tpu.memory_space<vmem_shared>>
        %dma_wait3A_154 = arith.constant 0 : i32
        %dma_wait3A_155 = tpu.memref_slice %arg19[%run_scoped3A, %dma_wait3A_154] : memref<16x10240xf32, #tpu.memory_space<vmem_shared>> -> memref<1x10240xf32, #tpu.memory_space<vmem_shared>>
        %dma_wait3A_156 = tpu.memref_squeeze %dma_wait3A_155 : memref<1x10240xf32, #tpu.memory_space<vmem_shared>> -> memref<10240xf32, #tpu.memory_space<vmem_shared>>
        %dma_wait3A_157 = tpu.memref_slice %dma_wait3A_156[%mul3A_32] : memref<10240xf32, #tpu.memory_space<vmem_shared>> -> memref<640xf32, #tpu.memory_space<vmem_shared>>
        tpu.wait_dma2 semaphore(%run_scoped3A_143 : memref<!tpu.dma_semaphore, #tpu.memory_space<semaphore_mem>>) src(%dma_wait3A_157 : memref<640xf32, #tpu.memory_space<vmem_shared>>) dst(%arg17 : memref<640xf32, #tpu.memory_space<vmem>>)
        tpu.yield
      }) : () -> ()
      %scan3A = arith.constant 0 : i32
      %scan3A_49 = arith.constant 40 : i32
      %scan3A_50 = arith.addi %scan3A, %scan3A_49 : i32
      %scan3A_51 = arith.constant 1 : i32
      scf.for %scan3A_143 = %scan3A to %scan3A_50 step %scan3A_51  : i32 {
        %mul3A_144 = arith.constant 1 : i32
        %mul3A_145 = arith.muli %scan3A_143, %mul3A_144 : i32
        %add3A_146 = arith.constant 0 : i32
        %add3A_147 = arith.addi %add3A_146, %mul3A_145 : i32
        %mul3A_148 = arith.constant 16 : i32
        %mul3A_149 = arith.muli %add3A_147, %mul3A_148 : i32
        %get3A = arith.index_cast %mul3A_149 : i32 to index
        %get3A_150 = tpu.vector_load %arg17[%get3A] {strides = array<i32>} : memref<640xf32, #tpu.memory_space<vmem>>, vector<16xf32>,
        %mul3A_151 = arith.constant 16 : i32
        %mul3A_152 = arith.muli %add3A_147, %mul3A_151 : i32
        %swap3A = arith.index_cast %mul3A_152 : i32 to index
        %swap3A_153 = tpu.vector_load %arg16[%swap3A] {strides = array<i32>} : memref<640xf32, #tpu.memory_space<vmem>>, vector<16xf32>,
        tpu.vector_store %arg16[%swap3A], %get3A_150 {strides = array<i32>} : memref<640xf32, #tpu.memory_space<vmem>>, vector<16xf32>,
      }
      %scan3A_52 = arith.constant 40 : i32
      %run_scoped3A_53 = arith.constant 1 : i32
      "tpu.region"() ({
        %run_scoped3A_143 = tpu.sem_alloc : memref<!tpu.dma_semaphore, #tpu.memory_space<semaphore_mem>>
        %dma_start3A = arith.constant 0 : i32
        %dma_start3A_144 = tpu.memref_slice %arg19[%run_scoped3A_53, %dma_start3A] : memref<16x10240xf32, #tpu.memory_space<vmem_shared>> -> memref<1x10240xf32, #tpu.memory_space<vmem_shared>>
        %dma_start3A_145 = tpu.memref_squeeze %dma_start3A_144 : memref<1x10240xf32, #tpu.memory_space<vmem_shared>> -> memref<10240xf32, #tpu.memory_space<vmem_shared>>
        %dma_start3A_146 = tpu.memref_slice %dma_start3A_145[%mul3A_32] : memref<10240xf32, #tpu.memory_space<vmem_shared>> -> memref<640xf32, #tpu.memory_space<vmem_shared>>
        %dma_start3A_147 = arith.constant 0 : i32
        %dma_start3A_148 = tpu.memref_slice %arg19[%run_scoped3A_53, %dma_start3A_147] : memref<16x10240xf32, #tpu.memory_space<vmem_shared>> -> memref<1x10240xf32, #tpu.memory_space<vmem_shared>>
        %dma_start3A_149 = tpu.memref_squeeze %dma_start3A_148 : memref<1x10240xf32, #tpu.memory_space<vmem_shared>> -> memref<10240xf32, #tpu.memory_space<vmem_shared>>
        %dma_start3A_150 = tpu.memref_slice %dma_start3A_149[%mul3A_32] : memref<10240xf32, #tpu.memory_space<vmem_shared>> -> memref<640xf32, #tpu.memory_space<vmem_shared>>
        tpu.enqueue_dma source(%dma_start3A_150 : memref<640xf32, #tpu.memory_space<vmem_shared>>) target(%arg17 : memref<640xf32, #tpu.memory_space<vmem>>) target_semaphore(%run_scoped3A_143 : memref<!tpu.dma_semaphore, #tpu.memory_space<semaphore_mem>>)
        %dma_wait3A = arith.constant 0 : i32
        %dma_wait3A_151 = tpu.memref_slice %arg19[%run_scoped3A_53, %dma_wait3A] : memref<16x10240xf32, #tpu.memory_space<vmem_shared>> -> memref<1x10240xf32, #tpu.memory_space<vmem_shared>>
        %dma_wait3A_152 = tpu.memref_squeeze %dma_wait3A_151 : memref<1x10240xf32, #tpu.memory_space<vmem_shared>> -> memref<10240xf32, #tpu.memory_space<vmem_shared>>
        %dma_wait3A_153 = tpu.memref_slice %dma_wait3A_152[%mul3A_32] : memref<10240xf32, #tpu.memory_space<vmem_shared>> -> memref<640xf32, #tpu.memory_space<vmem_shared>>
        %dma_wait3A_154 = arith.constant 0 : i32
        %dma_wait3A_155 = tpu.memref_slice %arg19[%run_scoped3A_53, %dma_wait3A_154] : memref<16x10240xf32, #tpu.memory_space<vmem_shared>> -> memref<1x10240xf32, #tpu.memory_space<vmem_shared>>
        %dma_wait3A_156 = tpu.memref_squeeze %dma_wait3A_155 : memref<1x10240xf32, #tpu.memory_space<vmem_shared>> -> memref<10240xf32, #tpu.memory_space<vmem_shared>>
        %dma_wait3A_157 = tpu.memref_slice %dma_wait3A_156[%mul3A_32] : memref<10240xf32, #tpu.memory_space<vmem_shared>> -> memref<640xf32, #tpu.memory_space<vmem_shared>>
        tpu.wait_dma2 semaphore(%run_scoped3A_143 : memref<!tpu.dma_semaphore, #tpu.memory_space<semaphore_mem>>) src(%dma_wait3A_157 : memref<640xf32, #tpu.memory_space<vmem_shared>>) dst(%arg17 : memref<640xf32, #tpu.memory_space<vmem>>)
        tpu.yield
      }) : () -> ()
      %scan3A_54 = arith.constant 0 : i32
      %scan3A_55 = arith.constant 40 : i32
      %scan3A_56 = arith.addi %scan3A_54, %scan3A_55 : i32
      %scan3A_57 = arith.constant 1 : i32
      scf.for %scan3A_143 = %scan3A_54 to %scan3A_56 step %scan3A_57  : i32 {
        %mul3A_144 = arith.constant 1 : i32
        %mul3A_145 = arith.muli %scan3A_143, %mul3A_144 : i32
        %add3A_146 = arith.constant 0 : i32
        %add3A_147 = arith.addi %add3A_146, %mul3A_145 : i32
        %mul3A_148 = arith.constant 16 : i32
        %mul3A_149 = arith.muli %add3A_147, %mul3A_148 : i32
        %get3A = arith.index_cast %mul3A_149 : i32 to index
        %get3A_150 = tpu.vector_load %arg16[%get3A] {strides = array<i32>} : memref<640xf32, #tpu.memory_space<vmem>>, vector<16xf32>,
        %mul3A_151 = arith.constant 16 : i32
        %mul3A_152 = arith.muli %add3A_147, %mul3A_151 : i32
        %get3A_153 = arith.index_cast %mul3A_152 : i32 to index
        %get3A_154 = tpu.vector_load %arg17[%get3A_153] {strides = array<i32>} : memref<640xf32, #tpu.memory_space<vmem>>, vector<16xf32>,
        %add3A_155 = arith.addf %get3A_150, %get3A_154 : vector<16xf32>
        %mul3A_156 = arith.constant 16 : i32
        %mul3A_157 = arith.muli %add3A_147, %mul3A_156 : i32
        %swap3A = arith.index_cast %mul3A_157 : i32 to index
        %swap3A_158 = tpu.vector_load %arg16[%swap3A] {strides = array<i32>} : memref<640xf32, #tpu.memory_space<vmem>>, vector<16xf32>,
        tpu.vector_store %arg16[%swap3A], %add3A_155 {strides = array<i32>} : memref<640xf32, #tpu.memory_space<vmem>>, vector<16xf32>,
      }
      %scan3A_58 = arith.constant 40 : i32
      %run_scoped3A_59 = arith.constant 2 : i32
      "tpu.region"() ({
        %run_scoped3A_143 = tpu.sem_alloc : memref<!tpu.dma_semaphore, #tpu.memory_space<semaphore_mem>>
        %dma_start3A = arith.constant 0 : i32
        %dma_start3A_144 = tpu.memref_slice %arg19[%run_scoped3A_59, %dma_start3A] : memref<16x10240xf32, #tpu.memory_space<vmem_shared>> -> memref<1x10240xf32, #tpu.memory_space<vmem_shared>>
        %dma_start3A_145 = tpu.memref_squeeze %dma_start3A_144 : memref<1x10240xf32, #tpu.memory_space<vmem_shared>> -> memref<10240xf32, #tpu.memory_space<vmem_shared>>
        %dma_start3A_146 = tpu.memref_slice %dma_start3A_145[%mul3A_32] : memref<10240xf32, #tpu.memory_space<vmem_shared>> -> memref<640xf32, #tpu.memory_space<vmem_shared>>
        %dma_start3A_147 = arith.constant 0 : i32
        %dma_start3A_148 = tpu.memref_slice %arg19[%run_scoped3A_59, %dma_start3A_147] : memref<16x10240xf32, #tpu.memory_space<vmem_shared>> -> memref<1x10240xf32, #tpu.memory_space<vmem_shared>>
        %dma_start3A_149 = tpu.memref_squeeze %dma_start3A_148 : memref<1x10240xf32, #tpu.memory_space<vmem_shared>> -> memref<10240xf32, #tpu.memory_space<vmem_shared>>
        %dma_start3A_150 = tpu.memref_slice %dma_start3A_149[%mul3A_32] : memref<10240xf32, #tpu.memory_space<vmem_shared>> -> memref<640xf32, #tpu.memory_space<vmem_shared>>
        tpu.enqueue_dma source(%dma_start3A_150 : memref<640xf32, #tpu.memory_space<vmem_shared>>) target(%arg17 : memref<640xf32, #tpu.memory_space<vmem>>) target_semaphore(%run_scoped3A_143 : memref<!tpu.dma_semaphore, #tpu.memory_space<semaphore_mem>>)
        %dma_wait3A = arith.constant 0 : i32
        %dma_wait3A_151 = tpu.memref_slice %arg19[%run_scoped3A_59, %dma_wait3A] : memref<16x10240xf32, #tpu.memory_space<vmem_shared>> -> memref<1x10240xf32, #tpu.memory_space<vmem_shared>>
        %dma_wait3A_152 = tpu.memref_squeeze %dma_wait3A_151 : memref<1x10240xf32, #tpu.memory_space<vmem_shared>> -> memref<10240xf32, #tpu.memory_space<vmem_shared>>
        %dma_wait3A_153 = tpu.memref_slice %dma_wait3A_152[%mul3A_32] : memref<10240xf32, #tpu.memory_space<vmem_shared>> -> memref<640xf32, #tpu.memory_space<vmem_shared>>
        %dma_wait3A_154 = arith.constant 0 : i32
        %dma_wait3A_155 = tpu.memref_slice %arg19[%run_scoped3A_59, %dma_wait3A_154] : memref<16x10240xf32, #tpu.memory_space<vmem_shared>> -> memref<1x10240xf32, #tpu.memory_space<vmem_shared>>
        %dma_wait3A_156 = tpu.memref_squeeze %dma_wait3A_155 : memref<1x10240xf32, #tpu.memory_space<vmem_shared>> -> memref<10240xf32, #tpu.memory_space<vmem_shared>>
        %dma_wait3A_157 = tpu.memref_slice %dma_wait3A_156[%mul3A_32] : memref<10240xf32, #tpu.memory_space<vmem_shared>> -> memref<640xf32, #tpu.memory_space<vmem_shared>>
        tpu.wait_dma2 semaphore(%run_scoped3A_143 : memref<!tpu.dma_semaphore, #tpu.memory_space<semaphore_mem>>) src(%dma_wait3A_157 : memref<640xf32, #tpu.memory_space<vmem_shared>>) dst(%arg17 : memref<640xf32, #tpu.memory_space<vmem>>)
        tpu.yield
      }) : () -> ()
      %scan3A_60 = arith.constant 0 : i32
      %scan3A_61 = arith.constant 40 : i32
      %scan3A_62 = arith.addi %scan3A_60, %scan3A_61 : i32
      %scan3A_63 = arith.constant 1 : i32
      scf.for %scan3A_143 = %scan3A_60 to %scan3A_62 step %scan3A_63  : i32 {
        %mul3A_144 = arith.constant 1 : i32
        %mul3A_145 = arith.muli %scan3A_143, %mul3A_144 : i32
        %add3A_146 = arith.constant 0 : i32
        %add3A_147 = arith.addi %add3A_146, %mul3A_145 : i32
        %mul3A_148 = arith.constant 16 : i32
        %mul3A_149 = arith.muli %add3A_147, %mul3A_148 : i32
        %get3A = arith.index_cast %mul3A_149 : i32 to index
        %get3A_150 = tpu.vector_load %arg16[%get3A] {strides = array<i32>} : memref<640xf32, #tpu.memory_space<vmem>>, vector<16xf32>,
        %mul3A_151 = arith.constant 16 : i32
        %mul3A_152 = arith.muli %add3A_147, %mul3A_151 : i32
        %get3A_153 = arith.index_cast %mul3A_152 : i32 to index
        %get3A_154 = tpu.vector_load %arg17[%get3A_153] {strides = array<i32>} : memref<640xf32, #tpu.memory_space<vmem>>, vector<16xf32>,
        %add3A_155 = arith.addf %get3A_150, %get3A_154 : vector<16xf32>
        %mul3A_156 = arith.constant 16 : i32
        %mul3A_157 = arith.muli %add3A_147, %mul3A_156 : i32
        %swap3A = arith.index_cast %mul3A_157 : i32 to index
        %swap3A_158 = tpu.vector_load %arg16[%swap3A] {strides = array<i32>} : memref<640xf32, #tpu.memory_space<vmem>>, vector<16xf32>,
        tpu.vector_store %arg16[%swap3A], %add3A_155 {strides = array<i32>} : memref<640xf32, #tpu.memory_space<vmem>>, vector<16xf32>,
      }
      %scan3A_64 = arith.constant 40 : i32
      %run_scoped3A_65 = arith.constant 3 : i32
      "tpu.region"() ({
        %run_scoped3A_143 = tpu.sem_alloc : memref<!tpu.dma_semaphore, #tpu.memory_space<semaphore_mem>>
        %dma_start3A = arith.constant 0 : i32
        %dma_start3A_144 = tpu.memref_slice %arg19[%run_scoped3A_65, %dma_start3A] : memref<16x10240xf32, #tpu.memory_space<vmem_shared>> -> memref<1x10240xf32, #tpu.memory_space<vmem_shared>>
        %dma_start3A_145 = tpu.memref_squeeze %dma_start3A_144 : memref<1x10240xf32, #tpu.memory_space<vmem_shared>> -> memref<10240xf32, #tpu.memory_space<vmem_shared>>
        %dma_start3A_146 = tpu.memref_slice %dma_start3A_145[%mul3A_32] : memref<10240xf32, #tpu.memory_space<vmem_shared>> -> memref<640xf32, #tpu.memory_space<vmem_shared>>
        %dma_start3A_147 = arith.constant 0 : i32
        %dma_start3A_148 = tpu.memref_slice %arg19[%run_scoped3A_65, %dma_start3A_147] : memref<16x10240xf32, #tpu.memory_space<vmem_shared>> -> memref<1x10240xf32, #tpu.memory_space<vmem_shared>>
        %dma_start3A_149 = tpu.memref_squeeze %dma_start3A_148 : memref<1x10240xf32, #tpu.memory_space<vmem_shared>> -> memref<10240xf32, #tpu.memory_space<vmem_shared>>
        %dma_start3A_150 = tpu.memref_slice %dma_start3A_149[%mul3A_32] : memref<10240xf32, #tpu.memory_space<vmem_shared>> -> memref<640xf32, #tpu.memory_space<vmem_shared>>
        tpu.enqueue_dma source(%dma_start3A_150 : memref<640xf32, #tpu.memory_space<vmem_shared>>) target(%arg17 : memref<640xf32, #tpu.memory_space<vmem>>) target_semaphore(%run_scoped3A_143 : memref<!tpu.dma_semaphore, #tpu.memory_space<semaphore_mem>>)
        %dma_wait3A = arith.constant 0 : i32
        %dma_wait3A_151 = tpu.memref_slice %arg19[%run_scoped3A_65, %dma_wait3A] : memref<16x10240xf32, #tpu.memory_space<vmem_shared>> -> memref<1x10240xf32, #tpu.memory_space<vmem_shared>>
        %dma_wait3A_152 = tpu.memref_squeeze %dma_wait3A_151 : memref<1x10240xf32, #tpu.memory_space<vmem_shared>> -> memref<10240xf32, #tpu.memory_space<vmem_shared>>
        %dma_wait3A_153 = tpu.memref_slice %dma_wait3A_152[%mul3A_32] : memref<10240xf32, #tpu.memory_space<vmem_shared>> -> memref<640xf32, #tpu.memory_space<vmem_shared>>
        %dma_wait3A_154 = arith.constant 0 : i32
        %dma_wait3A_155 = tpu.memref_slice %arg19[%run_scoped3A_65, %dma_wait3A_154] : memref<16x10240xf32, #tpu.memory_space<vmem_shared>> -> memref<1x10240xf32, #tpu.memory_space<vmem_shared>>
        %dma_wait3A_156 = tpu.memref_squeeze %dma_wait3A_155 : memref<1x10240xf32, #tpu.memory_space<vmem_shared>> -> memref<10240xf32, #tpu.memory_space<vmem_shared>>
        %dma_wait3A_157 = tpu.memref_slice %dma_wait3A_156[%mul3A_32] : memref<10240xf32, #tpu.memory_space<vmem_shared>> -> memref<640xf32, #tpu.memory_space<vmem_shared>>
        tpu.wait_dma2 semaphore(%run_scoped3A_143 : memref<!tpu.dma_semaphore, #tpu.memory_space<semaphore_mem>>) src(%dma_wait3A_157 : memref<640xf32, #tpu.memory_space<vmem_shared>>) dst(%arg17 : memref<640xf32, #tpu.memory_space<vmem>>)
        tpu.yield
      }) : () -> ()
      %scan3A_66 = arith.constant 0 : i32
      %scan3A_67 = arith.constant 40 : i32
      %scan3A_68 = arith.addi %scan3A_66, %scan3A_67 : i32
      %scan3A_69 = arith.constant 1 : i32
      scf.for %scan3A_143 = %scan3A_66 to %scan3A_68 step %scan3A_69  : i32 {
        %mul3A_144 = arith.constant 1 : i32
        %mul3A_145 = arith.muli %scan3A_143, %mul3A_144 : i32
        %add3A_146 = arith.constant 0 : i32
        %add3A_147 = arith.addi %add3A_146, %mul3A_145 : i32
        %mul3A_148 = arith.constant 16 : i32
        %mul3A_149 = arith.muli %add3A_147, %mul3A_148 : i32
        %get3A = arith.index_cast %mul3A_149 : i32 to index
        %get3A_150 = tpu.vector_load %arg16[%get3A] {strides = array<i32>} : memref<640xf32, #tpu.memory_space<vmem>>, vector<16xf32>,
        %mul3A_151 = arith.constant 16 : i32
        %mul3A_152 = arith.muli %add3A_147, %mul3A_151 : i32
        %get3A_153 = arith.index_cast %mul3A_152 : i32 to index
        %get3A_154 = tpu.vector_load %arg17[%get3A_153] {strides = array<i32>} : memref<640xf32, #tpu.memory_space<vmem>>, vector<16xf32>,
        %add3A_155 = arith.addf %get3A_150, %get3A_154 : vector<16xf32>
        %mul3A_156 = arith.constant 16 : i32
        %mul3A_157 = arith.muli %add3A_147, %mul3A_156 : i32
        %swap3A = arith.index_cast %mul3A_157 : i32 to index
        %swap3A_158 = tpu.vector_load %arg16[%swap3A] {strides = array<i32>} : memref<640xf32, #tpu.memory_space<vmem>>, vector<16xf32>,
        tpu.vector_store %arg16[%swap3A], %add3A_155 {strides = array<i32>} : memref<640xf32, #tpu.memory_space<vmem>>, vector<16xf32>,
      }
      %scan3A_70 = arith.constant 40 : i32
      %run_scoped3A_71 = arith.constant 4 : i32
      "tpu.region"() ({
        %run_scoped3A_143 = tpu.sem_alloc : memref<!tpu.dma_semaphore, #tpu.memory_space<semaphore_mem>>
        %dma_start3A = arith.constant 0 : i32
        %dma_start3A_144 = tpu.memref_slice %arg19[%run_scoped3A_71, %dma_start3A] : memref<16x10240xf32, #tpu.memory_space<vmem_shared>> -> memref<1x10240xf32, #tpu.memory_space<vmem_shared>>
        %dma_start3A_145 = tpu.memref_squeeze %dma_start3A_144 : memref<1x10240xf32, #tpu.memory_space<vmem_shared>> -> memref<10240xf32, #tpu.memory_space<vmem_shared>>
        %dma_start3A_146 = tpu.memref_slice %dma_start3A_145[%mul3A_32] : memref<10240xf32, #tpu.memory_space<vmem_shared>> -> memref<640xf32, #tpu.memory_space<vmem_shared>>
        %dma_start3A_147 = arith.constant 0 : i32
        %dma_start3A_148 = tpu.memref_slice %arg19[%run_scoped3A_71, %dma_start3A_147] : memref<16x10240xf32, #tpu.memory_space<vmem_shared>> -> memref<1x10240xf32, #tpu.memory_space<vmem_shared>>
        %dma_start3A_149 = tpu.memref_squeeze %dma_start3A_148 : memref<1x10240xf32, #tpu.memory_space<vmem_shared>> -> memref<10240xf32, #tpu.memory_space<vmem_shared>>
        %dma_start3A_150 = tpu.memref_slice %dma_start3A_149[%mul3A_32] : memref<10240xf32, #tpu.memory_space<vmem_shared>> -> memref<640xf32, #tpu.memory_space<vmem_shared>>
        tpu.enqueue_dma source(%dma_start3A_150 : memref<640xf32, #tpu.memory_space<vmem_shared>>) target(%arg17 : memref<640xf32, #tpu.memory_space<vmem>>) target_semaphore(%run_scoped3A_143 : memref<!tpu.dma_semaphore, #tpu.memory_space<semaphore_mem>>)
        %dma_wait3A = arith.constant 0 : i32
        %dma_wait3A_151 = tpu.memref_slice %arg19[%run_scoped3A_71, %dma_wait3A] : memref<16x10240xf32, #tpu.memory_space<vmem_shared>> -> memref<1x10240xf32, #tpu.memory_space<vmem_shared>>
        %dma_wait3A_152 = tpu.memref_squeeze %dma_wait3A_151 : memref<1x10240xf32, #tpu.memory_space<vmem_shared>> -> memref<10240xf32, #tpu.memory_space<vmem_shared>>
        %dma_wait3A_153 = tpu.memref_slice %dma_wait3A_152[%mul3A_32] : memref<10240xf32, #tpu.memory_space<vmem_shared>> -> memref<640xf32, #tpu.memory_space<vmem_shared>>
        %dma_wait3A_154 = arith.constant 0 : i32
        %dma_wait3A_155 = tpu.memref_slice %arg19[%run_scoped3A_71, %dma_wait3A_154] : memref<16x10240xf32, #tpu.memory_space<vmem_shared>> -> memref<1x10240xf32, #tpu.memory_space<vmem_shared>>
        %dma_wait3A_156 = tpu.memref_squeeze %dma_wait3A_155 : memref<1x10240xf32, #tpu.memory_space<vmem_shared>> -> memref<10240xf32, #tpu.memory_space<vmem_shared>>
        %dma_wait3A_157 = tpu.memref_slice %dma_wait3A_156[%mul3A_32] : memref<10240xf32, #tpu.memory_space<vmem_shared>> -> memref<640xf32, #tpu.memory_space<vmem_shared>>
        tpu.wait_dma2 semaphore(%run_scoped3A_143 : memref<!tpu.dma_semaphore, #tpu.memory_space<semaphore_mem>>) src(%dma_wait3A_157 : memref<640xf32, #tpu.memory_space<vmem_shared>>) dst(%arg17 : memref<640xf32, #tpu.memory_space<vmem>>)
        tpu.yield
      }) : () -> ()
      %scan3A_72 = arith.constant 0 : i32
      %scan3A_73 = arith.constant 40 : i32
      %scan3A_74 = arith.addi %scan3A_72, %scan3A_73 : i32
      %scan3A_75 = arith.constant 1 : i32
      scf.for %scan3A_143 = %scan3A_72 to %scan3A_74 step %scan3A_75  : i32 {
        %mul3A_144 = arith.constant 1 : i32
        %mul3A_145 = arith.muli %scan3A_143, %mul3A_144 : i32
        %add3A_146 = arith.constant 0 : i32
        %add3A_147 = arith.addi %add3A_146, %mul3A_145 : i32
        %mul3A_148 = arith.constant 16 : i32
        %mul3A_149 = arith.muli %add3A_147, %mul3A_148 : i32
        %get3A = arith.index_cast %mul3A_149 : i32 to index
        %get3A_150 = tpu.vector_load %arg16[%get3A] {strides = array<i32>} : memref<640xf32, #tpu.memory_space<vmem>>, vector<16xf32>,
        %mul3A_151 = arith.constant 16 : i32
        %mul3A_152 = arith.muli %add3A_147, %mul3A_151 : i32
        %get3A_153 = arith.index_cast %mul3A_152 : i32 to index
        %get3A_154 = tpu.vector_load %arg17[%get3A_153] {strides = array<i32>} : memref<640xf32, #tpu.memory_space<vmem>>, vector<16xf32>,
        %add3A_155 = arith.addf %get3A_150, %get3A_154 : vector<16xf32>
        %mul3A_156 = arith.constant 16 : i32
        %mul3A_157 = arith.muli %add3A_147, %mul3A_156 : i32
        %swap3A = arith.index_cast %mul3A_157 : i32 to index
        %swap3A_158 = tpu.vector_load %arg16[%swap3A] {strides = array<i32>} : memref<640xf32, #tpu.memory_space<vmem>>, vector<16xf32>,
        tpu.vector_store %arg16[%swap3A], %add3A_155 {strides = array<i32>} : memref<640xf32, #tpu.memory_space<vmem>>, vector<16xf32>,
      }
      %scan3A_76 = arith.constant 40 : i32
      %run_scoped3A_77 = arith.constant 5 : i32
      "tpu.region"() ({
        %run_scoped3A_143 = tpu.sem_alloc : memref<!tpu.dma_semaphore, #tpu.memory_space<semaphore_mem>>
        %dma_start3A = arith.constant 0 : i32
        %dma_start3A_144 = tpu.memref_slice %arg19[%run_scoped3A_77, %dma_start3A] : memref<16x10240xf32, #tpu.memory_space<vmem_shared>> -> memref<1x10240xf32, #tpu.memory_space<vmem_shared>>
        %dma_start3A_145 = tpu.memref_squeeze %dma_start3A_144 : memref<1x10240xf32, #tpu.memory_space<vmem_shared>> -> memref<10240xf32, #tpu.memory_space<vmem_shared>>
        %dma_start3A_146 = tpu.memref_slice %dma_start3A_145[%mul3A_32] : memref<10240xf32, #tpu.memory_space<vmem_shared>> -> memref<640xf32, #tpu.memory_space<vmem_shared>>
        %dma_start3A_147 = arith.constant 0 : i32
        %dma_start3A_148 = tpu.memref_slice %arg19[%run_scoped3A_77, %dma_start3A_147] : memref<16x10240xf32, #tpu.memory_space<vmem_shared>> -> memref<1x10240xf32, #tpu.memory_space<vmem_shared>>
        %dma_start3A_149 = tpu.memref_squeeze %dma_start3A_148 : memref<1x10240xf32, #tpu.memory_space<vmem_shared>> -> memref<10240xf32, #tpu.memory_space<vmem_shared>>
        %dma_start3A_150 = tpu.memref_slice %dma_start3A_149[%mul3A_32] : memref<10240xf32, #tpu.memory_space<vmem_shared>> -> memref<640xf32, #tpu.memory_space<vmem_shared>>
        tpu.enqueue_dma source(%dma_start3A_150 : memref<640xf32, #tpu.memory_space<vmem_shared>>) target(%arg17 : memref<640xf32, #tpu.memory_space<vmem>>) target_semaphore(%run_scoped3A_143 : memref<!tpu.dma_semaphore, #tpu.memory_space<semaphore_mem>>)
        %dma_wait3A = arith.constant 0 : i32
        %dma_wait3A_151 = tpu.memref_slice %arg19[%run_scoped3A_77, %dma_wait3A] : memref<16x10240xf32, #tpu.memory_space<vmem_shared>> -> memref<1x10240xf32, #tpu.memory_space<vmem_shared>>
        %dma_wait3A_152 = tpu.memref_squeeze %dma_wait3A_151 : memref<1x10240xf32, #tpu.memory_space<vmem_shared>> -> memref<10240xf32, #tpu.memory_space<vmem_shared>>
        %dma_wait3A_153 = tpu.memref_slice %dma_wait3A_152[%mul3A_32] : memref<10240xf32, #tpu.memory_space<vmem_shared>> -> memref<640xf32, #tpu.memory_space<vmem_shared>>
        %dma_wait3A_154 = arith.constant 0 : i32
        %dma_wait3A_155 = tpu.memref_slice %arg19[%run_scoped3A_77, %dma_wait3A_154] : memref<16x10240xf32, #tpu.memory_space<vmem_shared>> -> memref<1x10240xf32, #tpu.memory_space<vmem_shared>>
        %dma_wait3A_156 = tpu.memref_squeeze %dma_wait3A_155 : memref<1x10240xf32, #tpu.memory_space<vmem_shared>> -> memref<10240xf32, #tpu.memory_space<vmem_shared>>
        %dma_wait3A_157 = tpu.memref_slice %dma_wait3A_156[%mul3A_32] : memref<10240xf32, #tpu.memory_space<vmem_shared>> -> memref<640xf32, #tpu.memory_space<vmem_shared>>
        tpu.wait_dma2 semaphore(%run_scoped3A_143 : memref<!tpu.dma_semaphore, #tpu.memory_space<semaphore_mem>>) src(%dma_wait3A_157 : memref<640xf32, #tpu.memory_space<vmem_shared>>) dst(%arg17 : memref<640xf32, #tpu.memory_space<vmem>>)
        tpu.yield
      }) : () -> ()
      %scan3A_78 = arith.constant 0 : i32
      %scan3A_79 = arith.constant 40 : i32
      %scan3A_80 = arith.addi %scan3A_78, %scan3A_79 : i32
      %scan3A_81 = arith.constant 1 : i32
      scf.for %scan3A_143 = %scan3A_78 to %scan3A_80 step %scan3A_81  : i32 {
        %mul3A_144 = arith.constant 1 : i32
        %mul3A_145 = arith.muli %scan3A_143, %mul3A_144 : i32
        %add3A_146 = arith.constant 0 : i32
        %add3A_147 = arith.addi %add3A_146, %mul3A_145 : i32
        %mul3A_148 = arith.constant 16 : i32
        %mul3A_149 = arith.muli %add3A_147, %mul3A_148 : i32
        %get3A = arith.index_cast %mul3A_149 : i32 to index
        %get3A_150 = tpu.vector_load %arg16[%get3A] {strides = array<i32>} : memref<640xf32, #tpu.memory_space<vmem>>, vector<16xf32>,
        %mul3A_151 = arith.constant 16 : i32
        %mul3A_152 = arith.muli %add3A_147, %mul3A_151 : i32
        %get3A_153 = arith.index_cast %mul3A_152 : i32 to index
        %get3A_154 = tpu.vector_load %arg17[%get3A_153] {strides = array<i32>} : memref<640xf32, #tpu.memory_space<vmem>>, vector<16xf32>,
        %add3A_155 = arith.addf %get3A_150, %get3A_154 : vector<16xf32>
        %mul3A_156 = arith.constant 16 : i32
        %mul3A_157 = arith.muli %add3A_147, %mul3A_156 : i32
        %swap3A = arith.index_cast %mul3A_157 : i32 to index
        %swap3A_158 = tpu.vector_load %arg16[%swap3A] {strides = array<i32>} : memref<640xf32, #tpu.memory_space<vmem>>, vector<16xf32>,
        tpu.vector_store %arg16[%swap3A], %add3A_155 {strides = array<i32>} : memref<640xf32, #tpu.memory_space<vmem>>, vector<16xf32>,
      }
      %scan3A_82 = arith.constant 40 : i32
      %run_scoped3A_83 = arith.constant 6 : i32
      "tpu.region"() ({
        %run_scoped3A_143 = tpu.sem_alloc : memref<!tpu.dma_semaphore, #tpu.memory_space<semaphore_mem>>
        %dma_start3A = arith.constant 0 : i32
        %dma_start3A_144 = tpu.memref_slice %arg19[%run_scoped3A_83, %dma_start3A] : memref<16x10240xf32, #tpu.memory_space<vmem_shared>> -> memref<1x10240xf32, #tpu.memory_space<vmem_shared>>
        %dma_start3A_145 = tpu.memref_squeeze %dma_start3A_144 : memref<1x10240xf32, #tpu.memory_space<vmem_shared>> -> memref<10240xf32, #tpu.memory_space<vmem_shared>>
        %dma_start3A_146 = tpu.memref_slice %dma_start3A_145[%mul3A_32] : memref<10240xf32, #tpu.memory_space<vmem_shared>> -> memref<640xf32, #tpu.memory_space<vmem_shared>>
        %dma_start3A_147 = arith.constant 0 : i32
        %dma_start3A_148 = tpu.memref_slice %arg19[%run_scoped3A_83, %dma_start3A_147] : memref<16x10240xf32, #tpu.memory_space<vmem_shared>> -> memref<1x10240xf32, #tpu.memory_space<vmem_shared>>
        %dma_start3A_149 = tpu.memref_squeeze %dma_start3A_148 : memref<1x10240xf32, #tpu.memory_space<vmem_shared>> -> memref<10240xf32, #tpu.memory_space<vmem_shared>>
        %dma_start3A_150 = tpu.memref_slice %dma_start3A_149[%mul3A_32] : memref<10240xf32, #tpu.memory_space<vmem_shared>> -> memref<640xf32, #tpu.memory_space<vmem_shared>>
        tpu.enqueue_dma source(%dma_start3A_150 : memref<640xf32, #tpu.memory_space<vmem_shared>>) target(%arg17 : memref<640xf32, #tpu.memory_space<vmem>>) target_semaphore(%run_scoped3A_143 : memref<!tpu.dma_semaphore, #tpu.memory_space<semaphore_mem>>)
        %dma_wait3A = arith.constant 0 : i32
        %dma_wait3A_151 = tpu.memref_slice %arg19[%run_scoped3A_83, %dma_wait3A] : memref<16x10240xf32, #tpu.memory_space<vmem_shared>> -> memref<1x10240xf32, #tpu.memory_space<vmem_shared>>
        %dma_wait3A_152 = tpu.memref_squeeze %dma_wait3A_151 : memref<1x10240xf32, #tpu.memory_space<vmem_shared>> -> memref<10240xf32, #tpu.memory_space<vmem_shared>>
        %dma_wait3A_153 = tpu.memref_slice %dma_wait3A_152[%mul3A_32] : memref<10240xf32, #tpu.memory_space<vmem_shared>> -> memref<640xf32, #tpu.memory_space<vmem_shared>>
        %dma_wait3A_154 = arith.constant 0 : i32
        %dma_wait3A_155 = tpu.memref_slice %arg19[%run_scoped3A_83, %dma_wait3A_154] : memref<16x10240xf32, #tpu.memory_space<vmem_shared>> -> memref<1x10240xf32, #tpu.memory_space<vmem_shared>>
        %dma_wait3A_156 = tpu.memref_squeeze %dma_wait3A_155 : memref<1x10240xf32, #tpu.memory_space<vmem_shared>> -> memref<10240xf32, #tpu.memory_space<vmem_shared>>
        %dma_wait3A_157 = tpu.memref_slice %dma_wait3A_156[%mul3A_32] : memref<10240xf32, #tpu.memory_space<vmem_shared>> -> memref<640xf32, #tpu.memory_space<vmem_shared>>
        tpu.wait_dma2 semaphore(%run_scoped3A_143 : memref<!tpu.dma_semaphore, #tpu.memory_space<semaphore_mem>>) src(%dma_wait3A_157 : memref<640xf32, #tpu.memory_space<vmem_shared>>) dst(%arg17 : memref<640xf32, #tpu.memory_space<vmem>>)
        tpu.yield
      }) : () -> ()
      %scan3A_84 = arith.constant 0 : i32
      %scan3A_85 = arith.constant 40 : i32
      %scan3A_86 = arith.addi %scan3A_84, %scan3A_85 : i32
      %scan3A_87 = arith.constant 1 : i32
      scf.for %scan3A_143 = %scan3A_84 to %scan3A_86 step %scan3A_87  : i32 {
        %mul3A_144 = arith.constant 1 : i32
        %mul3A_145 = arith.muli %scan3A_143, %mul3A_144 : i32
        %add3A_146 = arith.constant 0 : i32
        %add3A_147 = arith.addi %add3A_146, %mul3A_145 : i32
        %mul3A_148 = arith.constant 16 : i32
        %mul3A_149 = arith.muli %add3A_147, %mul3A_148 : i32
        %get3A = arith.index_cast %mul3A_149 : i32 to index
        %get3A_150 = tpu.vector_load %arg16[%get3A] {strides = array<i32>} : memref<640xf32, #tpu.memory_space<vmem>>, vector<16xf32>,
        %mul3A_151 = arith.constant 16 : i32
        %mul3A_152 = arith.muli %add3A_147, %mul3A_151 : i32
        %get3A_153 = arith.index_cast %mul3A_152 : i32 to index
        %get3A_154 = tpu.vector_load %arg17[%get3A_153] {strides = array<i32>} : memref<640xf32, #tpu.memory_space<vmem>>, vector<16xf32>,
        %add3A_155 = arith.addf %get3A_150, %get3A_154 : vector<16xf32>
        %mul3A_156 = arith.constant 16 : i32
        %mul3A_157 = arith.muli %add3A_147, %mul3A_156 : i32
        %swap3A = arith.index_cast %mul3A_157 : i32 to index
        %swap3A_158 = tpu.vector_load %arg16[%swap3A] {strides = array<i32>} : memref<640xf32, #tpu.memory_space<vmem>>, vector<16xf32>,
        tpu.vector_store %arg16[%swap3A], %add3A_155 {strides = array<i32>} : memref<640xf32, #tpu.memory_space<vmem>>, vector<16xf32>,
      }
      %scan3A_88 = arith.constant 40 : i32
      %run_scoped3A_89 = arith.constant 7 : i32
      "tpu.region"() ({
        %run_scoped3A_143 = tpu.sem_alloc : memref<!tpu.dma_semaphore, #tpu.memory_space<semaphore_mem>>
        %dma_start3A = arith.constant 0 : i32
        %dma_start3A_144 = tpu.memref_slice %arg19[%run_scoped3A_89, %dma_start3A] : memref<16x10240xf32, #tpu.memory_space<vmem_shared>> -> memref<1x10240xf32, #tpu.memory_space<vmem_shared>>
        %dma_start3A_145 = tpu.memref_squeeze %dma_start3A_144 : memref<1x10240xf32, #tpu.memory_space<vmem_shared>> -> memref<10240xf32, #tpu.memory_space<vmem_shared>>
        %dma_start3A_146 = tpu.memref_slice %dma_start3A_145[%mul3A_32] : memref<10240xf32, #tpu.memory_space<vmem_shared>> -> memref<640xf32, #tpu.memory_space<vmem_shared>>
        %dma_start3A_147 = arith.constant 0 : i32
        %dma_start3A_148 = tpu.memref_slice %arg19[%run_scoped3A_89, %dma_start3A_147] : memref<16x10240xf32, #tpu.memory_space<vmem_shared>> -> memref<1x10240xf32, #tpu.memory_space<vmem_shared>>
        %dma_start3A_149 = tpu.memref_squeeze %dma_start3A_148 : memref<1x10240xf32, #tpu.memory_space<vmem_shared>> -> memref<10240xf32, #tpu.memory_space<vmem_shared>>
        %dma_start3A_150 = tpu.memref_slice %dma_start3A_149[%mul3A_32] : memref<10240xf32, #tpu.memory_space<vmem_shared>> -> memref<640xf32, #tpu.memory_space<vmem_shared>>
        tpu.enqueue_dma source(%dma_start3A_150 : memref<640xf32, #tpu.memory_space<vmem_shared>>) target(%arg17 : memref<640xf32, #tpu.memory_space<vmem>>) target_semaphore(%run_scoped3A_143 : memref<!tpu.dma_semaphore, #tpu.memory_space<semaphore_mem>>)
        %dma_wait3A = arith.constant 0 : i32
        %dma_wait3A_151 = tpu.memref_slice %arg19[%run_scoped3A_89, %dma_wait3A] : memref<16x10240xf32, #tpu.memory_space<vmem_shared>> -> memref<1x10240xf32, #tpu.memory_space<vmem_shared>>
        %dma_wait3A_152 = tpu.memref_squeeze %dma_wait3A_151 : memref<1x10240xf32, #tpu.memory_space<vmem_shared>> -> memref<10240xf32, #tpu.memory_space<vmem_shared>>
        %dma_wait3A_153 = tpu.memref_slice %dma_wait3A_152[%mul3A_32] : memref<10240xf32, #tpu.memory_space<vmem_shared>> -> memref<640xf32, #tpu.memory_space<vmem_shared>>
        %dma_wait3A_154 = arith.constant 0 : i32
        %dma_wait3A_155 = tpu.memref_slice %arg19[%run_scoped3A_89, %dma_wait3A_154] : memref<16x10240xf32, #tpu.memory_space<vmem_shared>> -> memref<1x10240xf32, #tpu.memory_space<vmem_shared>>
        %dma_wait3A_156 = tpu.memref_squeeze %dma_wait3A_155 : memref<1x10240xf32, #tpu.memory_space<vmem_shared>> -> memref<10240xf32, #tpu.memory_space<vmem_shared>>
        %dma_wait3A_157 = tpu.memref_slice %dma_wait3A_156[%mul3A_32] : memref<10240xf32, #tpu.memory_space<vmem_shared>> -> memref<640xf32, #tpu.memory_space<vmem_shared>>
        tpu.wait_dma2 semaphore(%run_scoped3A_143 : memref<!tpu.dma_semaphore, #tpu.memory_space<semaphore_mem>>) src(%dma_wait3A_157 : memref<640xf32, #tpu.memory_space<vmem_shared>>) dst(%arg17 : memref<640xf32, #tpu.memory_space<vmem>>)
        tpu.yield
      }) : () -> ()
      %scan3A_90 = arith.constant 0 : i32
      %scan3A_91 = arith.constant 40 : i32
      %scan3A_92 = arith.addi %scan3A_90, %scan3A_91 : i32
      %scan3A_93 = arith.constant 1 : i32
      scf.for %scan3A_143 = %scan3A_90 to %scan3A_92 step %scan3A_93  : i32 {
        %mul3A_144 = arith.constant 1 : i32
        %mul3A_145 = arith.muli %scan3A_143, %mul3A_144 : i32
        %add3A_146 = arith.constant 0 : i32
        %add3A_147 = arith.addi %add3A_146, %mul3A_145 : i32
        %mul3A_148 = arith.constant 16 : i32
        %mul3A_149 = arith.muli %add3A_147, %mul3A_148 : i32
        %get3A = arith.index_cast %mul3A_149 : i32 to index
        %get3A_150 = tpu.vector_load %arg16[%get3A] {strides = array<i32>} : memref<640xf32, #tpu.memory_space<vmem>>, vector<16xf32>,
        %mul3A_151 = arith.constant 16 : i32
        %mul3A_152 = arith.muli %add3A_147, %mul3A_151 : i32
        %get3A_153 = arith.index_cast %mul3A_152 : i32 to index
        %get3A_154 = tpu.vector_load %arg17[%get3A_153] {strides = array<i32>} : memref<640xf32, #tpu.memory_space<vmem>>, vector<16xf32>,
        %add3A_155 = arith.addf %get3A_150, %get3A_154 : vector<16xf32>
        %mul3A_156 = arith.constant 16 : i32
        %mul3A_157 = arith.muli %add3A_147, %mul3A_156 : i32
        %swap3A = arith.index_cast %mul3A_157 : i32 to index
        %swap3A_158 = tpu.vector_load %arg16[%swap3A] {strides = array<i32>} : memref<640xf32, #tpu.memory_space<vmem>>, vector<16xf32>,
        tpu.vector_store %arg16[%swap3A], %add3A_155 {strides = array<i32>} : memref<640xf32, #tpu.memory_space<vmem>>, vector<16xf32>,
      }
      %scan3A_94 = arith.constant 40 : i32
      %run_scoped3A_95 = arith.constant 8 : i32
      "tpu.region"() ({
        %run_scoped3A_143 = tpu.sem_alloc : memref<!tpu.dma_semaphore, #tpu.memory_space<semaphore_mem>>
        %dma_start3A = arith.constant 0 : i32
        %dma_start3A_144 = tpu.memref_slice %arg19[%run_scoped3A_95, %dma_start3A] : memref<16x10240xf32, #tpu.memory_space<vmem_shared>> -> memref<1x10240xf32, #tpu.memory_space<vmem_shared>>
        %dma_start3A_145 = tpu.memref_squeeze %dma_start3A_144 : memref<1x10240xf32, #tpu.memory_space<vmem_shared>> -> memref<10240xf32, #tpu.memory_space<vmem_shared>>
        %dma_start3A_146 = tpu.memref_slice %dma_start3A_145[%mul3A_32] : memref<10240xf32, #tpu.memory_space<vmem_shared>> -> memref<640xf32, #tpu.memory_space<vmem_shared>>
        %dma_start3A_147 = arith.constant 0 : i32
        %dma_start3A_148 = tpu.memref_slice %arg19[%run_scoped3A_95, %dma_start3A_147] : memref<16x10240xf32, #tpu.memory_space<vmem_shared>> -> memref<1x10240xf32, #tpu.memory_space<vmem_shared>>
        %dma_start3A_149 = tpu.memref_squeeze %dma_start3A_148 : memref<1x10240xf32, #tpu.memory_space<vmem_shared>> -> memref<10240xf32, #tpu.memory_space<vmem_shared>>
        %dma_start3A_150 = tpu.memref_slice %dma_start3A_149[%mul3A_32] : memref<10240xf32, #tpu.memory_space<vmem_shared>> -> memref<640xf32, #tpu.memory_space<vmem_shared>>
        tpu.enqueue_dma source(%dma_start3A_150 : memref<640xf32, #tpu.memory_space<vmem_shared>>) target(%arg17 : memref<640xf32, #tpu.memory_space<vmem>>) target_semaphore(%run_scoped3A_143 : memref<!tpu.dma_semaphore, #tpu.memory_space<semaphore_mem>>)
        %dma_wait3A = arith.constant 0 : i32
        %dma_wait3A_151 = tpu.memref_slice %arg19[%run_scoped3A_95, %dma_wait3A] : memref<16x10240xf32, #tpu.memory_space<vmem_shared>> -> memref<1x10240xf32, #tpu.memory_space<vmem_shared>>
        %dma_wait3A_152 = tpu.memref_squeeze %dma_wait3A_151 : memref<1x10240xf32, #tpu.memory_space<vmem_shared>> -> memref<10240xf32, #tpu.memory_space<vmem_shared>>
        %dma_wait3A_153 = tpu.memref_slice %dma_wait3A_152[%mul3A_32] : memref<10240xf32, #tpu.memory_space<vmem_shared>> -> memref<640xf32, #tpu.memory_space<vmem_shared>>
        %dma_wait3A_154 = arith.constant 0 : i32
        %dma_wait3A_155 = tpu.memref_slice %arg19[%run_scoped3A_95, %dma_wait3A_154] : memref<16x10240xf32, #tpu.memory_space<vmem_shared>> -> memref<1x10240xf32, #tpu.memory_space<vmem_shared>>
        %dma_wait3A_156 = tpu.memref_squeeze %dma_wait3A_155 : memref<1x10240xf32, #tpu.memory_space<vmem_shared>> -> memref<10240xf32, #tpu.memory_space<vmem_shared>>
        %dma_wait3A_157 = tpu.memref_slice %dma_wait3A_156[%mul3A_32] : memref<10240xf32, #tpu.memory_space<vmem_shared>> -> memref<640xf32, #tpu.memory_space<vmem_shared>>
        tpu.wait_dma2 semaphore(%run_scoped3A_143 : memref<!tpu.dma_semaphore, #tpu.memory_space<semaphore_mem>>) src(%dma_wait3A_157 : memref<640xf32, #tpu.memory_space<vmem_shared>>) dst(%arg17 : memref<640xf32, #tpu.memory_space<vmem>>)
        tpu.yield
      }) : () -> ()
      %scan3A_96 = arith.constant 0 : i32
      %scan3A_97 = arith.constant 40 : i32
      %scan3A_98 = arith.addi %scan3A_96, %scan3A_97 : i32
      %scan3A_99 = arith.constant 1 : i32
      scf.for %scan3A_143 = %scan3A_96 to %scan3A_98 step %scan3A_99  : i32 {
        %mul3A_144 = arith.constant 1 : i32
        %mul3A_145 = arith.muli %scan3A_143, %mul3A_144 : i32
        %add3A_146 = arith.constant 0 : i32
        %add3A_147 = arith.addi %add3A_146, %mul3A_145 : i32
        %mul3A_148 = arith.constant 16 : i32
        %mul3A_149 = arith.muli %add3A_147, %mul3A_148 : i32
        %get3A = arith.index_cast %mul3A_149 : i32 to index
        %get3A_150 = tpu.vector_load %arg16[%get3A] {strides = array<i32>} : memref<640xf32, #tpu.memory_space<vmem>>, vector<16xf32>,
        %mul3A_151 = arith.constant 16 : i32
        %mul3A_152 = arith.muli %add3A_147, %mul3A_151 : i32
        %get3A_153 = arith.index_cast %mul3A_152 : i32 to index
        %get3A_154 = tpu.vector_load %arg17[%get3A_153] {strides = array<i32>} : memref<640xf32, #tpu.memory_space<vmem>>, vector<16xf32>,
        %add3A_155 = arith.addf %get3A_150, %get3A_154 : vector<16xf32>
        %mul3A_156 = arith.constant 16 : i32
        %mul3A_157 = arith.muli %add3A_147, %mul3A_156 : i32
        %swap3A = arith.index_cast %mul3A_157 : i32 to index
        %swap3A_158 = tpu.vector_load %arg16[%swap3A] {strides = array<i32>} : memref<640xf32, #tpu.memory_space<vmem>>, vector<16xf32>,
        tpu.vector_store %arg16[%swap3A], %add3A_155 {strides = array<i32>} : memref<640xf32, #tpu.memory_space<vmem>>, vector<16xf32>,
      }
      %scan3A_100 = arith.constant 40 : i32
      %run_scoped3A_101 = arith.constant 9 : i32
      "tpu.region"() ({
        %run_scoped3A_143 = tpu.sem_alloc : memref<!tpu.dma_semaphore, #tpu.memory_space<semaphore_mem>>
        %dma_start3A = arith.constant 0 : i32
        %dma_start3A_144 = tpu.memref_slice %arg19[%run_scoped3A_101, %dma_start3A] : memref<16x10240xf32, #tpu.memory_space<vmem_shared>> -> memref<1x10240xf32, #tpu.memory_space<vmem_shared>>
        %dma_start3A_145 = tpu.memref_squeeze %dma_start3A_144 : memref<1x10240xf32, #tpu.memory_space<vmem_shared>> -> memref<10240xf32, #tpu.memory_space<vmem_shared>>
        %dma_start3A_146 = tpu.memref_slice %dma_start3A_145[%mul3A_32] : memref<10240xf32, #tpu.memory_space<vmem_shared>> -> memref<640xf32, #tpu.memory_space<vmem_shared>>
        %dma_start3A_147 = arith.constant 0 : i32
        %dma_start3A_148 = tpu.memref_slice %arg19[%run_scoped3A_101, %dma_start3A_147] : memref<16x10240xf32, #tpu.memory_space<vmem_shared>> -> memref<1x10240xf32, #tpu.memory_space<vmem_shared>>
        %dma_start3A_149 = tpu.memref_squeeze %dma_start3A_148 : memref<1x10240xf32, #tpu.memory_space<vmem_shared>> -> memref<10240xf32, #tpu.memory_space<vmem_shared>>
        %dma_start3A_150 = tpu.memref_slice %dma_start3A_149[%mul3A_32] : memref<10240xf32, #tpu.memory_space<vmem_shared>> -> memref<640xf32, #tpu.memory_space<vmem_shared>>
        tpu.enqueue_dma source(%dma_start3A_150 : memref<640xf32, #tpu.memory_space<vmem_shared>>) target(%arg17 : memref<640xf32, #tpu.memory_space<vmem>>) target_semaphore(%run_scoped3A_143 : memref<!tpu.dma_semaphore, #tpu.memory_space<semaphore_mem>>)
        %dma_wait3A = arith.constant 0 : i32
        %dma_wait3A_151 = tpu.memref_slice %arg19[%run_scoped3A_101, %dma_wait3A] : memref<16x10240xf32, #tpu.memory_space<vmem_shared>> -> memref<1x10240xf32, #tpu.memory_space<vmem_shared>>
        %dma_wait3A_152 = tpu.memref_squeeze %dma_wait3A_151 : memref<1x10240xf32, #tpu.memory_space<vmem_shared>> -> memref<10240xf32, #tpu.memory_space<vmem_shared>>
        %dma_wait3A_153 = tpu.memref_slice %dma_wait3A_152[%mul3A_32] : memref<10240xf32, #tpu.memory_space<vmem_shared>> -> memref<640xf32, #tpu.memory_space<vmem_shared>>
        %dma_wait3A_154 = arith.constant 0 : i32
        %dma_wait3A_155 = tpu.memref_slice %arg19[%run_scoped3A_101, %dma_wait3A_154] : memref<16x10240xf32, #tpu.memory_space<vmem_shared>> -> memref<1x10240xf32, #tpu.memory_space<vmem_shared>>
        %dma_wait3A_156 = tpu.memref_squeeze %dma_wait3A_155 : memref<1x10240xf32, #tpu.memory_space<vmem_shared>> -> memref<10240xf32, #tpu.memory_space<vmem_shared>>
        %dma_wait3A_157 = tpu.memref_slice %dma_wait3A_156[%mul3A_32] : memref<10240xf32, #tpu.memory_space<vmem_shared>> -> memref<640xf32, #tpu.memory_space<vmem_shared>>
        tpu.wait_dma2 semaphore(%run_scoped3A_143 : memref<!tpu.dma_semaphore, #tpu.memory_space<semaphore_mem>>) src(%dma_wait3A_157 : memref<640xf32, #tpu.memory_space<vmem_shared>>) dst(%arg17 : memref<640xf32, #tpu.memory_space<vmem>>)
        tpu.yield
      }) : () -> ()
      %scan3A_102 = arith.constant 0 : i32
      %scan3A_103 = arith.constant 40 : i32
      %scan3A_104 = arith.addi %scan3A_102, %scan3A_103 : i32
      %scan3A_105 = arith.constant 1 : i32
      scf.for %scan3A_143 = %scan3A_102 to %scan3A_104 step %scan3A_105  : i32 {
        %mul3A_144 = arith.constant 1 : i32
        %mul3A_145 = arith.muli %scan3A_143, %mul3A_144 : i32
        %add3A_146 = arith.constant 0 : i32
        %add3A_147 = arith.addi %add3A_146, %mul3A_145 : i32
        %mul3A_148 = arith.constant 16 : i32
        %mul3A_149 = arith.muli %add3A_147, %mul3A_148 : i32
        %get3A = arith.index_cast %mul3A_149 : i32 to index
        %get3A_150 = tpu.vector_load %arg16[%get3A] {strides = array<i32>} : memref<640xf32, #tpu.memory_space<vmem>>, vector<16xf32>,
        %mul3A_151 = arith.constant 16 : i32
        %mul3A_152 = arith.muli %add3A_147, %mul3A_151 : i32
        %get3A_153 = arith.index_cast %mul3A_152 : i32 to index
        %get3A_154 = tpu.vector_load %arg17[%get3A_153] {strides = array<i32>} : memref<640xf32, #tpu.memory_space<vmem>>, vector<16xf32>,
        %add3A_155 = arith.addf %get3A_150, %get3A_154 : vector<16xf32>
        %mul3A_156 = arith.constant 16 : i32
        %mul3A_157 = arith.muli %add3A_147, %mul3A_156 : i32
        %swap3A = arith.index_cast %mul3A_157 : i32 to index
        %swap3A_158 = tpu.vector_load %arg16[%swap3A] {strides = array<i32>} : memref<640xf32, #tpu.memory_space<vmem>>, vector<16xf32>,
        tpu.vector_store %arg16[%swap3A], %add3A_155 {strides = array<i32>} : memref<640xf32, #tpu.memory_space<vmem>>, vector<16xf32>,
      }
      %scan3A_106 = arith.constant 40 : i32
      %run_scoped3A_107 = arith.constant 10 : i32
      "tpu.region"() ({
        %run_scoped3A_143 = tpu.sem_alloc : memref<!tpu.dma_semaphore, #tpu.memory_space<semaphore_mem>>
        %dma_start3A = arith.constant 0 : i32
        %dma_start3A_144 = tpu.memref_slice %arg19[%run_scoped3A_107, %dma_start3A] : memref<16x10240xf32, #tpu.memory_space<vmem_shared>> -> memref<1x10240xf32, #tpu.memory_space<vmem_shared>>
        %dma_start3A_145 = tpu.memref_squeeze %dma_start3A_144 : memref<1x10240xf32, #tpu.memory_space<vmem_shared>> -> memref<10240xf32, #tpu.memory_space<vmem_shared>>
        %dma_start3A_146 = tpu.memref_slice %dma_start3A_145[%mul3A_32] : memref<10240xf32, #tpu.memory_space<vmem_shared>> -> memref<640xf32, #tpu.memory_space<vmem_shared>>
        %dma_start3A_147 = arith.constant 0 : i32
        %dma_start3A_148 = tpu.memref_slice %arg19[%run_scoped3A_107, %dma_start3A_147] : memref<16x10240xf32, #tpu.memory_space<vmem_shared>> -> memref<1x10240xf32, #tpu.memory_space<vmem_shared>>
        %dma_start3A_149 = tpu.memref_squeeze %dma_start3A_148 : memref<1x10240xf32, #tpu.memory_space<vmem_shared>> -> memref<10240xf32, #tpu.memory_space<vmem_shared>>
        %dma_start3A_150 = tpu.memref_slice %dma_start3A_149[%mul3A_32] : memref<10240xf32, #tpu.memory_space<vmem_shared>> -> memref<640xf32, #tpu.memory_space<vmem_shared>>
        tpu.enqueue_dma source(%dma_start3A_150 : memref<640xf32, #tpu.memory_space<vmem_shared>>) target(%arg17 : memref<640xf32, #tpu.memory_space<vmem>>) target_semaphore(%run_scoped3A_143 : memref<!tpu.dma_semaphore, #tpu.memory_space<semaphore_mem>>)
        %dma_wait3A = arith.constant 0 : i32
        %dma_wait3A_151 = tpu.memref_slice %arg19[%run_scoped3A_107, %dma_wait3A] : memref<16x10240xf32, #tpu.memory_space<vmem_shared>> -> memref<1x10240xf32, #tpu.memory_space<vmem_shared>>
        %dma_wait3A_152 = tpu.memref_squeeze %dma_wait3A_151 : memref<1x10240xf32, #tpu.memory_space<vmem_shared>> -> memref<10240xf32, #tpu.memory_space<vmem_shared>>
        %dma_wait3A_153 = tpu.memref_slice %dma_wait3A_152[%mul3A_32] : memref<10240xf32, #tpu.memory_space<vmem_shared>> -> memref<640xf32, #tpu.memory_space<vmem_shared>>
        %dma_wait3A_154 = arith.constant 0 : i32
        %dma_wait3A_155 = tpu.memref_slice %arg19[%run_scoped3A_107, %dma_wait3A_154] : memref<16x10240xf32, #tpu.memory_space<vmem_shared>> -> memref<1x10240xf32, #tpu.memory_space<vmem_shared>>
        %dma_wait3A_156 = tpu.memref_squeeze %dma_wait3A_155 : memref<1x10240xf32, #tpu.memory_space<vmem_shared>> -> memref<10240xf32, #tpu.memory_space<vmem_shared>>
        %dma_wait3A_157 = tpu.memref_slice %dma_wait3A_156[%mul3A_32] : memref<10240xf32, #tpu.memory_space<vmem_shared>> -> memref<640xf32, #tpu.memory_space<vmem_shared>>
        tpu.wait_dma2 semaphore(%run_scoped3A_143 : memref<!tpu.dma_semaphore, #tpu.memory_space<semaphore_mem>>) src(%dma_wait3A_157 : memref<640xf32, #tpu.memory_space<vmem_shared>>) dst(%arg17 : memref<640xf32, #tpu.memory_space<vmem>>)
        tpu.yield
      }) : () -> ()
      %scan3A_108 = arith.constant 0 : i32
      %scan3A_109 = arith.constant 40 : i32
      %scan3A_110 = arith.addi %scan3A_108, %scan3A_109 : i32
      %scan3A_111 = arith.constant 1 : i32
      scf.for %scan3A_143 = %scan3A_108 to %scan3A_110 step %scan3A_111  : i32 {
        %mul3A_144 = arith.constant 1 : i32
        %mul3A_145 = arith.muli %scan3A_143, %mul3A_144 : i32
        %add3A_146 = arith.constant 0 : i32
        %add3A_147 = arith.addi %add3A_146, %mul3A_145 : i32
        %mul3A_148 = arith.constant 16 : i32
        %mul3A_149 = arith.muli %add3A_147, %mul3A_148 : i32
        %get3A = arith.index_cast %mul3A_149 : i32 to index
        %get3A_150 = tpu.vector_load %arg16[%get3A] {strides = array<i32>} : memref<640xf32, #tpu.memory_space<vmem>>, vector<16xf32>,
        %mul3A_151 = arith.constant 16 : i32
        %mul3A_152 = arith.muli %add3A_147, %mul3A_151 : i32
        %get3A_153 = arith.index_cast %mul3A_152 : i32 to index
        %get3A_154 = tpu.vector_load %arg17[%get3A_153] {strides = array<i32>} : memref<640xf32, #tpu.memory_space<vmem>>, vector<16xf32>,
        %add3A_155 = arith.addf %get3A_150, %get3A_154 : vector<16xf32>
        %mul3A_156 = arith.constant 16 : i32
        %mul3A_157 = arith.muli %add3A_147, %mul3A_156 : i32
        %swap3A = arith.index_cast %mul3A_157 : i32 to index
        %swap3A_158 = tpu.vector_load %arg16[%swap3A] {strides = array<i32>} : memref<640xf32, #tpu.memory_space<vmem>>, vector<16xf32>,
        tpu.vector_store %arg16[%swap3A], %add3A_155 {strides = array<i32>} : memref<640xf32, #tpu.memory_space<vmem>>, vector<16xf32>,
      }
      %scan3A_112 = arith.constant 40 : i32
      %run_scoped3A_113 = arith.constant 11 : i32
      "tpu.region"() ({
        %run_scoped3A_143 = tpu.sem_alloc : memref<!tpu.dma_semaphore, #tpu.memory_space<semaphore_mem>>
        %dma_start3A = arith.constant 0 : i32
        %dma_start3A_144 = tpu.memref_slice %arg19[%run_scoped3A_113, %dma_start3A] : memref<16x10240xf32, #tpu.memory_space<vmem_shared>> -> memref<1x10240xf32, #tpu.memory_space<vmem_shared>>
        %dma_start3A_145 = tpu.memref_squeeze %dma_start3A_144 : memref<1x10240xf32, #tpu.memory_space<vmem_shared>> -> memref<10240xf32, #tpu.memory_space<vmem_shared>>
        %dma_start3A_146 = tpu.memref_slice %dma_start3A_145[%mul3A_32] : memref<10240xf32, #tpu.memory_space<vmem_shared>> -> memref<640xf32, #tpu.memory_space<vmem_shared>>
        %dma_start3A_147 = arith.constant 0 : i32
        %dma_start3A_148 = tpu.memref_slice %arg19[%run_scoped3A_113, %dma_start3A_147] : memref<16x10240xf32, #tpu.memory_space<vmem_shared>> -> memref<1x10240xf32, #tpu.memory_space<vmem_shared>>
        %dma_start3A_149 = tpu.memref_squeeze %dma_start3A_148 : memref<1x10240xf32, #tpu.memory_space<vmem_shared>> -> memref<10240xf32, #tpu.memory_space<vmem_shared>>
        %dma_start3A_150 = tpu.memref_slice %dma_start3A_149[%mul3A_32] : memref<10240xf32, #tpu.memory_space<vmem_shared>> -> memref<640xf32, #tpu.memory_space<vmem_shared>>
        tpu.enqueue_dma source(%dma_start3A_150 : memref<640xf32, #tpu.memory_space<vmem_shared>>) target(%arg17 : memref<640xf32, #tpu.memory_space<vmem>>) target_semaphore(%run_scoped3A_143 : memref<!tpu.dma_semaphore, #tpu.memory_space<semaphore_mem>>)
        %dma_wait3A = arith.constant 0 : i32
        %dma_wait3A_151 = tpu.memref_slice %arg19[%run_scoped3A_113, %dma_wait3A] : memref<16x10240xf32, #tpu.memory_space<vmem_shared>> -> memref<1x10240xf32, #tpu.memory_space<vmem_shared>>
        %dma_wait3A_152 = tpu.memref_squeeze %dma_wait3A_151 : memref<1x10240xf32, #tpu.memory_space<vmem_shared>> -> memref<10240xf32, #tpu.memory_space<vmem_shared>>
        %dma_wait3A_153 = tpu.memref_slice %dma_wait3A_152[%mul3A_32] : memref<10240xf32, #tpu.memory_space<vmem_shared>> -> memref<640xf32, #tpu.memory_space<vmem_shared>>
        %dma_wait3A_154 = arith.constant 0 : i32
        %dma_wait3A_155 = tpu.memref_slice %arg19[%run_scoped3A_113, %dma_wait3A_154] : memref<16x10240xf32, #tpu.memory_space<vmem_shared>> -> memref<1x10240xf32, #tpu.memory_space<vmem_shared>>
        %dma_wait3A_156 = tpu.memref_squeeze %dma_wait3A_155 : memref<1x10240xf32, #tpu.memory_space<vmem_shared>> -> memref<10240xf32, #tpu.memory_space<vmem_shared>>
        %dma_wait3A_157 = tpu.memref_slice %dma_wait3A_156[%mul3A_32] : memref<10240xf32, #tpu.memory_space<vmem_shared>> -> memref<640xf32, #tpu.memory_space<vmem_shared>>
        tpu.wait_dma2 semaphore(%run_scoped3A_143 : memref<!tpu.dma_semaphore, #tpu.memory_space<semaphore_mem>>) src(%dma_wait3A_157 : memref<640xf32, #tpu.memory_space<vmem_shared>>) dst(%arg17 : memref<640xf32, #tpu.memory_space<vmem>>)
        tpu.yield
      }) : () -> ()
      %scan3A_114 = arith.constant 0 : i32
      %scan3A_115 = arith.constant 40 : i32
      %scan3A_116 = arith.addi %scan3A_114, %scan3A_115 : i32
      %scan3A_117 = arith.constant 1 : i32
      scf.for %scan3A_143 = %scan3A_114 to %scan3A_116 step %scan3A_117  : i32 {
        %mul3A_144 = arith.constant 1 : i32
        %mul3A_145 = arith.muli %scan3A_143, %mul3A_144 : i32
        %add3A_146 = arith.constant 0 : i32
        %add3A_147 = arith.addi %add3A_146, %mul3A_145 : i32
        %mul3A_148 = arith.constant 16 : i32
        %mul3A_149 = arith.muli %add3A_147, %mul3A_148 : i32
        %get3A = arith.index_cast %mul3A_149 : i32 to index
        %get3A_150 = tpu.vector_load %arg16[%get3A] {strides = array<i32>} : memref<640xf32, #tpu.memory_space<vmem>>, vector<16xf32>,
        %mul3A_151 = arith.constant 16 : i32
        %mul3A_152 = arith.muli %add3A_147, %mul3A_151 : i32
        %get3A_153 = arith.index_cast %mul3A_152 : i32 to index
        %get3A_154 = tpu.vector_load %arg17[%get3A_153] {strides = array<i32>} : memref<640xf32, #tpu.memory_space<vmem>>, vector<16xf32>,
        %add3A_155 = arith.addf %get3A_150, %get3A_154 : vector<16xf32>
        %mul3A_156 = arith.constant 16 : i32
        %mul3A_157 = arith.muli %add3A_147, %mul3A_156 : i32
        %swap3A = arith.index_cast %mul3A_157 : i32 to index
        %swap3A_158 = tpu.vector_load %arg16[%swap3A] {strides = array<i32>} : memref<640xf32, #tpu.memory_space<vmem>>, vector<16xf32>,
        tpu.vector_store %arg16[%swap3A], %add3A_155 {strides = array<i32>} : memref<640xf32, #tpu.memory_space<vmem>>, vector<16xf32>,
      }
      %scan3A_118 = arith.constant 40 : i32
      %run_scoped3A_119 = arith.constant 12 : i32
      "tpu.region"() ({
        %run_scoped3A_143 = tpu.sem_alloc : memref<!tpu.dma_semaphore, #tpu.memory_space<semaphore_mem>>
        %dma_start3A = arith.constant 0 : i32
        %dma_start3A_144 = tpu.memref_slice %arg19[%run_scoped3A_119, %dma_start3A] : memref<16x10240xf32, #tpu.memory_space<vmem_shared>> -> memref<1x10240xf32, #tpu.memory_space<vmem_shared>>
        %dma_start3A_145 = tpu.memref_squeeze %dma_start3A_144 : memref<1x10240xf32, #tpu.memory_space<vmem_shared>> -> memref<10240xf32, #tpu.memory_space<vmem_shared>>
        %dma_start3A_146 = tpu.memref_slice %dma_start3A_145[%mul3A_32] : memref<10240xf32, #tpu.memory_space<vmem_shared>> -> memref<640xf32, #tpu.memory_space<vmem_shared>>
        %dma_start3A_147 = arith.constant 0 : i32
        %dma_start3A_148 = tpu.memref_slice %arg19[%run_scoped3A_119, %dma_start3A_147] : memref<16x10240xf32, #tpu.memory_space<vmem_shared>> -> memref<1x10240xf32, #tpu.memory_space<vmem_shared>>
        %dma_start3A_149 = tpu.memref_squeeze %dma_start3A_148 : memref<1x10240xf32, #tpu.memory_space<vmem_shared>> -> memref<10240xf32, #tpu.memory_space<vmem_shared>>
        %dma_start3A_150 = tpu.memref_slice %dma_start3A_149[%mul3A_32] : memref<10240xf32, #tpu.memory_space<vmem_shared>> -> memref<640xf32, #tpu.memory_space<vmem_shared>>
        tpu.enqueue_dma source(%dma_start3A_150 : memref<640xf32, #tpu.memory_space<vmem_shared>>) target(%arg17 : memref<640xf32, #tpu.memory_space<vmem>>) target_semaphore(%run_scoped3A_143 : memref<!tpu.dma_semaphore, #tpu.memory_space<semaphore_mem>>)
        %dma_wait3A = arith.constant 0 : i32
        %dma_wait3A_151 = tpu.memref_slice %arg19[%run_scoped3A_119, %dma_wait3A] : memref<16x10240xf32, #tpu.memory_space<vmem_shared>> -> memref<1x10240xf32, #tpu.memory_space<vmem_shared>>
        %dma_wait3A_152 = tpu.memref_squeeze %dma_wait3A_151 : memref<1x10240xf32, #tpu.memory_space<vmem_shared>> -> memref<10240xf32, #tpu.memory_space<vmem_shared>>
        %dma_wait3A_153 = tpu.memref_slice %dma_wait3A_152[%mul3A_32] : memref<10240xf32, #tpu.memory_space<vmem_shared>> -> memref<640xf32, #tpu.memory_space<vmem_shared>>
        %dma_wait3A_154 = arith.constant 0 : i32
        %dma_wait3A_155 = tpu.memref_slice %arg19[%run_scoped3A_119, %dma_wait3A_154] : memref<16x10240xf32, #tpu.memory_space<vmem_shared>> -> memref<1x10240xf32, #tpu.memory_space<vmem_shared>>
        %dma_wait3A_156 = tpu.memref_squeeze %dma_wait3A_155 : memref<1x10240xf32, #tpu.memory_space<vmem_shared>> -> memref<10240xf32, #tpu.memory_space<vmem_shared>>
        %dma_wait3A_157 = tpu.memref_slice %dma_wait3A_156[%mul3A_32] : memref<10240xf32, #tpu.memory_space<vmem_shared>> -> memref<640xf32, #tpu.memory_space<vmem_shared>>
        tpu.wait_dma2 semaphore(%run_scoped3A_143 : memref<!tpu.dma_semaphore, #tpu.memory_space<semaphore_mem>>) src(%dma_wait3A_157 : memref<640xf32, #tpu.memory_space<vmem_shared>>) dst(%arg17 : memref<640xf32, #tpu.memory_space<vmem>>)
        tpu.yield
      }) : () -> ()
      %scan3A_120 = arith.constant 0 : i32
      %scan3A_121 = arith.constant 40 : i32
      %scan3A_122 = arith.addi %scan3A_120, %scan3A_121 : i32
      %scan3A_123 = arith.constant 1 : i32
      scf.for %scan3A_143 = %scan3A_120 to %scan3A_122 step %scan3A_123  : i32 {
        %mul3A_144 = arith.constant 1 : i32
        %mul3A_145 = arith.muli %scan3A_143, %mul3A_144 : i32
        %add3A_146 = arith.constant 0 : i32
        %add3A_147 = arith.addi %add3A_146, %mul3A_145 : i32
        %mul3A_148 = arith.constant 16 : i32
        %mul3A_149 = arith.muli %add3A_147, %mul3A_148 : i32
        %get3A = arith.index_cast %mul3A_149 : i32 to index
        %get3A_150 = tpu.vector_load %arg16[%get3A] {strides = array<i32>} : memref<640xf32, #tpu.memory_space<vmem>>, vector<16xf32>,
        %mul3A_151 = arith.constant 16 : i32
        %mul3A_152 = arith.muli %add3A_147, %mul3A_151 : i32
        %get3A_153 = arith.index_cast %mul3A_152 : i32 to index
        %get3A_154 = tpu.vector_load %arg17[%get3A_153] {strides = array<i32>} : memref<640xf32, #tpu.memory_space<vmem>>, vector<16xf32>,
        %add3A_155 = arith.addf %get3A_150, %get3A_154 : vector<16xf32>
        %mul3A_156 = arith.constant 16 : i32
        %mul3A_157 = arith.muli %add3A_147, %mul3A_156 : i32
        %swap3A = arith.index_cast %mul3A_157 : i32 to index
        %swap3A_158 = tpu.vector_load %arg16[%swap3A] {strides = array<i32>} : memref<640xf32, #tpu.memory_space<vmem>>, vector<16xf32>,
        tpu.vector_store %arg16[%swap3A], %add3A_155 {strides = array<i32>} : memref<640xf32, #tpu.memory_space<vmem>>, vector<16xf32>,
      }
      %scan3A_124 = arith.constant 40 : i32
      %run_scoped3A_125 = arith.constant 13 : i32
      "tpu.region"() ({
        %run_scoped3A_143 = tpu.sem_alloc : memref<!tpu.dma_semaphore, #tpu.memory_space<semaphore_mem>>
        %dma_start3A = arith.constant 0 : i32
        %dma_start3A_144 = tpu.memref_slice %arg19[%run_scoped3A_125, %dma_start3A] : memref<16x10240xf32, #tpu.memory_space<vmem_shared>> -> memref<1x10240xf32, #tpu.memory_space<vmem_shared>>
        %dma_start3A_145 = tpu.memref_squeeze %dma_start3A_144 : memref<1x10240xf32, #tpu.memory_space<vmem_shared>> -> memref<10240xf32, #tpu.memory_space<vmem_shared>>
        %dma_start3A_146 = tpu.memref_slice %dma_start3A_145[%mul3A_32] : memref<10240xf32, #tpu.memory_space<vmem_shared>> -> memref<640xf32, #tpu.memory_space<vmem_shared>>
        %dma_start3A_147 = arith.constant 0 : i32
        %dma_start3A_148 = tpu.memref_slice %arg19[%run_scoped3A_125, %dma_start3A_147] : memref<16x10240xf32, #tpu.memory_space<vmem_shared>> -> memref<1x10240xf32, #tpu.memory_space<vmem_shared>>
        %dma_start3A_149 = tpu.memref_squeeze %dma_start3A_148 : memref<1x10240xf32, #tpu.memory_space<vmem_shared>> -> memref<10240xf32, #tpu.memory_space<vmem_shared>>
        %dma_start3A_150 = tpu.memref_slice %dma_start3A_149[%mul3A_32] : memref<10240xf32, #tpu.memory_space<vmem_shared>> -> memref<640xf32, #tpu.memory_space<vmem_shared>>
        tpu.enqueue_dma source(%dma_start3A_150 : memref<640xf32, #tpu.memory_space<vmem_shared>>) target(%arg17 : memref<640xf32, #tpu.memory_space<vmem>>) target_semaphore(%run_scoped3A_143 : memref<!tpu.dma_semaphore, #tpu.memory_space<semaphore_mem>>)
        %dma_wait3A = arith.constant 0 : i32
        %dma_wait3A_151 = tpu.memref_slice %arg19[%run_scoped3A_125, %dma_wait3A] : memref<16x10240xf32, #tpu.memory_space<vmem_shared>> -> memref<1x10240xf32, #tpu.memory_space<vmem_shared>>
        %dma_wait3A_152 = tpu.memref_squeeze %dma_wait3A_151 : memref<1x10240xf32, #tpu.memory_space<vmem_shared>> -> memref<10240xf32, #tpu.memory_space<vmem_shared>>
        %dma_wait3A_153 = tpu.memref_slice %dma_wait3A_152[%mul3A_32] : memref<10240xf32, #tpu.memory_space<vmem_shared>> -> memref<640xf32, #tpu.memory_space<vmem_shared>>
        %dma_wait3A_154 = arith.constant 0 : i32
        %dma_wait3A_155 = tpu.memref_slice %arg19[%run_scoped3A_125, %dma_wait3A_154] : memref<16x10240xf32, #tpu.memory_space<vmem_shared>> -> memref<1x10240xf32, #tpu.memory_space<vmem_shared>>
        %dma_wait3A_156 = tpu.memref_squeeze %dma_wait3A_155 : memref<1x10240xf32, #tpu.memory_space<vmem_shared>> -> memref<10240xf32, #tpu.memory_space<vmem_shared>>
        %dma_wait3A_157 = tpu.memref_slice %dma_wait3A_156[%mul3A_32] : memref<10240xf32, #tpu.memory_space<vmem_shared>> -> memref<640xf32, #tpu.memory_space<vmem_shared>>
        tpu.wait_dma2 semaphore(%run_scoped3A_143 : memref<!tpu.dma_semaphore, #tpu.memory_space<semaphore_mem>>) src(%dma_wait3A_157 : memref<640xf32, #tpu.memory_space<vmem_shared>>) dst(%arg17 : memref<640xf32, #tpu.memory_space<vmem>>)
        tpu.yield
      }) : () -> ()
      %scan3A_126 = arith.constant 0 : i32
      %scan3A_127 = arith.constant 40 : i32
      %scan3A_128 = arith.addi %scan3A_126, %scan3A_127 : i32
      %scan3A_129 = arith.constant 1 : i32
      scf.for %scan3A_143 = %scan3A_126 to %scan3A_128 step %scan3A_129  : i32 {
        %mul3A_144 = arith.constant 1 : i32
        %mul3A_145 = arith.muli %scan3A_143, %mul3A_144 : i32
        %add3A_146 = arith.constant 0 : i32
        %add3A_147 = arith.addi %add3A_146, %mul3A_145 : i32
        %mul3A_148 = arith.constant 16 : i32
        %mul3A_149 = arith.muli %add3A_147, %mul3A_148 : i32
        %get3A = arith.index_cast %mul3A_149 : i32 to index
        %get3A_150 = tpu.vector_load %arg16[%get3A] {strides = array<i32>} : memref<640xf32, #tpu.memory_space<vmem>>, vector<16xf32>,
        %mul3A_151 = arith.constant 16 : i32
        %mul3A_152 = arith.muli %add3A_147, %mul3A_151 : i32
        %get3A_153 = arith.index_cast %mul3A_152 : i32 to index
        %get3A_154 = tpu.vector_load %arg17[%get3A_153] {strides = array<i32>} : memref<640xf32, #tpu.memory_space<vmem>>, vector<16xf32>,
        %add3A_155 = arith.addf %get3A_150, %get3A_154 : vector<16xf32>
        %mul3A_156 = arith.constant 16 : i32
        %mul3A_157 = arith.muli %add3A_147, %mul3A_156 : i32
        %swap3A = arith.index_cast %mul3A_157 : i32 to index
        %swap3A_158 = tpu.vector_load %arg16[%swap3A] {strides = array<i32>} : memref<640xf32, #tpu.memory_space<vmem>>, vector<16xf32>,
        tpu.vector_store %arg16[%swap3A], %add3A_155 {strides = array<i32>} : memref<640xf32, #tpu.memory_space<vmem>>, vector<16xf32>,
      }
      %scan3A_130 = arith.constant 40 : i32
      %run_scoped3A_131 = arith.constant 14 : i32
      "tpu.region"() ({
        %run_scoped3A_143 = tpu.sem_alloc : memref<!tpu.dma_semaphore, #tpu.memory_space<semaphore_mem>>
        %dma_start3A = arith.constant 0 : i32
        %dma_start3A_144 = tpu.memref_slice %arg19[%run_scoped3A_131, %dma_start3A] : memref<16x10240xf32, #tpu.memory_space<vmem_shared>> -> memref<1x10240xf32, #tpu.memory_space<vmem_shared>>
        %dma_start3A_145 = tpu.memref_squeeze %dma_start3A_144 : memref<1x10240xf32, #tpu.memory_space<vmem_shared>> -> memref<10240xf32, #tpu.memory_space<vmem_shared>>
        %dma_start3A_146 = tpu.memref_slice %dma_start3A_145[%mul3A_32] : memref<10240xf32, #tpu.memory_space<vmem_shared>> -> memref<640xf32, #tpu.memory_space<vmem_shared>>
        %dma_start3A_147 = arith.constant 0 : i32
        %dma_start3A_148 = tpu.memref_slice %arg19[%run_scoped3A_131, %dma_start3A_147] : memref<16x10240xf32, #tpu.memory_space<vmem_shared>> -> memref<1x10240xf32, #tpu.memory_space<vmem_shared>>
        %dma_start3A_149 = tpu.memref_squeeze %dma_start3A_148 : memref<1x10240xf32, #tpu.memory_space<vmem_shared>> -> memref<10240xf32, #tpu.memory_space<vmem_shared>>
        %dma_start3A_150 = tpu.memref_slice %dma_start3A_149[%mul3A_32] : memref<10240xf32, #tpu.memory_space<vmem_shared>> -> memref<640xf32, #tpu.memory_space<vmem_shared>>
        tpu.enqueue_dma source(%dma_start3A_150 : memref<640xf32, #tpu.memory_space<vmem_shared>>) target(%arg17 : memref<640xf32, #tpu.memory_space<vmem>>) target_semaphore(%run_scoped3A_143 : memref<!tpu.dma_semaphore, #tpu.memory_space<semaphore_mem>>)
        %dma_wait3A = arith.constant 0 : i32
        %dma_wait3A_151 = tpu.memref_slice %arg19[%run_scoped3A_131, %dma_wait3A] : memref<16x10240xf32, #tpu.memory_space<vmem_shared>> -> memref<1x10240xf32, #tpu.memory_space<vmem_shared>>
        %dma_wait3A_152 = tpu.memref_squeeze %dma_wait3A_151 : memref<1x10240xf32, #tpu.memory_space<vmem_shared>> -> memref<10240xf32, #tpu.memory_space<vmem_shared>>
        %dma_wait3A_153 = tpu.memref_slice %dma_wait3A_152[%mul3A_32] : memref<10240xf32, #tpu.memory_space<vmem_shared>> -> memref<640xf32, #tpu.memory_space<vmem_shared>>
        %dma_wait3A_154 = arith.constant 0 : i32
        %dma_wait3A_155 = tpu.memref_slice %arg19[%run_scoped3A_131, %dma_wait3A_154] : memref<16x10240xf32, #tpu.memory_space<vmem_shared>> -> memref<1x10240xf32, #tpu.memory_space<vmem_shared>>
        %dma_wait3A_156 = tpu.memref_squeeze %dma_wait3A_155 : memref<1x10240xf32, #tpu.memory_space<vmem_shared>> -> memref<10240xf32, #tpu.memory_space<vmem_shared>>
        %dma_wait3A_157 = tpu.memref_slice %dma_wait3A_156[%mul3A_32] : memref<10240xf32, #tpu.memory_space<vmem_shared>> -> memref<640xf32, #tpu.memory_space<vmem_shared>>
        tpu.wait_dma2 semaphore(%run_scoped3A_143 : memref<!tpu.dma_semaphore, #tpu.memory_space<semaphore_mem>>) src(%dma_wait3A_157 : memref<640xf32, #tpu.memory_space<vmem_shared>>) dst(%arg17 : memref<640xf32, #tpu.memory_space<vmem>>)
        tpu.yield
      }) : () -> ()
      %scan3A_132 = arith.constant 0 : i32
      %scan3A_133 = arith.constant 40 : i32
      %scan3A_134 = arith.addi %scan3A_132, %scan3A_133 : i32
      %scan3A_135 = arith.constant 1 : i32
      scf.for %scan3A_143 = %scan3A_132 to %scan3A_134 step %scan3A_135  : i32 {
        %mul3A_144 = arith.constant 1 : i32
        %mul3A_145 = arith.muli %scan3A_143, %mul3A_144 : i32
        %add3A_146 = arith.constant 0 : i32
        %add3A_147 = arith.addi %add3A_146, %mul3A_145 : i32
        %mul3A_148 = arith.constant 16 : i32
        %mul3A_149 = arith.muli %add3A_147, %mul3A_148 : i32
        %get3A = arith.index_cast %mul3A_149 : i32 to index
        %get3A_150 = tpu.vector_load %arg16[%get3A] {strides = array<i32>} : memref<640xf32, #tpu.memory_space<vmem>>, vector<16xf32>,
        %mul3A_151 = arith.constant 16 : i32
        %mul3A_152 = arith.muli %add3A_147, %mul3A_151 : i32
        %get3A_153 = arith.index_cast %mul3A_152 : i32 to index
        %get3A_154 = tpu.vector_load %arg17[%get3A_153] {strides = array<i32>} : memref<640xf32, #tpu.memory_space<vmem>>, vector<16xf32>,
        %add3A_155 = arith.addf %get3A_150, %get3A_154 : vector<16xf32>
        %mul3A_156 = arith.constant 16 : i32
        %mul3A_157 = arith.muli %add3A_147, %mul3A_156 : i32
        %swap3A = arith.index_cast %mul3A_157 : i32 to index
        %swap3A_158 = tpu.vector_load %arg16[%swap3A] {strides = array<i32>} : memref<640xf32, #tpu.memory_space<vmem>>, vector<16xf32>,
        tpu.vector_store %arg16[%swap3A], %add3A_155 {strides = array<i32>} : memref<640xf32, #tpu.memory_space<vmem>>, vector<16xf32>,
      }
      %scan3A_136 = arith.constant 40 : i32
      %run_scoped3A_137 = arith.constant 15 : i32
      "tpu.region"() ({
        %run_scoped3A_143 = tpu.sem_alloc : memref<!tpu.dma_semaphore, #tpu.memory_space<semaphore_mem>>
        %dma_start3A = arith.constant 0 : i32
        %dma_start3A_144 = tpu.memref_slice %arg19[%run_scoped3A_137, %dma_start3A] : memref<16x10240xf32, #tpu.memory_space<vmem_shared>> -> memref<1x10240xf32, #tpu.memory_space<vmem_shared>>
        %dma_start3A_145 = tpu.memref_squeeze %dma_start3A_144 : memref<1x10240xf32, #tpu.memory_space<vmem_shared>> -> memref<10240xf32, #tpu.memory_space<vmem_shared>>
        %dma_start3A_146 = tpu.memref_slice %dma_start3A_145[%mul3A_32] : memref<10240xf32, #tpu.memory_space<vmem_shared>> -> memref<640xf32, #tpu.memory_space<vmem_shared>>
        %dma_start3A_147 = arith.constant 0 : i32
        %dma_start3A_148 = tpu.memref_slice %arg19[%run_scoped3A_137, %dma_start3A_147] : memref<16x10240xf32, #tpu.memory_space<vmem_shared>> -> memref<1x10240xf32, #tpu.memory_space<vmem_shared>>
        %dma_start3A_149 = tpu.memref_squeeze %dma_start3A_148 : memref<1x10240xf32, #tpu.memory_space<vmem_shared>> -> memref<10240xf32, #tpu.memory_space<vmem_shared>>
        %dma_start3A_150 = tpu.memref_slice %dma_start3A_149[%mul3A_32] : memref<10240xf32, #tpu.memory_space<vmem_shared>> -> memref<640xf32, #tpu.memory_space<vmem_shared>>
        tpu.enqueue_dma source(%dma_start3A_150 : memref<640xf32, #tpu.memory_space<vmem_shared>>) target(%arg17 : memref<640xf32, #tpu.memory_space<vmem>>) target_semaphore(%run_scoped3A_143 : memref<!tpu.dma_semaphore, #tpu.memory_space<semaphore_mem>>)
        %dma_wait3A = arith.constant 0 : i32
        %dma_wait3A_151 = tpu.memref_slice %arg19[%run_scoped3A_137, %dma_wait3A] : memref<16x10240xf32, #tpu.memory_space<vmem_shared>> -> memref<1x10240xf32, #tpu.memory_space<vmem_shared>>
        %dma_wait3A_152 = tpu.memref_squeeze %dma_wait3A_151 : memref<1x10240xf32, #tpu.memory_space<vmem_shared>> -> memref<10240xf32, #tpu.memory_space<vmem_shared>>
        %dma_wait3A_153 = tpu.memref_slice %dma_wait3A_152[%mul3A_32] : memref<10240xf32, #tpu.memory_space<vmem_shared>> -> memref<640xf32, #tpu.memory_space<vmem_shared>>
        %dma_wait3A_154 = arith.constant 0 : i32
        %dma_wait3A_155 = tpu.memref_slice %arg19[%run_scoped3A_137, %dma_wait3A_154] : memref<16x10240xf32, #tpu.memory_space<vmem_shared>> -> memref<1x10240xf32, #tpu.memory_space<vmem_shared>>
        %dma_wait3A_156 = tpu.memref_squeeze %dma_wait3A_155 : memref<1x10240xf32, #tpu.memory_space<vmem_shared>> -> memref<10240xf32, #tpu.memory_space<vmem_shared>>
        %dma_wait3A_157 = tpu.memref_slice %dma_wait3A_156[%mul3A_32] : memref<10240xf32, #tpu.memory_space<vmem_shared>> -> memref<640xf32, #tpu.memory_space<vmem_shared>>
        tpu.wait_dma2 semaphore(%run_scoped3A_143 : memref<!tpu.dma_semaphore, #tpu.memory_space<semaphore_mem>>) src(%dma_wait3A_157 : memref<640xf32, #tpu.memory_space<vmem_shared>>) dst(%arg17 : memref<640xf32, #tpu.memory_space<vmem>>)
        tpu.yield
      }) : () -> ()
      %scan3A_138 = arith.constant 0 : i32
      %scan3A_139 = arith.constant 40 : i32
      %scan3A_140 = arith.addi %scan3A_138, %scan3A_139 : i32
      %scan3A_141 = arith.constant 1 : i32
      scf.for %scan3A_143 = %scan3A_138 to %scan3A_140 step %scan3A_141  : i32 {
        %mul3A_144 = arith.constant 1 : i32
        %mul3A_145 = arith.muli %scan3A_143, %mul3A_144 : i32
        %add3A_146 = arith.constant 0 : i32
        %add3A_147 = arith.addi %add3A_146, %mul3A_145 : i32
        %mul3A_148 = arith.constant 16 : i32
        %mul3A_149 = arith.muli %add3A_147, %mul3A_148 : i32
        %get3A = arith.index_cast %mul3A_149 : i32 to index
        %get3A_150 = tpu.vector_load %arg16[%get3A] {strides = array<i32>} : memref<640xf32, #tpu.memory_space<vmem>>, vector<16xf32>,
        %mul3A_151 = arith.constant 16 : i32
        %mul3A_152 = arith.muli %add3A_147, %mul3A_151 : i32
        %get3A_153 = arith.index_cast %mul3A_152 : i32 to index
        %get3A_154 = tpu.vector_load %arg17[%get3A_153] {strides = array<i32>} : memref<640xf32, #tpu.memory_space<vmem>>, vector<16xf32>,
        %add3A_155 = arith.addf %get3A_150, %get3A_154 : vector<16xf32>
        %mul3A_156 = arith.constant 16 : i32
        %mul3A_157 = arith.muli %add3A_147, %mul3A_156 : i32
        %swap3A = arith.index_cast %mul3A_157 : i32 to index
        %swap3A_158 = tpu.vector_load %arg16[%swap3A] {strides = array<i32>} : memref<640xf32, #tpu.memory_space<vmem>>, vector<16xf32>,
        tpu.vector_store %arg16[%swap3A], %add3A_155 {strides = array<i32>} : memref<640xf32, #tpu.memory_space<vmem>>, vector<16xf32>,
      }
      %scan3A_142 = arith.constant 40 : i32
    } else {
    }
    %eq3A_44 = arith.constant 0 : i32
    %eq3A_45 = arith.cmpi eq, %arg0, %eq3A_44 : i32
    %convert_element_type3A_46 = arith.extui %eq3A_45 : i1 to i32
    %cond3A_47 = arith.constant 0 : i32
    %cond3A_48 = arith.cmpi ne, %convert_element_type3A_46, %cond3A_47 : i32
    scf.if %cond3A_48 {
      %mul3A_49 = arith.constant 640 : i32
      %mul3A_50 = arith.muli %arg1, %mul3A_49 : i32
      "tpu.region"() ({
        %run_scoped3A = tpu.sem_alloc : memref<!tpu.dma_semaphore, #tpu.memory_space<semaphore_mem>>
        %dma_start3A = tpu.memref_slice %arg9[%mul3A_50] : memref<10240xf32, #tpu.memory_space<hbm>> -> memref<640xf32, #tpu.memory_space<hbm>>
        %dma_start3A_51 = tpu.memref_slice %arg9[%mul3A_50] : memref<10240xf32, #tpu.memory_space<hbm>> -> memref<640xf32, #tpu.memory_space<hbm>>
        tpu.enqueue_dma source(%arg16 : memref<640xf32, #tpu.memory_space<vmem>>) target(%dma_start3A_51 : memref<640xf32, #tpu.memory_space<hbm>>) target_semaphore(%run_scoped3A : memref<!tpu.dma_semaphore, #tpu.memory_space<semaphore_mem>>)
        %dma_wait3A = tpu.memref_slice %arg9[%mul3A_50] : memref<10240xf32, #tpu.memory_space<hbm>> -> memref<640xf32, #tpu.memory_space<hbm>>
        %dma_wait3A_52 = tpu.memref_slice %arg9[%mul3A_50] : memref<10240xf32, #tpu.memory_space<hbm>> -> memref<640xf32, #tpu.memory_space<hbm>>
        tpu.wait_dma2 semaphore(%run_scoped3A : memref<!tpu.dma_semaphore, #tpu.memory_space<semaphore_mem>>) src(%arg16 : memref<640xf32, #tpu.memory_space<vmem>>) dst(%dma_wait3A_52 : memref<640xf32, #tpu.memory_space<hbm>>)
        tpu.yield
      }) : () -> ()
    } else {
    }
    return
  }
}

module attributes {stable_mosaic.version = 14 : i64} {
  func.func @_dense_body(%arg0: i32, %arg1: memref<2000x64xf32, #tpu.memory_space<vmem>>, %arg2: memref<2000x64xf32, #tpu.memory_space<vmem>>, %arg3: memref<2x2000x64xf32, #tpu.memory_space<vmem>>, %arg4: memref<2000x1xf32, #tpu.memory_space<vmem>>, %arg5: memref<128x128xf32, #tpu.memory_space<vmem>>, %arg6: memref<128x128xf32, #tpu.memory_space<vmem>>, %arg7: memref<1x128xf32, #tpu.memory_space<vmem>>, %arg8: memref<2000x64xf32, #tpu.memory_space<vmem>>, %arg9: memref<2000x64xf32, #tpu.memory_space<vmem>>) attributes {dimension_semantics = [#tpu.dimension_semantics<arbitrary>], iteration_bounds = array<i64: 5>, scalar_prefetch = 0 : i64, scratch_operands = 0 : i64, tpu.core_type = #tpu.core_type<tc>, window_params = [{transform_indices = @transform_0, window_bounds = array<i64: 2000, 64>}, {transform_indices = @transform_1, window_bounds = array<i64: 2000, 64>}, {transform_indices = @transform_2, window_bounds = array<i64: 2, 2000, 64>}, {transform_indices = @transform_3, window_bounds = array<i64: 2000, 1>}, {pipeline_mode = #tpu.pipeline_mode<synchronous>, transform_indices = @transform_4, window_bounds = array<i64: 128, 128>}, {pipeline_mode = #tpu.pipeline_mode<synchronous>, transform_indices = @transform_5, window_bounds = array<i64: 128, 128>}, {pipeline_mode = #tpu.pipeline_mode<synchronous>, transform_indices = @transform_6, window_bounds = array<i64: 1, 128>}, {transform_indices = @transform_7, window_bounds = array<i64: 2000, 64>}, {transform_indices = @transform_8, window_bounds = array<i64: 2000, 64>}]} {
    %get3A = arith.constant 0 : index
    %get3A_0 = arith.constant 0 : index
    %get3A_1 = vector.load %arg4[%get3A, %get3A_0] : memref<2000x1xf32, #tpu.memory_space<vmem>>, vector<2000x1xf32>
    %get3A_2 = arith.constant 0 : index
    %get3A_3 = arith.constant 0 : index
    %get3A_4 = arith.constant 0 : index
    %get3A_5 = vector.load %arg3[%get3A_2, %get3A_3, %get3A_4] : memref<2x2000x64xf32, #tpu.memory_space<vmem>>, vector<1x2000x64xf32>
    %get3A_6 = vector.shape_cast %get3A_5 : vector<1x2000x64xf32> to vector<2000x64xf32>
    %mul3A = vector.broadcast %get3A_1 : vector<2000x1xf32> to vector<2000x64xf32>
    %mul3A_7 = arith.mulf %get3A_6, %mul3A : vector<2000x64xf32>
    %get3A_8 = arith.constant 1 : index
    %get3A_9 = arith.constant 0 : index
    %get3A_10 = arith.constant 0 : index
    %get3A_11 = vector.load %arg3[%get3A_8, %get3A_9, %get3A_10] : memref<2x2000x64xf32, #tpu.memory_space<vmem>>, vector<1x2000x64xf32>
    %get3A_12 = vector.shape_cast %get3A_11 : vector<1x2000x64xf32> to vector<2000x64xf32>
    %mul3A_13 = vector.broadcast %get3A_1 : vector<2000x1xf32> to vector<2000x64xf32>
    %mul3A_14 = arith.mulf %get3A_12, %mul3A_13 : vector<2000x64xf32>
    %get3A_15 = arith.constant 0 : index
    %get3A_16 = arith.constant 0 : index
    %get3A_17 = vector.load %arg5[%get3A_15, %get3A_16] : memref<128x128xf32, #tpu.memory_space<vmem>>, vector<128x128xf32>
    %get3A_18 = arith.constant 0 : index
    %get3A_19 = arith.constant 0 : index
    %get3A_20 = vector.load %arg6[%get3A_18, %get3A_19] : memref<128x128xf32, #tpu.memory_space<vmem>>, vector<128x128xf32>
    %get3A_21 = arith.constant 0 : index
    %get3A_22 = arith.constant 0 : index
    %get3A_23 = vector.load %arg1[%get3A_21, %get3A_22] : memref<2000x64xf32, #tpu.memory_space<vmem>>, vector<2000x64xf32>
    %slice3A = vector.extract_strided_slice %get3A_17 {offsets = [0, 0], sizes = [64, 128], strides = [1, 1]} : vector<128x128xf32> to vector<64x128xf32>
    %dot_general3A = arith.constant dense<0.000000e+00> : vector<2000x128xf32>
    %dot_general3A_24 = tpu.matmul %get3A_23, %slice3A, %dot_general3A {dimension_numbers = #tpu.dot_dimension_numbers<[1], [0], [0], [1], [0, 0, 1, 1], [], []>, transpose_lhs_hint = false} : vector<2000x64xf32>, vector<64x128xf32>, vector<2000x128xf32> -> vector<2000x128xf32>
    %get3A_25 = arith.constant 0 : index
    %get3A_26 = arith.constant 0 : index
    %get3A_27 = vector.load %arg2[%get3A_25, %get3A_26] : memref<2000x64xf32, #tpu.memory_space<vmem>>, vector<2000x64xf32>
    %slice3A_28 = vector.extract_strided_slice %get3A_17 {offsets = [64, 0], sizes = [64, 128], strides = [1, 1]} : vector<128x128xf32> to vector<64x128xf32>
    %dot_general3A_29 = arith.constant dense<0.000000e+00> : vector<2000x128xf32>
    %dot_general3A_30 = tpu.matmul %get3A_27, %slice3A_28, %dot_general3A_29 {dimension_numbers = #tpu.dot_dimension_numbers<[1], [0], [0], [1], [0, 0, 1, 1], [], []>, transpose_lhs_hint = false} : vector<2000x64xf32>, vector<64x128xf32>, vector<2000x128xf32> -> vector<2000x128xf32>
    %add3A = arith.addf %dot_general3A_24, %dot_general3A_30 : vector<2000x128xf32>
    %slice3A_31 = vector.extract_strided_slice %get3A_20 {offsets = [0, 0], sizes = [64, 128], strides = [1, 1]} : vector<128x128xf32> to vector<64x128xf32>
    %dot_general3A_32 = arith.constant dense<0.000000e+00> : vector<2000x128xf32>
    %dot_general3A_33 = tpu.matmul %mul3A_7, %slice3A_31, %dot_general3A_32 {dimension_numbers = #tpu.dot_dimension_numbers<[1], [0], [0], [1], [0, 0, 1, 1], [], []>, transpose_lhs_hint = false} : vector<2000x64xf32>, vector<64x128xf32>, vector<2000x128xf32> -> vector<2000x128xf32>
    %add3A_34 = arith.addf %add3A, %dot_general3A_33 : vector<2000x128xf32>
    %slice3A_35 = vector.extract_strided_slice %get3A_20 {offsets = [64, 0], sizes = [64, 128], strides = [1, 1]} : vector<128x128xf32> to vector<64x128xf32>
    %dot_general3A_36 = arith.constant dense<0.000000e+00> : vector<2000x128xf32>
    %dot_general3A_37 = tpu.matmul %mul3A_14, %slice3A_35, %dot_general3A_36 {dimension_numbers = #tpu.dot_dimension_numbers<[1], [0], [0], [1], [0, 0, 1, 1], [], []>, transpose_lhs_hint = false} : vector<2000x64xf32>, vector<64x128xf32>, vector<2000x128xf32> -> vector<2000x128xf32>
    %add3A_38 = arith.addf %add3A_34, %dot_general3A_37 : vector<2000x128xf32>
    %get3A_39 = arith.constant 0 : index
    %get3A_40 = arith.constant 0 : index
    %get3A_41 = vector.load %arg7[%get3A_39, %get3A_40] : memref<1x128xf32, #tpu.memory_space<vmem>>, vector<1x128xf32>
    %add3A_42 = vector.broadcast %get3A_41 : vector<1x128xf32> to vector<2000x128xf32>
    %add3A_43 = arith.addf %add3A_38, %add3A_42 : vector<2000x128xf32>
    %max3A = arith.constant 0.000000e+00 : f32
    %max3A_44 = vector.broadcast %max3A : f32 to vector<2000x128xf32>
    %max3A_45 = arith.maximumf %add3A_43, %max3A_44 : vector<2000x128xf32>
    %slice3A_46 = vector.extract_strided_slice %max3A_45 {offsets = [0, 0], sizes = [2000, 64], strides = [1, 1]} : vector<2000x128xf32> to vector<2000x64xf32>
    %swap3A = arith.constant 0 : index
    %swap3A_47 = arith.constant 0 : index
    %swap3A_48 = vector.load %arg8[%swap3A, %swap3A_47] : memref<2000x64xf32, #tpu.memory_space<vmem>>, vector<2000x64xf32>
    tpu.vector_store %arg8[%swap3A, %swap3A_47], %slice3A_46 {strides = array<i32>} : memref<2000x64xf32, #tpu.memory_space<vmem>>, vector<2000x64xf32>,
    %slice3A_49 = vector.extract_strided_slice %max3A_45 {offsets = [0, 64], sizes = [2000, 64], strides = [1, 1]} : vector<2000x128xf32> to vector<2000x64xf32>
    %swap3A_50 = arith.constant 0 : index
    %swap3A_51 = arith.constant 0 : index
    %swap3A_52 = vector.load %arg9[%swap3A_50, %swap3A_51] : memref<2000x64xf32, #tpu.memory_space<vmem>>, vector<2000x64xf32>
    tpu.vector_store %arg9[%swap3A_50, %swap3A_51], %slice3A_49 {strides = array<i32>} : memref<2000x64xf32, #tpu.memory_space<vmem>>, vector<2000x64xf32>,
    return
  }
  func.func @transform_0(%arg0: i32) -> (i32, i32) {
    %c0_i32 = arith.constant 0 : i32
    %c0_i32_0 = arith.constant 0 : i32
    return %arg0, %c0_i32 : i32, i32
  }
  func.func @transform_1(%arg0: i32) -> (i32, i32) {
    %c0_i32 = arith.constant 0 : i32
    %c0_i32_0 = arith.constant 0 : i32
    return %arg0, %c0_i32 : i32, i32
  }
  func.func @transform_2(%arg0: i32) -> (i32, i32, i32) {
    %c0_i32 = arith.constant 0 : i32
    %c0_i32_0 = arith.constant 0 : i32
    %c0_i32_1 = arith.constant 0 : i32
    return %c0_i32, %arg0, %c0_i32_0 : i32, i32, i32
  }
  func.func @transform_3(%arg0: i32) -> (i32, i32) {
    %c0_i32 = arith.constant 0 : i32
    %c0_i32_0 = arith.constant 0 : i32
    return %arg0, %c0_i32 : i32, i32
  }
  func.func @transform_4(%arg0: i32) -> (i32, i32) {
    %c0_i32 = arith.constant 0 : i32
    %c0_i32_0 = arith.constant 0 : i32
    %c0_i32_1 = arith.constant 0 : i32
    return %c0_i32, %c0_i32_0 : i32, i32
  }
  func.func @transform_5(%arg0: i32) -> (i32, i32) {
    %c0_i32 = arith.constant 0 : i32
    %c0_i32_0 = arith.constant 0 : i32
    %c0_i32_1 = arith.constant 0 : i32
    return %c0_i32, %c0_i32_0 : i32, i32
  }
  func.func @transform_6(%arg0: i32) -> (i32, i32) {
    %c0_i32 = arith.constant 0 : i32
    %c0_i32_0 = arith.constant 0 : i32
    %c0_i32_1 = arith.constant 0 : i32
    return %c0_i32, %c0_i32_0 : i32, i32
  }
  func.func @transform_7(%arg0: i32) -> (i32, i32) {
    %c0_i32 = arith.constant 0 : i32
    %c0_i32_0 = arith.constant 0 : i32
    return %arg0, %c0_i32 : i32, i32
  }
  func.func @transform_8(%arg0: i32) -> (i32, i32) {
    %c0_i32 = arith.constant 0 : i32
    %c0_i32_0 = arith.constant 0 : i32
    return %arg0, %c0_i32 : i32, i32
  }
}

module attributes {stable_mosaic.version = 14 : i64} {
  func.func @_l2head_body(%arg0: i32, %arg1: memref<2000x64xf32, #tpu.memory_space<vmem>>, %arg2: memref<2000x64xf32, #tpu.memory_space<vmem>>, %arg3: memref<2x2000x64xf32, #tpu.memory_space<vmem>>, %arg4: memref<2000x1xf32, #tpu.memory_space<vmem>>, %arg5: memref<2000x1xf32, #tpu.memory_space<vmem>>, %arg6: memref<128x128xf32, #tpu.memory_space<vmem>>, %arg7: memref<128x128xf32, #tpu.memory_space<vmem>>, %arg8: memref<1x128xf32, #tpu.memory_space<vmem>>, %arg9: memref<128x64xf32, #tpu.memory_space<vmem>>, %arg10: memref<128x64xf32, #tpu.memory_space<vmem>>, %arg11: memref<1x64xf32, #tpu.memory_space<vmem>>, %arg12: memref<64x64xf32, #tpu.memory_space<vmem>>, %arg13: memref<1x64xf32, #tpu.memory_space<vmem>>, %arg14: memref<64x64xf32, #tpu.memory_space<vmem>>, %arg15: memref<1x64xf32, #tpu.memory_space<vmem>>, %arg16: memref<64x512xf32, #tpu.memory_space<vmem>>, %arg17: memref<1x512xf32, #tpu.memory_space<vmem>>, %arg18: memref<1x512xf32, #tpu.memory_space<vmem>>, %arg19: memref<8x128xf32, #tpu.memory_space<vmem>>) attributes {dimension_semantics = [#tpu.dimension_semantics<arbitrary>], iteration_bounds = array<i64: 5>, scalar_prefetch = 0 : i64, scratch_operands = 1 : i64, tpu.core_type = #tpu.core_type<tc>, window_params = [{transform_indices = @transform_0, window_bounds = array<i64: 2000, 64>}, {transform_indices = @transform_1, window_bounds = array<i64: 2000, 64>}, {transform_indices = @transform_2, window_bounds = array<i64: 2, 2000, 64>}, {transform_indices = @transform_3, window_bounds = array<i64: 2000, 1>}, {transform_indices = @transform_4, window_bounds = array<i64: 2000, 1>}, {pipeline_mode = #tpu.pipeline_mode<synchronous>, transform_indices = @transform_5, window_bounds = array<i64: 128, 128>}, {pipeline_mode = #tpu.pipeline_mode<synchronous>, transform_indices = @transform_6, window_bounds = array<i64: 128, 128>}, {pipeline_mode = #tpu.pipeline_mode<synchronous>, transform_indices = @transform_7, window_bounds = array<i64: 1, 128>}, {pipeline_mode = #tpu.pipeline_mode<synchronous>, transform_indices = @transform_8, window_bounds = array<i64: 128, 64>}, {pipeline_mode = #tpu.pipeline_mode<synchronous>, transform_indices = @transform_9, window_bounds = array<i64: 128, 64>}, {pipeline_mode = #tpu.pipeline_mode<synchronous>, transform_indices = @transform_10, window_bounds = array<i64: 1, 64>}, {pipeline_mode = #tpu.pipeline_mode<synchronous>, transform_indices = @transform_11, window_bounds = array<i64: 64, 64>}, {pipeline_mode = #tpu.pipeline_mode<synchronous>, transform_indices = @transform_12, window_bounds = array<i64: 1, 64>}, {pipeline_mode = #tpu.pipeline_mode<synchronous>, transform_indices = @transform_13, window_bounds = array<i64: 64, 64>}, {pipeline_mode = #tpu.pipeline_mode<synchronous>, transform_indices = @transform_14, window_bounds = array<i64: 1, 64>}, {pipeline_mode = #tpu.pipeline_mode<synchronous>, transform_indices = @transform_15, window_bounds = array<i64: 64, 512>}, {pipeline_mode = #tpu.pipeline_mode<synchronous>, transform_indices = @transform_16, window_bounds = array<i64: 1, 512>}, {pipeline_mode = #tpu.pipeline_mode<synchronous>, transform_indices = @transform_17, window_bounds = array<i64: 1, 512>}]} {
    %eq3A = arith.constant 0 : i32
    %eq3A_0 = arith.cmpi eq, %arg0, %eq3A : i32
    %convert_element_type3A = arith.extui %eq3A_0 : i1 to i32
    %cond3A = arith.constant 0 : i32
    %cond3A_1 = arith.cmpi ne, %convert_element_type3A, %cond3A : i32
    scf.if %cond3A_1 {
      %broadcast_in_dim3A_75 = arith.constant 0.000000e+00 : f32
      %broadcast_in_dim3A_76 = vector.broadcast %broadcast_in_dim3A_75 : f32 to vector<8x128xf32>
      %swap3A_77 = arith.constant 0 : index
      %swap3A_78 = arith.constant 0 : index
      %swap3A_79 = vector.load %arg19[%swap3A_77, %swap3A_78] : memref<8x128xf32, #tpu.memory_space<vmem>>, vector<8x128xf32>
      tpu.vector_store %arg19[%swap3A_77, %swap3A_78], %broadcast_in_dim3A_76 {strides = array<i32>} : memref<8x128xf32, #tpu.memory_space<vmem>>, vector<8x128xf32>,
    } else {
    }
    %get3A = arith.constant 0 : index
    %get3A_2 = arith.constant 0 : index
    %get3A_3 = vector.load %arg4[%get3A, %get3A_2] : memref<2000x1xf32, #tpu.memory_space<vmem>>, vector<2000x1xf32>
    %get3A_4 = arith.constant 0 : index
    %get3A_5 = arith.constant 0 : index
    %get3A_6 = arith.constant 0 : index
    %get3A_7 = vector.load %arg3[%get3A_4, %get3A_5, %get3A_6] : memref<2x2000x64xf32, #tpu.memory_space<vmem>>, vector<1x2000x64xf32>
    %get3A_8 = vector.shape_cast %get3A_7 : vector<1x2000x64xf32> to vector<2000x64xf32>
    %mul3A = vector.broadcast %get3A_3 : vector<2000x1xf32> to vector<2000x64xf32>
    %mul3A_9 = arith.mulf %get3A_8, %mul3A : vector<2000x64xf32>
    %get3A_10 = arith.constant 1 : index
    %get3A_11 = arith.constant 0 : index
    %get3A_12 = arith.constant 0 : index
    %get3A_13 = vector.load %arg3[%get3A_10, %get3A_11, %get3A_12] : memref<2x2000x64xf32, #tpu.memory_space<vmem>>, vector<1x2000x64xf32>
    %get3A_14 = vector.shape_cast %get3A_13 : vector<1x2000x64xf32> to vector<2000x64xf32>
    %mul3A_15 = vector.broadcast %get3A_3 : vector<2000x1xf32> to vector<2000x64xf32>
    %mul3A_16 = arith.mulf %get3A_14, %mul3A_15 : vector<2000x64xf32>
    %get3A_17 = arith.constant 0 : index
    %get3A_18 = arith.constant 0 : index
    %get3A_19 = vector.load %arg6[%get3A_17, %get3A_18] : memref<128x128xf32, #tpu.memory_space<vmem>>, vector<128x128xf32>
    %get3A_20 = arith.constant 0 : index
    %get3A_21 = arith.constant 0 : index
    %get3A_22 = vector.load %arg7[%get3A_20, %get3A_21] : memref<128x128xf32, #tpu.memory_space<vmem>>, vector<128x128xf32>
    %get3A_23 = arith.constant 0 : index
    %get3A_24 = arith.constant 0 : index
    %get3A_25 = vector.load %arg1[%get3A_23, %get3A_24] : memref<2000x64xf32, #tpu.memory_space<vmem>>, vector<2000x64xf32>
    %slice3A = vector.extract_strided_slice %get3A_19 {offsets = [0, 0], sizes = [64, 128], strides = [1, 1]} : vector<128x128xf32> to vector<64x128xf32>
    %dot_general3A = arith.constant dense<0.000000e+00> : vector<2000x128xf32>
    %dot_general3A_26 = tpu.matmul %get3A_25, %slice3A, %dot_general3A {dimension_numbers = #tpu.dot_dimension_numbers<[1], [0], [0], [1], [0, 0, 1, 1], [], []>, transpose_lhs_hint = false} : vector<2000x64xf32>, vector<64x128xf32>, vector<2000x128xf32> -> vector<2000x128xf32>
    %get3A_27 = arith.constant 0 : index
    %get3A_28 = arith.constant 0 : index
    %get3A_29 = vector.load %arg2[%get3A_27, %get3A_28] : memref<2000x64xf32, #tpu.memory_space<vmem>>, vector<2000x64xf32>
    %slice3A_30 = vector.extract_strided_slice %get3A_19 {offsets = [64, 0], sizes = [64, 128], strides = [1, 1]} : vector<128x128xf32> to vector<64x128xf32>
    %dot_general3A_31 = arith.constant dense<0.000000e+00> : vector<2000x128xf32>
    %dot_general3A_32 = tpu.matmul %get3A_29, %slice3A_30, %dot_general3A_31 {dimension_numbers = #tpu.dot_dimension_numbers<[1], [0], [0], [1], [0, 0, 1, 1], [], []>, transpose_lhs_hint = false} : vector<2000x64xf32>, vector<64x128xf32>, vector<2000x128xf32> -> vector<2000x128xf32>
    %add3A = arith.addf %dot_general3A_26, %dot_general3A_32 : vector<2000x128xf32>
    %slice3A_33 = vector.extract_strided_slice %get3A_22 {offsets = [0, 0], sizes = [64, 128], strides = [1, 1]} : vector<128x128xf32> to vector<64x128xf32>
    %dot_general3A_34 = arith.constant dense<0.000000e+00> : vector<2000x128xf32>
    %dot_general3A_35 = tpu.matmul %mul3A_9, %slice3A_33, %dot_general3A_34 {dimension_numbers = #tpu.dot_dimension_numbers<[1], [0], [0], [1], [0, 0, 1, 1], [], []>, transpose_lhs_hint = false} : vector<2000x64xf32>, vector<64x128xf32>, vector<2000x128xf32> -> vector<2000x128xf32>
    %add3A_36 = arith.addf %add3A, %dot_general3A_35 : vector<2000x128xf32>
    %slice3A_37 = vector.extract_strided_slice %get3A_22 {offsets = [64, 0], sizes = [64, 128], strides = [1, 1]} : vector<128x128xf32> to vector<64x128xf32>
    %dot_general3A_38 = arith.constant dense<0.000000e+00> : vector<2000x128xf32>
    %dot_general3A_39 = tpu.matmul %mul3A_16, %slice3A_37, %dot_general3A_38 {dimension_numbers = #tpu.dot_dimension_numbers<[1], [0], [0], [1], [0, 0, 1, 1], [], []>, transpose_lhs_hint = false} : vector<2000x64xf32>, vector<64x128xf32>, vector<2000x128xf32> -> vector<2000x128xf32>
    %add3A_40 = arith.addf %add3A_36, %dot_general3A_39 : vector<2000x128xf32>
    %get3A_41 = arith.constant 0 : index
    %get3A_42 = arith.constant 0 : index
    %get3A_43 = vector.load %arg8[%get3A_41, %get3A_42] : memref<1x128xf32, #tpu.memory_space<vmem>>, vector<1x128xf32>
    %add3A_44 = vector.broadcast %get3A_43 : vector<1x128xf32> to vector<2000x128xf32>
    %add3A_45 = arith.addf %add3A_40, %add3A_44 : vector<2000x128xf32>
    %max3A = arith.constant 0.000000e+00 : f32
    %max3A_46 = vector.broadcast %max3A : f32 to vector<2000x128xf32>
    %max3A_47 = arith.maximumf %add3A_45, %max3A_46 : vector<2000x128xf32>
    %get3A_48 = arith.constant 0 : index
    %get3A_49 = arith.constant 0 : index
    %get3A_50 = vector.load %arg5[%get3A_48, %get3A_49] : memref<2000x1xf32, #tpu.memory_space<vmem>>, vector<2000x1xf32>
    %get3A_51 = arith.constant 0 : index
    %get3A_52 = arith.constant 0 : index
    %get3A_53 = vector.load %arg19[%get3A_51, %get3A_52] : memref<8x128xf32, #tpu.memory_space<vmem>>, vector<1x128xf32>
    %reduce_sum3A = arith.constant dense<0.000000e+00> : vector<128xf32>
    %reduce_sum3A_54 = vector.multi_reduction <add>, %max3A_47, %reduce_sum3A [0] : vector<2000x128xf32> to vector<128xf32>
    %broadcast_in_dim3A = vector.shape_cast %reduce_sum3A_54 : vector<128xf32> to vector<1x128xf32>
    %add3A_55 = arith.addf %get3A_53, %broadcast_in_dim3A : vector<1x128xf32>
    %swap3A = arith.constant 0 : index
    %swap3A_56 = arith.constant 0 : index
    %swap3A_57 = vector.load %arg19[%swap3A, %swap3A_56] : memref<8x128xf32, #tpu.memory_space<vmem>>, vector<1x128xf32>
    tpu.vector_store %arg19[%swap3A, %swap3A_56], %add3A_55 {strides = array<i32>} : memref<8x128xf32, #tpu.memory_space<vmem>>, vector<1x128xf32>,
    %get3A_58 = arith.constant 1 : index
    %get3A_59 = arith.constant 0 : index
    %get3A_60 = vector.load %arg19[%get3A_58, %get3A_59] : memref<8x128xf32, #tpu.memory_space<vmem>>, vector<1x128xf32>
    %mul3A_61 = vector.broadcast %get3A_50 : vector<2000x1xf32> to vector<2000x128xf32>
    %mul3A_62 = arith.mulf %max3A_47, %mul3A_61 : vector<2000x128xf32>
    %reduce_sum3A_63 = arith.constant dense<0.000000e+00> : vector<128xf32>
    %reduce_sum3A_64 = vector.multi_reduction <add>, %mul3A_62, %reduce_sum3A_63 [0] : vector<2000x128xf32> to vector<128xf32>
    %broadcast_in_dim3A_65 = vector.shape_cast %reduce_sum3A_64 : vector<128xf32> to vector<1x128xf32>
    %add3A_66 = arith.addf %get3A_60, %broadcast_in_dim3A_65 : vector<1x128xf32>
    %swap3A_67 = arith.constant 1 : index
    %swap3A_68 = arith.constant 0 : index
    %swap3A_69 = vector.load %arg19[%swap3A_67, %swap3A_68] : memref<8x128xf32, #tpu.memory_space<vmem>>, vector<1x128xf32>
    tpu.vector_store %arg19[%swap3A_67, %swap3A_68], %add3A_66 {strides = array<i32>} : memref<8x128xf32, #tpu.memory_space<vmem>>, vector<1x128xf32>,
    %eq3A_70 = arith.constant 4 : i32
    %eq3A_71 = arith.cmpi eq, %arg0, %eq3A_70 : i32
    %convert_element_type3A_72 = arith.extui %eq3A_71 : i1 to i32
    %cond3A_73 = arith.constant 0 : i32
    %cond3A_74 = arith.cmpi ne, %convert_element_type3A_72, %cond3A_73 : i32
    scf.if %cond3A_74 {
      %get3A_75 = arith.constant 0 : index
      %get3A_76 = arith.constant 0 : index
      %get3A_77 = vector.load %arg19[%get3A_75, %get3A_76] : memref<8x128xf32, #tpu.memory_space<vmem>>, vector<8x128xf32>
      %mul3A_78 = arith.constant 9.99999974E-5 : f32
      %mul3A_79 = vector.broadcast %mul3A_78 : f32 to vector<8x128xf32>
      %mul3A_80 = arith.mulf %get3A_77, %mul3A_79 : vector<8x128xf32>
      %slice3A_81 = vector.extract_strided_slice %mul3A_80 {offsets = [0, 0], sizes = [1, 128], strides = [1, 1]} : vector<8x128xf32> to vector<1x128xf32>
      %get3A_82 = arith.constant 0 : index
      %get3A_83 = arith.constant 0 : index
      %get3A_84 = vector.load %arg9[%get3A_82, %get3A_83] : memref<128x64xf32, #tpu.memory_space<vmem>>, vector<128x64xf32>
      %dot_general3A_85 = arith.constant dense<0.000000e+00> : vector<1x64xf32>
      %dot_general3A_86 = tpu.matmul %slice3A_81, %get3A_84, %dot_general3A_85 {dimension_numbers = #tpu.dot_dimension_numbers<[1], [0], [0], [1], [0, 0, 1, 1], [], []>, transpose_lhs_hint = false} : vector<1x128xf32>, vector<128x64xf32>, vector<1x64xf32> -> vector<1x64xf32>
      %slice3A_87 = vector.extract_strided_slice %mul3A_80 {offsets = [1, 0], sizes = [1, 128], strides = [1, 1]} : vector<8x128xf32> to vector<1x128xf32>
      %get3A_88 = arith.constant 0 : index
      %get3A_89 = arith.constant 0 : index
      %get3A_90 = vector.load %arg10[%get3A_88, %get3A_89] : memref<128x64xf32, #tpu.memory_space<vmem>>, vector<128x64xf32>
      %dot_general3A_91 = arith.constant dense<0.000000e+00> : vector<1x64xf32>
      %dot_general3A_92 = tpu.matmul %slice3A_87, %get3A_90, %dot_general3A_91 {dimension_numbers = #tpu.dot_dimension_numbers<[1], [0], [0], [1], [0, 0, 1, 1], [], []>, transpose_lhs_hint = false} : vector<1x128xf32>, vector<128x64xf32>, vector<1x64xf32> -> vector<1x64xf32>
      %add3A_93 = arith.addf %dot_general3A_86, %dot_general3A_92 : vector<1x64xf32>
      %get3A_94 = arith.constant 0 : index
      %get3A_95 = arith.constant 0 : index
      %get3A_96 = vector.load %arg11[%get3A_94, %get3A_95] : memref<1x64xf32, #tpu.memory_space<vmem>>, vector<1x64xf32>
      %add3A_97 = arith.addf %add3A_93, %get3A_96 : vector<1x64xf32>
      %get3A_98 = arith.constant 0 : index
      %get3A_99 = arith.constant 0 : index
      %get3A_100 = vector.load %arg12[%get3A_98, %get3A_99] : memref<64x64xf32, #tpu.memory_space<vmem>>, vector<64x64xf32>
      %dot_general3A_101 = arith.constant dense<0.000000e+00> : vector<1x64xf32>
      %dot_general3A_102 = tpu.matmul %add3A_97, %get3A_100, %dot_general3A_101 {dimension_numbers = #tpu.dot_dimension_numbers<[1], [0], [0], [1], [0, 0, 1, 1], [], []>, transpose_lhs_hint = false} : vector<1x64xf32>, vector<64x64xf32>, vector<1x64xf32> -> vector<1x64xf32>
      %get3A_103 = arith.constant 0 : index
      %get3A_104 = arith.constant 0 : index
      %get3A_105 = vector.load %arg13[%get3A_103, %get3A_104] : memref<1x64xf32, #tpu.memory_space<vmem>>, vector<1x64xf32>
      %add3A_106 = arith.addf %dot_general3A_102, %get3A_105 : vector<1x64xf32>
      %max3A_107 = arith.constant 0.000000e+00 : f32
      %max3A_108 = vector.broadcast %max3A_107 : f32 to vector<1x64xf32>
      %max3A_109 = arith.maximumf %add3A_106, %max3A_108 : vector<1x64xf32>
      %get3A_110 = arith.constant 0 : index
      %get3A_111 = arith.constant 0 : index
      %get3A_112 = vector.load %arg14[%get3A_110, %get3A_111] : memref<64x64xf32, #tpu.memory_space<vmem>>, vector<64x64xf32>
      %dot_general3A_113 = arith.constant dense<0.000000e+00> : vector<1x64xf32>
      %dot_general3A_114 = tpu.matmul %max3A_109, %get3A_112, %dot_general3A_113 {dimension_numbers = #tpu.dot_dimension_numbers<[1], [0], [0], [1], [0, 0, 1, 1], [], []>, transpose_lhs_hint = false} : vector<1x64xf32>, vector<64x64xf32>, vector<1x64xf32> -> vector<1x64xf32>
      %get3A_115 = arith.constant 0 : index
      %get3A_116 = arith.constant 0 : index
      %get3A_117 = vector.load %arg15[%get3A_115, %get3A_116] : memref<1x64xf32, #tpu.memory_space<vmem>>, vector<1x64xf32>
      %add3A_118 = arith.addf %dot_general3A_114, %get3A_117 : vector<1x64xf32>
      %max3A_119 = arith.constant 0.000000e+00 : f32
      %max3A_120 = vector.broadcast %max3A_119 : f32 to vector<1x64xf32>
      %max3A_121 = arith.maximumf %add3A_118, %max3A_120 : vector<1x64xf32>
      %get3A_122 = arith.constant 0 : index
      %get3A_123 = arith.constant 0 : index
      %get3A_124 = vector.load %arg16[%get3A_122, %get3A_123] : memref<64x512xf32, #tpu.memory_space<vmem>>, vector<64x512xf32>
      %dot_general3A_125 = arith.constant dense<0.000000e+00> : vector<1x512xf32>
      %dot_general3A_126 = tpu.matmul %max3A_121, %get3A_124, %dot_general3A_125 {dimension_numbers = #tpu.dot_dimension_numbers<[1], [0], [0], [1], [0, 0, 1, 1], [], []>, transpose_lhs_hint = false} : vector<1x64xf32>, vector<64x512xf32>, vector<1x512xf32> -> vector<1x512xf32>
      %get3A_127 = arith.constant 0 : index
      %get3A_128 = arith.constant 0 : index
      %get3A_129 = vector.load %arg17[%get3A_127, %get3A_128] : memref<1x512xf32, #tpu.memory_space<vmem>>, vector<1x512xf32>
      %add3A_130 = arith.addf %dot_general3A_126, %get3A_129 : vector<1x512xf32>
      %mul3A_131 = arith.constant 2.000000e+00 : f32
      %mul3A_132 = vector.broadcast %mul3A_131 : f32 to vector<1x512xf32>
      %mul3A_133 = arith.mulf %add3A_130, %mul3A_132 : vector<1x512xf32>
      %swap3A_134 = arith.constant 0 : index
      %swap3A_135 = arith.constant 0 : index
      %swap3A_136 = vector.load %arg18[%swap3A_134, %swap3A_135] : memref<1x512xf32, #tpu.memory_space<vmem>>, vector<1x512xf32>
      tpu.vector_store %arg18[%swap3A_134, %swap3A_135], %mul3A_133 {strides = array<i32>} : memref<1x512xf32, #tpu.memory_space<vmem>>, vector<1x512xf32>,
    } else {
    }
    return
  }
  func.func @transform_0(%arg0: i32) -> (i32, i32) {
    %c0_i32 = arith.constant 0 : i32
    %c0_i32_0 = arith.constant 0 : i32
    return %arg0, %c0_i32 : i32, i32
  }
  func.func @transform_1(%arg0: i32) -> (i32, i32) {
    %c0_i32 = arith.constant 0 : i32
    %c0_i32_0 = arith.constant 0 : i32
    return %arg0, %c0_i32 : i32, i32
  }
  func.func @transform_2(%arg0: i32) -> (i32, i32, i32) {
    %c0_i32 = arith.constant 0 : i32
    %c0_i32_0 = arith.constant 0 : i32
    %c0_i32_1 = arith.constant 0 : i32
    return %c0_i32, %arg0, %c0_i32_0 : i32, i32, i32
  }
  func.func @transform_3(%arg0: i32) -> (i32, i32) {
    %c0_i32 = arith.constant 0 : i32
    %c0_i32_0 = arith.constant 0 : i32
    return %arg0, %c0_i32 : i32, i32
  }
  func.func @transform_4(%arg0: i32) -> (i32, i32) {
    %c0_i32 = arith.constant 0 : i32
    %c0_i32_0 = arith.constant 0 : i32
    return %arg0, %c0_i32 : i32, i32
  }
  func.func @transform_5(%arg0: i32) -> (i32, i32) {
    %c0_i32 = arith.constant 0 : i32
    %c0_i32_0 = arith.constant 0 : i32
    %c0_i32_1 = arith.constant 0 : i32
    return %c0_i32, %c0_i32_0 : i32, i32
  }
  func.func @transform_6(%arg0: i32) -> (i32, i32) {
    %c0_i32 = arith.constant 0 : i32
    %c0_i32_0 = arith.constant 0 : i32
    %c0_i32_1 = arith.constant 0 : i32
    return %c0_i32, %c0_i32_0 : i32, i32
  }
  func.func @transform_7(%arg0: i32) -> (i32, i32) {
    %c0_i32 = arith.constant 0 : i32
    %c0_i32_0 = arith.constant 0 : i32
    %c0_i32_1 = arith.constant 0 : i32
    return %c0_i32, %c0_i32_0 : i32, i32
  }
  func.func @transform_8(%arg0: i32) -> (i32, i32) {
    %c0_i32 = arith.constant 0 : i32
    %c0_i32_0 = arith.constant 0 : i32
    %c0_i32_1 = arith.constant 0 : i32
    return %c0_i32, %c0_i32_0 : i32, i32
  }
  func.func @transform_9(%arg0: i32) -> (i32, i32) {
    %c0_i32 = arith.constant 0 : i32
    %c0_i32_0 = arith.constant 0 : i32
    %c0_i32_1 = arith.constant 0 : i32
    return %c0_i32, %c0_i32_0 : i32, i32
  }
  func.func @transform_10(%arg0: i32) -> (i32, i32) {
    %c0_i32 = arith.constant 0 : i32
    %c0_i32_0 = arith.constant 0 : i32
    %c0_i32_1 = arith.constant 0 : i32
    return %c0_i32, %c0_i32_0 : i32, i32
  }
  func.func @transform_11(%arg0: i32) -> (i32, i32) {
    %c0_i32 = arith.constant 0 : i32
    %c0_i32_0 = arith.constant 0 : i32
    %c0_i32_1 = arith.constant 0 : i32
    return %c0_i32, %c0_i32_0 : i32, i32
  }
  func.func @transform_12(%arg0: i32) -> (i32, i32) {
    %c0_i32 = arith.constant 0 : i32
    %c0_i32_0 = arith.constant 0 : i32
    %c0_i32_1 = arith.constant 0 : i32
    return %c0_i32, %c0_i32_0 : i32, i32
  }
  func.func @transform_13(%arg0: i32) -> (i32, i32) {
    %c0_i32 = arith.constant 0 : i32
    %c0_i32_0 = arith.constant 0 : i32
    %c0_i32_1 = arith.constant 0 : i32
    return %c0_i32, %c0_i32_0 : i32, i32
  }
  func.func @transform_14(%arg0: i32) -> (i32, i32) {
    %c0_i32 = arith.constant 0 : i32
    %c0_i32_0 = arith.constant 0 : i32
    %c0_i32_1 = arith.constant 0 : i32
    return %c0_i32, %c0_i32_0 : i32, i32
  }
  func.func @transform_15(%arg0: i32) -> (i32, i32) {
    %c0_i32 = arith.constant 0 : i32
    %c0_i32_0 = arith.constant 0 : i32
    %c0_i32_1 = arith.constant 0 : i32
    return %c0_i32, %c0_i32_0 : i32, i32
  }
  func.func @transform_16(%arg0: i32) -> (i32, i32) {
    %c0_i32 = arith.constant 0 : i32
    %c0_i32_0 = arith.constant 0 : i32
    %c0_i32_1 = arith.constant 0 : i32
    return %c0_i32, %c0_i32_0 : i32, i32
  }
  func.func @transform_17(%arg0: i32) -> (i32, i32) {
    %c0_i32 = arith.constant 0 : i32
    %c0_i32_0 = arith.constant 0 : i32
    %c0_i32_1 = arith.constant 0 : i32
    return %c0_i32, %c0_i32_0 : i32, i32
  }
}

</mosaic_0001>

<sc_bundles>
// kernel: kernel.6.cloned.1.call-start
scs
__scs_entry_jumppad:
0x0: {  	(pc) =	sbr.rel $0x88, $3  }
0x1: {  	(tag) =	ssettag $0x0;
	lr =	simm.s32 $0x1  }
0x2: {  	[smem:$0x3F90] =	sst lr;
	_ =	strace $0xD0000000  }
0x3: {  	_ = 	snop  }
0x4: {  	_ = 	snop  }
0x5: {  	_ = 	snop  }
0x6: {  	_ = 	snop  }
0x7: {  	_ = 	snop  }
__scs_overlays_trampoline_lowered:
0x8: {  	[smem:$0x3F9F] =	sst s0  }
0x9: {  	[smem:$0x3FA0] =	sst s1  }
0xa: {  	[smem:$0x3FA1] =	sst s2  }
0xb: {  	[smem:$0x3FA2] =	sst s3  }
0xc: {  	[smem:$0x3FA3] =	sst s4  }
0xd: {  	[smem:$0x3FA4] =	sst s5  }
0xe: {  	[smem:$0x3FA5] =	sst s6  }
0xf: {  	[smem:$0x3FA6] =	sst s7  }
0x10: {  	[smem:$0x3FA7] =	sst s8  }
0x11: {  	[smem:$0x3FA8] =	sst s9;
	s0 =	simm.s32 @!p0 $0x0  }
0x12: {  	s1 =	sld [smem:$0x3F8E];
	s0 =	simm.s32 @p0 $0x1  }
0x13: {  	[smem:$0x3FA9] =	sst s0;
	s0 =	simm.s32 @!p1 $0x0  }
0x14: {  	s2 =	sld [smem:$0x3F8D];
	s0 =	simm.s32 @p1 $0x1  }
0x15: {  	[smem:$0x3FAA] =	sst s0;
	s0 =	simm.s32 @!p2 $0x0  }
0x16: {  	s3 =	sld [smem:$0x3FDB];
	s0 =	simm.s32 @p2 $0x1  }
0x17: {  	s4 =	simm.s32 $0x1BF5;
	[smem:$0x3FAC] =	sst s0  }
0x18: {  	s0 =	sld [smem:$0x3F8F];
	_ =	swait.ge [sflag:s4], $0x0  }
0x19: {  	s7 =	sld [smem:$0x3F90]  }
0x1a: {  	s8 =	sadd.s32 $0xFFFFE003, lr  }
0x1b: {  	s9 =	sadd.s32 $0xFFFFFEF7, lr;
	s5 =	simm.s32 $0xFFFFFFFF;
	p2 =	slt.u32 s8, $0xFFFFF086  }
0x1c: {  	p1 =	slt.u32 s9, $0xF7A;
	s5 =	simm.s32 @!p2 $0x0  }
0x1d: {  	s5 =	simm.s32 @p1 $0x1;
	p0 =	seq.s32 s7, s2  }
0x1e: {  	s7 =	smul.u32 @!p0 $0xF7A, s2;
	p2 =	seq.s32 @!p0 s5, $0x0  }
0x1f: {  	s9 =	smul.u32 $0xF7A, s1;
	s8 =	simm.s32 @!p0 $0x1BF5;
	p2 =	por !p2, p0  }
0x20: {  	[sflag:s8] =	ssyncset.s32 @!p0 $0xFFFFF086;
	s6 =	sadd.s32 @!p0 s3, s7;
	s7 =	simm.s32 @!p0 $0x108  }
0x21: {  	s3 =	sadd.s32 s3, s9;
	s6 =	sadd.s32 @!p0 $0x88, s6;
	s7 =	simm.s32 @p2 $0x1082  }
0x22: {  	[simem:s7], [sflag:s8] =	dma.local @!p0 [hbm:s6], $0xF7A  }
0x23: {  	s9 =	sor.u32 $0xD0000000, s2;
	s6 =	simm.s32 $0x108;
	_ =	swait.ge @!p0 [sflag:s8], $0x0  }
0x24: {  	s3 =	sadd.s32 $0x88, s3;
	s6 =	simm.s32 @!p1 $0x1082;
	[sflag:s4] =	ssyncset.s32 $0xFFFFF086  }
0x25: {  	[simem:s6], [sflag:s4] =	dma.local [hbm:s3], $0xF7A  }
0x26: {  	[smem:$0x3F90] =	sst s1;
	(tag) =	ssettag s2;
	_ =	strace s9  }
0x27: {  	s1 =	sld [smem:$0x3FA0]  }
0x28: {  	s2 =	sld [smem:$0x3FA1]  }
0x29: {  	s4 =	sld [smem:$0x3FA3]  }
0x2a: {  	p0 =	seq.s32 s5, $0x0;
	s5 =	sld [smem:$0x3FA4]  }
0x2b: {  	s6 =	sld [smem:$0x3FA5]  }
0x2c: {  	s7 =	sld [smem:$0x3FA6]  }
0x2d: {  	s3 =	simm.s32 $0x108;
	s8 =	sld [smem:$0x3FA7]  }
0x2e: {  	s3 =	simm.s32 @!p0 $0x1082;
	s9 =	sld [smem:$0x3FA8]  }
0x2f: {  	lr =	sadd.s32 s0, s3;
	s0 =	sld [smem:$0x3F9F]  }
0x30: {  	s3 =	sld [smem:$0x3FA2]  }
0x31: {  	[smem:$0x3FAB] =	sst s10  }
0x32: {  	s10 =	sld [smem:$0x3FA9];
	_ =	sdelay $0x3  }
0x33: {  	p0 =	seq.s32 s10, $0x1;
	s10 =	sld [smem:$0x3FAB];
	_ =	sdelay $0x3  }
0x34: {  	[smem:$0x3FAB] =	sst s10  }
0x35: {  	s10 =	sld [smem:$0x3FAA];
	_ =	sdelay $0x3  }
0x36: {  	p1 =	seq.s32 s10, $0x1;
	s10 =	sld [smem:$0x3FAB];
	_ =	sdelay $0x3  }
0x37: {  	[smem:$0x3FAB] =	sst s10  }
0x38: {  	s10 =	sld [smem:$0x3FAC]  }
0x39: {  	_ = 	snop;
	(pc) =	sbr.ind lr, $3  }
0x3a: {  	_ = 	snop  }
0x3b: {  	_ = 	snop  }
0x3c: {  	p2 =	seq.s32 s10, $0x1;
	s10 =	sld [smem:$0x3FAB]  }
0x3d: {  	_ =	shalt  }
0x3e: {  	_ =	shalt  }
0x3f: {  	_ =	shalt  }
0x40: {  	_ =	shalt  }
0x41: {  	_ =	shalt  }
0x42: {  	_ =	shalt  }
0x43: {  	_ =	shalt  }
0x44: {  	_ =	shalt  }
0x45: {  	_ =	shalt  }
0x46: {  	_ =	shalt  }
0x47: {  	_ =	shalt  }
0x48: {  	_ =	shalt  }
0x49: {  	_ =	shalt  }
0x4a: {  	_ =	shalt  }
0x4b: {  	_ =	shalt  }
0x4c: {  	_ =	shalt  }
0x4d: {  	_ =	shalt  }
0x4e: {  	_ =	shalt  }
0x4f: {  	_ =	shalt  }
0x50: {  	_ =	shalt  }
0x51: {  	_ =	shalt  }
0x52: {  	_ =	shalt  }
0x53: {  	_ =	shalt  }
0x54: {  	_ =	shalt  }
0x55: {  	_ =	shalt  }
0x56: {  	_ =	shalt  }
0x57: {  	_ =	shalt  }
0x58: {  	_ =	shalt  }
0x59: {  	_ =	shalt  }
0x5a: {  	_ =	shalt  }
0x5b: {  	_ =	shalt  }
0x5c: {  	_ =	shalt  }
0x5d: {  	_ =	shalt  }
0x5e: {  	_ =	shalt  }
0x5f: {  	_ =	shalt  }
0x60: {  	_ =	shalt  }
0x61: {  	_ =	shalt  }
0x62: {  	_ =	shalt  }
0x63: {  	_ =	shalt  }
0x64: {  	_ =	shalt  }
0x65: {  	_ =	shalt  }
0x66: {  	_ =	shalt  }
0x67: {  	_ =	shalt  }
0x68: {  	_ =	shalt  }
0x69: {  	_ =	shalt  }
0x6a: {  	_ =	shalt  }
0x6b: {  	_ =	shalt  }
0x6c: {  	_ =	shalt  }
0x6d: {  	_ =	shalt  }
0x6e: {  	_ =	shalt  }
0x6f: {  	_ =	shalt  }
0x70: {  	_ =	shalt  }
0x71: {  	_ =	shalt  }
0x72: {  	_ =	shalt  }
0x73: {  	_ =	shalt  }
0x74: {  	_ =	shalt  }
0x75: {  	_ =	shalt  }
0x76: {  	_ =	shalt  }
0x77: {  	_ =	shalt  }
0x78: {  	_ =	shalt  }
0x79: {  	_ =	shalt  }
0x7a: {  	_ =	shalt  }
0x7b: {  	_ =	shalt  }
0x7c: {  	_ =	shalt  }
0x7d: {  	_ =	shalt  }
0x7e: {  	_ =	shalt  }
0x7f: {  	_ =	shalt  }
0x80: {  	_ =	shalt  }
0x81: {  	_ =	shalt  }
0x82: {  	_ =	shalt  }
0x83: {  	_ =	shalt  }
0x84: {  	_ =	shalt  }
0x85: {  	_ =	shalt  }
0x86: {  	_ =	shalt  }
0x87: {  	_ =	shalt  }
.Lfunc_end0:
.L_simem_size_0:
called_computation_lowered:
.L_overlay_start_0:
0x88: {  	s2 =	sld [smem:$0x3FD9]  }
0x89: {  	s3 =	sld [smem:$0x3FFE];
	_ =	sdelay $0x1  }
0x8a: {  	s1 =	srdreg.scid  }
0x8b: {  	s0 =	sand.u32 $0x1, s1  }
0x8c: {  	s16 =	sshll.u32 s0, $0xA;
	s2 =	sadd.s32 s3, s2  }
0x8d: {  	s2 =	sadd.s32 s2, s16  }
0x8e: {  	[smem:$0x3FB7] =	sst s2  }
0x8f: {  	_ = 	snop  }
0x90: {  	(tm) =	ssettm $0x1  }
0x91: {  	s17 =	sld [smem:$0x3FFB];
	_ =	sdelay $0x3  }
0x92: {  	_ =	strace s17  }
0x93: {  	s2 =	sld [smem:$0x3FFC];
	_ =	sdelay $0x3  }
0x94: {  	_ =	strace s2  }
0x95: {  	s2 =	sld [smem:$0x3FFD];
	_ =	sdelay $0x3  }
0x96: {  	_ =	strace s2  }
0x97: {  	_ =	strace $0x8FFFFFFF  }
0x98: {  	s18 =	sld [smem:$0x3FDB];
	_ =	sdelay $0x1  }
0x99: {  	s19 =	simm.s32 $_scs_section_size  }
0x9a: {  	s4 =	simm.s32 $_size__tile_overlayer_lowered;
	s5 =	simm.s32 $_tile_overlayer_lowered  }
0x9b: {  	s22 =	simm.s32 $0x1BFF;
	s21 =	sshll.u32 s5, $0x1;
	s2 =	sadd.s32 s19, s18  }
0x9c: {  	s6 =	simm.s32 $0x0;
	s20 =	sshll.u32 s4, $0x1;
	s4 =	sadd.s32 s21, s2  }
0x9d: {  	[timem:s6], [sflag:s22] =	dma.local [hbm:s4], s20  }
0x9e: {  	_ =	swait.ge [sflag:s22], s20  }
0x9f: {  	s3 =	ssub.s32 $0x0, s20;
	[sflag:s22] =	ssyncset.done $0x0  }
0xa0: {  	[sflag:s22] =	ssyncadd.s32 s3;
	_ =	sdelay $0x1  }
0xa1: {  	s23 =	simm.s32 $0x1B8B  }
0xa2: {  	_ =	swait.ge [sflag:s23], $0x1  }
0xa3: {  	[sflag:s23] =	ssyncset.done $0x0  }
0xa4: {  	s25 =	simm.s32 $0x1B8E;
	s24 =	sld [smem:$0x3FFE];
	[sflag:s23] =	ssyncadd.s32 $0xFFFFFFFF  }
0xa5: {  	s26 =	simm.s32 $execute0_lowered;
	[smem:$0x3FD2] =	sst s25  }
0xa6: {  	s4 =	sshll.u32 s26, $0x1;
	_ =	strace $0x80000046;
	[dreg:$0x1] =	wrdreg $0xFFFFFFFF  }
0xa7: {  	s28 =	simm.s32 $_size_execute0_lowered;
	s2 =	sadd.s32 s2, s4;
	[dreg:$0x0] =	wrdreg $0x0  }
0xa8: {  	s4 =	sshll.u32 s28, $0x1;
	[dreg:$0x2] =	wrdreg s2  }
0xa9: {  	[dreg:$0x3] =	wrdreg s4  }
0xaa: {  	[dreg:$0x4] =	wrdreg $0xC0  }
0xab: {  	_ =	task [dreg:s6], $0x5FFFF  }
0xac: {  	[dreg:$0x1] =	wrdreg $0xFFFFFFFF  }
0xad: {  	[dreg:$0x0] =	wrdreg $0x60  }
0xae: {  	[dreg:$0x2] =	wrdreg s24  }
0xaf: {  	[dreg:$0x3] =	wrdreg $0x10A000  }
0xb0: {  	[dreg:$0x4] =	wrdreg $0x1A8000  }
0xb1: {  	[dreg:$0x5] =	wrdreg $0x9  }
0xb2: {  	_ =	task.clear_ibuf [dreg:s6], $0x6FFFF;
	_ =	strace $0x90000046  }
0xb3: {  	s29 =	simm.s32 $0x9;
	_ =	strace $0x80000048  }
0xb4: {  	_ =	swait.ge [sflag:s29], $0x1  }
0xb5: {  	[sflag:s29] =	ssyncadd.s32 $0xFFFFFFFF  }
0xb6: {  	_ =	strace $0x90000048  }
0xb7: {  	_ =	sfence  }
0xb8: {  	s30 =	sld [smem:$0x0];
	_ =	sdelay $0x2  }
0xb9: {  	s31 =	sshll.u32 s1, $0xD;
	s1 =	sshrl.u32 s1, $0x2  }
0xba: {  	s3 =	sand.u32 $0x4000, s31;
	s1 =	sadd.s32 s1, s30  }
0xbb: {  	s0 =	sor.u32 s3, s0;
	s1 =	sshll.u32 s1, $0x11  }
0xbc: {  	s0 =	sor.u32 s1, s0  }
0xbd: {  	s0 =	sadd.s32 $0x8F2B, s0  }
0xbe: {  	[sflag:s0] =	ssyncadd.remote.s32 $0x1  }
0xbf: {  	_ =	sfence.sel $0xFFFF  }
0xc0: {  	[dreg:$0x0] =	wrdreg $0xFFFFFFFF;
	(pc) =	sbr.abs _section_cstart, $3  }
0xc1: {  	[dreg:$0x1] =	wrdreg $0xFFFFFFFF  }
0xc2: {  	_ =	task.clear_ibuf [dreg:s6], $0x2FFFF;
	_ =	strace $0x9FFFFFFF  }
0xc3: {  	(tm) =	ssettm $0x7FFFFFFF  }
tec
execute0_lowered:
.L_overlay_start_1:
0x0: {  	(tag) =	ssettag $0x1  }
0x1: {  	s0 =	rddreg [dreg:$0x0]  }
0x2: {  	s2 =	rddreg [dreg:$0x1]  }
0x3: {  	s3 =	rddreg [dreg:$0x2];
	s1 =	stileid.u32  }
0x4: {  	s6 =	simm.s32 $0x0;
	s5 =	srdreg.scid;
	s31 =	simm.s32 $0x5  }
0x5: {  	s4 =	smul.u32 $0x9C, s1;
	[smem:$0x7FF] =	sst s6;
	s10 =	smin.u32 s1, $0x4  }
0x6: {  	s11 =	sand.u32 $0x1, s5;
	s5 =	sadd.s32 $0x4000, s0;
	s15 =	smul.u32 $0xA000, s1  }
0x7: {  	p1 =	sgt.u32 s1, $0x3;
	_ =	strace $0x80000047;
	s7 =	smul.u32 $0x13C00, s11  }
0x8: {  	s9 =	ssub.s32 $0x2, s11;
	p0 =	sne.s32 s11, $0x0;
	s11 =	simm.s32 $0xBD00  }
0x9: {  	s12 =	sadd.s32 s10, s4;
	s4 =	sadd.s32 $0x17A00, s0;
	s10 =	smul.u32 $0x280, s1  }
0xa: {  	s14 =	sshrl.u32 s9, $0x1;
	s15 =	sshrl.u32 s15, $0x2;
	s6 =	sshll.u32 s12, $0x4  }
0xb: {  	s12 =	sadd.s32 s7, s0;
	s14 =	ssub.s32 s9, s14;
	s8 =	sadd.s32 s6, s0  }
0xc: {  	s13 =	sshrl.u32 s10, $0x3;
	s10 =	sadd.s32 s10, s3;
	s3 =	sadd.s32 s15, s3  }
0xd: {  	s6 =	sadd.s32 $0x3F000, s0;
	[dreg:$0x4] =	wrdreg s3;
	s15 =	sadd.s32 $0x2800, s10  }
0xe: {  	s12 =	sadd.s32 $0x40A00, s12;
	s16 =	sadd.s32 $0x5000, s10;
	[dreg:$0x5] =	wrdreg s15  }
0xf: {  	s0 =	sadd.s32 s13, s0;
	s17 =	sadd.s32 $0x7800, s10;
	[dreg:$0x6] =	wrdreg s16  }
0x10: {  	s13 =	smul.u32 $0x9E00, s1;
	s18 =	sadd.s32 $0xA000, s10;
	[dreg:$0x7] =	wrdreg s17  }
0x11: {  	s7 =	sadd.s32 $0x35200, s8;
	s19 =	sadd.s32 $0xC800, s10;
	[dreg:$0x8] =	wrdreg s18  }
0x12: {  	s8 =	sadd.s32 $0x2B400, s8;
	s20 =	sadd.s32 $0xF000, s10;
	[dreg:$0x9] =	wrdreg s19  }
0x13: {  	s21 =	sadd.s32 $0x11800, s10;
	s22 =	sadd.s32 $0x14000, s10;
	[dreg:$0xa] =	wrdreg s20  }
0x14: {  	s23 =	sadd.s32 $0x16800, s10;
	s24 =	sadd.s32 $0x19000, s10;
	[dreg:$0xb] =	wrdreg s21  }
0x15: {  	s25 =	sadd.s32 $0x1B800, s10;
	s26 =	sadd.s32 $0x1E000, s10;
	[dreg:$0xc] =	wrdreg s22  }
0x16: {  	s28 =	sadd.s32 $0x20800, s10;
	s29 =	sadd.s32 $0x23000, s10;
	[dreg:$0xd] =	wrdreg s23  }
0x17: {  	s30 =	sadd.s32 $0x25800, s10;
	s3 =	simm.s32 $0x9D00;
	[dreg:$0xe] =	wrdreg s24  }
0x18: {  	[dreg:$0xf] =	wrdreg s25;
	s0 =	sadd.s32 $0x68200, s0;
	s25 =	smax.u32 s14, $0x1  }
.Ltmp0:
0x19: {  	[dreg:$0x11] =	wrdreg s26;
	s14 =	simm.s32 $0x3;
	(pc) =	sbr.rel .LBB2_1-.Ltmp0, $4  }
0x1a: {  	s15 =	simm.s32 $0x2;
	s16 =	simm.s32 $0x4;
	s26 =	simm.s32 $0x9B80  }
0x1b: {  	s17 =	simm.s32 $0x10780;
	s18 =	simm.s32 $0x0;
	s9 =	sadd.s32 s13, s2  }
0x1c: {  	s13 =	sshrl.u32 s13, $0x3;
	[dreg:$0x10] =	wrdreg s0;
	s0 =	simm.s32 $0x80  }
0x1d: {  	v0 =	vimm.f32 $0.0e+00;
	v1 =	vimm.f32 $1.000000000e+00;
	s22 =	sadd.s32 s13, s12;
	s12 =	simm.s32 $0x1;
	s13 =	simm.s32 $0xDD00  }
.LBB2_48:
0x1e: {  	[bflag:$0x0] =	sbarrier.arrive $0xFFFF  }
.LBB2_49:
0x1f: {  	s18 =	sadd.s32 $0x1, s18  }
0x20: {  	p2 =	sne.s32 s18, s25  }
.Ltmp1:
0x21: {  	_ = 	snop;
	(pc) =	sbr.rel @!p2 .LBB2_50-.Ltmp1, $1  }
0x22: {  	_ =	sdelay $0x3  }
.LBB2_1:
0x23: {  	s19 =	simm.s32 @p1 $0x0;
	s20 =	simm.s32 @p1 $0x5  }
0x24: {  	[tilespmem:s19], [sflag:$0x5] =	stream.linear.gather @p1 [hbm4b:s7+s19], $0x4E00, $0x38;
	[tilespmem:$0x1D000] =	vst v63  }
0x25: {  	_ =	swait.ge @p1 [sflag:s20], $0x4E00  }
0x26: {  	[sflag:s20] =	ssyncset.done @p1 $0x0  }
0x27: {  	s21 =	simm.s32 @p1 $0x4E80;
	[sflag:s20] =	ssyncadd.s32 @p1 $0xFFFFB200  }
0x28: {  	[tilespmem:s21], [sflag:$0x5] =	stream.linear.gather @p1 [hbm4b:s8+s19], $0x4E00, $0x38;
	[tilespmem:$0x1D000] =	vst v63  }
0x29: {  	_ =	swait.ge @p1 [sflag:s20], $0x4E00  }
0x2a: {  	[sflag:s20] =	ssyncset.done @p1 $0x0  }
0x2b: {  	s19 =	simm.s32 @!p1 $0x0;
	[sflag:s20] =	ssyncadd.s32 @p1 $0xFFFFB200;
	s20 =	simm.s32 @!p1 $0x5  }
0x2c: {  	[tilespmem:s19], [sflag:$0x5] =	stream.linear.gather @!p1 [hbm4b:s7+s19], $0x4E80, $0x38;
	[tilespmem:$0x1D000] =	vst v63  }
0x2d: {  	_ =	swait.ge @!p1 [sflag:s20], $0x4E80  }
0x2e: {  	[sflag:s20] =	ssyncset.done @!p1 $0x0  }
0x2f: {  	s21 =	simm.s32 @!p1 $0x4E80;
	[sflag:s20] =	ssyncadd.s32 @!p1 $0xFFFFB180  }
0x30: {  	[tilespmem:s21], [sflag:$0x5] =	stream.linear.gather @!p1 [hbm4b:s8+s19], $0x4E80, $0x38;
	[tilespmem:$0x1D000] =	vst v63  }
0x31: {  	s24 =	sshll.u32 s1, $0x6;
	_ =	swait.ge @!p1 [sflag:s20], $0x4E80  }
0x32: {  	s19 =	sor.u32 $0x1C05, s24;
	[sflag:s20] =	ssyncset.done @!p1 $0x0  }
.Ltmp2:
0x33: {  	[sflag:s20] =	ssyncadd.s32 @!p1 $0xFFFFB180;
	s20 =	sshrl.u32 s9, $0x3;
	(pc) =	sbr.rel @p0 .LBB2_8-.Ltmp2, $4  }
0x34: {  	[spmem:s20], [sflag:s19] =	dma.local [hbm:s6], $0x13C0  }
0x35: {  	_ =	swait.ge [sflag:s31], $0x13C0  }
0x36: {  	[sflag:s31] =	ssyncset.done $0x0  }
0x37: {  	[sflag:s31] =	ssyncadd.s32 $0xFFFFEC40  }
0x38: {  	s21 =	simm.s32 $0x40;
	s23 =	simm.s32 $0x0  }
.LBB2_3:
0x39: {  	p2 =	sne.s32 s21, $0x9FC0;
	[tilespmem:s23+$0xDD00] =	vst v0;
	s23 =	smov.u32 s21;
	s21 =	sadd.s32 $0x40, s21  }
.Ltmp3:
0x3a: {  	(pc) =	sbr.rel @p2 .LBB2_3-.Ltmp3, $2  }
0x3b: {  	_ =	sdelay $0x2  }
0x3c: {  	s23 =	sshra.s32 s23, $0x2  }
0x3d: {  	[tilespmem:s23+$0xDD00] =	vst v0  }
0x3e: {  	s21 =	simm.s32 $0x0;
	[bflag:$0x0] =	sbarrier.arrive $0xFFFF  }
0x3f: {  	[tilespmem:s3], [sflag:$0x1] =	stream.indirect.gather [hbm4b:s4+s0], $0x40, s21, s0, $0xb8;
	[tilespmem:$0x1D000] =	vst v63  }
0x40: {  	_ = 	snop  }
0x41: {  	[tilespmem:s11], [sflag:$0x2] =	stream.indirect.gather [hbm4b:s4+s0], $0x40, s0, s0, $0xb8;
	[tilespmem:$0x1D000] =	vst v63  }
.LBB2_5:
0x42: {  	_ =	swait.ge [sflag:s12], $0x2000  }
0x43: {  	s23 =	sshra.s32 s21, $0x2;
	[sflag:s12] =	ssyncset.done $0x0  }
0x44: {  	s24 =	sadd.s32 $0x4E80, s23;
	[sflag:s12] =	ssyncadd.s32 $0xFFFFE000  }
0x45: {  	[spmem:s2] =	stream.indirect.scatter.add.f32 [tilespmem:s3], [sflag:$0x3], $0x40, s24, s0, $0xb8;
	[tilespmem:$0x1D000] =	vst v63  }
0x46: {  	v2 =	vld [tilespmem:s23+$0x4E80];
	_ =	sdelay $0x7  }
0x47: {  	[tilespmem:v2+s13+$0x0] =	vst.idx.add.f32.msk $0xffff, v1  }
0x48: {  	v2 =	vld [tilespmem:s23+$0x4E90];
	_ =	sdelay $0x7  }
0x49: {  	[tilespmem:v2+s13+$0x0] =	vst.idx.add.f32.msk $0xffff, v1  }
0x4a: {  	v2 =	vld [tilespmem:s23+$0x4EA0];
	_ =	sdelay $0x7  }
0x4b: {  	[tilespmem:v2+s13+$0x0] =	vst.idx.add.f32.msk $0xffff, v1  }
0x4c: {  	v2 =	vld [tilespmem:s23+$0x4EB0];
	_ =	sdelay $0x7  }
0x4d: {  	[tilespmem:v2+s13+$0x0] =	vst.idx.add.f32.msk $0xffff, v1  }
0x4e: {  	v2 =	vld [tilespmem:s23+$0x4EC0];
	_ =	sdelay $0x7  }
0x4f: {  	[tilespmem:v2+s13+$0x0] =	vst.idx.add.f32.msk $0xffff, v1  }
0x50: {  	v2 =	vld [tilespmem:s23+$0x4ED0];
	_ =	sdelay $0x7  }
0x51: {  	[tilespmem:v2+s13+$0x0] =	vst.idx.add.f32.msk $0xffff, v1  }
0x52: {  	v2 =	vld [tilespmem:s23+$0x4EE0];
	_ =	sdelay $0x7  }
0x53: {  	[tilespmem:v2+s13+$0x0] =	vst.idx.add.f32.msk $0xffff, v1  }
0x54: {  	v2 =	vld [tilespmem:s23+$0x4EF0];
	_ =	sdelay $0x7  }
0x55: {  	[tilespmem:v2+s13+$0x0] =	vst.idx.add.f32.msk $0xffff, v1  }
0x56: {  	_ =	swait.ge [sflag:s14], $0x2000  }
0x57: {  	[sflag:s14] =	ssyncset.done $0x0  }
0x58: {  	s24 =	sadd.s32 $0x100, s23;
	[sflag:s14] =	ssyncadd.s32 $0xFFFFE000  }
0x59: {  	[tilespmem:s3], [sflag:$0x1] =	stream.indirect.gather [hbm4b:s4+s0], $0x40, s24, s0, $0xb8;
	[tilespmem:$0x1D000] =	vst v63  }
0x5a: {  	_ =	swait.ge [sflag:s15], $0x2000  }
0x5b: {  	[sflag:s15] =	ssyncset.done $0x0  }
0x5c: {  	s24 =	sadd.s32 $0x4F00, s23;
	[sflag:s15] =	ssyncadd.s32 $0xFFFFE000  }
0x5d: {  	[spmem:s2] =	stream.indirect.scatter.add.f32 [tilespmem:s11], [sflag:$0x4], $0x40, s24, s0, $0xb8;
	[tilespmem:$0x1D000] =	vst v63  }
0x5e: {  	v2 =	vld [tilespmem:s23+$0x4F00];
	_ =	sdelay $0x7  }
0x5f: {  	[tilespmem:v2+s13+$0x0] =	vst.idx.add.f32.msk $0xffff, v1  }
0x60: {  	v2 =	vld [tilespmem:s23+$0x4F10];
	_ =	sdelay $0x7  }
0x61: {  	[tilespmem:v2+s13+$0x0] =	vst.idx.add.f32.msk $0xffff, v1  }
0x62: {  	v2 =	vld [tilespmem:s23+$0x4F20];
	_ =	sdelay $0x7  }
0x63: {  	[tilespmem:v2+s13+$0x0] =	vst.idx.add.f32.msk $0xffff, v1  }
0x64: {  	v2 =	vld [tilespmem:s23+$0x4F30];
	_ =	sdelay $0x7  }
0x65: {  	[tilespmem:v2+s13+$0x0] =	vst.idx.add.f32.msk $0xffff, v1  }
0x66: {  	v2 =	vld [tilespmem:s23+$0x4F40];
	_ =	sdelay $0x7  }
0x67: {  	[tilespmem:v2+s13+$0x0] =	vst.idx.add.f32.msk $0xffff, v1  }
0x68: {  	v2 =	vld [tilespmem:s23+$0x4F50];
	_ =	sdelay $0x7  }
0x69: {  	[tilespmem:v2+s13+$0x0] =	vst.idx.add.f32.msk $0xffff, v1  }
0x6a: {  	v2 =	vld [tilespmem:s23+$0x4F60];
	_ =	sdelay $0x7  }
0x6b: {  	[tilespmem:v2+s13+$0x0] =	vst.idx.add.f32.msk $0xffff, v1  }
0x6c: {  	v2 =	vld [tilespmem:s23+$0x4F70];
	_ =	sdelay $0x6  }
0x6d: {  	p2 =	sne.s32 s21, $0x13000  }
.Ltmp4:
0x6e: {  	[tilespmem:v2+s13+$0x0] =	vst.idx.add.f32.msk $0xffff, v1;
	(pc) =	sbr.rel @p2 .LBB2_5-.Ltmp4, $4  }
0x6f: {  	_ =	swait.ge [sflag:s16], $0x2000  }
0x70: {  	[sflag:s16] =	ssyncset.done $0x0  }
0x71: {  	s21 =	sadd.s32 $0x400, s21;
	s23 =	sadd.s32 $0x180, s23;
	[sflag:s16] =	ssyncadd.s32 $0xFFFFE000  }
0x72: {  	[tilespmem:s11], [sflag:$0x2] =	stream.indirect.gather [hbm4b:s4+s0], $0x40, s23, s0, $0xb8;
	[tilespmem:$0x1D000] =	vst v63  }
0x73: {  	_ =	swait.ge [sflag:s12], $0x2000  }
0x74: {  	[sflag:s12] =	ssyncset.done $0x0  }
0x75: {  	[sflag:s12] =	ssyncadd.s32 $0xFFFFE000  }
0x76: {  	[spmem:s2] =	stream.indirect.scatter.add.f32 [tilespmem:s3], [sflag:$0x3], $0x40, s26, s0, $0xb8;
	[tilespmem:$0x1D000] =	vst v63  }
0x77: {  	v2 =	vld [tilespmem:$0x9B80];
	_ =	sdelay $0x7  }
0x78: {  	[tilespmem:v2+s13+$0x0] =	vst.idx.add.f32.msk $0xffff, v1  }
0x79: {  	v2 =	vld [tilespmem:$0x9B90];
	_ =	sdelay $0x7  }
0x7a: {  	[tilespmem:v2+s13+$0x0] =	vst.idx.add.f32.msk $0xffff, v1  }
0x7b: {  	v2 =	vld [tilespmem:$0x9BA0];
	_ =	sdelay $0x7  }
0x7c: {  	[tilespmem:v2+s13+$0x0] =	vst.idx.add.f32.msk $0xffff, v1  }
0x7d: {  	v2 =	vld [tilespmem:$0x9BB0];
	_ =	sdelay $0x7  }
0x7e: {  	[tilespmem:v2+s13+$0x0] =	vst.idx.add.f32.msk $0xffff, v1  }
0x7f: {  	v2 =	vld [tilespmem:$0x9BC0];
	_ =	sdelay $0x7  }
0x80: {  	[tilespmem:v2+s13+$0x0] =	vst.idx.add.f32.msk $0xffff, v1  }
0x81: {  	v2 =	vld [tilespmem:$0x9BD0];
	_ =	sdelay $0x7  }
0x82: {  	[tilespmem:v2+s13+$0x0] =	vst.idx.add.f32.msk $0xffff, v1  }
0x83: {  	v2 =	vld [tilespmem:$0x9BE0];
	_ =	sdelay $0x7  }
0x84: {  	[tilespmem:v2+s13+$0x0] =	vst.idx.add.f32.msk $0xffff, v1  }
0x85: {  	v2 =	vld [tilespmem:$0x9BF0];
	_ =	sdelay $0x7  }
0x86: {  	[tilespmem:v2+s13+$0x0] =	vst.idx.add.f32.msk $0xffff, v1  }
0x87: {  	_ =	swait.ge [sflag:s14], $0x2000  }
0x88: {  	s21 =	simm.s32 @!p1 $0x80;
	[sflag:s14] =	ssyncset.done $0x0  }
0x89: {  	s23 =	simm.s32 @!p1 $0x4E00;
	s24 =	simm.s32 @!p1 $0x9D00;
	[sflag:s14] =	ssyncadd.s32 $0xFFFFE000  }
0x8a: {  	[tilespmem:s24], [sflag:$0x1] =	stream.indirect.gather @!p1 [hbm4b:s4+s21], $0x40, s23, s21, $0xb8;
	[tilespmem:$0x1D000] =	vst v63  }
0x8b: {  	_ =	swait.ge [sflag:s15], $0x2000  }
0x8c: {  	[sflag:s15] =	ssyncset.done $0x0  }
0x8d: {  	s24 =	simm.s32 $0x9C00;
	[sflag:s15] =	ssyncadd.s32 $0xFFFFE000  }
0x8e: {  	[spmem:s2] =	stream.indirect.scatter.add.f32 [tilespmem:s11], [sflag:$0x4], $0x40, s24, s0, $0xb8;
	[tilespmem:$0x1D000] =	vst v63  }
0x8f: {  	v2 =	vld [tilespmem:$0x9C00];
	_ =	sdelay $0x7  }
0x90: {  	[tilespmem:v2+s13+$0x0] =	vst.idx.add.f32.msk $0xffff, v1  }
0x91: {  	v2 =	vld [tilespmem:$0x9C10];
	_ =	sdelay $0x7  }
0x92: {  	[tilespmem:v2+s13+$0x0] =	vst.idx.add.f32.msk $0xffff, v1  }
0x93: {  	v2 =	vld [tilespmem:$0x9C20];
	_ =	sdelay $0x7  }
0x94: {  	[tilespmem:v2+s13+$0x0] =	vst.idx.add.f32.msk $0xffff, v1  }
0x95: {  	v2 =	vld [tilespmem:$0x9C30];
	_ =	sdelay $0x7  }
0x96: {  	[tilespmem:v2+s13+$0x0] =	vst.idx.add.f32.msk $0xffff, v1  }
0x97: {  	v2 =	vld [tilespmem:$0x9C40];
	_ =	sdelay $0x7  }
0x98: {  	[tilespmem:v2+s13+$0x0] =	vst.idx.add.f32.msk $0xffff, v1  }
0x99: {  	v2 =	vld [tilespmem:$0x9C50];
	_ =	sdelay $0x7  }
0x9a: {  	[tilespmem:v2+s13+$0x0] =	vst.idx.add.f32.msk $0xffff, v1  }
0x9b: {  	v2 =	vld [tilespmem:$0x9C60];
	_ =	sdelay $0x7  }
0x9c: {  	[tilespmem:v2+s13+$0x0] =	vst.idx.add.f32.msk $0xffff, v1  }
0x9d: {  	v2 =	vld [tilespmem:$0x9C70];
	_ =	sdelay $0x6  }
.Ltmp5:
0x9e: {  	_ = 	snop;
	(pc) =	sbr.rel @p1 .LBB2_12-.Ltmp5, $4  }
0x9f: {  	[tilespmem:v2+s13+$0x0] =	vst.idx.add.f32.msk $0xffff, v1  }
0xa0: {  	_ =	swait.ge [sflag:s16], $0x2000  }
0xa1: {  	[sflag:s16] =	ssyncset.done $0x0  }
0xa2: {  	[sflag:s16] =	ssyncadd.s32 $0xFFFFE000  }
0xa3: {  	v2 =	vld [tilespmem:$0x9C80];
	_ =	sdelay $0x7  }
0xa4: {  	[tilespmem:v2+s13+$0x0] =	vst.idx.add.f32.msk $0xffff, v1  }
0xa5: {  	v2 =	vld [tilespmem:$0x9C90];
	_ =	sdelay $0x7  }
0xa6: {  	[tilespmem:v2+s13+$0x0] =	vst.idx.add.f32.msk $0xffff, v1  }
0xa7: {  	v2 =	vld [tilespmem:$0x9CA0];
	_ =	sdelay $0x7  }
0xa8: {  	[tilespmem:v2+s13+$0x0] =	vst.idx.add.f32.msk $0xffff, v1  }
0xa9: {  	v2 =	vld [tilespmem:$0x9CB0];
	_ =	sdelay $0x7  }
0xaa: {  	[tilespmem:v2+s13+$0x0] =	vst.idx.add.f32.msk $0xffff, v1  }
0xab: {  	v2 =	vld [tilespmem:$0x9CC0];
	_ =	sdelay $0x7  }
0xac: {  	[tilespmem:v2+s13+$0x0] =	vst.idx.add.f32.msk $0xffff, v1  }
0xad: {  	v2 =	vld [tilespmem:$0x9CD0];
	_ =	sdelay $0x7  }
0xae: {  	[tilespmem:v2+s13+$0x0] =	vst.idx.add.f32.msk $0xffff, v1  }
0xaf: {  	v2 =	vld [tilespmem:$0x9CE0];
	_ =	sdelay $0x7  }
0xb0: {  	[tilespmem:v2+s13+$0x0] =	vst.idx.add.f32.msk $0xffff, v1  }
0xb1: {  	v2 =	vld [tilespmem:$0x9CF0];
	_ =	sdelay $0x7  }
0xb2: {  	[tilespmem:v2+s13+$0x0] =	vst.idx.add.f32.msk $0xffff, v1  }
.Ltmp6:
0xb3: {  	_ =	swait.ge [sflag:s12], $0x2000;
	(pc) =	sbr.rel .LBB2_11-.Ltmp6, $4  }
0xb4: {  	[sflag:s12] =	ssyncset.done $0x0  }
0xb5: {  	s21 =	simm.s32 $0x9C80;
	[sflag:s12] =	ssyncadd.s32 $0xFFFFE000  }
0xb6: {  	[spmem:s2] =	stream.indirect.scatter.add.f32 [tilespmem:s3], [sflag:$0x5], $0x40, s21, s0, $0xb8;
	[tilespmem:$0x1D000] =	vst v63  }
0xb7: {  	s21 =	simm.s32 $0x5  }
.LBB2_8:
0xb8: {  	[bflag:$0x0] =	sbarrier.arrive $0xFFFF;
	s21 =	simm.s32 $0x0  }
0xb9: {  	[tilespmem:s3], [sflag:$0x1] =	stream.indirect.gather [hbm4b:s5+s0], $0x40, s21, s0, $0xb8;
	[tilespmem:$0x1D000] =	vst v63  }
0xba: {  	_ = 	snop  }
0xbb: {  	[tilespmem:s11], [sflag:$0x2] =	stream.indirect.gather [hbm4b:s5+s0], $0x40, s0, s0, $0xb8;
	[tilespmem:$0x1D000] =	vst v63  }
0xbc: {  	_ =	swait.ge [sflag:s12], $0x2000  }
0xbd: {  	[sflag:s12] =	ssyncset.done $0x0  }
0xbe: {  	s24 =	simm.s32 $0x4E80;
	[sflag:s12] =	ssyncadd.s32 $0xFFFFE000  }
0xbf: {  	[spmem:s2] =	stream.indirect.scatter.add.f32 [tilespmem:s3], [sflag:$0x3], $0x40, s24, s0, $0xb8;
	[tilespmem:$0x1D000] =	vst v63  }
0xc0: {  	_ =	swait.ge [sflag:s14], $0x2000  }
0xc1: {  	[sflag:s14] =	ssyncset.done $0x0  }
0xc2: {  	s23 =	simm.s32 $0x100;
	[sflag:s14] =	ssyncadd.s32 $0xFFFFE000  }
0xc3: {  	[tilespmem:s3], [sflag:$0x1] =	stream.indirect.gather [hbm4b:s5+s0], $0x40, s23, s0, $0xb8;
	[tilespmem:$0x1D000] =	vst v63  }
0xc4: {  	_ =	swait.ge [sflag:s15], $0x2000  }
0xc5: {  	[sflag:s15] =	ssyncset.done $0x0  }
0xc6: {  	s24 =	simm.s32 $0x4F00;
	[sflag:s15] =	ssyncadd.s32 $0xFFFFE000  }
0xc7: {  	[spmem:s2] =	stream.indirect.scatter.add.f32 [tilespmem:s11], [sflag:$0x4], $0x40, s24, s0, $0xb8;
	[tilespmem:$0x1D000] =	vst v63  }
0xc8: {  	_ =	swait.ge [sflag:s16], $0x2000  }
0xc9: {  	[sflag:s16] =	ssyncset.done $0x0  }
0xca: {  	s21 =	simm.s32 $0x400;
	s23 =	simm.s32 $0x180;
	[sflag:s16] =	ssyncadd.s32 $0xFFFFE000  }
.LBB2_9:
0xcb: {  	[tilespmem:s11], [sflag:$0x2] =	stream.indirect.gather [hbm4b:s5+s0], $0x40, s23, s0, $0xb8;
	[tilespmem:$0x1D000] =	vst v63  }
0xcc: {  	s23 =	smov.u32 s21  }
0xcd: {  	p2 =	sne.s32 s21, $0x13000;
	s21 =	sadd.s32 $0x400, s21;
	_ =	swait.ge [sflag:s12], $0x2000  }
0xce: {  	s23 =	sshra.s32 s23, $0x2;
	[sflag:s12] =	ssyncset.done $0x0  }
0xcf: {  	s24 =	sadd.s32 $0x4E80, s23;
	[sflag:s12] =	ssyncadd.s32 $0xFFFFE000  }
0xd0: {  	[spmem:s2] =	stream.indirect.scatter.add.f32 [tilespmem:s3], [sflag:$0x3], $0x40, s24, s0, $0xb8;
	[tilespmem:$0x1D000] =	vst v63  }
0xd1: {  	_ =	swait.ge [sflag:s14], $0x2000  }
0xd2: {  	[sflag:s14] =	ssyncset.done $0x0  }
0xd3: {  	s24 =	sadd.s32 $0x100, s23;
	[sflag:s14] =	ssyncadd.s32 $0xFFFFE000  }
0xd4: {  	[tilespmem:s3], [sflag:$0x1] =	stream.indirect.gather [hbm4b:s5+s0], $0x40, s24, s0, $0xb8;
	[tilespmem:$0x1D000] =	vst v63  }
0xd5: {  	_ =	swait.ge [sflag:s15], $0x2000  }
0xd6: {  	[sflag:s15] =	ssyncset.done $0x0  }
.Ltmp7:
0xd7: {  	s24 =	sadd.s32 $0x4F00, s23;
	[sflag:s15] =	ssyncadd.s32 $0xFFFFE000;
	(pc) =	sbr.rel @p2 .LBB2_9-.Ltmp7, $4  }
0xd8: {  	[spmem:s2] =	stream.indirect.scatter.add.f32 [tilespmem:s11], [sflag:$0x4], $0x40, s24, s0, $0xb8;
	[tilespmem:$0x1D000] =	vst v63  }
0xd9: {  	_ =	swait.ge [sflag:s16], $0x2000  }
0xda: {  	[sflag:s16] =	ssyncset.done $0x0  }
0xdb: {  	s23 =	sadd.s32 $0x180, s23;
	[sflag:s16] =	ssyncadd.s32 $0xFFFFE000  }
0xdc: {  	[tilespmem:s11], [sflag:$0x2] =	stream.indirect.gather [hbm4b:s5+s0], $0x40, s23, s0, $0xb8;
	[tilespmem:$0x1D000] =	vst v63  }
0xdd: {  	_ =	swait.ge [sflag:s12], $0x2000  }
0xde: {  	[sflag:s12] =	ssyncset.done $0x0  }
0xdf: {  	[sflag:s12] =	ssyncadd.s32 $0xFFFFE000  }
0xe0: {  	[spmem:s2] =	stream.indirect.scatter.add.f32 [tilespmem:s3], [sflag:$0x3], $0x40, s26, s0, $0xb8;
	[tilespmem:$0x1D000] =	vst v63  }
0xe1: {  	_ =	swait.ge [sflag:s14], $0x2000  }
0xe2: {  	[sflag:s14] =	ssyncset.done $0x0  }
0xe3: {  	s21 =	simm.s32 @p1 $0x2;
	[sflag:s14] =	ssyncadd.s32 $0xFFFFE000  }
0xe4: {  	_ =	swait.ge @p1 [sflag:s21], $0x2000  }
0xe5: {  	s23 =	simm.s32 @p1 $0x9C00;
	[sflag:s21] =	ssyncset.done @p1 $0x0  }
0xe6: {  	s24 =	simm.s32 @p1 $0xBD00;
	[sflag:s21] =	ssyncadd.s32 @p1 $0xFFFFE000;
	s21 =	simm.s32 @p1 $0x80  }
0xe7: {  	[spmem:s2] =	stream.indirect.scatter.add.f32 @p1 [tilespmem:s24], [sflag:$0x4], $0x40, s23, s21, $0xb8;
	[tilespmem:$0x1D000] =	vst v63  }
0xe8: {  	s21 =	simm.s32 @!p1 $0x80;
	s23 =	simm.s32 @!p1 $0x4E00;
	s24 =	simm.s32 @!p1 $0x9D00  }
0xe9: {  	[tilespmem:s24], [sflag:$0x1] =	stream.indirect.gather @!p1 [hbm4b:s5+s21], $0x40, s23, s21, $0xb8;
	[tilespmem:$0x1D000] =	vst v63  }
0xea: {  	s23 =	simm.s32 @!p1 $0x2  }
0xeb: {  	_ =	swait.ge @!p1 [sflag:s23], $0x2000  }
0xec: {  	[sflag:s23] =	ssyncset.done @!p1 $0x0  }
0xed: {  	s26 =	simm.s32 @!p1 $0xBD00;
	[sflag:s23] =	ssyncadd.s32 @!p1 $0xFFFFE000;
	s23 =	simm.s32 @!p1 $0x9C00  }
0xee: {  	[spmem:s2] =	stream.indirect.scatter.add.f32 @!p1 [tilespmem:s26], [sflag:$0x4], $0x40, s23, s21, $0xb8;
	[tilespmem:$0x1D000] =	vst v63  }
0xef: {  	s23 =	simm.s32 @!p1 $0x4  }
0xf0: {  	_ =	swait.ge @!p1 [sflag:s23], $0x2000  }
0xf1: {  	[sflag:s23] =	ssyncset.done @!p1 $0x0  }
0xf2: {  	[sflag:s23] =	ssyncadd.s32 @!p1 $0xFFFFE000;
	s23 =	simm.s32 @!p1 $0x1  }
0xf3: {  	_ =	swait.ge @!p1 [sflag:s23], $0x2000  }
0xf4: {  	[sflag:s23] =	ssyncset.done @!p1 $0x0  }
0xf5: {  	[sflag:s23] =	ssyncadd.s32 @!p1 $0xFFFFE000;
	s23 =	simm.s32 @!p1 $0x9C80  }
0xf6: {  	[spmem:s2] =	stream.indirect.scatter.add.f32 @!p1 [tilespmem:s24], [sflag:$0x5], $0x40, s23, s21, $0xb8;
	[tilespmem:$0x1D000] =	vst v63  }
0xf7: {  	s21 =	simm.s32 @!p1 $0x5  }
0xf8: {  	s26 =	simm.s32 $0x9B80;
	s21 =	simm.s32 @p1 $0x4  }
.LBB2_11:
0xf9: {  	_ =	swait.ge [sflag:s21], $0x2000  }
0xfa: {  	[sflag:s21] =	ssyncset.done $0x0  }
0xfb: {  	[sflag:s21] =	ssyncadd.s32 $0xFFFFE000  }
.LBB2_12:
.Ltmp8:
0xfc: {  	[bflag:$0x0] =	sbarrier.arrive $0xFFFF;
	(pc) =	sbr.rel @p0 .LBB2_48-.Ltmp8, $4  }
0xfd: {  	[hbm:s22], [sflag:s19] =	dma.local [spmem:s20], $0x13C0  }
0xfe: {  	_ =	swait.ge [sflag:s31], $0x13C0  }
0xff: {  	[sflag:s31] =	ssyncset.done $0x0  }
0x100: {  	[sflag:s31] =	ssyncadd.s32 $0xFFFFEC40  }
0x101: {  	s19 =	rddreg [dreg:$0x4]  }
0x102: {  	[spmem:s19] =	stream.linear.scatter [tilespmem:s13], [sflag:$0x5], $0x2800, $0x38;
	[tilespmem:$0x1D000] =	vst v63  }
0x103: {  	_ =	swait.ge [sflag:s31], $0x2800  }
0x104: {  	[sflag:s31] =	ssyncset.done $0x0  }
0x105: {  	[sflag:s31] =	ssyncadd.s32 $0xFFFFD800  }
0x106: {  	[bflag:$0x0] =	sbarrier.arrive $0xFFFF  }
0x107: {  	[tilespmem:s17], [sflag:$0x5] =	stream.linear.gather [spmem:s10], $0x280, $0x38;
	[tilespmem:$0x1D000] =	vst v63  }
0x108: {  	_ =	swait.ge [sflag:s31], $0x280  }
0x109: {  	[sflag:s31] =	ssyncset.done $0x0  }
0x10a: {  	s19 =	simm.s32 $0x0;
	[sflag:s31] =	ssyncadd.s32 $0xFFFFFD80  }
0x10b: {  	s20 =	simm.s32 $0x40;
	v2 =	vld [tilespmem:s19+$0x10780]  }
.LBB2_14:
0x10c: {  	p2 =	sne.s32 s20, $0x9C0  }
.Ltmp9:
0x10d: {  	_ = 	snop;
	(pc) =	sbr.rel @p2 .LBB2_14-.Ltmp9, $3  }
0x10e: {  	_ =	sdelay $0x1  }
0x10f: {  	[tilespmem:s19+$0x10500] =	vst v2;
	s19 =	sshra.s32 s20, $0x2;
	s20 =	sadd.s32 $0x40, s20  }
0x110: {  	v2 =	vld [tilespmem:s19+$0x10780]  }
0x111: {  	_ =	sdelay $0x3  }
0x112: {  	s24 =	rddreg [dreg:$0x5];
	[tilespmem:s19+$0x10500] =	vst v2  }
0x113: {  	[tilespmem:s17], [sflag:$0x5] =	stream.linear.gather [spmem:s24], $0x280, $0x38;
	[tilespmem:$0x1D000] =	vst v63  }
0x114: {  	_ =	swait.ge [sflag:s31], $0x280  }
0x115: {  	[sflag:s31] =	ssyncset.done $0x0  }
0x116: {  	s19 =	simm.s32 $0x0;
	[sflag:s31] =	ssyncadd.s32 $0xFFFFFD80  }
0x117: {  	s20 =	simm.s32 $0x40;
	v2 =	vld [tilespmem:s19+$0x10780]  }
.LBB2_16:
0x118: {  	p2 =	sne.s32 s20, $0x9C0;
	v3 =	vld [tilespmem:s19+$0x10500];
	_ =	sdelay $0x2  }
.Ltmp10:
0x119: {  	(pc) =	sbr.rel @p2 .LBB2_16-.Ltmp10, $4  }
0x11a: {  	_ = 	snop  }
0x11b: {  	v3 =	vadd.f32 v2, v3  }
0x11c: {  	s21 =	sshra.s32 s20, $0x2  }
0x11d: {  	s20 =	sadd.s32 $0x40, s20;
	v2 =	vld [tilespmem:s21+$0x10780];
	[tilespmem:s19+$0x10500] =	vst v3;
	s19 =	smov.u32 s21  }
0x11e: {  	v3 =	vld [tilespmem:s19+$0x10500];
	_ =	sdelay $0x4  }
0x11f: {  	v2 =	vadd.f32 v2, v3;
	_ =	sdelay $0x1  }
0x120: {  	s24 =	rddreg [dreg:$0x6];
	[tilespmem:s19+$0x10500] =	vst v2  }
0x121: {  	[tilespmem:s17], [sflag:$0x5] =	stream.linear.gather [spmem:s24], $0x280, $0x38;
	[tilespmem:$0x1D000] =	vst v63  }
0x122: {  	_ =	swait.ge [sflag:s31], $0x280  }
0x123: {  	[sflag:s31] =	ssyncset.done $0x0  }
0x124: {  	s19 =	simm.s32 $0x0;
	[sflag:s31] =	ssyncadd.s32 $0xFFFFFD80  }
0x125: {  	s20 =	simm.s32 $0x40;
	v2 =	vld [tilespmem:s19+$0x10780]  }
.LBB2_18:
0x126: {  	p2 =	sne.s32 s20, $0x9C0;
	v3 =	vld [tilespmem:s19+$0x10500];
	_ =	sdelay $0x2  }
.Ltmp11:
0x127: {  	(pc) =	sbr.rel @p2 .LBB2_18-.Ltmp11, $4  }
0x128: {  	_ = 	snop  }
0x129: {  	v3 =	vadd.f32 v2, v3  }
0x12a: {  	s21 =	sshra.s32 s20, $0x2  }
0x12b: {  	s20 =	sadd.s32 $0x40, s20;
	v2 =	vld [tilespmem:s21+$0x10780];
	[tilespmem:s19+$0x10500] =	vst v3;
	s19 =	smov.u32 s21  }
0x12c: {  	v3 =	vld [tilespmem:s19+$0x10500];
	_ =	sdelay $0x4  }
0x12d: {  	v2 =	vadd.f32 v2, v3;
	_ =	sdelay $0x1  }
0x12e: {  	s24 =	rddreg [dreg:$0x7];
	[tilespmem:s19+$0x10500] =	vst v2  }
0x12f: {  	[tilespmem:s17], [sflag:$0x5] =	stream.linear.gather [spmem:s24], $0x280, $0x38;
	[tilespmem:$0x1D000] =	vst v63  }
0x130: {  	_ =	swait.ge [sflag:s31], $0x280  }
0x131: {  	[sflag:s31] =	ssyncset.done $0x0  }
0x132: {  	s19 =	simm.s32 $0x0;
	[sflag:s31] =	ssyncadd.s32 $0xFFFFFD80  }
0x133: {  	s20 =	simm.s32 $0x40;
	v2 =	vld [tilespmem:s19+$0x10780]  }
.LBB2_20:
0x134: {  	p2 =	sne.s32 s20, $0x9C0;
	v3 =	vld [tilespmem:s19+$0x10500];
	_ =	sdelay $0x2  }
.Ltmp12:
0x135: {  	(pc) =	sbr.rel @p2 .LBB2_20-.Ltmp12, $4  }
0x136: {  	_ = 	snop  }
0x137: {  	v3 =	vadd.f32 v2, v3  }
0x138: {  	s21 =	sshra.s32 s20, $0x2  }
0x139: {  	s20 =	sadd.s32 $0x40, s20;
	v2 =	vld [tilespmem:s21+$0x10780];
	[tilespmem:s19+$0x10500] =	vst v3;
	s19 =	smov.u32 s21  }
0x13a: {  	v3 =	vld [tilespmem:s19+$0x10500];
	_ =	sdelay $0x4  }
0x13b: {  	v2 =	vadd.f32 v2, v3;
	_ =	sdelay $0x1  }
0x13c: {  	s24 =	rddreg [dreg:$0x8];
	[tilespmem:s19+$0x10500] =	vst v2  }
0x13d: {  	[tilespmem:s17], [sflag:$0x5] =	stream.linear.gather [spmem:s24], $0x280, $0x38;
	[tilespmem:$0x1D000] =	vst v63  }
0x13e: {  	_ =	swait.ge [sflag:s31], $0x280  }
0x13f: {  	[sflag:s31] =	ssyncset.done $0x0  }
0x140: {  	s19 =	simm.s32 $0x0;
	[sflag:s31] =	ssyncadd.s32 $0xFFFFFD80  }
0x141: {  	s20 =	simm.s32 $0x40;
	v2 =	vld [tilespmem:s19+$0x10780]  }
.LBB2_22:
0x142: {  	p2 =	sne.s32 s20, $0x9C0;
	v3 =	vld [tilespmem:s19+$0x10500];
	_ =	sdelay $0x2  }
.Ltmp13:
0x143: {  	(pc) =	sbr.rel @p2 .LBB2_22-.Ltmp13, $4  }
0x144: {  	_ = 	snop  }
0x145: {  	v3 =	vadd.f32 v2, v3  }
0x146: {  	s21 =	sshra.s32 s20, $0x2  }
0x147: {  	s20 =	sadd.s32 $0x40, s20;
	v2 =	vld [tilespmem:s21+$0x10780];
	[tilespmem:s19+$0x10500] =	vst v3;
	s19 =	smov.u32 s21  }
0x148: {  	v3 =	vld [tilespmem:s19+$0x10500];
	_ =	sdelay $0x4  }
0x149: {  	v2 =	vadd.f32 v2, v3;
	_ =	sdelay $0x1  }
0x14a: {  	s24 =	rddreg [dreg:$0x9];
	[tilespmem:s19+$0x10500] =	vst v2  }
0x14b: {  	[tilespmem:s17], [sflag:$0x5] =	stream.linear.gather [spmem:s24], $0x280, $0x38;
	[tilespmem:$0x1D000] =	vst v63  }
0x14c: {  	_ =	swait.ge [sflag:s31], $0x280  }
0x14d: {  	[sflag:s31] =	ssyncset.done $0x0  }
0x14e: {  	s19 =	simm.s32 $0x0;
	[sflag:s31] =	ssyncadd.s32 $0xFFFFFD80  }
0x14f: {  	s20 =	simm.s32 $0x40;
	v2 =	vld [tilespmem:s19+$0x10780]  }
.LBB2_24:
0x150: {  	p2 =	sne.s32 s20, $0x9C0;
	v3 =	vld [tilespmem:s19+$0x10500];
	_ =	sdelay $0x2  }
.Ltmp14:
0x151: {  	(pc) =	sbr.rel @p2 .LBB2_24-.Ltmp14, $4  }
0x152: {  	_ = 	snop  }
0x153: {  	v3 =	vadd.f32 v2, v3  }
0x154: {  	s21 =	sshra.s32 s20, $0x2  }
0x155: {  	s20 =	sadd.s32 $0x40, s20;
	v2 =	vld [tilespmem:s21+$0x10780];
	[tilespmem:s19+$0x10500] =	vst v3;
	s19 =	smov.u32 s21  }
0x156: {  	v3 =	vld [tilespmem:s19+$0x10500];
	_ =	sdelay $0x4  }
0x157: {  	v2 =	vadd.f32 v2, v3;
	_ =	sdelay $0x1  }
0x158: {  	s24 =	rddreg [dreg:$0xa];
	[tilespmem:s19+$0x10500] =	vst v2  }
0x159: {  	[tilespmem:s17], [sflag:$0x5] =	stream.linear.gather [spmem:s24], $0x280, $0x38;
	[tilespmem:$0x1D000] =	vst v63  }
0x15a: {  	_ =	swait.ge [sflag:s31], $0x280  }
0x15b: {  	[sflag:s31] =	ssyncset.done $0x0  }
0x15c: {  	s19 =	simm.s32 $0x0;
	[sflag:s31] =	ssyncadd.s32 $0xFFFFFD80  }
0x15d: {  	s20 =	simm.s32 $0x40;
	v2 =	vld [tilespmem:s19+$0x10780]  }
.LBB2_26:
0x15e: {  	p2 =	sne.s32 s20, $0x9C0;
	v3 =	vld [tilespmem:s19+$0x10500];
	_ =	sdelay $0x2  }
.Ltmp15:
0x15f: {  	(pc) =	sbr.rel @p2 .LBB2_26-.Ltmp15, $4  }
0x160: {  	_ = 	snop  }
0x161: {  	v3 =	vadd.f32 v2, v3  }
0x162: {  	s21 =	sshra.s32 s20, $0x2  }
0x163: {  	s20 =	sadd.s32 $0x40, s20;
	v2 =	vld [tilespmem:s21+$0x10780];
	[tilespmem:s19+$0x10500] =	vst v3;
	s19 =	smov.u32 s21  }
0x164: {  	v3 =	vld [tilespmem:s19+$0x10500];
	_ =	sdelay $0x4  }
0x165: {  	v2 =	vadd.f32 v2, v3;
	_ =	sdelay $0x1  }
0x166: {  	s24 =	rddreg [dreg:$0xb];
	[tilespmem:s19+$0x10500] =	vst v2  }
0x167: {  	[tilespmem:s17], [sflag:$0x5] =	stream.linear.gather [spmem:s24], $0x280, $0x38;
	[tilespmem:$0x1D000] =	vst v63  }
0x168: {  	_ =	swait.ge [sflag:s31], $0x280  }
0x169: {  	[sflag:s31] =	ssyncset.done $0x0  }
0x16a: {  	s19 =	simm.s32 $0x0;
	[sflag:s31] =	ssyncadd.s32 $0xFFFFFD80  }
0x16b: {  	s20 =	simm.s32 $0x40;
	v2 =	vld [tilespmem:s19+$0x10780]  }
.LBB2_28:
0x16c: {  	p2 =	sne.s32 s20, $0x9C0;
	v3 =	vld [tilespmem:s19+$0x10500];
	_ =	sdelay $0x2  }
.Ltmp16:
0x16d: {  	(pc) =	sbr.rel @p2 .LBB2_28-.Ltmp16, $4  }
0x16e: {  	_ = 	snop  }
0x16f: {  	v3 =	vadd.f32 v2, v3  }
0x170: {  	s21 =	sshra.s32 s20, $0x2  }
0x171: {  	s20 =	sadd.s32 $0x40, s20;
	v2 =	vld [tilespmem:s21+$0x10780];
	[tilespmem:s19+$0x10500] =	vst v3;
	s19 =	smov.u32 s21  }
0x172: {  	v3 =	vld [tilespmem:s19+$0x10500];
	_ =	sdelay $0x4  }
0x173: {  	v2 =	vadd.f32 v2, v3;
	_ =	sdelay $0x1  }
0x174: {  	s24 =	rddreg [dreg:$0xc];
	[tilespmem:s19+$0x10500] =	vst v2  }
0x175: {  	[tilespmem:s17], [sflag:$0x5] =	stream.linear.gather [spmem:s24], $0x280, $0x38;
	[tilespmem:$0x1D000] =	vst v63  }
0x176: {  	_ =	swait.ge [sflag:s31], $0x280  }
0x177: {  	[sflag:s31] =	ssyncset.done $0x0  }
0x178: {  	s19 =	simm.s32 $0x0;
	[sflag:s31] =	ssyncadd.s32 $0xFFFFFD80  }
0x179: {  	s20 =	simm.s32 $0x40;
	v2 =	vld [tilespmem:s19+$0x10780]  }
.LBB2_30:
0x17a: {  	p2 =	sne.s32 s20, $0x9C0;
	v3 =	vld [tilespmem:s19+$0x10500];
	_ =	sdelay $0x2  }
.Ltmp17:
0x17b: {  	(pc) =	sbr.rel @p2 .LBB2_30-.Ltmp17, $4  }
0x17c: {  	_ = 	snop  }
0x17d: {  	v3 =	vadd.f32 v2, v3  }
0x17e: {  	s21 =	sshra.s32 s20, $0x2  }
0x17f: {  	s20 =	sadd.s32 $0x40, s20;
	v2 =	vld [tilespmem:s21+$0x10780];
	[tilespmem:s19+$0x10500] =	vst v3;
	s19 =	smov.u32 s21  }
0x180: {  	v3 =	vld [tilespmem:s19+$0x10500];
	_ =	sdelay $0x4  }
0x181: {  	v2 =	vadd.f32 v2, v3;
	_ =	sdelay $0x1  }
0x182: {  	s24 =	rddreg [dreg:$0xd];
	[tilespmem:s19+$0x10500] =	vst v2  }
0x183: {  	[tilespmem:s17], [sflag:$0x5] =	stream.linear.gather [spmem:s24], $0x280, $0x38;
	[tilespmem:$0x1D000] =	vst v63  }
0x184: {  	_ =	swait.ge [sflag:s31], $0x280  }
0x185: {  	[sflag:s31] =	ssyncset.done $0x0  }
0x186: {  	s19 =	simm.s32 $0x0;
	[sflag:s31] =	ssyncadd.s32 $0xFFFFFD80  }
0x187: {  	s20 =	simm.s32 $0x40;
	v2 =	vld [tilespmem:s19+$0x10780]  }
.LBB2_32:
0x188: {  	p2 =	sne.s32 s20, $0x9C0;
	v3 =	vld [tilespmem:s19+$0x10500];
	_ =	sdelay $0x2  }
.Ltmp18:
0x189: {  	(pc) =	sbr.rel @p2 .LBB2_32-.Ltmp18, $4  }
0x18a: {  	_ = 	snop  }
0x18b: {  	v3 =	vadd.f32 v2, v3  }
0x18c: {  	s21 =	sshra.s32 s20, $0x2  }
0x18d: {  	s20 =	sadd.s32 $0x40, s20;
	v2 =	vld [tilespmem:s21+$0x10780];
	[tilespmem:s19+$0x10500] =	vst v3;
	s19 =	smov.u32 s21  }
0x18e: {  	v3 =	vld [tilespmem:s19+$0x10500];
	_ =	sdelay $0x4  }
0x18f: {  	v2 =	vadd.f32 v2, v3;
	_ =	sdelay $0x1  }
0x190: {  	s24 =	rddreg [dreg:$0xe];
	[tilespmem:s19+$0x10500] =	vst v2  }
0x191: {  	[tilespmem:s17], [sflag:$0x5] =	stream.linear.gather [spmem:s24], $0x280, $0x38;
	[tilespmem:$0x1D000] =	vst v63  }
0x192: {  	_ =	swait.ge [sflag:s31], $0x280  }
0x193: {  	[sflag:s31] =	ssyncset.done $0x0  }
0x194: {  	s19 =	simm.s32 $0x0;
	[sflag:s31] =	ssyncadd.s32 $0xFFFFFD80  }
0x195: {  	s20 =	simm.s32 $0x40;
	v2 =	vld [tilespmem:s19+$0x10780]  }
.LBB2_34:
0x196: {  	p2 =	sne.s32 s20, $0x9C0;
	v3 =	vld [tilespmem:s19+$0x10500];
	_ =	sdelay $0x2  }
.Ltmp19:
0x197: {  	(pc) =	sbr.rel @p2 .LBB2_34-.Ltmp19, $4  }
0x198: {  	_ = 	snop  }
0x199: {  	v3 =	vadd.f32 v2, v3  }
0x19a: {  	s21 =	sshra.s32 s20, $0x2  }
0x19b: {  	s20 =	sadd.s32 $0x40, s20;
	v2 =	vld [tilespmem:s21+$0x10780];
	[tilespmem:s19+$0x10500] =	vst v3;
	s19 =	smov.u32 s21  }
0x19c: {  	v3 =	vld [tilespmem:s19+$0x10500];
	_ =	sdelay $0x4  }
0x19d: {  	v2 =	vadd.f32 v2, v3;
	_ =	sdelay $0x1  }
0x19e: {  	s24 =	rddreg [dreg:$0xf];
	[tilespmem:s19+$0x10500] =	vst v2  }
0x19f: {  	[tilespmem:s17], [sflag:$0x5] =	stream.linear.gather [spmem:s24], $0x280, $0x38;
	[tilespmem:$0x1D000] =	vst v63  }
0x1a0: {  	_ =	swait.ge [sflag:s31], $0x280  }
0x1a1: {  	[sflag:s31] =	ssyncset.done $0x0  }
0x1a2: {  	s19 =	simm.s32 $0x0;
	[sflag:s31] =	ssyncadd.s32 $0xFFFFFD80  }
0x1a3: {  	s20 =	simm.s32 $0x40;
	v2 =	vld [tilespmem:s19+$0x10780]  }
.LBB2_36:
0x1a4: {  	p2 =	sne.s32 s20, $0x9C0;
	v3 =	vld [tilespmem:s19+$0x10500];
	_ =	sdelay $0x2  }
.Ltmp20:
0x1a5: {  	(pc) =	sbr.rel @p2 .LBB2_36-.Ltmp20, $4  }
0x1a6: {  	_ = 	snop  }
0x1a7: {  	v3 =	vadd.f32 v2, v3  }
0x1a8: {  	s21 =	sshra.s32 s20, $0x2  }
0x1a9: {  	s20 =	sadd.s32 $0x40, s20;
	v2 =	vld [tilespmem:s21+$0x10780];
	[tilespmem:s19+$0x10500] =	vst v3;
	s19 =	smov.u32 s21  }
0x1aa: {  	v3 =	vld [tilespmem:s19+$0x10500];
	_ =	sdelay $0x4  }
0x1ab: {  	v2 =	vadd.f32 v2, v3;
	_ =	sdelay $0x1  }
0x1ac: {  	s24 =	rddreg [dreg:$0x11];
	[tilespmem:s19+$0x10500] =	vst v2  }
0x1ad: {  	[tilespmem:s17], [sflag:$0x5] =	stream.linear.gather [spmem:s24], $0x280, $0x38;
	[tilespmem:$0x1D000] =	vst v63  }
0x1ae: {  	_ =	swait.ge [sflag:s31], $0x280  }
0x1af: {  	[sflag:s31] =	ssyncset.done $0x0  }
0x1b0: {  	s19 =	simm.s32 $0x0;
	[sflag:s31] =	ssyncadd.s32 $0xFFFFFD80  }
0x1b1: {  	s20 =	simm.s32 $0x40;
	v2 =	vld [tilespmem:s19+$0x10780]  }
.LBB2_38:
0x1b2: {  	p2 =	sne.s32 s20, $0x9C0;
	v3 =	vld [tilespmem:s19+$0x10500];
	_ =	sdelay $0x2  }
.Ltmp21:
0x1b3: {  	(pc) =	sbr.rel @p2 .LBB2_38-.Ltmp21, $4  }
0x1b4: {  	_ = 	snop  }
0x1b5: {  	v3 =	vadd.f32 v2, v3  }
0x1b6: {  	s21 =	sshra.s32 s20, $0x2  }
0x1b7: {  	s20 =	sadd.s32 $0x40, s20;
	v2 =	vld [tilespmem:s21+$0x10780];
	[tilespmem:s19+$0x10500] =	vst v3;
	s19 =	smov.u32 s21  }
0x1b8: {  	v3 =	vld [tilespmem:s19+$0x10500];
	_ =	sdelay $0x4  }
0x1b9: {  	v2 =	vadd.f32 v2, v3;
	_ =	sdelay $0x1  }
0x1ba: {  	[tilespmem:s19+$0x10500] =	vst v2  }
0x1bb: {  	[tilespmem:s17], [sflag:$0x5] =	stream.linear.gather [spmem:s28], $0x280, $0x38;
	[tilespmem:$0x1D000] =	vst v63  }
0x1bc: {  	_ =	swait.ge [sflag:s31], $0x280  }
0x1bd: {  	[sflag:s31] =	ssyncset.done $0x0  }
0x1be: {  	s19 =	simm.s32 $0x0;
	[sflag:s31] =	ssyncadd.s32 $0xFFFFFD80  }
0x1bf: {  	s20 =	simm.s32 $0x40;
	v2 =	vld [tilespmem:s19+$0x10780]  }
.LBB2_40:
0x1c0: {  	p2 =	sne.s32 s20, $0x9C0;
	v3 =	vld [tilespmem:s19+$0x10500];
	_ =	sdelay $0x2  }
.Ltmp22:
0x1c1: {  	(pc) =	sbr.rel @p2 .LBB2_40-.Ltmp22, $4  }
0x1c2: {  	_ = 	snop  }
0x1c3: {  	v3 =	vadd.f32 v2, v3  }
0x1c4: {  	s21 =	sshra.s32 s20, $0x2  }
0x1c5: {  	s20 =	sadd.s32 $0x40, s20;
	v2 =	vld [tilespmem:s21+$0x10780];
	[tilespmem:s19+$0x10500] =	vst v3;
	s19 =	smov.u32 s21  }
0x1c6: {  	v3 =	vld [tilespmem:s19+$0x10500];
	_ =	sdelay $0x4  }
0x1c7: {  	v2 =	vadd.f32 v2, v3;
	_ =	sdelay $0x1  }
0x1c8: {  	[tilespmem:s19+$0x10500] =	vst v2  }
0x1c9: {  	[tilespmem:s17], [sflag:$0x5] =	stream.linear.gather [spmem:s29], $0x280, $0x38;
	[tilespmem:$0x1D000] =	vst v63  }
0x1ca: {  	_ =	swait.ge [sflag:s31], $0x280  }
0x1cb: {  	[sflag:s31] =	ssyncset.done $0x0  }
0x1cc: {  	s19 =	simm.s32 $0x0;
	[sflag:s31] =	ssyncadd.s32 $0xFFFFFD80  }
0x1cd: {  	s20 =	simm.s32 $0x40;
	v2 =	vld [tilespmem:s19+$0x10780]  }
.LBB2_42:
0x1ce: {  	p2 =	sne.s32 s20, $0x9C0;
	v3 =	vld [tilespmem:s19+$0x10500];
	_ =	sdelay $0x2  }
.Ltmp23:
0x1cf: {  	(pc) =	sbr.rel @p2 .LBB2_42-.Ltmp23, $4  }
0x1d0: {  	_ = 	snop  }
0x1d1: {  	v3 =	vadd.f32 v2, v3  }
0x1d2: {  	s21 =	sshra.s32 s20, $0x2  }
0x1d3: {  	s20 =	sadd.s32 $0x40, s20;
	v2 =	vld [tilespmem:s21+$0x10780];
	[tilespmem:s19+$0x10500] =	vst v3;
	s19 =	smov.u32 s21  }
0x1d4: {  	v3 =	vld [tilespmem:s19+$0x10500];
	_ =	sdelay $0x4  }
0x1d5: {  	v2 =	vadd.f32 v2, v3;
	_ =	sdelay $0x1  }
0x1d6: {  	[tilespmem:s19+$0x10500] =	vst v2  }
0x1d7: {  	[tilespmem:s17], [sflag:$0x5] =	stream.linear.gather [spmem:s30], $0x280, $0x38;
	[tilespmem:$0x1D000] =	vst v63  }
0x1d8: {  	_ =	swait.ge [sflag:s31], $0x280  }
0x1d9: {  	[sflag:s31] =	ssyncset.done $0x0  }
0x1da: {  	s19 =	simm.s32 $0x0;
	[sflag:s31] =	ssyncadd.s32 $0xFFFFFD80  }
0x1db: {  	s21 =	simm.s32 $0x40;
	s20 =	simm.s32 $0x0;
	v2 =	vld [tilespmem:s19+$0x10780]  }
.LBB2_44:
0x1dc: {  	p2 =	sne.s32 s21, $0x9C0;
	v3 =	vld [tilespmem:s20+$0x10500];
	_ =	sdelay $0x2  }
.Ltmp24:
0x1dd: {  	(pc) =	sbr.rel @p2 .LBB2_44-.Ltmp24, $4  }
0x1de: {  	_ = 	snop  }
0x1df: {  	v3 =	vadd.f32 v2, v3  }
0x1e0: {  	s23 =	sshra.s32 s21, $0x2  }
0x1e1: {  	s21 =	sadd.s32 $0x40, s21;
	v2 =	vld [tilespmem:s23+$0x10780];
	[tilespmem:s20+$0x10500] =	vst v3;
	s20 =	smov.u32 s23  }
0x1e2: {  	v3 =	vld [tilespmem:s20+$0x10500];
	_ =	sdelay $0x4  }
0x1e3: {  	v2 =	vadd.f32 v2, v3;
	_ =	sdelay $0x1  }
0x1e4: {  	[tilespmem:s20+$0x10500] =	vst v2;
	s20 =	simm.s32 $0x40  }
.LBB2_46:
0x1e5: {  	p2 =	sne.s32 s20, $0x9C0;
	v2 =	vld [tilespmem:s19+$0x10500];
	_ =	sdelay $0x4  }
0x1e6: {  	v2 =	vmax.f32 v2, $1.000000000e+00  }
0x1e7: {  	(erf) = vrcp.f32 v2;
	_ =	sdelay $0x5  }
.Ltmp25:
0x1e8: {  	(pc) =	sbr.rel @p2 .LBB2_46-.Ltmp25, $3  }
0x1e9: {  	_ =	sdelay $0x1  }
0x1ea: {  	v2 =	vpop (erf)  }
0x1eb: {  	[tilespmem:s19+$0x10500] =	vst v2;
	s19 =	sshra.s32 s20, $0x2;
	s20 =	sadd.s32 $0x40, s20  }
0x1ec: {  	v2 =	vld [tilespmem:s19+$0x10500];
	_ =	sdelay $0x4  }
0x1ed: {  	v2 =	vmax.f32 v2, $1.000000000e+00  }
0x1ee: {  	(erf) = vrcp.f32 v2;
	_ =	sdelay $0x8  }
0x1ef: {  	s24 =	simm.s32 $0x0;
	v2 =	vpop (erf)  }
.Ltmp26:
0x1f0: {  	s20 =	rddreg [dreg:$0x10];
	s21 =	simm.s32 $0x10500;
	[tilespmem:s19+$0x10500] =	vst v2;
	(pc) =	sbr.rel .LBB2_49-.Ltmp26, $4  }
0x1f1: {  	[hbm4b:s20+s24] =	stream.linear.scatter [tilespmem:s21], [sflag:$0x5], $0x280, $0x38;
	[tilespmem:$0x1D000] =	vst v63  }
0x1f2: {  	_ =	swait.ge [sflag:s31], $0x280  }
0x1f3: {  	[sflag:s31] =	ssyncset.done $0x0  }
0x1f4: {  	[sflag:s31] =	ssyncadd.s32 $0xFFFFFD80  }
.LBB2_50:
0x1f5: {  	_ =	sfence.sel $0x180000  }
0x1f6: {  	[bflag:$0x0] =	sbarrier.arrive $0xFFFF  }
0x1f7: {  	_ =	strace $0x90000047  }
0x1f8: {  	[bflag:$0x2] =	sbarrier.arrive $0xFFFF  }
0x1f9: {  	p0 =	sne.s32 s1, $0x0;
	s0 =	rddreg [dreg:$0x3]  }
0x1fa: {  	s0 =	sadd.s32 @!p0 $0x100000, s0  }
0x1fb: {  	[sflag:s0] =	ssyncadd.tile.s32 @!p0 $0x1;
	_ =	shalt  }
.Lfunc_end2:
_tile_overlayer_lowered:
.L_overlay_start_2:
0x1fc: {  	(tag) =	ssettag $0x2  }
0x1fd: {  	s0 =	rddreg [dreg:$0x0];
	s2 =	stileid.u32  }
0x1fe: {  	s1 =	rddreg [dreg:$0x1];
	p0 =	sne.s32 s2, $0x0  }
0x1ff: {  	s3 =	rddreg [dreg:$0x2];
	[bflag:$0x3] =	sbarrier.arrive $0xFFFF;
	s2 =	simm.s32 @!p0 $0x1C05  }
0x200: {  	[timem:s3], [sflag:s2] =	dma.local @!p0 [hbm:s0], s1  }
0x201: {  	s0 =	simm.s32 @!p0 $0x5  }
0x202: {  	_ =	swait.ge @!p0 [sflag:s0], s1  }
0x203: {  	s1 =	ssub.s32 @!p0 $0x0, s1;
	[sflag:s0] =	ssyncset.done @!p0 $0x0  }
0x204: {  	[sflag:s0] =	ssyncadd.s32 @!p0 s1  }
0x205: {  	[bflag:$0x3] =	sbarrier.arrive $0xFFFF  }
0x206: {  	_ =	shalt  }

// kernel: kernel.9.cloned.1.call-start
scs
__scs_entry_jumppad:
0x0: {  	(pc) =	sbr.rel $0x88, $3  }
0x1: {  	(tag) =	ssettag $0x0;
	lr =	simm.s32 $0x1  }
0x2: {  	[smem:$0x3F90] =	sst lr;
	_ =	strace $0xD0000000  }
0x3: {  	_ = 	snop  }
0x4: {  	_ = 	snop  }
0x5: {  	_ = 	snop  }
0x6: {  	_ = 	snop  }
0x7: {  	_ = 	snop  }
__scs_overlays_trampoline_lowered:
0x8: {  	[smem:$0x3F9F] =	sst s0  }
0x9: {  	[smem:$0x3FA0] =	sst s1  }
0xa: {  	[smem:$0x3FA1] =	sst s2  }
0xb: {  	[smem:$0x3FA2] =	sst s3  }
0xc: {  	[smem:$0x3FA3] =	sst s4  }
0xd: {  	[smem:$0x3FA4] =	sst s5  }
0xe: {  	[smem:$0x3FA5] =	sst s6  }
0xf: {  	[smem:$0x3FA6] =	sst s7  }
0x10: {  	[smem:$0x3FA7] =	sst s8  }
0x11: {  	[smem:$0x3FA8] =	sst s9;
	s0 =	simm.s32 @!p0 $0x0  }
0x12: {  	s1 =	sld [smem:$0x3F8E];
	s0 =	simm.s32 @p0 $0x1  }
0x13: {  	[smem:$0x3FA9] =	sst s0;
	s0 =	simm.s32 @!p1 $0x0  }
0x14: {  	s2 =	sld [smem:$0x3F8D];
	s0 =	simm.s32 @p1 $0x1  }
0x15: {  	[smem:$0x3FAA] =	sst s0;
	s0 =	simm.s32 @!p2 $0x0  }
0x16: {  	s3 =	sld [smem:$0x3FDB];
	s0 =	simm.s32 @p2 $0x1  }
0x17: {  	s4 =	simm.s32 $0x1BF5;
	[smem:$0x3FAC] =	sst s0  }
0x18: {  	s0 =	sld [smem:$0x3F8F];
	_ =	swait.ge [sflag:s4], $0x0  }
0x19: {  	s7 =	sld [smem:$0x3F90]  }
0x1a: {  	s8 =	sadd.s32 $0xFFFFE003, lr  }
0x1b: {  	s9 =	sadd.s32 $0xFFFFFEF7, lr;
	s5 =	simm.s32 $0xFFFFFFFF;
	p2 =	slt.u32 s8, $0xFFFFF086  }
0x1c: {  	p1 =	slt.u32 s9, $0xF7A;
	s5 =	simm.s32 @!p2 $0x0  }
0x1d: {  	s5 =	simm.s32 @p1 $0x1;
	p0 =	seq.s32 s7, s2  }
0x1e: {  	s7 =	smul.u32 @!p0 $0xF7A, s2;
	p2 =	seq.s32 @!p0 s5, $0x0  }
0x1f: {  	s9 =	smul.u32 $0xF7A, s1;
	s8 =	simm.s32 @!p0 $0x1BF5;
	p2 =	por !p2, p0  }
0x20: {  	[sflag:s8] =	ssyncset.s32 @!p0 $0xFFFFF086;
	s6 =	sadd.s32 @!p0 s3, s7;
	s7 =	simm.s32 @!p0 $0x108  }
0x21: {  	s3 =	sadd.s32 s3, s9;
	s6 =	sadd.s32 @!p0 $0x88, s6;
	s7 =	simm.s32 @p2 $0x1082  }
0x22: {  	[simem:s7], [sflag:s8] =	dma.local @!p0 [hbm:s6], $0xF7A  }
0x23: {  	s9 =	sor.u32 $0xD0000000, s2;
	s6 =	simm.s32 $0x108;
	_ =	swait.ge @!p0 [sflag:s8], $0x0  }
0x24: {  	s3 =	sadd.s32 $0x88, s3;
	s6 =	simm.s32 @!p1 $0x1082;
	[sflag:s4] =	ssyncset.s32 $0xFFFFF086  }
0x25: {  	[simem:s6], [sflag:s4] =	dma.local [hbm:s3], $0xF7A  }
0x26: {  	[smem:$0x3F90] =	sst s1;
	(tag) =	ssettag s2;
	_ =	strace s9  }
0x27: {  	s1 =	sld [smem:$0x3FA0]  }
0x28: {  	s2 =	sld [smem:$0x3FA1]  }
0x29: {  	s4 =	sld [smem:$0x3FA3]  }
0x2a: {  	p0 =	seq.s32 s5, $0x0;
	s5 =	sld [smem:$0x3FA4]  }
0x2b: {  	s6 =	sld [smem:$0x3FA5]  }
0x2c: {  	s7 =	sld [smem:$0x3FA6]  }
0x2d: {  	s3 =	simm.s32 $0x108;
	s8 =	sld [smem:$0x3FA7]  }
0x2e: {  	s3 =	simm.s32 @!p0 $0x1082;
	s9 =	sld [smem:$0x3FA8]  }
0x2f: {  	lr =	sadd.s32 s0, s3;
	s0 =	sld [smem:$0x3F9F]  }
0x30: {  	s3 =	sld [smem:$0x3FA2]  }
0x31: {  	[smem:$0x3FAB] =	sst s10  }
0x32: {  	s10 =	sld [smem:$0x3FA9];
	_ =	sdelay $0x3  }
0x33: {  	p0 =	seq.s32 s10, $0x1;
	s10 =	sld [smem:$0x3FAB];
	_ =	sdelay $0x3  }
0x34: {  	[smem:$0x3FAB] =	sst s10  }
0x35: {  	s10 =	sld [smem:$0x3FAA];
	_ =	sdelay $0x3  }
0x36: {  	p1 =	seq.s32 s10, $0x1;
	s10 =	sld [smem:$0x3FAB];
	_ =	sdelay $0x3  }
0x37: {  	[smem:$0x3FAB] =	sst s10  }
0x38: {  	s10 =	sld [smem:$0x3FAC]  }
0x39: {  	_ = 	snop;
	(pc) =	sbr.ind lr, $3  }
0x3a: {  	_ = 	snop  }
0x3b: {  	_ = 	snop  }
0x3c: {  	p2 =	seq.s32 s10, $0x1;
	s10 =	sld [smem:$0x3FAB]  }
0x3d: {  	_ =	shalt  }
0x3e: {  	_ =	shalt  }
0x3f: {  	_ =	shalt  }
0x40: {  	_ =	shalt  }
0x41: {  	_ =	shalt  }
0x42: {  	_ =	shalt  }
0x43: {  	_ =	shalt  }
0x44: {  	_ =	shalt  }
0x45: {  	_ =	shalt  }
0x46: {  	_ =	shalt  }
0x47: {  	_ =	shalt  }
0x48: {  	_ =	shalt  }
0x49: {  	_ =	shalt  }
0x4a: {  	_ =	shalt  }
0x4b: {  	_ =	shalt  }
0x4c: {  	_ =	shalt  }
0x4d: {  	_ =	shalt  }
0x4e: {  	_ =	shalt  }
0x4f: {  	_ =	shalt  }
0x50: {  	_ =	shalt  }
0x51: {  	_ =	shalt  }
0x52: {  	_ =	shalt  }
0x53: {  	_ =	shalt  }
0x54: {  	_ =	shalt  }
0x55: {  	_ =	shalt  }
0x56: {  	_ =	shalt  }
0x57: {  	_ =	shalt  }
0x58: {  	_ =	shalt  }
0x59: {  	_ =	shalt  }
0x5a: {  	_ =	shalt  }
0x5b: {  	_ =	shalt  }
0x5c: {  	_ =	shalt  }
0x5d: {  	_ =	shalt  }
0x5e: {  	_ =	shalt  }
0x5f: {  	_ =	shalt  }
0x60: {  	_ =	shalt  }
0x61: {  	_ =	shalt  }
0x62: {  	_ =	shalt  }
0x63: {  	_ =	shalt  }
0x64: {  	_ =	shalt  }
0x65: {  	_ =	shalt  }
0x66: {  	_ =	shalt  }
0x67: {  	_ =	shalt  }
0x68: {  	_ =	shalt  }
0x69: {  	_ =	shalt  }
0x6a: {  	_ =	shalt  }
0x6b: {  	_ =	shalt  }
0x6c: {  	_ =	shalt  }
0x6d: {  	_ =	shalt  }
0x6e: {  	_ =	shalt  }
0x6f: {  	_ =	shalt  }
0x70: {  	_ =	shalt  }
0x71: {  	_ =	shalt  }
0x72: {  	_ =	shalt  }
0x73: {  	_ =	shalt  }
0x74: {  	_ =	shalt  }
0x75: {  	_ =	shalt  }
0x76: {  	_ =	shalt  }
0x77: {  	_ =	shalt  }
0x78: {  	_ =	shalt  }
0x79: {  	_ =	shalt  }
0x7a: {  	_ =	shalt  }
0x7b: {  	_ =	shalt  }
0x7c: {  	_ =	shalt  }
0x7d: {  	_ =	shalt  }
0x7e: {  	_ =	shalt  }
0x7f: {  	_ =	shalt  }
0x80: {  	_ =	shalt  }
0x81: {  	_ =	shalt  }
0x82: {  	_ =	shalt  }
0x83: {  	_ =	shalt  }
0x84: {  	_ =	shalt  }
0x85: {  	_ =	shalt  }
0x86: {  	_ =	shalt  }
0x87: {  	_ =	shalt  }
.Lfunc_end0:
.L_simem_size_0:
called_computation.1_lowered:
.L_overlay_start_0:
0x88: {  	s2 =	sld [smem:$0x3FD9]  }
0x89: {  	s3 =	sld [smem:$0x3FFE];
	_ =	sdelay $0x1  }
0x8a: {  	s1 =	srdreg.scid  }
0x8b: {  	s0 =	sand.u32 $0x1, s1  }
0x8c: {  	s16 =	sshll.u32 s0, $0xA;
	s2 =	sadd.s32 s3, s2  }
0x8d: {  	s2 =	sadd.s32 s2, s16  }
0x8e: {  	[smem:$0x3FB7] =	sst s2  }
0x8f: {  	_ = 	snop  }
0x90: {  	(tm) =	ssettm $0x1  }
0x91: {  	s17 =	sld [smem:$0x3FFB];
	_ =	sdelay $0x3  }
0x92: {  	_ =	strace s17  }
0x93: {  	s2 =	sld [smem:$0x3FFC];
	_ =	sdelay $0x3  }
0x94: {  	_ =	strace s2  }
0x95: {  	s2 =	sld [smem:$0x3FFD];
	_ =	sdelay $0x3  }
0x96: {  	_ =	strace s2  }
0x97: {  	_ =	strace $0x8FFFFFFF  }
0x98: {  	s18 =	sld [smem:$0x3FDB];
	_ =	sdelay $0x1  }
0x99: {  	s19 =	simm.s32 $_scs_section_size  }
0x9a: {  	s4 =	simm.s32 $_size__tile_overlayer_lowered;
	s5 =	simm.s32 $_tile_overlayer_lowered  }
0x9b: {  	s22 =	simm.s32 $0x1BFF;
	s21 =	sshll.u32 s5, $0x1;
	s2 =	sadd.s32 s19, s18  }
0x9c: {  	s6 =	simm.s32 $0x0;
	s20 =	sshll.u32 s4, $0x1;
	s4 =	sadd.s32 s21, s2  }
0x9d: {  	[timem:s6], [sflag:s22] =	dma.local [hbm:s4], s20  }
0x9e: {  	_ =	swait.ge [sflag:s22], s20  }
0x9f: {  	s3 =	ssub.s32 $0x0, s20;
	[sflag:s22] =	ssyncset.done $0x0  }
0xa0: {  	[sflag:s22] =	ssyncadd.s32 s3;
	_ =	sdelay $0x1  }
0xa1: {  	s23 =	simm.s32 $0x1B8B  }
0xa2: {  	_ =	swait.ge [sflag:s23], $0x1  }
0xa3: {  	[sflag:s23] =	ssyncset.done $0x0  }
0xa4: {  	s25 =	simm.s32 $0x1B8E;
	s24 =	sld [smem:$0x3FFE];
	[sflag:s23] =	ssyncadd.s32 $0xFFFFFFFF  }
0xa5: {  	s26 =	simm.s32 $execute0_lowered;
	[smem:$0x3FD2] =	sst s25  }
0xa6: {  	s4 =	sshll.u32 s26, $0x1;
	_ =	strace $0x80000049;
	[dreg:$0x1] =	wrdreg $0xFFFFFFFF  }
0xa7: {  	s28 =	simm.s32 $_size_execute0_lowered;
	s2 =	sadd.s32 s2, s4;
	[dreg:$0x0] =	wrdreg $0x0  }
0xa8: {  	s4 =	sshll.u32 s28, $0x1;
	[dreg:$0x2] =	wrdreg s2  }
0xa9: {  	[dreg:$0x3] =	wrdreg s4  }
0xaa: {  	[dreg:$0x4] =	wrdreg $0xC0  }
0xab: {  	_ =	task [dreg:s6], $0x5FFFF  }
0xac: {  	[dreg:$0x1] =	wrdreg $0xFFFFFFFF  }
0xad: {  	[dreg:$0x0] =	wrdreg $0x60  }
0xae: {  	[dreg:$0x2] =	wrdreg s24  }
0xaf: {  	[dreg:$0x3] =	wrdreg $0x132000  }
0xb0: {  	[dreg:$0x4] =	wrdreg $0x1D0000  }
0xb1: {  	[dreg:$0x5] =	wrdreg $0x9  }
0xb2: {  	_ =	task.clear_ibuf [dreg:s6], $0x6FFFF;
	_ =	strace $0x90000049  }
0xb3: {  	s29 =	simm.s32 $0x9;
	_ =	strace $0x8000004B  }
0xb4: {  	_ =	swait.ge [sflag:s29], $0x1  }
0xb5: {  	[sflag:s29] =	ssyncadd.s32 $0xFFFFFFFF  }
0xb6: {  	_ =	strace $0x9000004B  }
0xb7: {  	_ =	sfence  }
0xb8: {  	s30 =	sld [smem:$0x0];
	_ =	sdelay $0x2  }
0xb9: {  	s31 =	sshll.u32 s1, $0xD;
	s1 =	sshrl.u32 s1, $0x2  }
0xba: {  	s3 =	sand.u32 $0x4000, s31;
	s1 =	sadd.s32 s1, s30  }
0xbb: {  	s0 =	sor.u32 s3, s0;
	s1 =	sshll.u32 s1, $0x11  }
0xbc: {  	s0 =	sor.u32 s1, s0  }
0xbd: {  	s0 =	sadd.s32 $0x8F2B, s0  }
0xbe: {  	[sflag:s0] =	ssyncadd.remote.s32 $0x1  }
0xbf: {  	_ =	sfence.sel $0xFFFF  }
0xc0: {  	[dreg:$0x0] =	wrdreg $0xFFFFFFFF;
	(pc) =	sbr.abs _section_cstart, $3  }
0xc1: {  	[dreg:$0x1] =	wrdreg $0xFFFFFFFF  }
0xc2: {  	_ =	task.clear_ibuf [dreg:s6], $0x2FFFF;
	_ =	strace $0x9FFFFFFF  }
0xc3: {  	(tm) =	ssettm $0x7FFFFFFF  }
tec
execute0_lowered:
.L_overlay_start_1:
0x0: {  	(tag) =	ssettag $0x1  }
0x1: {  	s0 =	rddreg [dreg:$0x0]  }
0x2: {  	s2 =	rddreg [dreg:$0x1]  }
0x3: {  	s3 =	rddreg [dreg:$0x2]  }
0x4: {  	s30 =	stileid.u32;
	s1 =	simm.s32 $0x0;
	s7 =	srdreg.scid  }
0x5: {  	s5 =	smul.u32 $0x9C, s30;
	[smem:$0x7FF] =	sst s1;
	s6 =	smin.u32 s30, $0x4  }
0x6: {  	s4 =	sadd.s32 $0x7C200, s0;
	s7 =	sand.u32 $0x1, s7;
	s12 =	smul.u32 $0x280, s30  }
0x7: {  	s26 =	sadd.s32 $0x68200, s0;
	p0 =	slt.u32 s30, $0x4;
	s15 =	smul.u32 $0x9E00, s30  }
0x8: {  	s16 =	smul.u32 $0xA000, s30;
	p1 =	sgt.u32 s30, $0x3;
	_ =	strace $0x8000004A  }
0x9: {  	s8 =	smul.u32 $0x13C00, s7;
	s9 =	ssub.s32 $0x2, s7;
	[dreg:$0x4] =	wrdreg s26  }
0xa: {  	s6 =	sadd.s32 s6, s5;
	s5 =	sadd.s32 $0x68800, s0;
	s16 =	sshrl.u32 s16, $0x2  }
0xb: {  	s11 =	sshrl.u32 s12, $0x3;
	s12 =	sadd.s32 s12, s3;
	s28 =	sadd.s32 s16, s3  }
0xc: {  	s13 =	sshrl.u32 s9, $0x1;
	s29 =	sadd.s32 $0x2800, s12;
	[dreg:$0x5] =	wrdreg s28  }
0xd: {  	s6 =	sshll.u32 s6, $0x4;
	s31 =	sadd.s32 $0x5000, s12;
	[dreg:$0x6] =	wrdreg s29  }
0xe: {  	s14 =	sadd.s32 s8, s0;
	s3 =	sadd.s32 $0x7800, s12;
	[dreg:$0x7] =	wrdreg s31  }
0xf: {  	s13 =	ssub.s32 s9, s13;
	s16 =	sadd.s32 $0xA000, s12;
	[dreg:$0x8] =	wrdreg s3  }
0x10: {  	s8 =	simm.s32 $0x9D;
	s17 =	sadd.s32 $0xC800, s12;
	[dreg:$0x9] =	wrdreg s16  }
0x11: {  	s18 =	sadd.s32 $0xF000, s12;
	s19 =	sadd.s32 $0x11800, s12;
	[dreg:$0xa] =	wrdreg s17  }
0x12: {  	s20 =	sadd.s32 $0x14000, s12;
	s21 =	sadd.s32 $0x16800, s12;
	[dreg:$0xb] =	wrdreg s18  }
0x13: {  	s23 =	sadd.s32 $0x19000, s12;
	s24 =	sadd.s32 $0x1B800, s12;
	[dreg:$0xc] =	wrdreg s19  }
0x14: {  	s26 =	sadd.s32 $0x1E000, s12;
	s10 =	sadd.s32 s6, s0;
	[dreg:$0xd] =	wrdreg s20  }
0x15: {  	s6 =	sadd.s32 $0x3F000, s0;
	s0 =	sadd.s32 s11, s0;
	[dreg:$0xe] =	wrdreg s21  }
0x16: {  	s8 =	simm.s32 @!p0 $0x9C;
	s11 =	sadd.s32 s15, s2;
	[dreg:$0x10] =	wrdreg s23  }
0x17: {  	s14 =	sadd.s32 $0x8FC00, s14;
	s15 =	sshrl.u32 s15, $0x3;
	[dreg:$0x11] =	wrdreg s24  }
0x18: {  	p0 =	sne.s32 s7, $0x0;
	s25 =	smax.u32 s13, $0x1;
	[dreg:$0x12] =	wrdreg s26  }
0x19: {  	s28 =	sadd.s32 $0x20800, s12;
	s29 =	sadd.s32 $0x23000, s12;
	s31 =	sadd.s32 $0x25800, s12  }
0x1a: {  	s3 =	simm.s32 $0x5;
	s7 =	simm.s32 $0x10500;
	s13 =	simm.s32 $0x80  }
0x1b: {  	s16 =	simm.s32 $0x1;
	s17 =	simm.s32 $0xDD00;
	s18 =	simm.s32 $0x3  }
.Ltmp0:
0x1c: {  	s19 =	simm.s32 $0x2;
	s20 =	simm.s32 $0x4;
	(pc) =	sbr.rel .LBB2_1-.Ltmp0, $4  }
0x1d: {  	s21 =	simm.s32 $0x12F80;
	s23 =	simm.s32 $0x0;
	[dreg:$0x13] =	wrdreg s28  }
0x1e: {  	s9 =	sadd.s32 $0x35200, s10;
	s10 =	sadd.s32 $0x2B400, s10;
	[dreg:$0x14] =	wrdreg s29  }
0x1f: {  	s22 =	sadd.s32 s15, s14;
	s0 =	sadd.s32 $0x67600, s0;
	[dreg:$0x15] =	wrdreg s31  }
0x20: {  	v0 =	vimm.f32 $0.0e+00;
	s14 =	simm.s32 $0x9D00;
	s15 =	simm.s32 $0xBD00;
	[dreg:$0xf] =	wrdreg s0  }
.LBB2_46:
0x21: {  	[bflag:$0x0] =	sbarrier.arrive $0xFFFF  }
.LBB2_47:
0x22: {  	s23 =	sadd.s32 $0x1, s23  }
0x23: {  	p2 =	sne.s32 s23, s25  }
.Ltmp1:
0x24: {  	_ = 	snop;
	(pc) =	sbr.rel @!p2 .LBB2_48-.Ltmp1, $1  }
0x25: {  	_ =	sdelay $0x3  }
.LBB2_1:
0x26: {  	s24 =	simm.s32 @p1 $0x0;
	s26 =	simm.s32 @p1 $0x5  }
0x27: {  	[tilespmem:s24], [sflag:$0x5] =	stream.linear.gather @p1 [hbm4b:s9+s24], $0x4E00, $0x38;
	[tilespmem:$0x1F800] =	vst v63  }
0x28: {  	_ =	swait.ge @p1 [sflag:s26], $0x4E00  }
0x29: {  	[sflag:s26] =	ssyncset.done @p1 $0x0  }
0x2a: {  	s28 =	simm.s32 @p1 $0x4E80;
	[sflag:s26] =	ssyncadd.s32 @p1 $0xFFFFB200  }
0x2b: {  	[tilespmem:s28], [sflag:$0x5] =	stream.linear.gather @p1 [hbm4b:s10+s24], $0x4E00, $0x38;
	[tilespmem:$0x1F800] =	vst v63  }
0x2c: {  	_ =	swait.ge @p1 [sflag:s26], $0x4E00  }
0x2d: {  	[sflag:s26] =	ssyncset.done @p1 $0x0  }
0x2e: {  	s24 =	simm.s32 @!p1 $0x0;
	[sflag:s26] =	ssyncadd.s32 @p1 $0xFFFFB200;
	s26 =	simm.s32 @!p1 $0x5  }
0x2f: {  	[tilespmem:s24], [sflag:$0x5] =	stream.linear.gather @!p1 [hbm4b:s9+s24], $0x4E80, $0x38;
	[tilespmem:$0x1F800] =	vst v63  }
0x30: {  	_ =	swait.ge @!p1 [sflag:s26], $0x4E80  }
0x31: {  	[sflag:s26] =	ssyncset.done @!p1 $0x0  }
0x32: {  	s28 =	simm.s32 @!p1 $0x4E80;
	[sflag:s26] =	ssyncadd.s32 @!p1 $0xFFFFB180  }
0x33: {  	[tilespmem:s28], [sflag:$0x5] =	stream.linear.gather @!p1 [hbm4b:s10+s24], $0x4E80, $0x38;
	[tilespmem:$0x1F800] =	vst v63  }
0x34: {  	s31 =	sshll.u32 s30, $0x6;
	_ =	swait.ge @!p1 [sflag:s26], $0x4E80  }
0x35: {  	s24 =	sor.u32 $0x1C05, s31;
	[sflag:s26] =	ssyncset.done @!p1 $0x0  }
.Ltmp2:
0x36: {  	[sflag:s26] =	ssyncadd.s32 @!p1 $0xFFFFB180;
	s26 =	sshrl.u32 s11, $0x3;
	(pc) =	sbr.rel @p0 .LBB2_8-.Ltmp2, $4  }
0x37: {  	[spmem:s26], [sflag:s24] =	dma.local [hbm:s6], $0x13C0  }
0x38: {  	_ =	swait.ge [sflag:s3], $0x13C0  }
0x39: {  	[sflag:s3] =	ssyncset.done $0x0  }
0x3a: {  	[sflag:s3] =	ssyncadd.s32 $0xFFFFEC40  }
0x3b: {  	s28 =	simm.s32 $0x0;
	s0 =	rddreg [dreg:$0x4]  }
0x3c: {  	[tilespmem:s7], [sflag:$0x5] =	stream.linear.gather [hbm4b:s0+s28], $0x2800, $0x38;
	[tilespmem:$0x1F800] =	vst v63  }
0x3d: {  	_ =	swait.ge [sflag:s3], $0x2800  }
0x3e: {  	[sflag:s3] =	ssyncset.done $0x0  }
0x3f: {  	[sflag:s3] =	ssyncadd.s32 $0xFFFFD800  }
0x40: {  	[tilespmem:$0x12C10] =	vst v0  }
0x41: {  	[tilespmem:$0x12C20] =	vst v0  }
0x42: {  	[tilespmem:$0x12C30] =	vst v0  }
0x43: {  	[tilespmem:$0x12C40] =	vst v0  }
0x44: {  	[tilespmem:$0x12C50] =	vst v0  }
0x45: {  	[tilespmem:$0x12C60] =	vst v0  }
0x46: {  	[tilespmem:$0x12C70] =	vst v0  }
0x47: {  	[tilespmem:$0x12C80] =	vst v0  }
0x48: {  	[tilespmem:$0x12C90] =	vst v0  }
0x49: {  	[tilespmem:$0x12CA0] =	vst v0  }
0x4a: {  	[tilespmem:$0x12CB0] =	vst v0  }
0x4b: {  	[tilespmem:$0x12CC0] =	vst v0  }
0x4c: {  	[tilespmem:$0x12CD0] =	vst v0  }
0x4d: {  	[tilespmem:$0x12CE0] =	vst v0  }
0x4e: {  	s29 =	simm.s32 $0x0;
	s28 =	simm.s32 $0x40;
	[tilespmem:$0x12CF0] =	vst v0  }
.LBB2_3:
0x4f: {  	p2 =	sne.s32 s28, $0x9FC0;
	[tilespmem:s29+$0xDD00] =	vst v0;
	s29 =	smov.u32 s28;
	s28 =	sadd.s32 $0x40, s28  }
.Ltmp3:
0x50: {  	(pc) =	sbr.rel @p2 .LBB2_3-.Ltmp3, $2  }
0x51: {  	_ =	sdelay $0x2  }
0x52: {  	s29 =	sshra.s32 s29, $0x2  }
0x53: {  	[tilespmem:s29+$0xDD00] =	vst v0  }
0x54: {  	s28 =	simm.s32 $0x0;
	[bflag:$0x0] =	sbarrier.arrive $0xFFFF  }
0x55: {  	[tilespmem:s14], [sflag:$0x1] =	stream.indirect.gather [hbm4b:s4+s13], $0x40, s28, s13, $0xb8;
	[tilespmem:$0x1F800] =	vst v63  }
0x56: {  	s29 =	simm.s32 $0x3  }
0x57: {  	[tilespmem:s15], [sflag:$0x2] =	stream.indirect.gather [hbm4b:s4+s13], $0x40, s13, s13, $0xb8;
	[tilespmem:$0x1F800] =	vst v63  }
.LBB2_5:
0x58: {  	_ =	swait.ge [sflag:s16], $0x2000  }
0x59: {  	s30 =	sshra.s32 s28, $0x2;
	[sflag:s16] =	ssyncset.done $0x0  }
0x5a: {  	s31 =	sadd.s32 $0x4E80, s30;
	[sflag:s16] =	ssyncadd.s32 $0xFFFFE000  }
0x5b: {  	[spmem:s2] =	stream.indirect.scatter.add.f32 [tilespmem:s14], [sflag:$0x3], $0x40, s31, s13, $0xb8;
	[tilespmem:$0x1F800] =	vst v63  }
0x5c: {  	v1 =	vld [tilespmem:s30+$0x4E80];
	_ =	sdelay $0x4  }
0x5d: {  	v2 =	vld [tilespmem:s30+$0x0];
	_ =	sdelay $0x2  }
0x5e: {  	v1 =	vld.idx.msk [tilespmem:v1+s7+$0x0], $0xffff;
	_ =	sdelay $0x4  }
0x5f: {  	[tilespmem:v2+s17+$0x0] =	vst.idx.add.f32.msk $0xffff, v1  }
0x60: {  	v1 =	vld [tilespmem:s30+$0x4E90];
	_ =	sdelay $0x4  }
0x61: {  	v2 =	vld [tilespmem:s30+$0x10];
	_ =	sdelay $0x2  }
0x62: {  	v1 =	vld.idx.msk [tilespmem:v1+s7+$0x0], $0xffff;
	_ =	sdelay $0x4  }
0x63: {  	[tilespmem:v2+s17+$0x0] =	vst.idx.add.f32.msk $0xffff, v1  }
0x64: {  	v1 =	vld [tilespmem:s30+$0x4EA0];
	_ =	sdelay $0x4  }
0x65: {  	v2 =	vld [tilespmem:s30+$0x20];
	_ =	sdelay $0x2  }
0x66: {  	v1 =	vld.idx.msk [tilespmem:v1+s7+$0x0], $0xffff;
	_ =	sdelay $0x4  }
0x67: {  	[tilespmem:v2+s17+$0x0] =	vst.idx.add.f32.msk $0xffff, v1  }
0x68: {  	v1 =	vld [tilespmem:s30+$0x4EB0];
	_ =	sdelay $0x4  }
0x69: {  	v2 =	vld [tilespmem:s30+$0x30];
	_ =	sdelay $0x2  }
0x6a: {  	v1 =	vld.idx.msk [tilespmem:v1+s7+$0x0], $0xffff;
	_ =	sdelay $0x4  }
0x6b: {  	[tilespmem:v2+s17+$0x0] =	vst.idx.add.f32.msk $0xffff, v1  }
0x6c: {  	v1 =	vld [tilespmem:s30+$0x4EC0];
	_ =	sdelay $0x4  }
0x6d: {  	v2 =	vld [tilespmem:s30+$0x40];
	_ =	sdelay $0x2  }
0x6e: {  	v1 =	vld.idx.msk [tilespmem:v1+s7+$0x0], $0xffff;
	_ =	sdelay $0x4  }
0x6f: {  	[tilespmem:v2+s17+$0x0] =	vst.idx.add.f32.msk $0xffff, v1  }
0x70: {  	v1 =	vld [tilespmem:s30+$0x4ED0];
	_ =	sdelay $0x4  }
0x71: {  	v2 =	vld [tilespmem:s30+$0x50];
	_ =	sdelay $0x2  }
0x72: {  	v1 =	vld.idx.msk [tilespmem:v1+s7+$0x0], $0xffff;
	_ =	sdelay $0x4  }
0x73: {  	[tilespmem:v2+s17+$0x0] =	vst.idx.add.f32.msk $0xffff, v1  }
0x74: {  	v1 =	vld [tilespmem:s30+$0x4EE0];
	_ =	sdelay $0x4  }
0x75: {  	v2 =	vld [tilespmem:s30+$0x60];
	_ =	sdelay $0x2  }
0x76: {  	v1 =	vld.idx.msk [tilespmem:v1+s7+$0x0], $0xffff;
	_ =	sdelay $0x4  }
0x77: {  	[tilespmem:v2+s17+$0x0] =	vst.idx.add.f32.msk $0xffff, v1  }
0x78: {  	v1 =	vld [tilespmem:s30+$0x4EF0];
	_ =	sdelay $0x4  }
0x79: {  	v2 =	vld [tilespmem:s30+$0x70];
	_ =	sdelay $0x2  }
0x7a: {  	v1 =	vld.idx.msk [tilespmem:v1+s7+$0x0], $0xffff;
	_ =	sdelay $0x4  }
0x7b: {  	s1 =	sadd.s32 $0xFFFFFFFF, s29;
	[tilespmem:v2+s17+$0x0] =	vst.idx.add.f32.msk $0xffff, v1  }
0x7c: {  	p2 =	sge.u32 s1, s8;
	_ =	swait.ge [sflag:s18], $0x2000  }
0x7d: {  	s0 =	simm.s32 @!p2 $0x80;
	s31 =	sshra.s32 @!p2 s28, $0x2;
	[sflag:s18] =	ssyncset.done $0x0  }
0x7e: {  	s1 =	simm.s32 @!p2 $0x9D00;
	s31 =	sadd.s32 @!p2 $0x100, s31;
	[sflag:s18] =	ssyncadd.s32 $0xFFFFE000  }
0x7f: {  	[tilespmem:s1], [sflag:$0x1] =	stream.indirect.gather @!p2 [hbm4b:s4+s0], $0x40, s31, s0, $0xb8;
	[tilespmem:$0x1F800] =	vst v63  }
0x80: {  	_ =	swait.ge [sflag:s19], $0x2000  }
0x81: {  	[sflag:s19] =	ssyncset.done $0x0  }
0x82: {  	s31 =	sadd.s32 $0x4F00, s30;
	[sflag:s19] =	ssyncadd.s32 $0xFFFFE000  }
0x83: {  	[spmem:s2] =	stream.indirect.scatter.add.f32 [tilespmem:s15], [sflag:$0x4], $0x40, s31, s13, $0xb8;
	[tilespmem:$0x1F800] =	vst v63  }
0x84: {  	v1 =	vld [tilespmem:s30+$0x4F00];
	_ =	sdelay $0x4  }
0x85: {  	v2 =	vld [tilespmem:s30+$0x80];
	_ =	sdelay $0x2  }
0x86: {  	v1 =	vld.idx.msk [tilespmem:v1+s7+$0x0], $0xffff;
	_ =	sdelay $0x4  }
0x87: {  	[tilespmem:v2+s17+$0x0] =	vst.idx.add.f32.msk $0xffff, v1  }
0x88: {  	v1 =	vld [tilespmem:s30+$0x4F10];
	_ =	sdelay $0x4  }
0x89: {  	v2 =	vld [tilespmem:s30+$0x90];
	_ =	sdelay $0x2  }
0x8a: {  	v1 =	vld.idx.msk [tilespmem:v1+s7+$0x0], $0xffff;
	_ =	sdelay $0x4  }
0x8b: {  	[tilespmem:v2+s17+$0x0] =	vst.idx.add.f32.msk $0xffff, v1  }
0x8c: {  	v1 =	vld [tilespmem:s30+$0x4F20];
	_ =	sdelay $0x4  }
0x8d: {  	v2 =	vld [tilespmem:s30+$0xA0];
	_ =	sdelay $0x2  }
0x8e: {  	v1 =	vld.idx.msk [tilespmem:v1+s7+$0x0], $0xffff;
	_ =	sdelay $0x4  }
0x8f: {  	[tilespmem:v2+s17+$0x0] =	vst.idx.add.f32.msk $0xffff, v1  }
0x90: {  	v1 =	vld [tilespmem:s30+$0x4F30];
	_ =	sdelay $0x4  }
0x91: {  	v2 =	vld [tilespmem:s30+$0xB0];
	_ =	sdelay $0x2  }
0x92: {  	v1 =	vld.idx.msk [tilespmem:v1+s7+$0x0], $0xffff;
	_ =	sdelay $0x4  }
0x93: {  	[tilespmem:v2+s17+$0x0] =	vst.idx.add.f32.msk $0xffff, v1  }
0x94: {  	v1 =	vld [tilespmem:s30+$0x4F40];
	_ =	sdelay $0x4  }
0x95: {  	v2 =	vld [tilespmem:s30+$0xC0];
	_ =	sdelay $0x2  }
0x96: {  	v1 =	vld.idx.msk [tilespmem:v1+s7+$0x0], $0xffff;
	_ =	sdelay $0x4  }
0x97: {  	[tilespmem:v2+s17+$0x0] =	vst.idx.add.f32.msk $0xffff, v1  }
0x98: {  	v1 =	vld [tilespmem:s30+$0x4F50];
	_ =	sdelay $0x4  }
0x99: {  	v2 =	vld [tilespmem:s30+$0xD0];
	_ =	sdelay $0x2  }
0x9a: {  	v1 =	vld.idx.msk [tilespmem:v1+s7+$0x0], $0xffff;
	_ =	sdelay $0x4  }
0x9b: {  	[tilespmem:v2+s17+$0x0] =	vst.idx.add.f32.msk $0xffff, v1  }
0x9c: {  	v1 =	vld [tilespmem:s30+$0x4F60];
	_ =	sdelay $0x4  }
0x9d: {  	v2 =	vld [tilespmem:s30+$0xE0];
	_ =	sdelay $0x2  }
0x9e: {  	v1 =	vld.idx.msk [tilespmem:v1+s7+$0x0], $0xffff;
	_ =	sdelay $0x4  }
0x9f: {  	[tilespmem:v2+s17+$0x0] =	vst.idx.add.f32.msk $0xffff, v1  }
0xa0: {  	v1 =	vld [tilespmem:s30+$0x4F70];
	_ =	sdelay $0x4  }
0xa1: {  	v2 =	vld [tilespmem:s30+$0xF0];
	_ =	sdelay $0x2  }
0xa2: {  	v1 =	vld.idx.msk [tilespmem:v1+s7+$0x0], $0xffff;
	_ =	sdelay $0x4  }
0xa3: {  	p2 =	sge.u32 s29, s8;
	[tilespmem:v2+s17+$0x0] =	vst.idx.add.f32.msk $0xffff, v1  }
0xa4: {  	s0 =	sshra.s32 @!p2 s28, $0x2;
	_ =	swait.ge [sflag:s20], $0x2000  }
0xa5: {  	s1 =	simm.s32 @!p2 $0x80;
	s28 =	sadd.s32 $0x400, s28;
	[sflag:s20] =	ssyncset.done $0x0  }
0xa6: {  	s0 =	sadd.s32 @!p2 $0x180, s0;
	s30 =	simm.s32 @!p2 $0xBD00;
	[sflag:s20] =	ssyncadd.s32 $0xFFFFE000  }
0xa7: {  	[tilespmem:s30], [sflag:$0x2] =	stream.indirect.gather @!p2 [hbm4b:s4+s1], $0x40, s0, s1, $0xb8;
	[tilespmem:$0x1F800] =	vst v63  }
0xa8: {  	p2 =	sne.s32 s28, $0x13800  }
.Ltmp4:
0xa9: {  	_ = 	snop;
	(pc) =	sbr.rel @p2 .LBB2_5-.Ltmp4, $2  }
0xaa: {  	_ =	sdelay $0x2  }
0xab: {  	s29 =	sadd.s32 $0x2, s29  }
.Ltmp5:
0xac: {  	(pc) =	sbr.rel @p1 .LBB2_12-.Ltmp5, $2  }
0xad: {  	_ =	sdelay $0x2  }
0xae: {  	s30 =	stileid.u32  }
0xaf: {  	v1 =	vld [tilespmem:$0x9C80];
	_ =	sdelay $0x4  }
0xb0: {  	v2 =	vld [tilespmem:$0x4E00];
	_ =	sdelay $0x2  }
0xb1: {  	v1 =	vld.idx.msk [tilespmem:v1+s7+$0x0], $0xffff;
	_ =	sdelay $0x4  }
0xb2: {  	[tilespmem:v2+s17+$0x0] =	vst.idx.add.f32.msk $0xffff, v1  }
0xb3: {  	v1 =	vld [tilespmem:$0x9C90];
	_ =	sdelay $0x4  }
0xb4: {  	v2 =	vld [tilespmem:$0x4E10];
	_ =	sdelay $0x2  }
0xb5: {  	v1 =	vld.idx.msk [tilespmem:v1+s7+$0x0], $0xffff;
	_ =	sdelay $0x4  }
0xb6: {  	[tilespmem:v2+s17+$0x0] =	vst.idx.add.f32.msk $0xffff, v1  }
0xb7: {  	v1 =	vld [tilespmem:$0x9CA0];
	_ =	sdelay $0x4  }
0xb8: {  	v2 =	vld [tilespmem:$0x4E20];
	_ =	sdelay $0x2  }
0xb9: {  	v1 =	vld.idx.msk [tilespmem:v1+s7+$0x0], $0xffff;
	_ =	sdelay $0x4  }
0xba: {  	[tilespmem:v2+s17+$0x0] =	vst.idx.add.f32.msk $0xffff, v1  }
0xbb: {  	v1 =	vld [tilespmem:$0x9CB0];
	_ =	sdelay $0x4  }
0xbc: {  	v2 =	vld [tilespmem:$0x4E30];
	_ =	sdelay $0x2  }
0xbd: {  	v1 =	vld.idx.msk [tilespmem:v1+s7+$0x0], $0xffff;
	_ =	sdelay $0x4  }
0xbe: {  	[tilespmem:v2+s17+$0x0] =	vst.idx.add.f32.msk $0xffff, v1  }
0xbf: {  	v1 =	vld [tilespmem:$0x9CC0];
	_ =	sdelay $0x4  }
0xc0: {  	v2 =	vld [tilespmem:$0x4E40];
	_ =	sdelay $0x2  }
0xc1: {  	v1 =	vld.idx.msk [tilespmem:v1+s7+$0x0], $0xffff;
	_ =	sdelay $0x4  }
0xc2: {  	[tilespmem:v2+s17+$0x0] =	vst.idx.add.f32.msk $0xffff, v1  }
0xc3: {  	v1 =	vld [tilespmem:$0x9CD0];
	_ =	sdelay $0x4  }
0xc4: {  	v2 =	vld [tilespmem:$0x4E50];
	_ =	sdelay $0x2  }
0xc5: {  	v1 =	vld.idx.msk [tilespmem:v1+s7+$0x0], $0xffff;
	_ =	sdelay $0x4  }
0xc6: {  	[tilespmem:v2+s17+$0x0] =	vst.idx.add.f32.msk $0xffff, v1  }
0xc7: {  	v1 =	vld [tilespmem:$0x9CE0];
	_ =	sdelay $0x4  }
0xc8: {  	v2 =	vld [tilespmem:$0x4E60];
	_ =	sdelay $0x2  }
0xc9: {  	v1 =	vld.idx.msk [tilespmem:v1+s7+$0x0], $0xffff;
	_ =	sdelay $0x4  }
0xca: {  	[tilespmem:v2+s17+$0x0] =	vst.idx.add.f32.msk $0xffff, v1  }
0xcb: {  	v1 =	vld [tilespmem:$0x9CF0];
	_ =	sdelay $0x4  }
0xcc: {  	v2 =	vld [tilespmem:$0x4E70];
	_ =	sdelay $0x2  }
0xcd: {  	v1 =	vld.idx.msk [tilespmem:v1+s7+$0x0], $0xffff;
	_ =	sdelay $0x4  }
.Ltmp6:
0xce: {  	[tilespmem:v2+s17+$0x0] =	vst.idx.add.f32.msk $0xffff, v1;
	(pc) =	sbr.rel .LBB2_11-.Ltmp6, $4  }
0xcf: {  	_ =	swait.ge [sflag:s16], $0x2000  }
0xd0: {  	[sflag:s16] =	ssyncset.done $0x0  }
0xd1: {  	s0 =	simm.s32 $0x9C80;
	s28 =	simm.s32 $0x5;
	[sflag:s16] =	ssyncadd.s32 $0xFFFFE000  }
0xd2: {  	[spmem:s2] =	stream.indirect.scatter.add.f32 [tilespmem:s14], [sflag:$0x5], $0x40, s0, s13, $0xb8;
	[tilespmem:$0x1F800] =	vst v63  }
.LBB2_8:
0xd3: {  	[bflag:$0x0] =	sbarrier.arrive $0xFFFF;
	s0 =	simm.s32 $0x0  }
0xd4: {  	[tilespmem:s14], [sflag:$0x1] =	stream.indirect.gather [hbm4b:s5+s13], $0x40, s0, s13, $0xb8;
	[tilespmem:$0x1F800] =	vst v63  }
0xd5: {  	_ = 	snop  }
0xd6: {  	[tilespmem:s15], [sflag:$0x2] =	stream.indirect.gather [hbm4b:s5+s13], $0x40, s13, s13, $0xb8;
	[tilespmem:$0x1F800] =	vst v63  }
0xd7: {  	_ =	swait.ge [sflag:s16], $0x2000  }
0xd8: {  	[sflag:s16] =	ssyncset.done $0x0  }
0xd9: {  	s31 =	simm.s32 $0x4E80;
	[sflag:s16] =	ssyncadd.s32 $0xFFFFE000  }
0xda: {  	[spmem:s2] =	stream.indirect.scatter.add.f32 [tilespmem:s14], [sflag:$0x3], $0x40, s31, s13, $0xb8;
	[tilespmem:$0x1F800] =	vst v63  }
0xdb: {  	_ =	swait.ge [sflag:s18], $0x2000  }
0xdc: {  	[sflag:s18] =	ssyncset.done $0x0  }
0xdd: {  	s1 =	simm.s32 $0x100;
	[sflag:s18] =	ssyncadd.s32 $0xFFFFE000  }
0xde: {  	[tilespmem:s14], [sflag:$0x1] =	stream.indirect.gather [hbm4b:s5+s13], $0x40, s1, s13, $0xb8;
	[tilespmem:$0x1F800] =	vst v63  }
0xdf: {  	_ =	swait.ge [sflag:s19], $0x2000  }
0xe0: {  	[sflag:s19] =	ssyncset.done $0x0  }
0xe1: {  	s31 =	simm.s32 $0x4F00;
	[sflag:s19] =	ssyncadd.s32 $0xFFFFE000  }
0xe2: {  	[spmem:s2] =	stream.indirect.scatter.add.f32 [tilespmem:s15], [sflag:$0x4], $0x40, s31, s13, $0xb8;
	[tilespmem:$0x1F800] =	vst v63  }
0xe3: {  	_ =	swait.ge [sflag:s20], $0x2000  }
0xe4: {  	[sflag:s20] =	ssyncset.done $0x0  }
0xe5: {  	s28 =	simm.s32 $0x400;
	s29 =	simm.s32 $0x180;
	[sflag:s20] =	ssyncadd.s32 $0xFFFFE000  }
.LBB2_9:
0xe6: {  	[tilespmem:s15], [sflag:$0x2] =	stream.indirect.gather [hbm4b:s5+s13], $0x40, s29, s13, $0xb8;
	[tilespmem:$0x1F800] =	vst v63  }
0xe7: {  	s0 =	smov.u32 s28  }
0xe8: {  	p2 =	sne.s32 s28, $0x13000;
	s28 =	sadd.s32 $0x400, s28;
	_ =	swait.ge [sflag:s16], $0x2000  }
0xe9: {  	s0 =	sshra.s32 s0, $0x2;
	[sflag:s16] =	ssyncset.done $0x0  }
0xea: {  	s1 =	sadd.s32 $0x4E80, s0;
	[sflag:s16] =	ssyncadd.s32 $0xFFFFE000  }
0xeb: {  	[spmem:s2] =	stream.indirect.scatter.add.f32 [tilespmem:s14], [sflag:$0x3], $0x40, s1, s13, $0xb8;
	[tilespmem:$0x1F800] =	vst v63  }
0xec: {  	_ =	swait.ge [sflag:s18], $0x2000  }
0xed: {  	[sflag:s18] =	ssyncset.done $0x0  }
0xee: {  	s1 =	sadd.s32 $0x100, s0;
	[sflag:s18] =	ssyncadd.s32 $0xFFFFE000  }
0xef: {  	[tilespmem:s14], [sflag:$0x1] =	stream.indirect.gather [hbm4b:s5+s13], $0x40, s1, s13, $0xb8;
	[tilespmem:$0x1F800] =	vst v63  }
0xf0: {  	_ =	swait.ge [sflag:s19], $0x2000  }
0xf1: {  	[sflag:s19] =	ssyncset.done $0x0  }
.Ltmp7:
0xf2: {  	s1 =	sadd.s32 $0x4F00, s0;
	[sflag:s19] =	ssyncadd.s32 $0xFFFFE000;
	(pc) =	sbr.rel @p2 .LBB2_9-.Ltmp7, $4  }
0xf3: {  	[spmem:s2] =	stream.indirect.scatter.add.f32 [tilespmem:s15], [sflag:$0x4], $0x40, s1, s13, $0xb8;
	[tilespmem:$0x1F800] =	vst v63  }
0xf4: {  	_ =	swait.ge [sflag:s20], $0x2000  }
0xf5: {  	[sflag:s20] =	ssyncset.done $0x0  }
0xf6: {  	s29 =	sadd.s32 $0x180, s0;
	[sflag:s20] =	ssyncadd.s32 $0xFFFFE000  }
0xf7: {  	[tilespmem:s15], [sflag:$0x2] =	stream.indirect.gather [hbm4b:s5+s13], $0x40, s29, s13, $0xb8;
	[tilespmem:$0x1F800] =	vst v63  }
0xf8: {  	_ =	swait.ge [sflag:s16], $0x2000  }
0xf9: {  	[sflag:s16] =	ssyncset.done $0x0  }
0xfa: {  	s0 =	simm.s32 $0x9B80;
	[sflag:s16] =	ssyncadd.s32 $0xFFFFE000  }
0xfb: {  	[spmem:s2] =	stream.indirect.scatter.add.f32 [tilespmem:s14], [sflag:$0x3], $0x40, s0, s13, $0xb8;
	[tilespmem:$0x1F800] =	vst v63  }
0xfc: {  	_ =	swait.ge [sflag:s18], $0x2000  }
0xfd: {  	[sflag:s18] =	ssyncset.done $0x0  }
0xfe: {  	s0 =	simm.s32 @p1 $0x2;
	[sflag:s18] =	ssyncadd.s32 $0xFFFFE000  }
0xff: {  	_ =	swait.ge @p1 [sflag:s0], $0x2000  }
0x100: {  	s1 =	simm.s32 @p1 $0x9C00;
	[sflag:s0] =	ssyncset.done @p1 $0x0  }
0x101: {  	s28 =	simm.s32 @p1 $0xBD00;
	[sflag:s0] =	ssyncadd.s32 @p1 $0xFFFFE000;
	s0 =	simm.s32 @p1 $0x80  }
0x102: {  	[spmem:s2] =	stream.indirect.scatter.add.f32 @p1 [tilespmem:s28], [sflag:$0x4], $0x40, s1, s0, $0xb8;
	[tilespmem:$0x1F800] =	vst v63  }
0x103: {  	s0 =	simm.s32 @!p1 $0x80;
	s1 =	simm.s32 @!p1 $0x4E00;
	s28 =	simm.s32 @!p1 $0x9D00  }
0x104: {  	[tilespmem:s28], [sflag:$0x1] =	stream.indirect.gather @!p1 [hbm4b:s5+s0], $0x40, s1, s0, $0xb8;
	[tilespmem:$0x1F800] =	vst v63  }
0x105: {  	s1 =	simm.s32 @!p1 $0x2  }
0x106: {  	_ =	swait.ge @!p1 [sflag:s1], $0x2000  }
0x107: {  	[sflag:s1] =	ssyncset.done @!p1 $0x0  }
0x108: {  	s29 =	simm.s32 @!p1 $0xBD00;
	[sflag:s1] =	ssyncadd.s32 @!p1 $0xFFFFE000;
	s1 =	simm.s32 @!p1 $0x9C00  }
0x109: {  	[spmem:s2] =	stream.indirect.scatter.add.f32 @!p1 [tilespmem:s29], [sflag:$0x4], $0x40, s1, s0, $0xb8;
	[tilespmem:$0x1F800] =	vst v63  }
0x10a: {  	s1 =	simm.s32 @!p1 $0x4  }
0x10b: {  	_ =	swait.ge @!p1 [sflag:s1], $0x2000  }
0x10c: {  	[sflag:s1] =	ssyncset.done @!p1 $0x0  }
0x10d: {  	[sflag:s1] =	ssyncadd.s32 @!p1 $0xFFFFE000;
	s1 =	simm.s32 @!p1 $0x1  }
0x10e: {  	_ =	swait.ge @!p1 [sflag:s1], $0x2000  }
0x10f: {  	[sflag:s1] =	ssyncset.done @!p1 $0x0  }
0x110: {  	[sflag:s1] =	ssyncadd.s32 @!p1 $0xFFFFE000;
	s1 =	simm.s32 @!p1 $0x9C80  }
0x111: {  	[spmem:s2] =	stream.indirect.scatter.add.f32 @!p1 [tilespmem:s28], [sflag:$0x5], $0x40, s1, s0, $0xb8;
	[tilespmem:$0x1F800] =	vst v63  }
0x112: {  	s28 =	simm.s32 @!p1 $0x5  }
0x113: {  	s28 =	simm.s32 @p1 $0x4  }
.LBB2_11:
0x114: {  	_ =	swait.ge [sflag:s28], $0x2000  }
0x115: {  	[sflag:s28] =	ssyncset.done $0x0  }
0x116: {  	[sflag:s28] =	ssyncadd.s32 $0xFFFFE000  }
.LBB2_12:
.Ltmp8:
0x117: {  	[bflag:$0x0] =	sbarrier.arrive $0xFFFF;
	(pc) =	sbr.rel @p0 .LBB2_46-.Ltmp8, $4  }
0x118: {  	[hbm:s22], [sflag:s24] =	dma.local [spmem:s26], $0x13C0  }
0x119: {  	_ =	swait.ge [sflag:s3], $0x13C0  }
0x11a: {  	[sflag:s3] =	ssyncset.done $0x0  }
0x11b: {  	[sflag:s3] =	ssyncadd.s32 $0xFFFFEC40  }
0x11c: {  	s0 =	rddreg [dreg:$0x5]  }
0x11d: {  	[spmem:s0] =	stream.linear.scatter [tilespmem:s17], [sflag:$0x5], $0x2800, $0x38;
	[tilespmem:$0x1F800] =	vst v63  }
0x11e: {  	_ =	swait.ge [sflag:s3], $0x2800  }
0x11f: {  	[sflag:s3] =	ssyncset.done $0x0  }
0x120: {  	[sflag:s3] =	ssyncadd.s32 $0xFFFFD800  }
0x121: {  	[bflag:$0x0] =	sbarrier.arrive $0xFFFF  }
0x122: {  	[tilespmem:s21], [sflag:$0x5] =	stream.linear.gather [spmem:s12], $0x280, $0x38;
	[tilespmem:$0x1F800] =	vst v63  }
0x123: {  	_ =	swait.ge [sflag:s3], $0x280  }
0x124: {  	[sflag:s3] =	ssyncset.done $0x0  }
0x125: {  	s24 =	simm.s32 $0x0;
	[sflag:s3] =	ssyncadd.s32 $0xFFFFFD80  }
0x126: {  	s26 =	simm.s32 $0x40;
	v1 =	vld [tilespmem:s24+$0x12F80]  }
.LBB2_14:
0x127: {  	p2 =	sne.s32 s26, $0x9C0  }
.Ltmp9:
0x128: {  	_ = 	snop;
	(pc) =	sbr.rel @p2 .LBB2_14-.Ltmp9, $3  }
0x129: {  	_ =	sdelay $0x1  }
0x12a: {  	[tilespmem:s24+$0x12D00] =	vst v1;
	s24 =	sshra.s32 s26, $0x2;
	s26 =	sadd.s32 $0x40, s26  }
0x12b: {  	v1 =	vld [tilespmem:s24+$0x12F80]  }
0x12c: {  	_ =	sdelay $0x3  }
0x12d: {  	s0 =	rddreg [dreg:$0x6];
	[tilespmem:s24+$0x12D00] =	vst v1  }
0x12e: {  	[tilespmem:s21], [sflag:$0x5] =	stream.linear.gather [spmem:s0], $0x280, $0x38;
	[tilespmem:$0x1F800] =	vst v63  }
0x12f: {  	_ =	swait.ge [sflag:s3], $0x280  }
0x130: {  	[sflag:s3] =	ssyncset.done $0x0  }
0x131: {  	s24 =	simm.s32 $0x0;
	[sflag:s3] =	ssyncadd.s32 $0xFFFFFD80  }
0x132: {  	s26 =	simm.s32 $0x40;
	v1 =	vld [tilespmem:s24+$0x12F80]  }
.LBB2_16:
0x133: {  	p2 =	sne.s32 s26, $0x9C0;
	v2 =	vld [tilespmem:s24+$0x12D00];
	_ =	sdelay $0x2  }
.Ltmp10:
0x134: {  	(pc) =	sbr.rel @p2 .LBB2_16-.Ltmp10, $4  }
0x135: {  	_ = 	snop  }
0x136: {  	v2 =	vadd.f32 v1, v2  }
0x137: {  	s0 =	sshra.s32 s26, $0x2  }
0x138: {  	s26 =	sadd.s32 $0x40, s26;
	v1 =	vld [tilespmem:s0+$0x12F80];
	[tilespmem:s24+$0x12D00] =	vst v2;
	s24 =	smov.u32 s0  }
0x139: {  	v2 =	vld [tilespmem:s24+$0x12D00];
	_ =	sdelay $0x4  }
0x13a: {  	v1 =	vadd.f32 v1, v2;
	_ =	sdelay $0x1  }
0x13b: {  	s0 =	rddreg [dreg:$0x7];
	[tilespmem:s24+$0x12D00] =	vst v1  }
0x13c: {  	[tilespmem:s21], [sflag:$0x5] =	stream.linear.gather [spmem:s0], $0x280, $0x38;
	[tilespmem:$0x1F800] =	vst v63  }
0x13d: {  	_ =	swait.ge [sflag:s3], $0x280  }
0x13e: {  	[sflag:s3] =	ssyncset.done $0x0  }
0x13f: {  	s24 =	simm.s32 $0x0;
	[sflag:s3] =	ssyncadd.s32 $0xFFFFFD80  }
0x140: {  	s26 =	simm.s32 $0x40;
	v1 =	vld [tilespmem:s24+$0x12F80]  }
.LBB2_18:
0x141: {  	p2 =	sne.s32 s26, $0x9C0;
	v2 =	vld [tilespmem:s24+$0x12D00];
	_ =	sdelay $0x2  }
.Ltmp11:
0x142: {  	(pc) =	sbr.rel @p2 .LBB2_18-.Ltmp11, $4  }
0x143: {  	_ = 	snop  }
0x144: {  	v2 =	vadd.f32 v1, v2  }
0x145: {  	s0 =	sshra.s32 s26, $0x2  }
0x146: {  	s26 =	sadd.s32 $0x40, s26;
	v1 =	vld [tilespmem:s0+$0x12F80];
	[tilespmem:s24+$0x12D00] =	vst v2;
	s24 =	smov.u32 s0  }
0x147: {  	v2 =	vld [tilespmem:s24+$0x12D00];
	_ =	sdelay $0x4  }
0x148: {  	v1 =	vadd.f32 v1, v2;
	_ =	sdelay $0x1  }
0x149: {  	s0 =	rddreg [dreg:$0x8];
	[tilespmem:s24+$0x12D00] =	vst v1  }
0x14a: {  	[tilespmem:s21], [sflag:$0x5] =	stream.linear.gather [spmem:s0], $0x280, $0x38;
	[tilespmem:$0x1F800] =	vst v63  }
0x14b: {  	_ =	swait.ge [sflag:s3], $0x280  }
0x14c: {  	[sflag:s3] =	ssyncset.done $0x0  }
0x14d: {  	s24 =	simm.s32 $0x0;
	[sflag:s3] =	ssyncadd.s32 $0xFFFFFD80  }
0x14e: {  	s26 =	simm.s32 $0x40;
	v1 =	vld [tilespmem:s24+$0x12F80]  }
.LBB2_20:
0x14f: {  	p2 =	sne.s32 s26, $0x9C0;
	v2 =	vld [tilespmem:s24+$0x12D00];
	_ =	sdelay $0x2  }
.Ltmp12:
0x150: {  	(pc) =	sbr.rel @p2 .LBB2_20-.Ltmp12, $4  }
0x151: {  	_ = 	snop  }
0x152: {  	v2 =	vadd.f32 v1, v2  }
0x153: {  	s0 =	sshra.s32 s26, $0x2  }
0x154: {  	s26 =	sadd.s32 $0x40, s26;
	v1 =	vld [tilespmem:s0+$0x12F80];
	[tilespmem:s24+$0x12D00] =	vst v2;
	s24 =	smov.u32 s0  }
0x155: {  	v2 =	vld [tilespmem:s24+$0x12D00];
	_ =	sdelay $0x4  }
0x156: {  	v1 =	vadd.f32 v1, v2;
	_ =	sdelay $0x1  }
0x157: {  	s0 =	rddreg [dreg:$0x9];
	[tilespmem:s24+$0x12D00] =	vst v1  }
0x158: {  	[tilespmem:s21], [sflag:$0x5] =	stream.linear.gather [spmem:s0], $0x280, $0x38;
	[tilespmem:$0x1F800] =	vst v63  }
0x159: {  	_ =	swait.ge [sflag:s3], $0x280  }
0x15a: {  	[sflag:s3] =	ssyncset.done $0x0  }
0x15b: {  	s24 =	simm.s32 $0x0;
	[sflag:s3] =	ssyncadd.s32 $0xFFFFFD80  }
0x15c: {  	s26 =	simm.s32 $0x40;
	v1 =	vld [tilespmem:s24+$0x12F80]  }
.LBB2_22:
0x15d: {  	p2 =	sne.s32 s26, $0x9C0;
	v2 =	vld [tilespmem:s24+$0x12D00];
	_ =	sdelay $0x2  }
.Ltmp13:
0x15e: {  	(pc) =	sbr.rel @p2 .LBB2_22-.Ltmp13, $4  }
0x15f: {  	_ = 	snop  }
0x160: {  	v2 =	vadd.f32 v1, v2  }
0x161: {  	s0 =	sshra.s32 s26, $0x2  }
0x162: {  	s26 =	sadd.s32 $0x40, s26;
	v1 =	vld [tilespmem:s0+$0x12F80];
	[tilespmem:s24+$0x12D00] =	vst v2;
	s24 =	smov.u32 s0  }
0x163: {  	v2 =	vld [tilespmem:s24+$0x12D00];
	_ =	sdelay $0x4  }
0x164: {  	v1 =	vadd.f32 v1, v2;
	_ =	sdelay $0x1  }
0x165: {  	s0 =	rddreg [dreg:$0xa];
	[tilespmem:s24+$0x12D00] =	vst v1  }
0x166: {  	[tilespmem:s21], [sflag:$0x5] =	stream.linear.gather [spmem:s0], $0x280, $0x38;
	[tilespmem:$0x1F800] =	vst v63  }
0x167: {  	_ =	swait.ge [sflag:s3], $0x280  }
0x168: {  	[sflag:s3] =	ssyncset.done $0x0  }
0x169: {  	s24 =	simm.s32 $0x0;
	[sflag:s3] =	ssyncadd.s32 $0xFFFFFD80  }
0x16a: {  	s26 =	simm.s32 $0x40;
	v1 =	vld [tilespmem:s24+$0x12F80]  }
.LBB2_24:
0x16b: {  	p2 =	sne.s32 s26, $0x9C0;
	v2 =	vld [tilespmem:s24+$0x12D00];
	_ =	sdelay $0x2  }
.Ltmp14:
0x16c: {  	(pc) =	sbr.rel @p2 .LBB2_24-.Ltmp14, $4  }
0x16d: {  	_ = 	snop  }
0x16e: {  	v2 =	vadd.f32 v1, v2  }
0x16f: {  	s0 =	sshra.s32 s26, $0x2  }
0x170: {  	s26 =	sadd.s32 $0x40, s26;
	v1 =	vld [tilespmem:s0+$0x12F80];
	[tilespmem:s24+$0x12D00] =	vst v2;
	s24 =	smov.u32 s0  }
0x171: {  	v2 =	vld [tilespmem:s24+$0x12D00];
	_ =	sdelay $0x4  }
0x172: {  	v1 =	vadd.f32 v1, v2;
	_ =	sdelay $0x1  }
0x173: {  	s0 =	rddreg [dreg:$0xb];
	[tilespmem:s24+$0x12D00] =	vst v1  }
0x174: {  	[tilespmem:s21], [sflag:$0x5] =	stream.linear.gather [spmem:s0], $0x280, $0x38;
	[tilespmem:$0x1F800] =	vst v63  }
0x175: {  	_ =	swait.ge [sflag:s3], $0x280  }
0x176: {  	[sflag:s3] =	ssyncset.done $0x0  }
0x177: {  	s24 =	simm.s32 $0x0;
	[sflag:s3] =	ssyncadd.s32 $0xFFFFFD80  }
0x178: {  	s26 =	simm.s32 $0x40;
	v1 =	vld [tilespmem:s24+$0x12F80]  }
.LBB2_26:
0x179: {  	p2 =	sne.s32 s26, $0x9C0;
	v2 =	vld [tilespmem:s24+$0x12D00];
	_ =	sdelay $0x2  }
.Ltmp15:
0x17a: {  	(pc) =	sbr.rel @p2 .LBB2_26-.Ltmp15, $4  }
0x17b: {  	_ = 	snop  }
0x17c: {  	v2 =	vadd.f32 v1, v2  }
0x17d: {  	s0 =	sshra.s32 s26, $0x2  }
0x17e: {  	s26 =	sadd.s32 $0x40, s26;
	v1 =	vld [tilespmem:s0+$0x12F80];
	[tilespmem:s24+$0x12D00] =	vst v2;
	s24 =	smov.u32 s0  }
0x17f: {  	v2 =	vld [tilespmem:s24+$0x12D00];
	_ =	sdelay $0x4  }
0x180: {  	v1 =	vadd.f32 v1, v2;
	_ =	sdelay $0x1  }
0x181: {  	s0 =	rddreg [dreg:$0xc];
	[tilespmem:s24+$0x12D00] =	vst v1  }
0x182: {  	[tilespmem:s21], [sflag:$0x5] =	stream.linear.gather [spmem:s0], $0x280, $0x38;
	[tilespmem:$0x1F800] =	vst v63  }
0x183: {  	_ =	swait.ge [sflag:s3], $0x280  }
0x184: {  	[sflag:s3] =	ssyncset.done $0x0  }
0x185: {  	s24 =	simm.s32 $0x0;
	[sflag:s3] =	ssyncadd.s32 $0xFFFFFD80  }
0x186: {  	s26 =	simm.s32 $0x40;
	v1 =	vld [tilespmem:s24+$0x12F80]  }
.LBB2_28:
0x187: {  	p2 =	sne.s32 s26, $0x9C0;
	v2 =	vld [tilespmem:s24+$0x12D00];
	_ =	sdelay $0x2  }
.Ltmp16:
0x188: {  	(pc) =	sbr.rel @p2 .LBB2_28-.Ltmp16, $4  }
0x189: {  	_ = 	snop  }
0x18a: {  	v2 =	vadd.f32 v1, v2  }
0x18b: {  	s0 =	sshra.s32 s26, $0x2  }
0x18c: {  	s26 =	sadd.s32 $0x40, s26;
	v1 =	vld [tilespmem:s0+$0x12F80];
	[tilespmem:s24+$0x12D00] =	vst v2;
	s24 =	smov.u32 s0  }
0x18d: {  	v2 =	vld [tilespmem:s24+$0x12D00];
	_ =	sdelay $0x4  }
0x18e: {  	v1 =	vadd.f32 v1, v2;
	_ =	sdelay $0x1  }
0x18f: {  	s0 =	rddreg [dreg:$0xd];
	[tilespmem:s24+$0x12D00] =	vst v1  }
0x190: {  	[tilespmem:s21], [sflag:$0x5] =	stream.linear.gather [spmem:s0], $0x280, $0x38;
	[tilespmem:$0x1F800] =	vst v63  }
0x191: {  	_ =	swait.ge [sflag:s3], $0x280  }
0x192: {  	[sflag:s3] =	ssyncset.done $0x0  }
0x193: {  	s24 =	simm.s32 $0x0;
	[sflag:s3] =	ssyncadd.s32 $0xFFFFFD80  }
0x194: {  	s26 =	simm.s32 $0x40;
	v1 =	vld [tilespmem:s24+$0x12F80]  }
.LBB2_30:
0x195: {  	p2 =	sne.s32 s26, $0x9C0;
	v2 =	vld [tilespmem:s24+$0x12D00];
	_ =	sdelay $0x2  }
.Ltmp17:
0x196: {  	(pc) =	sbr.rel @p2 .LBB2_30-.Ltmp17, $4  }
0x197: {  	_ = 	snop  }
0x198: {  	v2 =	vadd.f32 v1, v2  }
0x199: {  	s0 =	sshra.s32 s26, $0x2  }
0x19a: {  	s26 =	sadd.s32 $0x40, s26;
	v1 =	vld [tilespmem:s0+$0x12F80];
	[tilespmem:s24+$0x12D00] =	vst v2;
	s24 =	smov.u32 s0  }
0x19b: {  	v2 =	vld [tilespmem:s24+$0x12D00];
	_ =	sdelay $0x4  }
0x19c: {  	v1 =	vadd.f32 v1, v2;
	_ =	sdelay $0x1  }
0x19d: {  	s0 =	rddreg [dreg:$0xe];
	[tilespmem:s24+$0x12D00] =	vst v1  }
0x19e: {  	[tilespmem:s21], [sflag:$0x5] =	stream.linear.gather [spmem:s0], $0x280, $0x38;
	[tilespmem:$0x1F800] =	vst v63  }
0x19f: {  	_ =	swait.ge [sflag:s3], $0x280  }
0x1a0: {  	[sflag:s3] =	ssyncset.done $0x0  }
0x1a1: {  	s24 =	simm.s32 $0x0;
	[sflag:s3] =	ssyncadd.s32 $0xFFFFFD80  }
0x1a2: {  	s26 =	simm.s32 $0x40;
	v1 =	vld [tilespmem:s24+$0x12F80]  }
.LBB2_32:
0x1a3: {  	p2 =	sne.s32 s26, $0x9C0;
	v2 =	vld [tilespmem:s24+$0x12D00];
	_ =	sdelay $0x2  }
.Ltmp18:
0x1a4: {  	(pc) =	sbr.rel @p2 .LBB2_32-.Ltmp18, $4  }
0x1a5: {  	_ = 	snop  }
0x1a6: {  	v2 =	vadd.f32 v1, v2  }
0x1a7: {  	s0 =	sshra.s32 s26, $0x2  }
0x1a8: {  	s26 =	sadd.s32 $0x40, s26;
	v1 =	vld [tilespmem:s0+$0x12F80];
	[tilespmem:s24+$0x12D00] =	vst v2;
	s24 =	smov.u32 s0  }
0x1a9: {  	v2 =	vld [tilespmem:s24+$0x12D00];
	_ =	sdelay $0x4  }
0x1aa: {  	v1 =	vadd.f32 v1, v2;
	_ =	sdelay $0x1  }
0x1ab: {  	s0 =	rddreg [dreg:$0x10];
	[tilespmem:s24+$0x12D00] =	vst v1  }
0x1ac: {  	[tilespmem:s21], [sflag:$0x5] =	stream.linear.gather [spmem:s0], $0x280, $0x38;
	[tilespmem:$0x1F800] =	vst v63  }
0x1ad: {  	_ =	swait.ge [sflag:s3], $0x280  }
0x1ae: {  	[sflag:s3] =	ssyncset.done $0x0  }
0x1af: {  	s24 =	simm.s32 $0x0;
	[sflag:s3] =	ssyncadd.s32 $0xFFFFFD80  }
0x1b0: {  	s26 =	simm.s32 $0x40;
	v1 =	vld [tilespmem:s24+$0x12F80]  }
.LBB2_34:
0x1b1: {  	p2 =	sne.s32 s26, $0x9C0;
	v2 =	vld [tilespmem:s24+$0x12D00];
	_ =	sdelay $0x2  }
.Ltmp19:
0x1b2: {  	(pc) =	sbr.rel @p2 .LBB2_34-.Ltmp19, $4  }
0x1b3: {  	_ = 	snop  }
0x1b4: {  	v2 =	vadd.f32 v1, v2  }
0x1b5: {  	s0 =	sshra.s32 s26, $0x2  }
0x1b6: {  	s26 =	sadd.s32 $0x40, s26;
	v1 =	vld [tilespmem:s0+$0x12F80];
	[tilespmem:s24+$0x12D00] =	vst v2;
	s24 =	smov.u32 s0  }
0x1b7: {  	v2 =	vld [tilespmem:s24+$0x12D00];
	_ =	sdelay $0x4  }
0x1b8: {  	v1 =	vadd.f32 v1, v2;
	_ =	sdelay $0x1  }
0x1b9: {  	s0 =	rddreg [dreg:$0x11];
	[tilespmem:s24+$0x12D00] =	vst v1  }
0x1ba: {  	[tilespmem:s21], [sflag:$0x5] =	stream.linear.gather [spmem:s0], $0x280, $0x38;
	[tilespmem:$0x1F800] =	vst v63  }
0x1bb: {  	_ =	swait.ge [sflag:s3], $0x280  }
0x1bc: {  	[sflag:s3] =	ssyncset.done $0x0  }
0x1bd: {  	s24 =	simm.s32 $0x0;
	[sflag:s3] =	ssyncadd.s32 $0xFFFFFD80  }
0x1be: {  	s26 =	simm.s32 $0x40;
	v1 =	vld [tilespmem:s24+$0x12F80]  }
.LBB2_36:
0x1bf: {  	p2 =	sne.s32 s26, $0x9C0;
	v2 =	vld [tilespmem:s24+$0x12D00];
	_ =	sdelay $0x2  }
.Ltmp20:
0x1c0: {  	(pc) =	sbr.rel @p2 .LBB2_36-.Ltmp20, $4  }
0x1c1: {  	_ = 	snop  }
0x1c2: {  	v2 =	vadd.f32 v1, v2  }
0x1c3: {  	s0 =	sshra.s32 s26, $0x2  }
0x1c4: {  	s26 =	sadd.s32 $0x40, s26;
	v1 =	vld [tilespmem:s0+$0x12F80];
	[tilespmem:s24+$0x12D00] =	vst v2;
	s24 =	smov.u32 s0  }
0x1c5: {  	v2 =	vld [tilespmem:s24+$0x12D00];
	_ =	sdelay $0x4  }
0x1c6: {  	v1 =	vadd.f32 v1, v2;
	_ =	sdelay $0x1  }
0x1c7: {  	s0 =	rddreg [dreg:$0x12];
	[tilespmem:s24+$0x12D00] =	vst v1  }
0x1c8: {  	[tilespmem:s21], [sflag:$0x5] =	stream.linear.gather [spmem:s0], $0x280, $0x38;
	[tilespmem:$0x1F800] =	vst v63  }
0x1c9: {  	_ =	swait.ge [sflag:s3], $0x280  }
0x1ca: {  	[sflag:s3] =	ssyncset.done $0x0  }
0x1cb: {  	s24 =	simm.s32 $0x0;
	[sflag:s3] =	ssyncadd.s32 $0xFFFFFD80  }
0x1cc: {  	s26 =	simm.s32 $0x40;
	v1 =	vld [tilespmem:s24+$0x12F80]  }
.LBB2_38:
0x1cd: {  	p2 =	sne.s32 s26, $0x9C0;
	v2 =	vld [tilespmem:s24+$0x12D00];
	_ =	sdelay $0x2  }
.Ltmp21:
0x1ce: {  	(pc) =	sbr.rel @p2 .LBB2_38-.Ltmp21, $4  }
0x1cf: {  	_ = 	snop  }
0x1d0: {  	v2 =	vadd.f32 v1, v2  }
0x1d1: {  	s0 =	sshra.s32 s26, $0x2  }
0x1d2: {  	s26 =	sadd.s32 $0x40, s26;
	v1 =	vld [tilespmem:s0+$0x12F80];
	[tilespmem:s24+$0x12D00] =	vst v2;
	s24 =	smov.u32 s0  }
0x1d3: {  	v2 =	vld [tilespmem:s24+$0x12D00];
	_ =	sdelay $0x4  }
0x1d4: {  	v1 =	vadd.f32 v1, v2;
	_ =	sdelay $0x1  }
0x1d5: {  	s0 =	rddreg [dreg:$0x13];
	[tilespmem:s24+$0x12D00] =	vst v1  }
0x1d6: {  	[tilespmem:s21], [sflag:$0x5] =	stream.linear.gather [spmem:s0], $0x280, $0x38;
	[tilespmem:$0x1F800] =	vst v63  }
0x1d7: {  	_ =	swait.ge [sflag:s3], $0x280  }
0x1d8: {  	[sflag:s3] =	ssyncset.done $0x0  }
0x1d9: {  	s24 =	simm.s32 $0x0;
	[sflag:s3] =	ssyncadd.s32 $0xFFFFFD80  }
0x1da: {  	s26 =	simm.s32 $0x40;
	v1 =	vld [tilespmem:s24+$0x12F80]  }
.LBB2_40:
0x1db: {  	p2 =	sne.s32 s26, $0x9C0;
	v2 =	vld [tilespmem:s24+$0x12D00];
	_ =	sdelay $0x2  }
.Ltmp22:
0x1dc: {  	(pc) =	sbr.rel @p2 .LBB2_40-.Ltmp22, $4  }
0x1dd: {  	_ = 	snop  }
0x1de: {  	v2 =	vadd.f32 v1, v2  }
0x1df: {  	s0 =	sshra.s32 s26, $0x2  }
0x1e0: {  	s26 =	sadd.s32 $0x40, s26;
	v1 =	vld [tilespmem:s0+$0x12F80];
	[tilespmem:s24+$0x12D00] =	vst v2;
	s24 =	smov.u32 s0  }
0x1e1: {  	v2 =	vld [tilespmem:s24+$0x12D00];
	_ =	sdelay $0x4  }
0x1e2: {  	v1 =	vadd.f32 v1, v2;
	_ =	sdelay $0x1  }
0x1e3: {  	s0 =	rddreg [dreg:$0x14];
	[tilespmem:s24+$0x12D00] =	vst v1  }
0x1e4: {  	[tilespmem:s21], [sflag:$0x5] =	stream.linear.gather [spmem:s0], $0x280, $0x38;
	[tilespmem:$0x1F800] =	vst v63  }
0x1e5: {  	_ =	swait.ge [sflag:s3], $0x280  }
0x1e6: {  	[sflag:s3] =	ssyncset.done $0x0  }
0x1e7: {  	s24 =	simm.s32 $0x0;
	[sflag:s3] =	ssyncadd.s32 $0xFFFFFD80  }
0x1e8: {  	s26 =	simm.s32 $0x40;
	v1 =	vld [tilespmem:s24+$0x12F80]  }
.LBB2_42:
0x1e9: {  	p2 =	sne.s32 s26, $0x9C0;
	v2 =	vld [tilespmem:s24+$0x12D00];
	_ =	sdelay $0x2  }
.Ltmp23:
0x1ea: {  	(pc) =	sbr.rel @p2 .LBB2_42-.Ltmp23, $4  }
0x1eb: {  	_ = 	snop  }
0x1ec: {  	v2 =	vadd.f32 v1, v2  }
0x1ed: {  	s0 =	sshra.s32 s26, $0x2  }
0x1ee: {  	s26 =	sadd.s32 $0x40, s26;
	v1 =	vld [tilespmem:s0+$0x12F80];
	[tilespmem:s24+$0x12D00] =	vst v2;
	s24 =	smov.u32 s0  }
0x1ef: {  	v2 =	vld [tilespmem:s24+$0x12D00];
	_ =	sdelay $0x4  }
0x1f0: {  	v1 =	vadd.f32 v1, v2;
	_ =	sdelay $0x1  }
0x1f1: {  	s0 =	rddreg [dreg:$0x15];
	[tilespmem:s24+$0x12D00] =	vst v1  }
0x1f2: {  	[tilespmem:s21], [sflag:$0x5] =	stream.linear.gather [spmem:s0], $0x280, $0x38;
	[tilespmem:$0x1F800] =	vst v63  }
0x1f3: {  	_ =	swait.ge [sflag:s3], $0x280  }
0x1f4: {  	[sflag:s3] =	ssyncset.done $0x0  }
0x1f5: {  	s24 =	simm.s32 $0x0;
	[sflag:s3] =	ssyncadd.s32 $0xFFFFFD80  }
0x1f6: {  	s26 =	simm.s32 $0x40;
	v1 =	vld [tilespmem:s24+$0x12F80]  }
.LBB2_44:
0x1f7: {  	p2 =	sne.s32 s26, $0x9C0;
	v2 =	vld [tilespmem:s24+$0x12D00];
	_ =	sdelay $0x2  }
.Ltmp24:
0x1f8: {  	(pc) =	sbr.rel @p2 .LBB2_44-.Ltmp24, $4  }
0x1f9: {  	_ = 	snop  }
0x1fa: {  	v2 =	vadd.f32 v1, v2  }
0x1fb: {  	s0 =	sshra.s32 s26, $0x2  }
0x1fc: {  	s26 =	sadd.s32 $0x40, s26;
	v1 =	vld [tilespmem:s0+$0x12F80];
	[tilespmem:s24+$0x12D00] =	vst v2;
	s24 =	smov.u32 s0  }
0x1fd: {  	v2 =	vld [tilespmem:s24+$0x12D00];
	_ =	sdelay $0x4  }
0x1fe: {  	v1 =	vadd.f32 v1, v2  }
0x1ff: {  	s0 =	simm.s32 $0x0  }
.Ltmp25:
0x200: {  	s1 =	rddreg [dreg:$0xf];
	s31 =	simm.s32 $0x12D00;
	[tilespmem:s24+$0x12D00] =	vst v1;
	(pc) =	sbr.rel .LBB2_47-.Ltmp25, $4  }
0x201: {  	[hbm4b:s1+s0] =	stream.linear.scatter [tilespmem:s31], [sflag:$0x5], $0x280, $0x38;
	[tilespmem:$0x1F800] =	vst v63  }
0x202: {  	_ =	swait.ge [sflag:s3], $0x280  }
0x203: {  	[sflag:s3] =	ssyncset.done $0x0  }
0x204: {  	[sflag:s3] =	ssyncadd.s32 $0xFFFFFD80  }
.LBB2_48:
0x205: {  	_ =	sfence.sel $0x180000  }
0x206: {  	[bflag:$0x0] =	sbarrier.arrive $0xFFFF  }
0x207: {  	_ =	strace $0x9000004A  }
0x208: {  	[bflag:$0x2] =	sbarrier.arrive $0xFFFF  }
0x209: {  	p0 =	sne.s32 s30, $0x0;
	s0 =	rddreg [dreg:$0x3]  }
0x20a: {  	s0 =	sadd.s32 @!p0 $0x100000, s0  }
0x20b: {  	[sflag:s0] =	ssyncadd.tile.s32 @!p0 $0x1;
	_ =	shalt  }
.Lfunc_end2:
_tile_overlayer_lowered:
.L_overlay_start_2:
0x20c: {  	(tag) =	ssettag $0x2  }
0x20d: {  	s0 =	rddreg [dreg:$0x0];
	s2 =	stileid.u32  }
0x20e: {  	s1 =	rddreg [dreg:$0x1];
	p0 =	sne.s32 s2, $0x0  }
0x20f: {  	s3 =	rddreg [dreg:$0x2];
	[bflag:$0x3] =	sbarrier.arrive $0xFFFF;
	s2 =	simm.s32 @!p0 $0x1C05  }
0x210: {  	[timem:s3], [sflag:s2] =	dma.local @!p0 [hbm:s0], s1  }
0x211: {  	s0 =	simm.s32 @!p0 $0x5  }
0x212: {  	_ =	swait.ge @!p0 [sflag:s0], s1  }
0x213: {  	s1 =	ssub.s32 @!p0 $0x0, s1;
	[sflag:s0] =	ssyncset.done @!p0 $0x0  }
0x214: {  	[sflag:s0] =	ssyncadd.s32 @!p0 s1  }
0x215: {  	[bflag:$0x3] =	sbarrier.arrive $0xFFFF  }
0x216: {  	_ =	shalt  }

</sc_bundles>
